<compile_context>
chip_gen: v7x
topology: tpu7x:2x2x1
jax: 0.10.2.dev20260603
libtpu: 0.0.44.dev20260713+nightly
codegen_flags: <defaults>
</compile_context>

<pallas_src>
import functools

import jax
import jax.numpy as jnp
from jax import lax
from jax.experimental import pallas as pl
from jax.experimental.pallas import tpu as pltpu
from jax.experimental.pallas import tpu_sc as plsc

N = 10000
E = 320000
NP = 10240
NC = 2
NS = 16
CELLS = NP * NP
ROW_W = 80
EROWS = E // ROW_W
TROWS = EROWS // NS
ZB = 20480
NPT = NP // NS
HALF = NP // 2

_mesh = plsc.VectorSubcoreMesh(core_axis_name="c", subcore_axis_name="s")
_sc_params = pltpu.CompilerParams(use_tc_tiling_on_sc=False,
                                  needs_layout_passes=False)


def _rsqrt_vec(x):
    bits = lax.bitcast_convert_type(x, jnp.int32)
    y = lax.bitcast_convert_type(
        jnp.int32(0x5F3759DF) - lax.shift_right_logical(bits, 1), jnp.float32)
    for _ in range(3):
        y = y * (1.5 - 0.5 * x * y * y)
    return y


@functools.partial(
    pl.kernel,
    out_type=(jax.ShapeDtypeStruct((NP,), jnp.float32),
              jax.ShapeDtypeStruct((NP,), jnp.float32)),
    mesh=_mesh,
    scratch_types=[
        pltpu.VMEM((TROWS, ROW_W), jnp.int32),
        pltpu.VMEM((ROW_W,), jnp.float32),
        pltpu.VMEM((NPT,), jnp.float32),
        pltpu.VMEM((NPT,), jnp.float32),
        pltpu.VMEM((NPT,), jnp.float32),
        pltpu.VMEM_SHARED((NP,), jnp.float32),
        pltpu.SemaphoreType.DMA,
    ],
    compiler_params=_sc_params,
)
def _hist_kernel(dst_hbm, dinv_hbm, d2_hbm, dstb, ones_v, hv, dv, d2v, hist,
                 sem):
    c = lax.axis_index("c")
    s = lax.axis_index("s")

    @pl.when(c == 0)
    def _():
        nrows = TROWS
        pltpu.sync_copy(dst_hbm.at[s], dstb)
        for l in range(ROW_W // 16):
            ones_v[pl.ds(l * 16, 16)] = jnp.full((16,), 1.0, jnp.float32)

        def zslice(i, carry):
            hv[pl.ds(i * 16, 16)] = jnp.zeros((16,), jnp.float32)
            return carry
        lax.fori_loop(0, NPT // 16, zslice, 0)
        pltpu.sync_copy(hv, hist.at[pl.ds(s * NPT, NPT)])
        plsc.subcore_barrier()

        def fire(j, carry):
            pltpu.async_copy(ones_v, hist.at[dstb.at[j]], sem, add=True)
            return carry
        lax.fori_loop(0, nrows, fire, 0)

        def drain(j, carry):
            pltpu.make_async_copy(ones_v, hist.at[dstb.at[0]], sem).wait()
            return carry
        lax.fori_loop(0, nrows, drain, 0)
        plsc.subcore_barrier()

        pltpu.sync_copy(hist.at[pl.ds(s * NPT, NPT)], hv)

        def body(i, carry):
            deg = hv[pl.ds(i * 16, 16)] + 1.0
            r = _rsqrt_vec(deg)
            dv[pl.ds(i * 16, 16)] = r
            d2v[pl.ds(i * 16, 16)] = r * r
            return carry
        lax.fori_loop(0, NPT // 16, body, 0)
        pltpu.sync_copy(dv, dinv_hbm.at[pl.ds(s * NPT, NPT)])
        pltpu.sync_copy(d2v, d2_hbm.at[pl.ds(s * NPT, NPT)])


WROWS = 64
NWIN = HALF // WROWS
WCELLS = WROWS * NP
WTILE = WCELLS // NS
WPAD = 1024
CCAP = 2080
CROWS = CCAP // ROW_W
EPT = E // NS
SROWS = 50
NCHUNK = TROWS // SROWS
NBUCK = 10
BKEY = 512 * NP
BCAP = 1536


@functools.partial(
    pl.kernel,
    out_type=jax.ShapeDtypeStruct((CELLS,), jnp.float32),
    mesh=_mesh,
    scratch_types=[
        pltpu.VMEM((EPT + 16,), jnp.int32),
        pltpu.VMEM((EPT + 16,), jnp.float32),
        pltpu.VMEM((NBUCK, BCAP), jnp.int32),
        pltpu.VMEM((SROWS, ROW_W), jnp.int32),
        pltpu.VMEM((SROWS, ROW_W), jnp.int32),
        pltpu.VMEM((NP,), jnp.float32),
        pltpu.VMEM((CCAP,), jnp.int32),
        pltpu.VMEM((CCAP,), jnp.float32),
        pltpu.VMEM((CROWS, ROW_W), jnp.int32),
        pltpu.VMEM_SHARED((WCELLS + WPAD,), jnp.float32),
        pltpu.SemaphoreType.DMA,
    ],
    compiler_params=_sc_params,
)
def _abuild_kernel(src_hbm, dst_hbm, dinv_hbm, a_hbm, keyb, normb, sbuck,
                   ssrc, sdst, dzv, ckey, cnorm, ck2, win, sem):
    c = lax.axis_index("c")
    s = lax.axis_index("s")
    wid = c * NS + s
    lane = lax.iota(jnp.int32, 16)

    pltpu.sync_copy(dinv_hbm, dzv)
    for ch in range(NCHUNK):
        pltpu.sync_copy(src_hbm.at[s, pl.ds(ch * SROWS, SROWS), :], ssrc)
        pltpu.sync_copy(dst_hbm.at[s, pl.ds(ch * SROWS, SROWS), :], sdst)

        def compute(j, carry):
            for l in range(ROW_W // 16):
                sv = ssrc[j, pl.ds(l * 16, 16)]
                dv = sdst[j, pl.ds(l * 16, 16)]
                nm = (plsc.load_gather(dzv, [sv])
                      * plsc.load_gather(dzv, [dv]))
                off = (ch * SROWS + j) * ROW_W + l * 16
                keyb[pl.ds(off, 16)] = dv * NP + sv
                normb[pl.ds(off, 16)] = nm
            return carry
        lax.fori_loop(0, SROWS, compute, 0)

    lo_key = c * HALF * NP
    hi_key = lo_key + HALF * NP

    def press_half(i, cnt):
        kv = keyb[pl.ds(i * 16, 16)]
        nv = normb[pl.ds(i * 16, 16)]
        m = (kv >= lo_key) & (kv < hi_key)
        plsc.store_compressed(keyb.at[pl.ds(cnt, 16)], kv, mask=m)
        plsc.store_compressed(normb.at[pl.ds(cnt, 16)], nv, mask=m)
        return cnt + jnp.max(plsc.all_reduce_population_count(m))
    cnt_h = lax.fori_loop(0, EPT // 16, press_half, jnp.int32(0))
    keyb[pl.ds(cnt_h, 16)] = jnp.full((16,), -1, jnp.int32)
    rows_h = lax.div(cnt_h + 15, 16)

    def bbuild(i, cnts):
        kv = keyb[pl.ds(i * 16, 16)]
        slots = lane + i * 16
        out = []
        for b in range(NBUCK):
            m = (kv >= lo_key + b * BKEY) & (kv < lo_key + (b + 1) * BKEY)
            plsc.store_compressed(sbuck.at[b, pl.ds(cnts[b], 16)], slots,
                                  mask=m)
            pc = jnp.max(plsc.all_reduce_population_count(m))
            out.append(jnp.minimum(cnts[b] + pc, BCAP - 16))
        return tuple(out)
    bcnts = lax.fori_loop(0, rows_h, bbuild,
                          tuple(jnp.int32(0) for _ in range(NBUCK)))
    for b in range(NBUCK):
        sbuck[b, pl.ds(bcnts[b], 16)] = jnp.broadcast_to(cnt_h, (16,))

    def zfill(i, carry):
        dzv[pl.ds(i * 16, 16)] = jnp.zeros((16,), jnp.float32)
        return carry
    lax.fori_loop(0, NP // 16, zfill, 0)

    pad0 = WCELLS + wid * 32 + lane

    def window(w, carry):
        keylo = (c * HALF + w * WROWS) * NP
        b_ = lax.shift_right_logical(w, 3)
        bc = jnp.int32(0)
        for b in range(NBUCK):
            bc = jnp.where(b_ == b, bcnts[b], bc)
        rows_b = lax.div(bc + 15, 16)

        def zero(z, carry2):
            pltpu.async_copy(dzv, win.at[pl.ds(s * WTILE + z * NP, NP)], sem)
            return carry2
        lax.fori_loop(0, WTILE // NP, zero, 0)

        def zdrain(z, carry2):
            pltpu.make_async_copy(dzv, win.at[pl.ds(s * WTILE, NP)],
                                  sem).wait()
            return carry2
        lax.fori_loop(0, WTILE // NP, zdrain, 0)
        plsc.subcore_barrier()

        def pfill(i, carry2):
            ckey[pl.ds(i * 16, 16)] = pad0
            return carry2
        lax.fori_loop(0, CCAP // 16, pfill, 0)

        def press(i, cnt):
            slots = sbuck[b_, pl.ds(i * 16, 16)]
            kv = plsc.load_gather(keyb, [slots])
            nv = plsc.load_gather(normb, [slots])
            m = (kv >= keylo) & (kv < keylo + WCELLS)
            plsc.store_compressed(ckey.at[pl.ds(cnt, 16)], kv - keylo, mask=m)
            plsc.store_compressed(cnorm.at[pl.ds(cnt, 16)], nv, mask=m)
            pc = jnp.max(plsc.all_reduce_population_count(m))
            return jnp.minimum(cnt + pc, CCAP - 16)
        cnt = lax.fori_loop(0, rows_b, press, jnp.int32(0))
        rows_c = lax.div(cnt + (ROW_W - 1), ROW_W)

        def c2d(r, carry2):
            for l in range(ROW_W // 16):
                ck2[r, pl.ds(l * 16, 16)] = ckey[pl.ds(r * ROW_W + l * 16, 16)]
            return carry2
        lax.fori_loop(0, rows_c, c2d, 0)

        def fire(r, carry2):
            pltpu.async_copy(cnorm.at[pl.ds(r * ROW_W, ROW_W)],
                             win.at[ck2.at[r]], sem, add=True)
            return carry2
        lax.fori_loop(0, rows_c, fire, 0)

        def drain(r, carry2):
            pltpu.make_async_copy(cnorm.at[pl.ds(0, ROW_W)],
                                  win.at[ck2.at[0]], sem).wait()
            return carry2
        lax.fori_loop(0, rows_c, drain, 0)
        plsc.subcore_barrier()

        pltpu.sync_copy(win.at[pl.ds(s * WTILE, WTILE)],
                        a_hbm.at[pl.ds(keylo + s * WTILE, WTILE)])
        return carry
    lax.fori_loop(0, NWIN, window, 0)


def _mm_small(x, w):
    fin, fout = w.shape
    bm = 1024

    def body(x_ref, w_ref, o_ref):
        o_ref[...] = jnp.dot(x_ref[...].astype(jnp.bfloat16),
                             w_ref[...].astype(jnp.bfloat16),
                             preferred_element_type=jnp.float32
                             ).astype(jnp.bfloat16)

    return pl.pallas_call(
        body,
        grid=(NP // bm,),
        in_specs=[pl.BlockSpec((bm, fin), lambda i: (i, 0)),
                  pl.BlockSpec((fin, fout), lambda i: (0, 0))],
        out_specs=pl.BlockSpec((bm, fout), lambda i: (i, 0)),
        out_shape=jax.ShapeDtypeStruct((NP, fout), jnp.bfloat16),
    )(x, w)


def _gcn_first(a2, tmp, d2col, brow, relu):
    f = tmp.shape[1]
    bm, bk = 1024, 2048
    kt = NP // bk

    def body(a_ref, t_ref, tm_ref, d2_ref, b_ref, o_ref, abf_ref):
        j = pl.program_id(1)

        @pl.when(j == 0)
        def _():
            o_ref[...] = (tm_ref[...].astype(jnp.float32) * d2_ref[...]
                          + b_ref[...])

        abf = a_ref[...].astype(jnp.bfloat16)
        abf_ref[...] = abf
        o_ref[...] += jnp.dot(abf, t_ref[...],
                              preferred_element_type=jnp.float32)
        if relu:
            @pl.when(j == kt - 1)
            def _():
                o_ref[...] = jnp.maximum(o_ref[...], 0.0)

    return pl.pallas_call(
        body,
        grid=(NP // bm, kt),
        in_specs=[pl.BlockSpec((bm, bk), lambda i, j: (i, j)),
                  pl.BlockSpec((bk, f), lambda i, j: (j, 0)),
                  pl.BlockSpec((bm, f), lambda i, j: (i, 0)),
                  pl.BlockSpec((bm, 1), lambda i, j: (i, 0)),
                  pl.BlockSpec((1, f), lambda i, j: (0, 0))],
        out_specs=[pl.BlockSpec((bm, f), lambda i, j: (i, 0)),
                   pl.BlockSpec((bm, bk), lambda i, j: (i, j))],
        out_shape=[jax.ShapeDtypeStruct((NP, f), jnp.float32),
                   jax.ShapeDtypeStruct((NP, NP), jnp.bfloat16)],
        compiler_params=pltpu.CompilerParams(
            dimension_semantics=("parallel", "arbitrary")),
    )(a2, tmp, tmp, d2col, brow)


def _gcn_dense(a2bf, tmp, d2col, brow, relu):
    f = tmp.shape[1]
    bm, bk = 1024, 2048
    kt = NP // bk

    def body(a_ref, t_ref, tm_ref, d2_ref, b_ref, o_ref):
        j = pl.program_id(1)

        @pl.when(j == 0)
        def _():
            o_ref[...] = (tm_ref[...].astype(jnp.float32) * d2_ref[...]
                          + b_ref[...])

        o_ref[...] += jnp.dot(a_ref[...], t_ref[...],
                              preferred_element_type=jnp.float32)
        if relu:
            @pl.when(j == kt - 1)
            def _():
                o_ref[...] = jnp.maximum(o_ref[...], 0.0)

    return pl.pallas_call(
        body,
        grid=(NP // bm, kt),
        in_specs=[pl.BlockSpec((bm, bk), lambda i, j: (i, j)),
                  pl.BlockSpec((bk, f), lambda i, j: (j, 0)),
                  pl.BlockSpec((bm, f), lambda i, j: (i, 0)),
                  pl.BlockSpec((bm, 1), lambda i, j: (i, 0)),
                  pl.BlockSpec((1, f), lambda i, j: (0, 0))],
        out_specs=pl.BlockSpec((bm, f), lambda i, j: (i, 0)),
        out_shape=jax.ShapeDtypeStruct((NP, f), jnp.float32),
        compiler_params=pltpu.CompilerParams(
            dimension_semantics=("parallel", "arbitrary")),
    )(a2bf, tmp, tmp, d2col, brow)


def kernel(x, edge_index, W1e, b1e, W2e, b2e, W1d, b1d, W2d, b2d):
    src = edge_index[0].reshape(NS, TROWS, ROW_W)
    dst = edge_index[1].reshape(NS, TROWS, ROW_W)

    dinv, d2 = _hist_kernel(dst)
    a_flat = _abuild_kernel(src, dst, dinv)
    a2 = a_flat.reshape(NP, NP)

    d2col = d2.reshape(NP, 1)
    xp = jnp.pad(x, ((0, NP - N), (0, 0)))

    h1, a2bf = _gcn_first(a2, _mm_small(xp, W1e), d2col,
                          b1e.reshape(1, -1), True)
    z = _gcn_dense(a2bf, _mm_small(h1, W2e), d2col, b2e.reshape(1, -1), False)
    h2 = _gcn_dense(a2bf, _mm_small(z, W1d), d2col, b1d.reshape(1, -1), True)
    xh = _gcn_dense(a2bf, _mm_small(h2, W2d), d2col, b2d.reshape(1, -1), False)
    return (xh[:N], z[:N])

# --- scband reference (transcript-rebuilt; emitter-appended) ---
"""Pipeline reference for scband-graph-autoencoder-32976758899283 (READ-ONLY COPY).

The authoritative reference and input builder live on the scoring server;
editing this copy changes nothing except your own understanding.
"""

import jax, jax.numpy as jnp
import numpy as np

N = 10000
E = 320000
IN = 128
HID = 256
LAT = 64


def _glorot(key, fan_in, fan_out):
    s = jnp.sqrt(2.0 / (fan_in + fan_out))
    return jax.random.normal(key, (fan_in, fan_out), dtype=jnp.float32) * s


def setup_inputs(seed: int = 0) -> dict:
    key = jax.random.key(seed)
    ks = jax.random.split(key, 12)
    x = jax.random.normal(ks[0], (N, IN), dtype=jnp.float32)
    edge_index = jax.random.randint(ks[1], (2, E), 0, N, dtype=jnp.int32)
    # encoder: GCNConv(IN->HID), GCNConv(HID->LAT)
    W1e = _glorot(ks[2], IN, HID)
    b1e = jnp.zeros((HID,), dtype=jnp.float32)
    W2e = _glorot(ks[3], HID, LAT)
    b2e = jnp.zeros((LAT,), dtype=jnp.float32)
    # decoder: GCNConv(LAT->HID), GCNConv(HID->IN)
    W1d = _glorot(ks[4], LAT, HID)
    b1d = jnp.zeros((HID,), dtype=jnp.float32)
    W2d = _glorot(ks[5], HID, IN)
    b2d = jnp.zeros((IN,), dtype=jnp.float32)
    return {"x": x, "edge_index": edge_index, "W1e": W1e, "b1e": b1e,
            "W2e": W2e, "b2e": b2e, "W1d": W1d, "b1d": b1d,
            "W2d": W2d, "b2d": b2d}


def gcn_conv(x, edge_index, W, b):
    # PyG GCNConv semantics: add self-loops, symmetric D^-1/2 (A+I) D^-1/2 norm,
    # linear transform (no bias in lin), bias added after aggregation.
    n = x.shape[0]
    loop = jnp.arange(n, dtype=edge_index.dtype)
    src = jnp.concatenate([edge_index[0], loop])
    dst = jnp.concatenate([edge_index[1], loop])
    deg = jnp.zeros((n,), dtype=x.dtype).at[dst].add(1.0)
    dinv = jnp.where(deg > 0, jax.lax.rsqrt(deg), 0.0)
    norm = dinv[src] * dinv[dst]
    h = x @ W
    msg = h[src] * norm[:, None]
    out = jnp.zeros((n, W.shape[1]), dtype=x.dtype).at[dst].add(msg)
    return out + b


def reference(x, edge_index, W1e, b1e, W2e, b2e, W1d, b1d, W2d, b2d):
    # encoder
    h = jax.nn.relu(gcn_conv(x, edge_index, W1e, b1e))
    z = gcn_conv(h, edge_index, W2e, b2e)
    # decoder
    h2 = jax.nn.relu(gcn_conv(z, edge_index, W1d, b1d))
    x_hat = gcn_conv(h2, edge_index, W2d, b2d)
    return (x_hat, z)

if __name__ == "__main__":
    import jax
    _d = setup_inputs()
    print(jax.jit(kernel)(*tuple(_d.values())))

</pallas_src>

<mosaic_0001>
#map = affine_map<(d0, d1) -> (0, 0, 0)>
#map1 = affine_map<(d0, d1) -> (0)>
module attributes {stable_mosaic.version = 14 : i64} {
  func.func @_abuild_kernel(%arg0: i32, %arg1: i32, %arg2: memref<16x250x80xi32, #tpu.memory_space<hbm>>, %arg3: memref<16x250x80xi32, #tpu.memory_space<hbm>>, %arg4: memref<10240xf32, #tpu.memory_space<hbm>>, %arg5: memref<104857600xf32, #tpu.memory_space<hbm>>, %arg6: memref<20016xi32, #tpu.memory_space<vmem>>, %arg7: memref<20016xf32, #tpu.memory_space<vmem>>, %arg8: memref<10x1536xi32, #tpu.memory_space<vmem>>, %arg9: memref<50x80xi32, #tpu.memory_space<vmem>>, %arg10: memref<50x80xi32, #tpu.memory_space<vmem>>, %arg11: memref<10240xf32, #tpu.memory_space<vmem>>, %arg12: memref<2080xi32, #tpu.memory_space<vmem>>, %arg13: memref<2080xf32, #tpu.memory_space<vmem>>, %arg14: memref<26x80xi32, #tpu.memory_space<vmem>>, %arg15: memref<656384xf32, #tpu.memory_space<vmem_shared>>, %arg16: memref<!tpu.dma_semaphore, #tpu.memory_space<semaphore_mem>>) attributes {dimension_semantics = [#tpu.dimension_semantics<core_parallel>, #tpu.dimension_semantics<subcore_parallel>], iteration_bounds = array<i64: 2, 16>, scalar_prefetch = 0 : i64, scratch_operands = 11 : i64, tpu.core_type = #tpu.core_type<sc_vector_subcore>, window_params = [{transform_indices = #map}, {transform_indices = #map}, {transform_indices = #map1}, {transform_indices = #map1}]} {
    %mul3A = arith.constant 16 : i32
    %mul3A_0 = arith.muli %arg0, %mul3A : i32
    %add3A = arith.addi %mul3A_0, %arg1 : i32
    %iota3A = tpu.iota {dimensions = array<i32: 0>} : vector<16xi32>
    "tpu.region"() ({
      %run_scoped3A = tpu.sem_alloc : memref<!tpu.dma_semaphore, #tpu.memory_space<semaphore_mem>>
      tpu.enqueue_dma source(%arg4 : memref<10240xf32, #tpu.memory_space<hbm>>) target(%arg11 : memref<10240xf32, #tpu.memory_space<vmem>>) target_semaphore(%run_scoped3A : memref<!tpu.dma_semaphore, #tpu.memory_space<semaphore_mem>>)
      tpu.wait_dma2 semaphore(%run_scoped3A : memref<!tpu.dma_semaphore, #tpu.memory_space<semaphore_mem>>) src(%arg4 : memref<10240xf32, #tpu.memory_space<hbm>>) dst(%arg11 : memref<10240xf32, #tpu.memory_space<vmem>>)
      tpu.yield
    }) : () -> ()
    "tpu.region"() ({
      %run_scoped3A = tpu.sem_alloc : memref<!tpu.dma_semaphore, #tpu.memory_space<semaphore_mem>>
      %dma_start3A = arith.constant 0 : i32
      %dma_start3A_136 = arith.constant 0 : i32
      %dma_start3A_137 = tpu.memref_slice %arg2[%arg1, %dma_start3A, %dma_start3A_136] : memref<16x250x80xi32, #tpu.memory_space<hbm>> -> memref<1x50x80xi32, #tpu.memory_space<hbm>>
      %dma_start3A_138 = tpu.memref_squeeze %dma_start3A_137 : memref<1x50x80xi32, #tpu.memory_space<hbm>> -> memref<50x80xi32, #tpu.memory_space<hbm>>
      %dma_start3A_139 = arith.constant 0 : i32
      %dma_start3A_140 = arith.constant 0 : i32
      %dma_start3A_141 = tpu.memref_slice %arg2[%arg1, %dma_start3A_139, %dma_start3A_140] : memref<16x250x80xi32, #tpu.memory_space<hbm>> -> memref<1x50x80xi32, #tpu.memory_space<hbm>>
      %dma_start3A_142 = tpu.memref_squeeze %dma_start3A_141 : memref<1x50x80xi32, #tpu.memory_space<hbm>> -> memref<50x80xi32, #tpu.memory_space<hbm>>
      tpu.enqueue_dma source(%dma_start3A_142 : memref<50x80xi32, #tpu.memory_space<hbm>>) target(%arg9 : memref<50x80xi32, #tpu.memory_space<vmem>>) target_semaphore(%run_scoped3A : memref<!tpu.dma_semaphore, #tpu.memory_space<semaphore_mem>>)
      %dma_wait3A = arith.constant 0 : i32
      %dma_wait3A_143 = arith.constant 0 : i32
      %dma_wait3A_144 = tpu.memref_slice %arg2[%arg1, %dma_wait3A, %dma_wait3A_143] : memref<16x250x80xi32, #tpu.memory_space<hbm>> -> memref<1x50x80xi32, #tpu.memory_space<hbm>>
      %dma_wait3A_145 = tpu.memref_squeeze %dma_wait3A_144 : memref<1x50x80xi32, #tpu.memory_space<hbm>> -> memref<50x80xi32, #tpu.memory_space<hbm>>
      %dma_wait3A_146 = arith.constant 0 : i32
      %dma_wait3A_147 = arith.constant 0 : i32
      %dma_wait3A_148 = tpu.memref_slice %arg2[%arg1, %dma_wait3A_146, %dma_wait3A_147] : memref<16x250x80xi32, #tpu.memory_space<hbm>> -> memref<1x50x80xi32, #tpu.memory_space<hbm>>
      %dma_wait3A_149 = tpu.memref_squeeze %dma_wait3A_148 : memref<1x50x80xi32, #tpu.memory_space<hbm>> -> memref<50x80xi32, #tpu.memory_space<hbm>>
      tpu.wait_dma2 semaphore(%run_scoped3A : memref<!tpu.dma_semaphore, #tpu.memory_space<semaphore_mem>>) src(%dma_wait3A_149 : memref<50x80xi32, #tpu.memory_space<hbm>>) dst(%arg9 : memref<50x80xi32, #tpu.memory_space<vmem>>)
      tpu.yield
    }) : () -> ()
    "tpu.region"() ({
      %run_scoped3A = tpu.sem_alloc : memref<!tpu.dma_semaphore, #tpu.memory_space<semaphore_mem>>
      %dma_start3A = arith.constant 0 : i32
      %dma_start3A_136 = arith.constant 0 : i32
      %dma_start3A_137 = tpu.memref_slice %arg3[%arg1, %dma_start3A, %dma_start3A_136] : memref<16x250x80xi32, #tpu.memory_space<hbm>> -> memref<1x50x80xi32, #tpu.memory_space<hbm>>
      %dma_start3A_138 = tpu.memref_squeeze %dma_start3A_137 : memref<1x50x80xi32, #tpu.memory_space<hbm>> -> memref<50x80xi32, #tpu.memory_space<hbm>>
      %dma_start3A_139 = arith.constant 0 : i32
      %dma_start3A_140 = arith.constant 0 : i32
      %dma_start3A_141 = tpu.memref_slice %arg3[%arg1, %dma_start3A_139, %dma_start3A_140] : memref<16x250x80xi32, #tpu.memory_space<hbm>> -> memref<1x50x80xi32, #tpu.memory_space<hbm>>
      %dma_start3A_142 = tpu.memref_squeeze %dma_start3A_141 : memref<1x50x80xi32, #tpu.memory_space<hbm>> -> memref<50x80xi32, #tpu.memory_space<hbm>>
      tpu.enqueue_dma source(%dma_start3A_142 : memref<50x80xi32, #tpu.memory_space<hbm>>) target(%arg10 : memref<50x80xi32, #tpu.memory_space<vmem>>) target_semaphore(%run_scoped3A : memref<!tpu.dma_semaphore, #tpu.memory_space<semaphore_mem>>)
      %dma_wait3A = arith.constant 0 : i32
      %dma_wait3A_143 = arith.constant 0 : i32
      %dma_wait3A_144 = tpu.memref_slice %arg3[%arg1, %dma_wait3A, %dma_wait3A_143] : memref<16x250x80xi32, #tpu.memory_space<hbm>> -> memref<1x50x80xi32, #tpu.memory_space<hbm>>
      %dma_wait3A_145 = tpu.memref_squeeze %dma_wait3A_144 : memref<1x50x80xi32, #tpu.memory_space<hbm>> -> memref<50x80xi32, #tpu.memory_space<hbm>>
      %dma_wait3A_146 = arith.constant 0 : i32
      %dma_wait3A_147 = arith.constant 0 : i32
      %dma_wait3A_148 = tpu.memref_slice %arg3[%arg1, %dma_wait3A_146, %dma_wait3A_147] : memref<16x250x80xi32, #tpu.memory_space<hbm>> -> memref<1x50x80xi32, #tpu.memory_space<hbm>>
      %dma_wait3A_149 = tpu.memref_squeeze %dma_wait3A_148 : memref<1x50x80xi32, #tpu.memory_space<hbm>> -> memref<50x80xi32, #tpu.memory_space<hbm>>
      tpu.wait_dma2 semaphore(%run_scoped3A : memref<!tpu.dma_semaphore, #tpu.memory_space<semaphore_mem>>) src(%dma_wait3A_149 : memref<50x80xi32, #tpu.memory_space<hbm>>) dst(%arg10 : memref<50x80xi32, #tpu.memory_space<vmem>>)
      tpu.yield
    }) : () -> ()
    %scan3A = arith.constant 0 : i32
    %scan3A_1 = arith.constant 0 : i32
    %scan3A_2 = arith.constant 50 : i32
    %scan3A_3 = arith.addi %scan3A_1, %scan3A_2 : i32
    %scan3A_4 = arith.constant 1 : i32
    scf.for %scan3A_136 = %scan3A_1 to %scan3A_3 step %scan3A_4  : i32 {
      %get3A = arith.index_cast %scan3A_136 : i32 to index
      %get3A_137 = arith.constant 0 : index
      %get3A_138 = tpu.vector_load %arg9[%get3A, %get3A_137] {strides = array<i32>} : memref<50x80xi32, #tpu.memory_space<vmem>>, vector<16xi32>,
      %get3A_139 = arith.index_cast %scan3A_136 : i32 to index
      %get3A_140 = arith.constant 0 : index
      %get3A_141 = tpu.vector_load %arg10[%get3A_139, %get3A_140] {strides = array<i32>} : memref<50x80xi32, #tpu.memory_space<vmem>>, vector<16xi32>,
      %gather3A = tpu.vector_load_idx %arg11[%get3A_138] : memref<10240xf32, #tpu.memory_space<vmem>>[vector<16xi32>], vector<16xf32>,
      %gather3A_142 = tpu.vector_load_idx %arg11[%get3A_141] : memref<10240xf32, #tpu.memory_space<vmem>>[vector<16xi32>], vector<16xf32>,
      %mul3A_143 = arith.mulf %gather3A, %gather3A_142 : vector<16xf32>
      %add3A_144 = arith.constant 0 : i32
      %add3A_145 = arith.addi %add3A_144, %scan3A_136 : i32
      %mul3A_146 = arith.constant 80 : i32
      %mul3A_147 = arith.muli %add3A_145, %mul3A_146 : i32
      %add3A_148 = arith.constant 0 : i32
      %add3A_149 = arith.addi %mul3A_147, %add3A_148 : i32
      %mul3A_150 = arith.constant 10240 : i32
      %mul3A_151 = vector.broadcast %mul3A_150 : i32 to vector<16xi32>
      %mul3A_152 = arith.muli %get3A_141, %mul3A_151 : vector<16xi32>
      %add3A_153 = arith.addi %mul3A_152, %get3A_138 : vector<16xi32>
      %swap3A_154 = arith.index_cast %add3A_149 : i32 to index
      %swap3A_155 = tpu.vector_load %arg6[%swap3A_154] {strides = array<i32>} : memref<20016xi32, #tpu.memory_space<vmem>>, vector<16xi32>,
      tpu.vector_store %arg6[%swap3A_154], %add3A_153 {strides = array<i32>} : memref<20016xi32, #tpu.memory_space<vmem>>, vector<16xi32>,
      %swap3A_156 = arith.index_cast %add3A_149 : i32 to index
      %swap3A_157 = tpu.vector_load %arg7[%swap3A_156] {strides = array<i32>} : memref<20016xf32, #tpu.memory_space<vmem>>, vector<16xf32>,
      tpu.vector_store %arg7[%swap3A_156], %mul3A_143 {strides = array<i32>} : memref<20016xf32, #tpu.memory_space<vmem>>, vector<16xf32>,
      %get3A_158 = arith.index_cast %scan3A_136 : i32 to index
      %get3A_159 = arith.constant 16 : index
      %get3A_160 = tpu.vector_load %arg9[%get3A_158, %get3A_159] {strides = array<i32>} : memref<50x80xi32, #tpu.memory_space<vmem>>, vector<16xi32>,
      %get3A_161 = arith.index_cast %scan3A_136 : i32 to index
      %get3A_162 = arith.constant 16 : index
      %get3A_163 = tpu.vector_load %arg10[%get3A_161, %get3A_162] {strides = array<i32>} : memref<50x80xi32, #tpu.memory_space<vmem>>, vector<16xi32>,
      %gather3A_164 = tpu.vector_load_idx %arg11[%get3A_160] : memref<10240xf32, #tpu.memory_space<vmem>>[vector<16xi32>], vector<16xf32>,
      %gather3A_165 = tpu.vector_load_idx %arg11[%get3A_163] : memref<10240xf32, #tpu.memory_space<vmem>>[vector<16xi32>], vector<16xf32>,
      %mul3A_166 = arith.mulf %gather3A_164, %gather3A_165 : vector<16xf32>
      %add3A_167 = arith.constant 0 : i32
      %add3A_168 = arith.addi %add3A_167, %scan3A_136 : i32
      %mul3A_169 = arith.constant 80 : i32
      %mul3A_170 = arith.muli %add3A_168, %mul3A_169 : i32
      %add3A_171 = arith.constant 16 : i32
      %add3A_172 = arith.addi %mul3A_170, %add3A_171 : i32
      %mul3A_173 = arith.constant 10240 : i32
      %mul3A_174 = vector.broadcast %mul3A_173 : i32 to vector<16xi32>
      %mul3A_175 = arith.muli %get3A_163, %mul3A_174 : vector<16xi32>
      %add3A_176 = arith.addi %mul3A_175, %get3A_160 : vector<16xi32>
      %swap3A_177 = arith.index_cast %add3A_172 : i32 to index
      %swap3A_178 = tpu.vector_load %arg6[%swap3A_177] {strides = array<i32>} : memref<20016xi32, #tpu.memory_space<vmem>>, vector<16xi32>,
      tpu.vector_store %arg6[%swap3A_177], %add3A_176 {strides = array<i32>} : memref<20016xi32, #tpu.memory_space<vmem>>, vector<16xi32>,
      %swap3A_179 = arith.index_cast %add3A_172 : i32 to index
      %swap3A_180 = tpu.vector_load %arg7[%swap3A_179] {strides = array<i32>} : memref<20016xf32, #tpu.memory_space<vmem>>, vector<16xf32>,
      tpu.vector_store %arg7[%swap3A_179], %mul3A_166 {strides = array<i32>} : memref<20016xf32, #tpu.memory_space<vmem>>, vector<16xf32>,
      %get3A_181 = arith.index_cast %scan3A_136 : i32 to index
      %get3A_182 = arith.constant 32 : index
      %get3A_183 = tpu.vector_load %arg9[%get3A_181, %get3A_182] {strides = array<i32>} : memref<50x80xi32, #tpu.memory_space<vmem>>, vector<16xi32>,
      %get3A_184 = arith.index_cast %scan3A_136 : i32 to index
      %get3A_185 = arith.constant 32 : index
      %get3A_186 = tpu.vector_load %arg10[%get3A_184, %get3A_185] {strides = array<i32>} : memref<50x80xi32, #tpu.memory_space<vmem>>, vector<16xi32>,
      %gather3A_187 = tpu.vector_load_idx %arg11[%get3A_183] : memref<10240xf32, #tpu.memory_space<vmem>>[vector<16xi32>], vector<16xf32>,
      %gather3A_188 = tpu.vector_load_idx %arg11[%get3A_186] : memref<10240xf32, #tpu.memory_space<vmem>>[vector<16xi32>], vector<16xf32>,
      %mul3A_189 = arith.mulf %gather3A_187, %gather3A_188 : vector<16xf32>
      %add3A_190 = arith.constant 0 : i32
      %add3A_191 = arith.addi %add3A_190, %scan3A_136 : i32
      %mul3A_192 = arith.constant 80 : i32
      %mul3A_193 = arith.muli %add3A_191, %mul3A_192 : i32
      %add3A_194 = arith.constant 32 : i32
      %add3A_195 = arith.addi %mul3A_193, %add3A_194 : i32
      %mul3A_196 = arith.constant 10240 : i32
      %mul3A_197 = vector.broadcast %mul3A_196 : i32 to vector<16xi32>
      %mul3A_198 = arith.muli %get3A_186, %mul3A_197 : vector<16xi32>
      %add3A_199 = arith.addi %mul3A_198, %get3A_183 : vector<16xi32>
      %swap3A_200 = arith.index_cast %add3A_195 : i32 to index
      %swap3A_201 = tpu.vector_load %arg6[%swap3A_200] {strides = array<i32>} : memref<20016xi32, #tpu.memory_space<vmem>>, vector<16xi32>,
      tpu.vector_store %arg6[%swap3A_200], %add3A_199 {strides = array<i32>} : memref<20016xi32, #tpu.memory_space<vmem>>, vector<16xi32>,
      %swap3A_202 = arith.index_cast %add3A_195 : i32 to index
      %swap3A_203 = tpu.vector_load %arg7[%swap3A_202] {strides = array<i32>} : memref<20016xf32, #tpu.memory_space<vmem>>, vector<16xf32>,
      tpu.vector_store %arg7[%swap3A_202], %mul3A_189 {strides = array<i32>} : memref<20016xf32, #tpu.memory_space<vmem>>, vector<16xf32>,
      %get3A_204 = arith.index_cast %scan3A_136 : i32 to index
      %get3A_205 = arith.constant 48 : index
      %get3A_206 = tpu.vector_load %arg9[%get3A_204, %get3A_205] {strides = array<i32>} : memref<50x80xi32, #tpu.memory_space<vmem>>, vector<16xi32>,
      %get3A_207 = arith.index_cast %scan3A_136 : i32 to index
      %get3A_208 = arith.constant 48 : index
      %get3A_209 = tpu.vector_load %arg10[%get3A_207, %get3A_208] {strides = array<i32>} : memref<50x80xi32, #tpu.memory_space<vmem>>, vector<16xi32>,
      %gather3A_210 = tpu.vector_load_idx %arg11[%get3A_206] : memref<10240xf32, #tpu.memory_space<vmem>>[vector<16xi32>], vector<16xf32>,
      %gather3A_211 = tpu.vector_load_idx %arg11[%get3A_209] : memref<10240xf32, #tpu.memory_space<vmem>>[vector<16xi32>], vector<16xf32>,
      %mul3A_212 = arith.mulf %gather3A_210, %gather3A_211 : vector<16xf32>
      %add3A_213 = arith.constant 0 : i32
      %add3A_214 = arith.addi %add3A_213, %scan3A_136 : i32
      %mul3A_215 = arith.constant 80 : i32
      %mul3A_216 = arith.muli %add3A_214, %mul3A_215 : i32
      %add3A_217 = arith.constant 48 : i32
      %add3A_218 = arith.addi %mul3A_216, %add3A_217 : i32
      %mul3A_219 = arith.constant 10240 : i32
      %mul3A_220 = vector.broadcast %mul3A_219 : i32 to vector<16xi32>
      %mul3A_221 = arith.muli %get3A_209, %mul3A_220 : vector<16xi32>
      %add3A_222 = arith.addi %mul3A_221, %get3A_206 : vector<16xi32>
      %swap3A_223 = arith.index_cast %add3A_218 : i32 to index
      %swap3A_224 = tpu.vector_load %arg6[%swap3A_223] {strides = array<i32>} : memref<20016xi32, #tpu.memory_space<vmem>>, vector<16xi32>,
      tpu.vector_store %arg6[%swap3A_223], %add3A_222 {strides = array<i32>} : memref<20016xi32, #tpu.memory_space<vmem>>, vector<16xi32>,
      %swap3A_225 = arith.index_cast %add3A_218 : i32 to index
      %swap3A_226 = tpu.vector_load %arg7[%swap3A_225] {strides = array<i32>} : memref<20016xf32, #tpu.memory_space<vmem>>, vector<16xf32>,
      tpu.vector_store %arg7[%swap3A_225], %mul3A_212 {strides = array<i32>} : memref<20016xf32, #tpu.memory_space<vmem>>, vector<16xf32>,
      %get3A_227 = arith.index_cast %scan3A_136 : i32 to index
      %get3A_228 = arith.constant 64 : index
      %get3A_229 = tpu.vector_load %arg9[%get3A_227, %get3A_228] {strides = array<i32>} : memref<50x80xi32, #tpu.memory_space<vmem>>, vector<16xi32>,
      %get3A_230 = arith.index_cast %scan3A_136 : i32 to index
      %get3A_231 = arith.constant 64 : index
      %get3A_232 = tpu.vector_load %arg10[%get3A_230, %get3A_231] {strides = array<i32>} : memref<50x80xi32, #tpu.memory_space<vmem>>, vector<16xi32>,
      %gather3A_233 = tpu.vector_load_idx %arg11[%get3A_229] : memref<10240xf32, #tpu.memory_space<vmem>>[vector<16xi32>], vector<16xf32>,
      %gather3A_234 = tpu.vector_load_idx %arg11[%get3A_232] : memref<10240xf32, #tpu.memory_space<vmem>>[vector<16xi32>], vector<16xf32>,
      %mul3A_235 = arith.mulf %gather3A_233, %gather3A_234 : vector<16xf32>
      %add3A_236 = arith.constant 0 : i32
      %add3A_237 = arith.addi %add3A_236, %scan3A_136 : i32
      %mul3A_238 = arith.constant 80 : i32
      %mul3A_239 = arith.muli %add3A_237, %mul3A_238 : i32
      %add3A_240 = arith.constant 64 : i32
      %add3A_241 = arith.addi %mul3A_239, %add3A_240 : i32
      %mul3A_242 = arith.constant 10240 : i32
      %mul3A_243 = vector.broadcast %mul3A_242 : i32 to vector<16xi32>
      %mul3A_244 = arith.muli %get3A_232, %mul3A_243 : vector<16xi32>
      %add3A_245 = arith.addi %mul3A_244, %get3A_229 : vector<16xi32>
      %swap3A_246 = arith.index_cast %add3A_241 : i32 to index
      %swap3A_247 = tpu.vector_load %arg6[%swap3A_246] {strides = array<i32>} : memref<20016xi32, #tpu.memory_space<vmem>>, vector<16xi32>,
      tpu.vector_store %arg6[%swap3A_246], %add3A_245 {strides = array<i32>} : memref<20016xi32, #tpu.memory_space<vmem>>, vector<16xi32>,
      %swap3A_248 = arith.index_cast %add3A_241 : i32 to index
      %swap3A_249 = tpu.vector_load %arg7[%swap3A_248] {strides = array<i32>} : memref<20016xf32, #tpu.memory_space<vmem>>, vector<16xf32>,
      tpu.vector_store %arg7[%swap3A_248], %mul3A_235 {strides = array<i32>} : memref<20016xf32, #tpu.memory_space<vmem>>, vector<16xf32>,
    }
    %scan3A_5 = arith.constant 50 : i32
    "tpu.region"() ({
      %run_scoped3A = tpu.sem_alloc : memref<!tpu.dma_semaphore, #tpu.memory_space<semaphore_mem>>
      %dma_start3A = arith.constant 50 : i32
      %dma_start3A_136 = arith.constant 0 : i32
      %dma_start3A_137 = tpu.memref_slice %arg2[%arg1, %dma_start3A, %dma_start3A_136] : memref<16x250x80xi32, #tpu.memory_space<hbm>> -> memref<1x50x80xi32, #tpu.memory_space<hbm>>
      %dma_start3A_138 = tpu.memref_squeeze %dma_start3A_137 : memref<1x50x80xi32, #tpu.memory_space<hbm>> -> memref<50x80xi32, #tpu.memory_space<hbm>>
      %dma_start3A_139 = arith.constant 50 : i32
      %dma_start3A_140 = arith.constant 0 : i32
      %dma_start3A_141 = tpu.memref_slice %arg2[%arg1, %dma_start3A_139, %dma_start3A_140] : memref<16x250x80xi32, #tpu.memory_space<hbm>> -> memref<1x50x80xi32, #tpu.memory_space<hbm>>
      %dma_start3A_142 = tpu.memref_squeeze %dma_start3A_141 : memref<1x50x80xi32, #tpu.memory_space<hbm>> -> memref<50x80xi32, #tpu.memory_space<hbm>>
      tpu.enqueue_dma source(%dma_start3A_142 : memref<50x80xi32, #tpu.memory_space<hbm>>) target(%arg9 : memref<50x80xi32, #tpu.memory_space<vmem>>) target_semaphore(%run_scoped3A : memref<!tpu.dma_semaphore, #tpu.memory_space<semaphore_mem>>)
      %dma_wait3A = arith.constant 50 : i32
      %dma_wait3A_143 = arith.constant 0 : i32
      %dma_wait3A_144 = tpu.memref_slice %arg2[%arg1, %dma_wait3A, %dma_wait3A_143] : memref<16x250x80xi32, #tpu.memory_space<hbm>> -> memref<1x50x80xi32, #tpu.memory_space<hbm>>
      %dma_wait3A_145 = tpu.memref_squeeze %dma_wait3A_144 : memref<1x50x80xi32, #tpu.memory_space<hbm>> -> memref<50x80xi32, #tpu.memory_space<hbm>>
      %dma_wait3A_146 = arith.constant 50 : i32
      %dma_wait3A_147 = arith.constant 0 : i32
      %dma_wait3A_148 = tpu.memref_slice %arg2[%arg1, %dma_wait3A_146, %dma_wait3A_147] : memref<16x250x80xi32, #tpu.memory_space<hbm>> -> memref<1x50x80xi32, #tpu.memory_space<hbm>>
      %dma_wait3A_149 = tpu.memref_squeeze %dma_wait3A_148 : memref<1x50x80xi32, #tpu.memory_space<hbm>> -> memref<50x80xi32, #tpu.memory_space<hbm>>
      tpu.wait_dma2 semaphore(%run_scoped3A : memref<!tpu.dma_semaphore, #tpu.memory_space<semaphore_mem>>) src(%dma_wait3A_149 : memref<50x80xi32, #tpu.memory_space<hbm>>) dst(%arg9 : memref<50x80xi32, #tpu.memory_space<vmem>>)
      tpu.yield
    }) : () -> ()
    "tpu.region"() ({
      %run_scoped3A = tpu.sem_alloc : memref<!tpu.dma_semaphore, #tpu.memory_space<semaphore_mem>>
      %dma_start3A = arith.constant 50 : i32
      %dma_start3A_136 = arith.constant 0 : i32
      %dma_start3A_137 = tpu.memref_slice %arg3[%arg1, %dma_start3A, %dma_start3A_136] : memref<16x250x80xi32, #tpu.memory_space<hbm>> -> memref<1x50x80xi32, #tpu.memory_space<hbm>>
      %dma_start3A_138 = tpu.memref_squeeze %dma_start3A_137 : memref<1x50x80xi32, #tpu.memory_space<hbm>> -> memref<50x80xi32, #tpu.memory_space<hbm>>
      %dma_start3A_139 = arith.constant 50 : i32
      %dma_start3A_140 = arith.constant 0 : i32
      %dma_start3A_141 = tpu.memref_slice %arg3[%arg1, %dma_start3A_139, %dma_start3A_140] : memref<16x250x80xi32, #tpu.memory_space<hbm>> -> memref<1x50x80xi32, #tpu.memory_space<hbm>>
      %dma_start3A_142 = tpu.memref_squeeze %dma_start3A_141 : memref<1x50x80xi32, #tpu.memory_space<hbm>> -> memref<50x80xi32, #tpu.memory_space<hbm>>
      tpu.enqueue_dma source(%dma_start3A_142 : memref<50x80xi32, #tpu.memory_space<hbm>>) target(%arg10 : memref<50x80xi32, #tpu.memory_space<vmem>>) target_semaphore(%run_scoped3A : memref<!tpu.dma_semaphore, #tpu.memory_space<semaphore_mem>>)
      %dma_wait3A = arith.constant 50 : i32
      %dma_wait3A_143 = arith.constant 0 : i32
      %dma_wait3A_144 = tpu.memref_slice %arg3[%arg1, %dma_wait3A, %dma_wait3A_143] : memref<16x250x80xi32, #tpu.memory_space<hbm>> -> memref<1x50x80xi32, #tpu.memory_space<hbm>>
      %dma_wait3A_145 = tpu.memref_squeeze %dma_wait3A_144 : memref<1x50x80xi32, #tpu.memory_space<hbm>> -> memref<50x80xi32, #tpu.memory_space<hbm>>
      %dma_wait3A_146 = arith.constant 50 : i32
      %dma_wait3A_147 = arith.constant 0 : i32
      %dma_wait3A_148 = tpu.memref_slice %arg3[%arg1, %dma_wait3A_146, %dma_wait3A_147] : memref<16x250x80xi32, #tpu.memory_space<hbm>> -> memref<1x50x80xi32, #tpu.memory_space<hbm>>
      %dma_wait3A_149 = tpu.memref_squeeze %dma_wait3A_148 : memref<1x50x80xi32, #tpu.memory_space<hbm>> -> memref<50x80xi32, #tpu.memory_space<hbm>>
      tpu.wait_dma2 semaphore(%run_scoped3A : memref<!tpu.dma_semaphore, #tpu.memory_space<semaphore_mem>>) src(%dma_wait3A_149 : memref<50x80xi32, #tpu.memory_space<hbm>>) dst(%arg10 : memref<50x80xi32, #tpu.memory_space<vmem>>)
      tpu.yield
    }) : () -> ()
    %scan3A_6 = arith.constant 0 : i32
    %scan3A_7 = arith.constant 0 : i32
    %scan3A_8 = arith.constant 50 : i32
    %scan3A_9 = arith.addi %scan3A_7, %scan3A_8 : i32
    %scan3A_10 = arith.constant 1 : i32
    scf.for %scan3A_136 = %scan3A_7 to %scan3A_9 step %scan3A_10  : i32 {
      %get3A = arith.index_cast %scan3A_136 : i32 to index
      %get3A_137 = arith.constant 0 : index
      %get3A_138 = tpu.vector_load %arg9[%get3A, %get3A_137] {strides = array<i32>} : memref<50x80xi32, #tpu.memory_space<vmem>>, vector<16xi32>,
      %get3A_139 = arith.index_cast %scan3A_136 : i32 to index
      %get3A_140 = arith.constant 0 : index
      %get3A_141 = tpu.vector_load %arg10[%get3A_139, %get3A_140] {strides = array<i32>} : memref<50x80xi32, #tpu.memory_space<vmem>>, vector<16xi32>,
      %gather3A = tpu.vector_load_idx %arg11[%get3A_138] : memref<10240xf32, #tpu.memory_space<vmem>>[vector<16xi32>], vector<16xf32>,
      %gather3A_142 = tpu.vector_load_idx %arg11[%get3A_141] : memref<10240xf32, #tpu.memory_space<vmem>>[vector<16xi32>], vector<16xf32>,
      %mul3A_143 = arith.mulf %gather3A, %gather3A_142 : vector<16xf32>
      %add3A_144 = arith.constant 50 : i32
      %add3A_145 = arith.addi %add3A_144, %scan3A_136 : i32
      %mul3A_146 = arith.constant 80 : i32
      %mul3A_147 = arith.muli %add3A_145, %mul3A_146 : i32
      %add3A_148 = arith.constant 0 : i32
      %add3A_149 = arith.addi %mul3A_147, %add3A_148 : i32
      %mul3A_150 = arith.constant 10240 : i32
      %mul3A_151 = vector.broadcast %mul3A_150 : i32 to vector<16xi32>
      %mul3A_152 = arith.muli %get3A_141, %mul3A_151 : vector<16xi32>
      %add3A_153 = arith.addi %mul3A_152, %get3A_138 : vector<16xi32>
      %swap3A_154 = arith.index_cast %add3A_149 : i32 to index
      %swap3A_155 = tpu.vector_load %arg6[%swap3A_154] {strides = array<i32>} : memref<20016xi32, #tpu.memory_space<vmem>>, vector<16xi32>,
      tpu.vector_store %arg6[%swap3A_154], %add3A_153 {strides = array<i32>} : memref<20016xi32, #tpu.memory_space<vmem>>, vector<16xi32>,
      %swap3A_156 = arith.index_cast %add3A_149 : i32 to index
      %swap3A_157 = tpu.vector_load %arg7[%swap3A_156] {strides = array<i32>} : memref<20016xf32, #tpu.memory_space<vmem>>, vector<16xf32>,
      tpu.vector_store %arg7[%swap3A_156], %mul3A_143 {strides = array<i32>} : memref<20016xf32, #tpu.memory_space<vmem>>, vector<16xf32>,
      %get3A_158 = arith.index_cast %scan3A_136 : i32 to index
      %get3A_159 = arith.constant 16 : index
      %get3A_160 = tpu.vector_load %arg9[%get3A_158, %get3A_159] {strides = array<i32>} : memref<50x80xi32, #tpu.memory_space<vmem>>, vector<16xi32>,
      %get3A_161 = arith.index_cast %scan3A_136 : i32 to index
      %get3A_162 = arith.constant 16 : index
      %get3A_163 = tpu.vector_load %arg10[%get3A_161, %get3A_162] {strides = array<i32>} : memref<50x80xi32, #tpu.memory_space<vmem>>, vector<16xi32>,
      %gather3A_164 = tpu.vector_load_idx %arg11[%get3A_160] : memref<10240xf32, #tpu.memory_space<vmem>>[vector<16xi32>], vector<16xf32>,
      %gather3A_165 = tpu.vector_load_idx %arg11[%get3A_163] : memref<10240xf32, #tpu.memory_space<vmem>>[vector<16xi32>], vector<16xf32>,
      %mul3A_166 = arith.mulf %gather3A_164, %gather3A_165 : vector<16xf32>
      %add3A_167 = arith.constant 50 : i32
      %add3A_168 = arith.addi %add3A_167, %scan3A_136 : i32
      %mul3A_169 = arith.constant 80 : i32
      %mul3A_170 = arith.muli %add3A_168, %mul3A_169 : i32
      %add3A_171 = arith.constant 16 : i32
      %add3A_172 = arith.addi %mul3A_170, %add3A_171 : i32
      %mul3A_173 = arith.constant 10240 : i32
      %mul3A_174 = vector.broadcast %mul3A_173 : i32 to vector<16xi32>
      %mul3A_175 = arith.muli %get3A_163, %mul3A_174 : vector<16xi32>
      %add3A_176 = arith.addi %mul3A_175, %get3A_160 : vector<16xi32>
      %swap3A_177 = arith.index_cast %add3A_172 : i32 to index
      %swap3A_178 = tpu.vector_load %arg6[%swap3A_177] {strides = array<i32>} : memref<20016xi32, #tpu.memory_space<vmem>>, vector<16xi32>,
      tpu.vector_store %arg6[%swap3A_177], %add3A_176 {strides = array<i32>} : memref<20016xi32, #tpu.memory_space<vmem>>, vector<16xi32>,
      %swap3A_179 = arith.index_cast %add3A_172 : i32 to index
      %swap3A_180 = tpu.vector_load %arg7[%swap3A_179] {strides = array<i32>} : memref<20016xf32, #tpu.memory_space<vmem>>, vector<16xf32>,
      tpu.vector_store %arg7[%swap3A_179], %mul3A_166 {strides = array<i32>} : memref<20016xf32, #tpu.memory_space<vmem>>, vector<16xf32>,
      %get3A_181 = arith.index_cast %scan3A_136 : i32 to index
      %get3A_182 = arith.constant 32 : index
      %get3A_183 = tpu.vector_load %arg9[%get3A_181, %get3A_182] {strides = array<i32>} : memref<50x80xi32, #tpu.memory_space<vmem>>, vector<16xi32>,
      %get3A_184 = arith.index_cast %scan3A_136 : i32 to index
      %get3A_185 = arith.constant 32 : index
      %get3A_186 = tpu.vector_load %arg10[%get3A_184, %get3A_185] {strides = array<i32>} : memref<50x80xi32, #tpu.memory_space<vmem>>, vector<16xi32>,
      %gather3A_187 = tpu.vector_load_idx %arg11[%get3A_183] : memref<10240xf32, #tpu.memory_space<vmem>>[vector<16xi32>], vector<16xf32>,
      %gather3A_188 = tpu.vector_load_idx %arg11[%get3A_186] : memref<10240xf32, #tpu.memory_space<vmem>>[vector<16xi32>], vector<16xf32>,
      %mul3A_189 = arith.mulf %gather3A_187, %gather3A_188 : vector<16xf32>
      %add3A_190 = arith.constant 50 : i32
      %add3A_191 = arith.addi %add3A_190, %scan3A_136 : i32
      %mul3A_192 = arith.constant 80 : i32
      %mul3A_193 = arith.muli %add3A_191, %mul3A_192 : i32
      %add3A_194 = arith.constant 32 : i32
      %add3A_195 = arith.addi %mul3A_193, %add3A_194 : i32
      %mul3A_196 = arith.constant 10240 : i32
      %mul3A_197 = vector.broadcast %mul3A_196 : i32 to vector<16xi32>
      %mul3A_198 = arith.muli %get3A_186, %mul3A_197 : vector<16xi32>
      %add3A_199 = arith.addi %mul3A_198, %get3A_183 : vector<16xi32>
      %swap3A_200 = arith.index_cast %add3A_195 : i32 to index
      %swap3A_201 = tpu.vector_load %arg6[%swap3A_200] {strides = array<i32>} : memref<20016xi32, #tpu.memory_space<vmem>>, vector<16xi32>,
      tpu.vector_store %arg6[%swap3A_200], %add3A_199 {strides = array<i32>} : memref<20016xi32, #tpu.memory_space<vmem>>, vector<16xi32>,
      %swap3A_202 = arith.index_cast %add3A_195 : i32 to index
      %swap3A_203 = tpu.vector_load %arg7[%swap3A_202] {strides = array<i32>} : memref<20016xf32, #tpu.memory_space<vmem>>, vector<16xf32>,
      tpu.vector_store %arg7[%swap3A_202], %mul3A_189 {strides = array<i32>} : memref<20016xf32, #tpu.memory_space<vmem>>, vector<16xf32>,
      %get3A_204 = arith.index_cast %scan3A_136 : i32 to index
      %get3A_205 = arith.constant 48 : index
      %get3A_206 = tpu.vector_load %arg9[%get3A_204, %get3A_205] {strides = array<i32>} : memref<50x80xi32, #tpu.memory_space<vmem>>, vector<16xi32>,
      %get3A_207 = arith.index_cast %scan3A_136 : i32 to index
      %get3A_208 = arith.constant 48 : index
      %get3A_209 = tpu.vector_load %arg10[%get3A_207, %get3A_208] {strides = array<i32>} : memref<50x80xi32, #tpu.memory_space<vmem>>, vector<16xi32>,
      %gather3A_210 = tpu.vector_load_idx %arg11[%get3A_206] : memref<10240xf32, #tpu.memory_space<vmem>>[vector<16xi32>], vector<16xf32>,
      %gather3A_211 = tpu.vector_load_idx %arg11[%get3A_209] : memref<10240xf32, #tpu.memory_space<vmem>>[vector<16xi32>], vector<16xf32>,
      %mul3A_212 = arith.mulf %gather3A_210, %gather3A_211 : vector<16xf32>
      %add3A_213 = arith.constant 50 : i32
      %add3A_214 = arith.addi %add3A_213, %scan3A_136 : i32
      %mul3A_215 = arith.constant 80 : i32
      %mul3A_216 = arith.muli %add3A_214, %mul3A_215 : i32
      %add3A_217 = arith.constant 48 : i32
      %add3A_218 = arith.addi %mul3A_216, %add3A_217 : i32
      %mul3A_219 = arith.constant 10240 : i32
      %mul3A_220 = vector.broadcast %mul3A_219 : i32 to vector<16xi32>
      %mul3A_221 = arith.muli %get3A_209, %mul3A_220 : vector<16xi32>
      %add3A_222 = arith.addi %mul3A_221, %get3A_206 : vector<16xi32>
      %swap3A_223 = arith.index_cast %add3A_218 : i32 to index
      %swap3A_224 = tpu.vector_load %arg6[%swap3A_223] {strides = array<i32>} : memref<20016xi32, #tpu.memory_space<vmem>>, vector<16xi32>,
      tpu.vector_store %arg6[%swap3A_223], %add3A_222 {strides = array<i32>} : memref<20016xi32, #tpu.memory_space<vmem>>, vector<16xi32>,
      %swap3A_225 = arith.index_cast %add3A_218 : i32 to index
      %swap3A_226 = tpu.vector_load %arg7[%swap3A_225] {strides = array<i32>} : memref<20016xf32, #tpu.memory_space<vmem>>, vector<16xf32>,
      tpu.vector_store %arg7[%swap3A_225], %mul3A_212 {strides = array<i32>} : memref<20016xf32, #tpu.memory_space<vmem>>, vector<16xf32>,
      %get3A_227 = arith.index_cast %scan3A_136 : i32 to index
      %get3A_228 = arith.constant 64 : index
      %get3A_229 = tpu.vector_load %arg9[%get3A_227, %get3A_228] {strides = array<i32>} : memref<50x80xi32, #tpu.memory_space<vmem>>, vector<16xi32>,
      %get3A_230 = arith.index_cast %scan3A_136 : i32 to index
      %get3A_231 = arith.constant 64 : index
      %get3A_232 = tpu.vector_load %arg10[%get3A_230, %get3A_231] {strides = array<i32>} : memref<50x80xi32, #tpu.memory_space<vmem>>, vector<16xi32>,
      %gather3A_233 = tpu.vector_load_idx %arg11[%get3A_229] : memref<10240xf32, #tpu.memory_space<vmem>>[vector<16xi32>], vector<16xf32>,
      %gather3A_234 = tpu.vector_load_idx %arg11[%get3A_232] : memref<10240xf32, #tpu.memory_space<vmem>>[vector<16xi32>], vector<16xf32>,
      %mul3A_235 = arith.mulf %gather3A_233, %gather3A_234 : vector<16xf32>
      %add3A_236 = arith.constant 50 : i32
      %add3A_237 = arith.addi %add3A_236, %scan3A_136 : i32
      %mul3A_238 = arith.constant 80 : i32
      %mul3A_239 = arith.muli %add3A_237, %mul3A_238 : i32
      %add3A_240 = arith.constant 64 : i32
      %add3A_241 = arith.addi %mul3A_239, %add3A_240 : i32
      %mul3A_242 = arith.constant 10240 : i32
      %mul3A_243 = vector.broadcast %mul3A_242 : i32 to vector<16xi32>
      %mul3A_244 = arith.muli %get3A_232, %mul3A_243 : vector<16xi32>
      %add3A_245 = arith.addi %mul3A_244, %get3A_229 : vector<16xi32>
      %swap3A_246 = arith.index_cast %add3A_241 : i32 to index
      %swap3A_247 = tpu.vector_load %arg6[%swap3A_246] {strides = array<i32>} : memref<20016xi32, #tpu.memory_space<vmem>>, vector<16xi32>,
      tpu.vector_store %arg6[%swap3A_246], %add3A_245 {strides = array<i32>} : memref<20016xi32, #tpu.memory_space<vmem>>, vector<16xi32>,
      %swap3A_248 = arith.index_cast %add3A_241 : i32 to index
      %swap3A_249 = tpu.vector_load %arg7[%swap3A_248] {strides = array<i32>} : memref<20016xf32, #tpu.memory_space<vmem>>, vector<16xf32>,
      tpu.vector_store %arg7[%swap3A_248], %mul3A_235 {strides = array<i32>} : memref<20016xf32, #tpu.memory_space<vmem>>, vector<16xf32>,
    }
    %scan3A_11 = arith.constant 50 : i32
    "tpu.region"() ({
      %run_scoped3A = tpu.sem_alloc : memref<!tpu.dma_semaphore, #tpu.memory_space<semaphore_mem>>
      %dma_start3A = arith.constant 100 : i32
      %dma_start3A_136 = arith.constant 0 : i32
      %dma_start3A_137 = tpu.memref_slice %arg2[%arg1, %dma_start3A, %dma_start3A_136] : memref<16x250x80xi32, #tpu.memory_space<hbm>> -> memref<1x50x80xi32, #tpu.memory_space<hbm>>
      %dma_start3A_138 = tpu.memref_squeeze %dma_start3A_137 : memref<1x50x80xi32, #tpu.memory_space<hbm>> -> memref<50x80xi32, #tpu.memory_space<hbm>>
      %dma_start3A_139 = arith.constant 100 : i32
      %dma_start3A_140 = arith.constant 0 : i32
      %dma_start3A_141 = tpu.memref_slice %arg2[%arg1, %dma_start3A_139, %dma_start3A_140] : memref<16x250x80xi32, #tpu.memory_space<hbm>> -> memref<1x50x80xi32, #tpu.memory_space<hbm>>
      %dma_start3A_142 = tpu.memref_squeeze %dma_start3A_141 : memref<1x50x80xi32, #tpu.memory_space<hbm>> -> memref<50x80xi32, #tpu.memory_space<hbm>>
      tpu.enqueue_dma source(%dma_start3A_142 : memref<50x80xi32, #tpu.memory_space<hbm>>) target(%arg9 : memref<50x80xi32, #tpu.memory_space<vmem>>) target_semaphore(%run_scoped3A : memref<!tpu.dma_semaphore, #tpu.memory_space<semaphore_mem>>)
      %dma_wait3A = arith.constant 100 : i32
      %dma_wait3A_143 = arith.constant 0 : i32
      %dma_wait3A_144 = tpu.memref_slice %arg2[%arg1, %dma_wait3A, %dma_wait3A_143] : memref<16x250x80xi32, #tpu.memory_space<hbm>> -> memref<1x50x80xi32, #tpu.memory_space<hbm>>
      %dma_wait3A_145 = tpu.memref_squeeze %dma_wait3A_144 : memref<1x50x80xi32, #tpu.memory_space<hbm>> -> memref<50x80xi32, #tpu.memory_space<hbm>>
      %dma_wait3A_146 = arith.constant 100 : i32
      %dma_wait3A_147 = arith.constant 0 : i32
      %dma_wait3A_148 = tpu.memref_slice %arg2[%arg1, %dma_wait3A_146, %dma_wait3A_147] : memref<16x250x80xi32, #tpu.memory_space<hbm>> -> memref<1x50x80xi32, #tpu.memory_space<hbm>>
      %dma_wait3A_149 = tpu.memref_squeeze %dma_wait3A_148 : memref<1x50x80xi32, #tpu.memory_space<hbm>> -> memref<50x80xi32, #tpu.memory_space<hbm>>
      tpu.wait_dma2 semaphore(%run_scoped3A : memref<!tpu.dma_semaphore, #tpu.memory_space<semaphore_mem>>) src(%dma_wait3A_149 : memref<50x80xi32, #tpu.memory_space<hbm>>) dst(%arg9 : memref<50x80xi32, #tpu.memory_space<vmem>>)
      tpu.yield
    }) : () -> ()
    "tpu.region"() ({
      %run_scoped3A = tpu.sem_alloc : memref<!tpu.dma_semaphore, #tpu.memory_space<semaphore_mem>>
      %dma_start3A = arith.constant 100 : i32
      %dma_start3A_136 = arith.constant 0 : i32
      %dma_start3A_137 = tpu.memref_slice %arg3[%arg1, %dma_start3A, %dma_start3A_136] : memref<16x250x80xi32, #tpu.memory_space<hbm>> -> memref<1x50x80xi32, #tpu.memory_space<hbm>>
      %dma_start3A_138 = tpu.memref_squeeze %dma_start3A_137 : memref<1x50x80xi32, #tpu.memory_space<hbm>> -> memref<50x80xi32, #tpu.memory_space<hbm>>
      %dma_start3A_139 = arith.constant 100 : i32
      %dma_start3A_140 = arith.constant 0 : i32
      %dma_start3A_141 = tpu.memref_slice %arg3[%arg1, %dma_start3A_139, %dma_start3A_140] : memref<16x250x80xi32, #tpu.memory_space<hbm>> -> memref<1x50x80xi32, #tpu.memory_space<hbm>>
      %dma_start3A_142 = tpu.memref_squeeze %dma_start3A_141 : memref<1x50x80xi32, #tpu.memory_space<hbm>> -> memref<50x80xi32, #tpu.memory_space<hbm>>
      tpu.enqueue_dma source(%dma_start3A_142 : memref<50x80xi32, #tpu.memory_space<hbm>>) target(%arg10 : memref<50x80xi32, #tpu.memory_space<vmem>>) target_semaphore(%run_scoped3A : memref<!tpu.dma_semaphore, #tpu.memory_space<semaphore_mem>>)
      %dma_wait3A = arith.constant 100 : i32
      %dma_wait3A_143 = arith.constant 0 : i32
      %dma_wait3A_144 = tpu.memref_slice %arg3[%arg1, %dma_wait3A, %dma_wait3A_143] : memref<16x250x80xi32, #tpu.memory_space<hbm>> -> memref<1x50x80xi32, #tpu.memory_space<hbm>>
      %dma_wait3A_145 = tpu.memref_squeeze %dma_wait3A_144 : memref<1x50x80xi32, #tpu.memory_space<hbm>> -> memref<50x80xi32, #tpu.memory_space<hbm>>
      %dma_wait3A_146 = arith.constant 100 : i32
      %dma_wait3A_147 = arith.constant 0 : i32
      %dma_wait3A_148 = tpu.memref_slice %arg3[%arg1, %dma_wait3A_146, %dma_wait3A_147] : memref<16x250x80xi32, #tpu.memory_space<hbm>> -> memref<1x50x80xi32, #tpu.memory_space<hbm>>
      %dma_wait3A_149 = tpu.memref_squeeze %dma_wait3A_148 : memref<1x50x80xi32, #tpu.memory_space<hbm>> -> memref<50x80xi32, #tpu.memory_space<hbm>>
      tpu.wait_dma2 semaphore(%run_scoped3A : memref<!tpu.dma_semaphore, #tpu.memory_space<semaphore_mem>>) src(%dma_wait3A_149 : memref<50x80xi32, #tpu.memory_space<hbm>>) dst(%arg10 : memref<50x80xi32, #tpu.memory_space<vmem>>)
      tpu.yield
    }) : () -> ()
    %scan3A_12 = arith.constant 0 : i32
    %scan3A_13 = arith.constant 0 : i32
    %scan3A_14 = arith.constant 50 : i32
    %scan3A_15 = arith.addi %scan3A_13, %scan3A_14 : i32
    %scan3A_16 = arith.constant 1 : i32
    scf.for %scan3A_136 = %scan3A_13 to %scan3A_15 step %scan3A_16  : i32 {
      %get3A = arith.index_cast %scan3A_136 : i32 to index
      %get3A_137 = arith.constant 0 : index
      %get3A_138 = tpu.vector_load %arg9[%get3A, %get3A_137] {strides = array<i32>} : memref<50x80xi32, #tpu.memory_space<vmem>>, vector<16xi32>,
      %get3A_139 = arith.index_cast %scan3A_136 : i32 to index
      %get3A_140 = arith.constant 0 : index
      %get3A_141 = tpu.vector_load %arg10[%get3A_139, %get3A_140] {strides = array<i32>} : memref<50x80xi32, #tpu.memory_space<vmem>>, vector<16xi32>,
      %gather3A = tpu.vector_load_idx %arg11[%get3A_138] : memref<10240xf32, #tpu.memory_space<vmem>>[vector<16xi32>], vector<16xf32>,
      %gather3A_142 = tpu.vector_load_idx %arg11[%get3A_141] : memref<10240xf32, #tpu.memory_space<vmem>>[vector<16xi32>], vector<16xf32>,
      %mul3A_143 = arith.mulf %gather3A, %gather3A_142 : vector<16xf32>
      %add3A_144 = arith.constant 100 : i32
      %add3A_145 = arith.addi %add3A_144, %scan3A_136 : i32
      %mul3A_146 = arith.constant 80 : i32
      %mul3A_147 = arith.muli %add3A_145, %mul3A_146 : i32
      %add3A_148 = arith.constant 0 : i32
      %add3A_149 = arith.addi %mul3A_147, %add3A_148 : i32
      %mul3A_150 = arith.constant 10240 : i32
      %mul3A_151 = vector.broadcast %mul3A_150 : i32 to vector<16xi32>
      %mul3A_152 = arith.muli %get3A_141, %mul3A_151 : vector<16xi32>
      %add3A_153 = arith.addi %mul3A_152, %get3A_138 : vector<16xi32>
      %swap3A_154 = arith.index_cast %add3A_149 : i32 to index
      %swap3A_155 = tpu.vector_load %arg6[%swap3A_154] {strides = array<i32>} : memref<20016xi32, #tpu.memory_space<vmem>>, vector<16xi32>,
      tpu.vector_store %arg6[%swap3A_154], %add3A_153 {strides = array<i32>} : memref<20016xi32, #tpu.memory_space<vmem>>, vector<16xi32>,
      %swap3A_156 = arith.index_cast %add3A_149 : i32 to index
      %swap3A_157 = tpu.vector_load %arg7[%swap3A_156] {strides = array<i32>} : memref<20016xf32, #tpu.memory_space<vmem>>, vector<16xf32>,
      tpu.vector_store %arg7[%swap3A_156], %mul3A_143 {strides = array<i32>} : memref<20016xf32, #tpu.memory_space<vmem>>, vector<16xf32>,
      %get3A_158 = arith.index_cast %scan3A_136 : i32 to index
      %get3A_159 = arith.constant 16 : index
      %get3A_160 = tpu.vector_load %arg9[%get3A_158, %get3A_159] {strides = array<i32>} : memref<50x80xi32, #tpu.memory_space<vmem>>, vector<16xi32>,
      %get3A_161 = arith.index_cast %scan3A_136 : i32 to index
      %get3A_162 = arith.constant 16 : index
      %get3A_163 = tpu.vector_load %arg10[%get3A_161, %get3A_162] {strides = array<i32>} : memref<50x80xi32, #tpu.memory_space<vmem>>, vector<16xi32>,
      %gather3A_164 = tpu.vector_load_idx %arg11[%get3A_160] : memref<10240xf32, #tpu.memory_space<vmem>>[vector<16xi32>], vector<16xf32>,
      %gather3A_165 = tpu.vector_load_idx %arg11[%get3A_163] : memref<10240xf32, #tpu.memory_space<vmem>>[vector<16xi32>], vector<16xf32>,
      %mul3A_166 = arith.mulf %gather3A_164, %gather3A_165 : vector<16xf32>
      %add3A_167 = arith.constant 100 : i32
      %add3A_168 = arith.addi %add3A_167, %scan3A_136 : i32
      %mul3A_169 = arith.constant 80 : i32
      %mul3A_170 = arith.muli %add3A_168, %mul3A_169 : i32
      %add3A_171 = arith.constant 16 : i32
      %add3A_172 = arith.addi %mul3A_170, %add3A_171 : i32
      %mul3A_173 = arith.constant 10240 : i32
      %mul3A_174 = vector.broadcast %mul3A_173 : i32 to vector<16xi32>
      %mul3A_175 = arith.muli %get3A_163, %mul3A_174 : vector<16xi32>
      %add3A_176 = arith.addi %mul3A_175, %get3A_160 : vector<16xi32>
      %swap3A_177 = arith.index_cast %add3A_172 : i32 to index
      %swap3A_178 = tpu.vector_load %arg6[%swap3A_177] {strides = array<i32>} : memref<20016xi32, #tpu.memory_space<vmem>>, vector<16xi32>,
      tpu.vector_store %arg6[%swap3A_177], %add3A_176 {strides = array<i32>} : memref<20016xi32, #tpu.memory_space<vmem>>, vector<16xi32>,
      %swap3A_179 = arith.index_cast %add3A_172 : i32 to index
      %swap3A_180 = tpu.vector_load %arg7[%swap3A_179] {strides = array<i32>} : memref<20016xf32, #tpu.memory_space<vmem>>, vector<16xf32>,
      tpu.vector_store %arg7[%swap3A_179], %mul3A_166 {strides = array<i32>} : memref<20016xf32, #tpu.memory_space<vmem>>, vector<16xf32>,
      %get3A_181 = arith.index_cast %scan3A_136 : i32 to index
      %get3A_182 = arith.constant 32 : index
      %get3A_183 = tpu.vector_load %arg9[%get3A_181, %get3A_182] {strides = array<i32>} : memref<50x80xi32, #tpu.memory_space<vmem>>, vector<16xi32>,
      %get3A_184 = arith.index_cast %scan3A_136 : i32 to index
      %get3A_185 = arith.constant 32 : index
      %get3A_186 = tpu.vector_load %arg10[%get3A_184, %get3A_185] {strides = array<i32>} : memref<50x80xi32, #tpu.memory_space<vmem>>, vector<16xi32>,
      %gather3A_187 = tpu.vector_load_idx %arg11[%get3A_183] : memref<10240xf32, #tpu.memory_space<vmem>>[vector<16xi32>], vector<16xf32>,
      %gather3A_188 = tpu.vector_load_idx %arg11[%get3A_186] : memref<10240xf32, #tpu.memory_space<vmem>>[vector<16xi32>], vector<16xf32>,
      %mul3A_189 = arith.mulf %gather3A_187, %gather3A_188 : vector<16xf32>
      %add3A_190 = arith.constant 100 : i32
      %add3A_191 = arith.addi %add3A_190, %scan3A_136 : i32
      %mul3A_192 = arith.constant 80 : i32
      %mul3A_193 = arith.muli %add3A_191, %mul3A_192 : i32
      %add3A_194 = arith.constant 32 : i32
      %add3A_195 = arith.addi %mul3A_193, %add3A_194 : i32
      %mul3A_196 = arith.constant 10240 : i32
      %mul3A_197 = vector.broadcast %mul3A_196 : i32 to vector<16xi32>
      %mul3A_198 = arith.muli %get3A_186, %mul3A_197 : vector<16xi32>
      %add3A_199 = arith.addi %mul3A_198, %get3A_183 : vector<16xi32>
      %swap3A_200 = arith.index_cast %add3A_195 : i32 to index
      %swap3A_201 = tpu.vector_load %arg6[%swap3A_200] {strides = array<i32>} : memref<20016xi32, #tpu.memory_space<vmem>>, vector<16xi32>,
      tpu.vector_store %arg6[%swap3A_200], %add3A_199 {strides = array<i32>} : memref<20016xi32, #tpu.memory_space<vmem>>, vector<16xi32>,
      %swap3A_202 = arith.index_cast %add3A_195 : i32 to index
      %swap3A_203 = tpu.vector_load %arg7[%swap3A_202] {strides = array<i32>} : memref<20016xf32, #tpu.memory_space<vmem>>, vector<16xf32>,
      tpu.vector_store %arg7[%swap3A_202], %mul3A_189 {strides = array<i32>} : memref<20016xf32, #tpu.memory_space<vmem>>, vector<16xf32>,
      %get3A_204 = arith.index_cast %scan3A_136 : i32 to index
      %get3A_205 = arith.constant 48 : index
      %get3A_206 = tpu.vector_load %arg9[%get3A_204, %get3A_205] {strides = array<i32>} : memref<50x80xi32, #tpu.memory_space<vmem>>, vector<16xi32>,
      %get3A_207 = arith.index_cast %scan3A_136 : i32 to index
      %get3A_208 = arith.constant 48 : index
      %get3A_209 = tpu.vector_load %arg10[%get3A_207, %get3A_208] {strides = array<i32>} : memref<50x80xi32, #tpu.memory_space<vmem>>, vector<16xi32>,
      %gather3A_210 = tpu.vector_load_idx %arg11[%get3A_206] : memref<10240xf32, #tpu.memory_space<vmem>>[vector<16xi32>], vector<16xf32>,
      %gather3A_211 = tpu.vector_load_idx %arg11[%get3A_209] : memref<10240xf32, #tpu.memory_space<vmem>>[vector<16xi32>], vector<16xf32>,
      %mul3A_212 = arith.mulf %gather3A_210, %gather3A_211 : vector<16xf32>
      %add3A_213 = arith.constant 100 : i32
      %add3A_214 = arith.addi %add3A_213, %scan3A_136 : i32
      %mul3A_215 = arith.constant 80 : i32
      %mul3A_216 = arith.muli %add3A_214, %mul3A_215 : i32
      %add3A_217 = arith.constant 48 : i32
      %add3A_218 = arith.addi %mul3A_216, %add3A_217 : i32
      %mul3A_219 = arith.constant 10240 : i32
      %mul3A_220 = vector.broadcast %mul3A_219 : i32 to vector<16xi32>
      %mul3A_221 = arith.muli %get3A_209, %mul3A_220 : vector<16xi32>
      %add3A_222 = arith.addi %mul3A_221, %get3A_206 : vector<16xi32>
      %swap3A_223 = arith.index_cast %add3A_218 : i32 to index
      %swap3A_224 = tpu.vector_load %arg6[%swap3A_223] {strides = array<i32>} : memref<20016xi32, #tpu.memory_space<vmem>>, vector<16xi32>,
      tpu.vector_store %arg6[%swap3A_223], %add3A_222 {strides = array<i32>} : memref<20016xi32, #tpu.memory_space<vmem>>, vector<16xi32>,
      %swap3A_225 = arith.index_cast %add3A_218 : i32 to index
      %swap3A_226 = tpu.vector_load %arg7[%swap3A_225] {strides = array<i32>} : memref<20016xf32, #tpu.memory_space<vmem>>, vector<16xf32>,
      tpu.vector_store %arg7[%swap3A_225], %mul3A_212 {strides = array<i32>} : memref<20016xf32, #tpu.memory_space<vmem>>, vector<16xf32>,
      %get3A_227 = arith.index_cast %scan3A_136 : i32 to index
      %get3A_228 = arith.constant 64 : index
      %get3A_229 = tpu.vector_load %arg9[%get3A_227, %get3A_228] {strides = array<i32>} : memref<50x80xi32, #tpu.memory_space<vmem>>, vector<16xi32>,
      %get3A_230 = arith.index_cast %scan3A_136 : i32 to index
      %get3A_231 = arith.constant 64 : index
      %get3A_232 = tpu.vector_load %arg10[%get3A_230, %get3A_231] {strides = array<i32>} : memref<50x80xi32, #tpu.memory_space<vmem>>, vector<16xi32>,
      %gather3A_233 = tpu.vector_load_idx %arg11[%get3A_229] : memref<10240xf32, #tpu.memory_space<vmem>>[vector<16xi32>], vector<16xf32>,
      %gather3A_234 = tpu.vector_load_idx %arg11[%get3A_232] : memref<10240xf32, #tpu.memory_space<vmem>>[vector<16xi32>], vector<16xf32>,
      %mul3A_235 = arith.mulf %gather3A_233, %gather3A_234 : vector<16xf32>
      %add3A_236 = arith.constant 100 : i32
      %add3A_237 = arith.addi %add3A_236, %scan3A_136 : i32
      %mul3A_238 = arith.constant 80 : i32
      %mul3A_239 = arith.muli %add3A_237, %mul3A_238 : i32
      %add3A_240 = arith.constant 64 : i32
      %add3A_241 = arith.addi %mul3A_239, %add3A_240 : i32
      %mul3A_242 = arith.constant 10240 : i32
      %mul3A_243 = vector.broadcast %mul3A_242 : i32 to vector<16xi32>
      %mul3A_244 = arith.muli %get3A_232, %mul3A_243 : vector<16xi32>
      %add3A_245 = arith.addi %mul3A_244, %get3A_229 : vector<16xi32>
      %swap3A_246 = arith.index_cast %add3A_241 : i32 to index
      %swap3A_247 = tpu.vector_load %arg6[%swap3A_246] {strides = array<i32>} : memref<20016xi32, #tpu.memory_space<vmem>>, vector<16xi32>,
      tpu.vector_store %arg6[%swap3A_246], %add3A_245 {strides = array<i32>} : memref<20016xi32, #tpu.memory_space<vmem>>, vector<16xi32>,
      %swap3A_248 = arith.index_cast %add3A_241 : i32 to index
      %swap3A_249 = tpu.vector_load %arg7[%swap3A_248] {strides = array<i32>} : memref<20016xf32, #tpu.memory_space<vmem>>, vector<16xf32>,
      tpu.vector_store %arg7[%swap3A_248], %mul3A_235 {strides = array<i32>} : memref<20016xf32, #tpu.memory_space<vmem>>, vector<16xf32>,
    }
    %scan3A_17 = arith.constant 50 : i32
    "tpu.region"() ({
      %run_scoped3A = tpu.sem_alloc : memref<!tpu.dma_semaphore, #tpu.memory_space<semaphore_mem>>
      %dma_start3A = arith.constant 150 : i32
      %dma_start3A_136 = arith.constant 0 : i32
      %dma_start3A_137 = tpu.memref_slice %arg2[%arg1, %dma_start3A, %dma_start3A_136] : memref<16x250x80xi32, #tpu.memory_space<hbm>> -> memref<1x50x80xi32, #tpu.memory_space<hbm>>
      %dma_start3A_138 = tpu.memref_squeeze %dma_start3A_137 : memref<1x50x80xi32, #tpu.memory_space<hbm>> -> memref<50x80xi32, #tpu.memory_space<hbm>>
      %dma_start3A_139 = arith.constant 150 : i32
      %dma_start3A_140 = arith.constant 0 : i32
      %dma_start3A_141 = tpu.memref_slice %arg2[%arg1, %dma_start3A_139, %dma_start3A_140] : memref<16x250x80xi32, #tpu.memory_space<hbm>> -> memref<1x50x80xi32, #tpu.memory_space<hbm>>
      %dma_start3A_142 = tpu.memref_squeeze %dma_start3A_141 : memref<1x50x80xi32, #tpu.memory_space<hbm>> -> memref<50x80xi32, #tpu.memory_space<hbm>>
      tpu.enqueue_dma source(%dma_start3A_142 : memref<50x80xi32, #tpu.memory_space<hbm>>) target(%arg9 : memref<50x80xi32, #tpu.memory_space<vmem>>) target_semaphore(%run_scoped3A : memref<!tpu.dma_semaphore, #tpu.memory_space<semaphore_mem>>)
      %dma_wait3A = arith.constant 150 : i32
      %dma_wait3A_143 = arith.constant 0 : i32
      %dma_wait3A_144 = tpu.memref_slice %arg2[%arg1, %dma_wait3A, %dma_wait3A_143] : memref<16x250x80xi32, #tpu.memory_space<hbm>> -> memref<1x50x80xi32, #tpu.memory_space<hbm>>
      %dma_wait3A_145 = tpu.memref_squeeze %dma_wait3A_144 : memref<1x50x80xi32, #tpu.memory_space<hbm>> -> memref<50x80xi32, #tpu.memory_space<hbm>>
      %dma_wait3A_146 = arith.constant 150 : i32
      %dma_wait3A_147 = arith.constant 0 : i32
      %dma_wait3A_148 = tpu.memref_slice %arg2[%arg1, %dma_wait3A_146, %dma_wait3A_147] : memref<16x250x80xi32, #tpu.memory_space<hbm>> -> memref<1x50x80xi32, #tpu.memory_space<hbm>>
      %dma_wait3A_149 = tpu.memref_squeeze %dma_wait3A_148 : memref<1x50x80xi32, #tpu.memory_space<hbm>> -> memref<50x80xi32, #tpu.memory_space<hbm>>
      tpu.wait_dma2 semaphore(%run_scoped3A : memref<!tpu.dma_semaphore, #tpu.memory_space<semaphore_mem>>) src(%dma_wait3A_149 : memref<50x80xi32, #tpu.memory_space<hbm>>) dst(%arg9 : memref<50x80xi32, #tpu.memory_space<vmem>>)
      tpu.yield
    }) : () -> ()
    "tpu.region"() ({
      %run_scoped3A = tpu.sem_alloc : memref<!tpu.dma_semaphore, #tpu.memory_space<semaphore_mem>>
      %dma_start3A = arith.constant 150 : i32
      %dma_start3A_136 = arith.constant 0 : i32
      %dma_start3A_137 = tpu.memref_slice %arg3[%arg1, %dma_start3A, %dma_start3A_136] : memref<16x250x80xi32, #tpu.memory_space<hbm>> -> memref<1x50x80xi32, #tpu.memory_space<hbm>>
      %dma_start3A_138 = tpu.memref_squeeze %dma_start3A_137 : memref<1x50x80xi32, #tpu.memory_space<hbm>> -> memref<50x80xi32, #tpu.memory_space<hbm>>
      %dma_start3A_139 = arith.constant 150 : i32
      %dma_start3A_140 = arith.constant 0 : i32
      %dma_start3A_141 = tpu.memref_slice %arg3[%arg1, %dma_start3A_139, %dma_start3A_140] : memref<16x250x80xi32, #tpu.memory_space<hbm>> -> memref<1x50x80xi32, #tpu.memory_space<hbm>>
      %dma_start3A_142 = tpu.memref_squeeze %dma_start3A_141 : memref<1x50x80xi32, #tpu.memory_space<hbm>> -> memref<50x80xi32, #tpu.memory_space<hbm>>
      tpu.enqueue_dma source(%dma_start3A_142 : memref<50x80xi32, #tpu.memory_space<hbm>>) target(%arg10 : memref<50x80xi32, #tpu.memory_space<vmem>>) target_semaphore(%run_scoped3A : memref<!tpu.dma_semaphore, #tpu.memory_space<semaphore_mem>>)
      %dma_wait3A = arith.constant 150 : i32
      %dma_wait3A_143 = arith.constant 0 : i32
      %dma_wait3A_144 = tpu.memref_slice %arg3[%arg1, %dma_wait3A, %dma_wait3A_143] : memref<16x250x80xi32, #tpu.memory_space<hbm>> -> memref<1x50x80xi32, #tpu.memory_space<hbm>>
      %dma_wait3A_145 = tpu.memref_squeeze %dma_wait3A_144 : memref<1x50x80xi32, #tpu.memory_space<hbm>> -> memref<50x80xi32, #tpu.memory_space<hbm>>
      %dma_wait3A_146 = arith.constant 150 : i32
      %dma_wait3A_147 = arith.constant 0 : i32
      %dma_wait3A_148 = tpu.memref_slice %arg3[%arg1, %dma_wait3A_146, %dma_wait3A_147] : memref<16x250x80xi32, #tpu.memory_space<hbm>> -> memref<1x50x80xi32, #tpu.memory_space<hbm>>
      %dma_wait3A_149 = tpu.memref_squeeze %dma_wait3A_148 : memref<1x50x80xi32, #tpu.memory_space<hbm>> -> memref<50x80xi32, #tpu.memory_space<hbm>>
      tpu.wait_dma2 semaphore(%run_scoped3A : memref<!tpu.dma_semaphore, #tpu.memory_space<semaphore_mem>>) src(%dma_wait3A_149 : memref<50x80xi32, #tpu.memory_space<hbm>>) dst(%arg10 : memref<50x80xi32, #tpu.memory_space<vmem>>)
      tpu.yield
    }) : () -> ()
    %scan3A_18 = arith.constant 0 : i32
    %scan3A_19 = arith.constant 0 : i32
    %scan3A_20 = arith.constant 50 : i32
    %scan3A_21 = arith.addi %scan3A_19, %scan3A_20 : i32
    %scan3A_22 = arith.constant 1 : i32
    scf.for %scan3A_136 = %scan3A_19 to %scan3A_21 step %scan3A_22  : i32 {
      %get3A = arith.index_cast %scan3A_136 : i32 to index
      %get3A_137 = arith.constant 0 : index
      %get3A_138 = tpu.vector_load %arg9[%get3A, %get3A_137] {strides = array<i32>} : memref<50x80xi32, #tpu.memory_space<vmem>>, vector<16xi32>,
      %get3A_139 = arith.index_cast %scan3A_136 : i32 to index
      %get3A_140 = arith.constant 0 : index
      %get3A_141 = tpu.vector_load %arg10[%get3A_139, %get3A_140] {strides = array<i32>} : memref<50x80xi32, #tpu.memory_space<vmem>>, vector<16xi32>,
      %gather3A = tpu.vector_load_idx %arg11[%get3A_138] : memref<10240xf32, #tpu.memory_space<vmem>>[vector<16xi32>], vector<16xf32>,
      %gather3A_142 = tpu.vector_load_idx %arg11[%get3A_141] : memref<10240xf32, #tpu.memory_space<vmem>>[vector<16xi32>], vector<16xf32>,
      %mul3A_143 = arith.mulf %gather3A, %gather3A_142 : vector<16xf32>
      %add3A_144 = arith.constant 150 : i32
      %add3A_145 = arith.addi %add3A_144, %scan3A_136 : i32
      %mul3A_146 = arith.constant 80 : i32
      %mul3A_147 = arith.muli %add3A_145, %mul3A_146 : i32
      %add3A_148 = arith.constant 0 : i32
      %add3A_149 = arith.addi %mul3A_147, %add3A_148 : i32
      %mul3A_150 = arith.constant 10240 : i32
      %mul3A_151 = vector.broadcast %mul3A_150 : i32 to vector<16xi32>
      %mul3A_152 = arith.muli %get3A_141, %mul3A_151 : vector<16xi32>
      %add3A_153 = arith.addi %mul3A_152, %get3A_138 : vector<16xi32>
      %swap3A_154 = arith.index_cast %add3A_149 : i32 to index
      %swap3A_155 = tpu.vector_load %arg6[%swap3A_154] {strides = array<i32>} : memref<20016xi32, #tpu.memory_space<vmem>>, vector<16xi32>,
      tpu.vector_store %arg6[%swap3A_154], %add3A_153 {strides = array<i32>} : memref<20016xi32, #tpu.memory_space<vmem>>, vector<16xi32>,
      %swap3A_156 = arith.index_cast %add3A_149 : i32 to index
      %swap3A_157 = tpu.vector_load %arg7[%swap3A_156] {strides = array<i32>} : memref<20016xf32, #tpu.memory_space<vmem>>, vector<16xf32>,
      tpu.vector_store %arg7[%swap3A_156], %mul3A_143 {strides = array<i32>} : memref<20016xf32, #tpu.memory_space<vmem>>, vector<16xf32>,
      %get3A_158 = arith.index_cast %scan3A_136 : i32 to index
      %get3A_159 = arith.constant 16 : index
      %get3A_160 = tpu.vector_load %arg9[%get3A_158, %get3A_159] {strides = array<i32>} : memref<50x80xi32, #tpu.memory_space<vmem>>, vector<16xi32>,
      %get3A_161 = arith.index_cast %scan3A_136 : i32 to index
      %get3A_162 = arith.constant 16 : index
      %get3A_163 = tpu.vector_load %arg10[%get3A_161, %get3A_162] {strides = array<i32>} : memref<50x80xi32, #tpu.memory_space<vmem>>, vector<16xi32>,
      %gather3A_164 = tpu.vector_load_idx %arg11[%get3A_160] : memref<10240xf32, #tpu.memory_space<vmem>>[vector<16xi32>], vector<16xf32>,
      %gather3A_165 = tpu.vector_load_idx %arg11[%get3A_163] : memref<10240xf32, #tpu.memory_space<vmem>>[vector<16xi32>], vector<16xf32>,
      %mul3A_166 = arith.mulf %gather3A_164, %gather3A_165 : vector<16xf32>
      %add3A_167 = arith.constant 150 : i32
      %add3A_168 = arith.addi %add3A_167, %scan3A_136 : i32
      %mul3A_169 = arith.constant 80 : i32
      %mul3A_170 = arith.muli %add3A_168, %mul3A_169 : i32
      %add3A_171 = arith.constant 16 : i32
      %add3A_172 = arith.addi %mul3A_170, %add3A_171 : i32
      %mul3A_173 = arith.constant 10240 : i32
      %mul3A_174 = vector.broadcast %mul3A_173 : i32 to vector<16xi32>
      %mul3A_175 = arith.muli %get3A_163, %mul3A_174 : vector<16xi32>
      %add3A_176 = arith.addi %mul3A_175, %get3A_160 : vector<16xi32>
      %swap3A_177 = arith.index_cast %add3A_172 : i32 to index
      %swap3A_178 = tpu.vector_load %arg6[%swap3A_177] {strides = array<i32>} : memref<20016xi32, #tpu.memory_space<vmem>>, vector<16xi32>,
      tpu.vector_store %arg6[%swap3A_177], %add3A_176 {strides = array<i32>} : memref<20016xi32, #tpu.memory_space<vmem>>, vector<16xi32>,
      %swap3A_179 = arith.index_cast %add3A_172 : i32 to index
      %swap3A_180 = tpu.vector_load %arg7[%swap3A_179] {strides = array<i32>} : memref<20016xf32, #tpu.memory_space<vmem>>, vector<16xf32>,
      tpu.vector_store %arg7[%swap3A_179], %mul3A_166 {strides = array<i32>} : memref<20016xf32, #tpu.memory_space<vmem>>, vector<16xf32>,
      %get3A_181 = arith.index_cast %scan3A_136 : i32 to index
      %get3A_182 = arith.constant 32 : index
      %get3A_183 = tpu.vector_load %arg9[%get3A_181, %get3A_182] {strides = array<i32>} : memref<50x80xi32, #tpu.memory_space<vmem>>, vector<16xi32>,
      %get3A_184 = arith.index_cast %scan3A_136 : i32 to index
      %get3A_185 = arith.constant 32 : index
      %get3A_186 = tpu.vector_load %arg10[%get3A_184, %get3A_185] {strides = array<i32>} : memref<50x80xi32, #tpu.memory_space<vmem>>, vector<16xi32>,
      %gather3A_187 = tpu.vector_load_idx %arg11[%get3A_183] : memref<10240xf32, #tpu.memory_space<vmem>>[vector<16xi32>], vector<16xf32>,
      %gather3A_188 = tpu.vector_load_idx %arg11[%get3A_186] : memref<10240xf32, #tpu.memory_space<vmem>>[vector<16xi32>], vector<16xf32>,
      %mul3A_189 = arith.mulf %gather3A_187, %gather3A_188 : vector<16xf32>
      %add3A_190 = arith.constant 150 : i32
      %add3A_191 = arith.addi %add3A_190, %scan3A_136 : i32
      %mul3A_192 = arith.constant 80 : i32
      %mul3A_193 = arith.muli %add3A_191, %mul3A_192 : i32
      %add3A_194 = arith.constant 32 : i32
      %add3A_195 = arith.addi %mul3A_193, %add3A_194 : i32
      %mul3A_196 = arith.constant 10240 : i32
      %mul3A_197 = vector.broadcast %mul3A_196 : i32 to vector<16xi32>
      %mul3A_198 = arith.muli %get3A_186, %mul3A_197 : vector<16xi32>
      %add3A_199 = arith.addi %mul3A_198, %get3A_183 : vector<16xi32>
      %swap3A_200 = arith.index_cast %add3A_195 : i32 to index
      %swap3A_201 = tpu.vector_load %arg6[%swap3A_200] {strides = array<i32>} : memref<20016xi32, #tpu.memory_space<vmem>>, vector<16xi32>,
      tpu.vector_store %arg6[%swap3A_200], %add3A_199 {strides = array<i32>} : memref<20016xi32, #tpu.memory_space<vmem>>, vector<16xi32>,
      %swap3A_202 = arith.index_cast %add3A_195 : i32 to index
      %swap3A_203 = tpu.vector_load %arg7[%swap3A_202] {strides = array<i32>} : memref<20016xf32, #tpu.memory_space<vmem>>, vector<16xf32>,
      tpu.vector_store %arg7[%swap3A_202], %mul3A_189 {strides = array<i32>} : memref<20016xf32, #tpu.memory_space<vmem>>, vector<16xf32>,
      %get3A_204 = arith.index_cast %scan3A_136 : i32 to index
      %get3A_205 = arith.constant 48 : index
      %get3A_206 = tpu.vector_load %arg9[%get3A_204, %get3A_205] {strides = array<i32>} : memref<50x80xi32, #tpu.memory_space<vmem>>, vector<16xi32>,
      %get3A_207 = arith.index_cast %scan3A_136 : i32 to index
      %get3A_208 = arith.constant 48 : index
      %get3A_209 = tpu.vector_load %arg10[%get3A_207, %get3A_208] {strides = array<i32>} : memref<50x80xi32, #tpu.memory_space<vmem>>, vector<16xi32>,
      %gather3A_210 = tpu.vector_load_idx %arg11[%get3A_206] : memref<10240xf32, #tpu.memory_space<vmem>>[vector<16xi32>], vector<16xf32>,
      %gather3A_211 = tpu.vector_load_idx %arg11[%get3A_209] : memref<10240xf32, #tpu.memory_space<vmem>>[vector<16xi32>], vector<16xf32>,
      %mul3A_212 = arith.mulf %gather3A_210, %gather3A_211 : vector<16xf32>
      %add3A_213 = arith.constant 150 : i32
      %add3A_214 = arith.addi %add3A_213, %scan3A_136 : i32
      %mul3A_215 = arith.constant 80 : i32
      %mul3A_216 = arith.muli %add3A_214, %mul3A_215 : i32
      %add3A_217 = arith.constant 48 : i32
      %add3A_218 = arith.addi %mul3A_216, %add3A_217 : i32
      %mul3A_219 = arith.constant 10240 : i32
      %mul3A_220 = vector.broadcast %mul3A_219 : i32 to vector<16xi32>
      %mul3A_221 = arith.muli %get3A_209, %mul3A_220 : vector<16xi32>
      %add3A_222 = arith.addi %mul3A_221, %get3A_206 : vector<16xi32>
      %swap3A_223 = arith.index_cast %add3A_218 : i32 to index
      %swap3A_224 = tpu.vector_load %arg6[%swap3A_223] {strides = array<i32>} : memref<20016xi32, #tpu.memory_space<vmem>>, vector<16xi32>,
      tpu.vector_store %arg6[%swap3A_223], %add3A_222 {strides = array<i32>} : memref<20016xi32, #tpu.memory_space<vmem>>, vector<16xi32>,
      %swap3A_225 = arith.index_cast %add3A_218 : i32 to index
      %swap3A_226 = tpu.vector_load %arg7[%swap3A_225] {strides = array<i32>} : memref<20016xf32, #tpu.memory_space<vmem>>, vector<16xf32>,
      tpu.vector_store %arg7[%swap3A_225], %mul3A_212 {strides = array<i32>} : memref<20016xf32, #tpu.memory_space<vmem>>, vector<16xf32>,
      %get3A_227 = arith.index_cast %scan3A_136 : i32 to index
      %get3A_228 = arith.constant 64 : index
      %get3A_229 = tpu.vector_load %arg9[%get3A_227, %get3A_228] {strides = array<i32>} : memref<50x80xi32, #tpu.memory_space<vmem>>, vector<16xi32>,
      %get3A_230 = arith.index_cast %scan3A_136 : i32 to index
      %get3A_231 = arith.constant 64 : index
      %get3A_232 = tpu.vector_load %arg10[%get3A_230, %get3A_231] {strides = array<i32>} : memref<50x80xi32, #tpu.memory_space<vmem>>, vector<16xi32>,
      %gather3A_233 = tpu.vector_load_idx %arg11[%get3A_229] : memref<10240xf32, #tpu.memory_space<vmem>>[vector<16xi32>], vector<16xf32>,
      %gather3A_234 = tpu.vector_load_idx %arg11[%get3A_232] : memref<10240xf32, #tpu.memory_space<vmem>>[vector<16xi32>], vector<16xf32>,
      %mul3A_235 = arith.mulf %gather3A_233, %gather3A_234 : vector<16xf32>
      %add3A_236 = arith.constant 150 : i32
      %add3A_237 = arith.addi %add3A_236, %scan3A_136 : i32
      %mul3A_238 = arith.constant 80 : i32
      %mul3A_239 = arith.muli %add3A_237, %mul3A_238 : i32
      %add3A_240 = arith.constant 64 : i32
      %add3A_241 = arith.addi %mul3A_239, %add3A_240 : i32
      %mul3A_242 = arith.constant 10240 : i32
      %mul3A_243 = vector.broadcast %mul3A_242 : i32 to vector<16xi32>
      %mul3A_244 = arith.muli %get3A_232, %mul3A_243 : vector<16xi32>
      %add3A_245 = arith.addi %mul3A_244, %get3A_229 : vector<16xi32>
      %swap3A_246 = arith.index_cast %add3A_241 : i32 to index
      %swap3A_247 = tpu.vector_load %arg6[%swap3A_246] {strides = array<i32>} : memref<20016xi32, #tpu.memory_space<vmem>>, vector<16xi32>,
      tpu.vector_store %arg6[%swap3A_246], %add3A_245 {strides = array<i32>} : memref<20016xi32, #tpu.memory_space<vmem>>, vector<16xi32>,
      %swap3A_248 = arith.index_cast %add3A_241 : i32 to index
      %swap3A_249 = tpu.vector_load %arg7[%swap3A_248] {strides = array<i32>} : memref<20016xf32, #tpu.memory_space<vmem>>, vector<16xf32>,
      tpu.vector_store %arg7[%swap3A_248], %mul3A_235 {strides = array<i32>} : memref<20016xf32, #tpu.memory_space<vmem>>, vector<16xf32>,
    }
    %scan3A_23 = arith.constant 50 : i32
    "tpu.region"() ({
      %run_scoped3A = tpu.sem_alloc : memref<!tpu.dma_semaphore, #tpu.memory_space<semaphore_mem>>
      %dma_start3A = arith.constant 200 : i32
      %dma_start3A_136 = arith.constant 0 : i32
      %dma_start3A_137 = tpu.memref_slice %arg2[%arg1, %dma_start3A, %dma_start3A_136] : memref<16x250x80xi32, #tpu.memory_space<hbm>> -> memref<1x50x80xi32, #tpu.memory_space<hbm>>
      %dma_start3A_138 = tpu.memref_squeeze %dma_start3A_137 : memref<1x50x80xi32, #tpu.memory_space<hbm>> -> memref<50x80xi32, #tpu.memory_space<hbm>>
      %dma_start3A_139 = arith.constant 200 : i32
      %dma_start3A_140 = arith.constant 0 : i32
      %dma_start3A_141 = tpu.memref_slice %arg2[%arg1, %dma_start3A_139, %dma_start3A_140] : memref<16x250x80xi32, #tpu.memory_space<hbm>> -> memref<1x50x80xi32, #tpu.memory_space<hbm>>
      %dma_start3A_142 = tpu.memref_squeeze %dma_start3A_141 : memref<1x50x80xi32, #tpu.memory_space<hbm>> -> memref<50x80xi32, #tpu.memory_space<hbm>>
      tpu.enqueue_dma source(%dma_start3A_142 : memref<50x80xi32, #tpu.memory_space<hbm>>) target(%arg9 : memref<50x80xi32, #tpu.memory_space<vmem>>) target_semaphore(%run_scoped3A : memref<!tpu.dma_semaphore, #tpu.memory_space<semaphore_mem>>)
      %dma_wait3A = arith.constant 200 : i32
      %dma_wait3A_143 = arith.constant 0 : i32
      %dma_wait3A_144 = tpu.memref_slice %arg2[%arg1, %dma_wait3A, %dma_wait3A_143] : memref<16x250x80xi32, #tpu.memory_space<hbm>> -> memref<1x50x80xi32, #tpu.memory_space<hbm>>
      %dma_wait3A_145 = tpu.memref_squeeze %dma_wait3A_144 : memref<1x50x80xi32, #tpu.memory_space<hbm>> -> memref<50x80xi32, #tpu.memory_space<hbm>>
      %dma_wait3A_146 = arith.constant 200 : i32
      %dma_wait3A_147 = arith.constant 0 : i32
      %dma_wait3A_148 = tpu.memref_slice %arg2[%arg1, %dma_wait3A_146, %dma_wait3A_147] : memref<16x250x80xi32, #tpu.memory_space<hbm>> -> memref<1x50x80xi32, #tpu.memory_space<hbm>>
      %dma_wait3A_149 = tpu.memref_squeeze %dma_wait3A_148 : memref<1x50x80xi32, #tpu.memory_space<hbm>> -> memref<50x80xi32, #tpu.memory_space<hbm>>
      tpu.wait_dma2 semaphore(%run_scoped3A : memref<!tpu.dma_semaphore, #tpu.memory_space<semaphore_mem>>) src(%dma_wait3A_149 : memref<50x80xi32, #tpu.memory_space<hbm>>) dst(%arg9 : memref<50x80xi32, #tpu.memory_space<vmem>>)
      tpu.yield
    }) : () -> ()
    "tpu.region"() ({
      %run_scoped3A = tpu.sem_alloc : memref<!tpu.dma_semaphore, #tpu.memory_space<semaphore_mem>>
      %dma_start3A = arith.constant 200 : i32
      %dma_start3A_136 = arith.constant 0 : i32
      %dma_start3A_137 = tpu.memref_slice %arg3[%arg1, %dma_start3A, %dma_start3A_136] : memref<16x250x80xi32, #tpu.memory_space<hbm>> -> memref<1x50x80xi32, #tpu.memory_space<hbm>>
      %dma_start3A_138 = tpu.memref_squeeze %dma_start3A_137 : memref<1x50x80xi32, #tpu.memory_space<hbm>> -> memref<50x80xi32, #tpu.memory_space<hbm>>
      %dma_start3A_139 = arith.constant 200 : i32
      %dma_start3A_140 = arith.constant 0 : i32
      %dma_start3A_141 = tpu.memref_slice %arg3[%arg1, %dma_start3A_139, %dma_start3A_140] : memref<16x250x80xi32, #tpu.memory_space<hbm>> -> memref<1x50x80xi32, #tpu.memory_space<hbm>>
      %dma_start3A_142 = tpu.memref_squeeze %dma_start3A_141 : memref<1x50x80xi32, #tpu.memory_space<hbm>> -> memref<50x80xi32, #tpu.memory_space<hbm>>
      tpu.enqueue_dma source(%dma_start3A_142 : memref<50x80xi32, #tpu.memory_space<hbm>>) target(%arg10 : memref<50x80xi32, #tpu.memory_space<vmem>>) target_semaphore(%run_scoped3A : memref<!tpu.dma_semaphore, #tpu.memory_space<semaphore_mem>>)
      %dma_wait3A = arith.constant 200 : i32
      %dma_wait3A_143 = arith.constant 0 : i32
      %dma_wait3A_144 = tpu.memref_slice %arg3[%arg1, %dma_wait3A, %dma_wait3A_143] : memref<16x250x80xi32, #tpu.memory_space<hbm>> -> memref<1x50x80xi32, #tpu.memory_space<hbm>>
      %dma_wait3A_145 = tpu.memref_squeeze %dma_wait3A_144 : memref<1x50x80xi32, #tpu.memory_space<hbm>> -> memref<50x80xi32, #tpu.memory_space<hbm>>
      %dma_wait3A_146 = arith.constant 200 : i32
      %dma_wait3A_147 = arith.constant 0 : i32
      %dma_wait3A_148 = tpu.memref_slice %arg3[%arg1, %dma_wait3A_146, %dma_wait3A_147] : memref<16x250x80xi32, #tpu.memory_space<hbm>> -> memref<1x50x80xi32, #tpu.memory_space<hbm>>
      %dma_wait3A_149 = tpu.memref_squeeze %dma_wait3A_148 : memref<1x50x80xi32, #tpu.memory_space<hbm>> -> memref<50x80xi32, #tpu.memory_space<hbm>>
      tpu.wait_dma2 semaphore(%run_scoped3A : memref<!tpu.dma_semaphore, #tpu.memory_space<semaphore_mem>>) src(%dma_wait3A_149 : memref<50x80xi32, #tpu.memory_space<hbm>>) dst(%arg10 : memref<50x80xi32, #tpu.memory_space<vmem>>)
      tpu.yield
    }) : () -> ()
    %scan3A_24 = arith.constant 0 : i32
    %scan3A_25 = arith.constant 0 : i32
    %scan3A_26 = arith.constant 50 : i32
    %scan3A_27 = arith.addi %scan3A_25, %scan3A_26 : i32
    %scan3A_28 = arith.constant 1 : i32
    scf.for %scan3A_136 = %scan3A_25 to %scan3A_27 step %scan3A_28  : i32 {
      %get3A = arith.index_cast %scan3A_136 : i32 to index
      %get3A_137 = arith.constant 0 : index
      %get3A_138 = tpu.vector_load %arg9[%get3A, %get3A_137] {strides = array<i32>} : memref<50x80xi32, #tpu.memory_space<vmem>>, vector<16xi32>,
      %get3A_139 = arith.index_cast %scan3A_136 : i32 to index
      %get3A_140 = arith.constant 0 : index
      %get3A_141 = tpu.vector_load %arg10[%get3A_139, %get3A_140] {strides = array<i32>} : memref<50x80xi32, #tpu.memory_space<vmem>>, vector<16xi32>,
      %gather3A = tpu.vector_load_idx %arg11[%get3A_138] : memref<10240xf32, #tpu.memory_space<vmem>>[vector<16xi32>], vector<16xf32>,
      %gather3A_142 = tpu.vector_load_idx %arg11[%get3A_141] : memref<10240xf32, #tpu.memory_space<vmem>>[vector<16xi32>], vector<16xf32>,
      %mul3A_143 = arith.mulf %gather3A, %gather3A_142 : vector<16xf32>
      %add3A_144 = arith.constant 200 : i32
      %add3A_145 = arith.addi %add3A_144, %scan3A_136 : i32
      %mul3A_146 = arith.constant 80 : i32
      %mul3A_147 = arith.muli %add3A_145, %mul3A_146 : i32
      %add3A_148 = arith.constant 0 : i32
      %add3A_149 = arith.addi %mul3A_147, %add3A_148 : i32
      %mul3A_150 = arith.constant 10240 : i32
      %mul3A_151 = vector.broadcast %mul3A_150 : i32 to vector<16xi32>
      %mul3A_152 = arith.muli %get3A_141, %mul3A_151 : vector<16xi32>
      %add3A_153 = arith.addi %mul3A_152, %get3A_138 : vector<16xi32>
      %swap3A_154 = arith.index_cast %add3A_149 : i32 to index
      %swap3A_155 = tpu.vector_load %arg6[%swap3A_154] {strides = array<i32>} : memref<20016xi32, #tpu.memory_space<vmem>>, vector<16xi32>,
      tpu.vector_store %arg6[%swap3A_154], %add3A_153 {strides = array<i32>} : memref<20016xi32, #tpu.memory_space<vmem>>, vector<16xi32>,
      %swap3A_156 = arith.index_cast %add3A_149 : i32 to index
      %swap3A_157 = tpu.vector_load %arg7[%swap3A_156] {strides = array<i32>} : memref<20016xf32, #tpu.memory_space<vmem>>, vector<16xf32>,
      tpu.vector_store %arg7[%swap3A_156], %mul3A_143 {strides = array<i32>} : memref<20016xf32, #tpu.memory_space<vmem>>, vector<16xf32>,
      %get3A_158 = arith.index_cast %scan3A_136 : i32 to index
      %get3A_159 = arith.constant 16 : index
      %get3A_160 = tpu.vector_load %arg9[%get3A_158, %get3A_159] {strides = array<i32>} : memref<50x80xi32, #tpu.memory_space<vmem>>, vector<16xi32>,
      %get3A_161 = arith.index_cast %scan3A_136 : i32 to index
      %get3A_162 = arith.constant 16 : index
      %get3A_163 = tpu.vector_load %arg10[%get3A_161, %get3A_162] {strides = array<i32>} : memref<50x80xi32, #tpu.memory_space<vmem>>, vector<16xi32>,
      %gather3A_164 = tpu.vector_load_idx %arg11[%get3A_160] : memref<10240xf32, #tpu.memory_space<vmem>>[vector<16xi32>], vector<16xf32>,
      %gather3A_165 = tpu.vector_load_idx %arg11[%get3A_163] : memref<10240xf32, #tpu.memory_space<vmem>>[vector<16xi32>], vector<16xf32>,
      %mul3A_166 = arith.mulf %gather3A_164, %gather3A_165 : vector<16xf32>
      %add3A_167 = arith.constant 200 : i32
      %add3A_168 = arith.addi %add3A_167, %scan3A_136 : i32
      %mul3A_169 = arith.constant 80 : i32
      %mul3A_170 = arith.muli %add3A_168, %mul3A_169 : i32
      %add3A_171 = arith.constant 16 : i32
      %add3A_172 = arith.addi %mul3A_170, %add3A_171 : i32
      %mul3A_173 = arith.constant 10240 : i32
      %mul3A_174 = vector.broadcast %mul3A_173 : i32 to vector<16xi32>
      %mul3A_175 = arith.muli %get3A_163, %mul3A_174 : vector<16xi32>
      %add3A_176 = arith.addi %mul3A_175, %get3A_160 : vector<16xi32>
      %swap3A_177 = arith.index_cast %add3A_172 : i32 to index
      %swap3A_178 = tpu.vector_load %arg6[%swap3A_177] {strides = array<i32>} : memref<20016xi32, #tpu.memory_space<vmem>>, vector<16xi32>,
      tpu.vector_store %arg6[%swap3A_177], %add3A_176 {strides = array<i32>} : memref<20016xi32, #tpu.memory_space<vmem>>, vector<16xi32>,
      %swap3A_179 = arith.index_cast %add3A_172 : i32 to index
      %swap3A_180 = tpu.vector_load %arg7[%swap3A_179] {strides = array<i32>} : memref<20016xf32, #tpu.memory_space<vmem>>, vector<16xf32>,
      tpu.vector_store %arg7[%swap3A_179], %mul3A_166 {strides = array<i32>} : memref<20016xf32, #tpu.memory_space<vmem>>, vector<16xf32>,
      %get3A_181 = arith.index_cast %scan3A_136 : i32 to index
      %get3A_182 = arith.constant 32 : index
      %get3A_183 = tpu.vector_load %arg9[%get3A_181, %get3A_182] {strides = array<i32>} : memref<50x80xi32, #tpu.memory_space<vmem>>, vector<16xi32>,
      %get3A_184 = arith.index_cast %scan3A_136 : i32 to index
      %get3A_185 = arith.constant 32 : index
      %get3A_186 = tpu.vector_load %arg10[%get3A_184, %get3A_185] {strides = array<i32>} : memref<50x80xi32, #tpu.memory_space<vmem>>, vector<16xi32>,
      %gather3A_187 = tpu.vector_load_idx %arg11[%get3A_183] : memref<10240xf32, #tpu.memory_space<vmem>>[vector<16xi32>], vector<16xf32>,
      %gather3A_188 = tpu.vector_load_idx %arg11[%get3A_186] : memref<10240xf32, #tpu.memory_space<vmem>>[vector<16xi32>], vector<16xf32>,
      %mul3A_189 = arith.mulf %gather3A_187, %gather3A_188 : vector<16xf32>
      %add3A_190 = arith.constant 200 : i32
      %add3A_191 = arith.addi %add3A_190, %scan3A_136 : i32
      %mul3A_192 = arith.constant 80 : i32
      %mul3A_193 = arith.muli %add3A_191, %mul3A_192 : i32
      %add3A_194 = arith.constant 32 : i32
      %add3A_195 = arith.addi %mul3A_193, %add3A_194 : i32
      %mul3A_196 = arith.constant 10240 : i32
      %mul3A_197 = vector.broadcast %mul3A_196 : i32 to vector<16xi32>
      %mul3A_198 = arith.muli %get3A_186, %mul3A_197 : vector<16xi32>
      %add3A_199 = arith.addi %mul3A_198, %get3A_183 : vector<16xi32>
      %swap3A_200 = arith.index_cast %add3A_195 : i32 to index
      %swap3A_201 = tpu.vector_load %arg6[%swap3A_200] {strides = array<i32>} : memref<20016xi32, #tpu.memory_space<vmem>>, vector<16xi32>,
      tpu.vector_store %arg6[%swap3A_200], %add3A_199 {strides = array<i32>} : memref<20016xi32, #tpu.memory_space<vmem>>, vector<16xi32>,
      %swap3A_202 = arith.index_cast %add3A_195 : i32 to index
      %swap3A_203 = tpu.vector_load %arg7[%swap3A_202] {strides = array<i32>} : memref<20016xf32, #tpu.memory_space<vmem>>, vector<16xf32>,
      tpu.vector_store %arg7[%swap3A_202], %mul3A_189 {strides = array<i32>} : memref<20016xf32, #tpu.memory_space<vmem>>, vector<16xf32>,
      %get3A_204 = arith.index_cast %scan3A_136 : i32 to index
      %get3A_205 = arith.constant 48 : index
      %get3A_206 = tpu.vector_load %arg9[%get3A_204, %get3A_205] {strides = array<i32>} : memref<50x80xi32, #tpu.memory_space<vmem>>, vector<16xi32>,
      %get3A_207 = arith.index_cast %scan3A_136 : i32 to index
      %get3A_208 = arith.constant 48 : index
      %get3A_209 = tpu.vector_load %arg10[%get3A_207, %get3A_208] {strides = array<i32>} : memref<50x80xi32, #tpu.memory_space<vmem>>, vector<16xi32>,
      %gather3A_210 = tpu.vector_load_idx %arg11[%get3A_206] : memref<10240xf32, #tpu.memory_space<vmem>>[vector<16xi32>], vector<16xf32>,
      %gather3A_211 = tpu.vector_load_idx %arg11[%get3A_209] : memref<10240xf32, #tpu.memory_space<vmem>>[vector<16xi32>], vector<16xf32>,
      %mul3A_212 = arith.mulf %gather3A_210, %gather3A_211 : vector<16xf32>
      %add3A_213 = arith.constant 200 : i32
      %add3A_214 = arith.addi %add3A_213, %scan3A_136 : i32
      %mul3A_215 = arith.constant 80 : i32
      %mul3A_216 = arith.muli %add3A_214, %mul3A_215 : i32
      %add3A_217 = arith.constant 48 : i32
      %add3A_218 = arith.addi %mul3A_216, %add3A_217 : i32
      %mul3A_219 = arith.constant 10240 : i32
      %mul3A_220 = vector.broadcast %mul3A_219 : i32 to vector<16xi32>
      %mul3A_221 = arith.muli %get3A_209, %mul3A_220 : vector<16xi32>
      %add3A_222 = arith.addi %mul3A_221, %get3A_206 : vector<16xi32>
      %swap3A_223 = arith.index_cast %add3A_218 : i32 to index
      %swap3A_224 = tpu.vector_load %arg6[%swap3A_223] {strides = array<i32>} : memref<20016xi32, #tpu.memory_space<vmem>>, vector<16xi32>,
      tpu.vector_store %arg6[%swap3A_223], %add3A_222 {strides = array<i32>} : memref<20016xi32, #tpu.memory_space<vmem>>, vector<16xi32>,
      %swap3A_225 = arith.index_cast %add3A_218 : i32 to index
      %swap3A_226 = tpu.vector_load %arg7[%swap3A_225] {strides = array<i32>} : memref<20016xf32, #tpu.memory_space<vmem>>, vector<16xf32>,
      tpu.vector_store %arg7[%swap3A_225], %mul3A_212 {strides = array<i32>} : memref<20016xf32, #tpu.memory_space<vmem>>, vector<16xf32>,
      %get3A_227 = arith.index_cast %scan3A_136 : i32 to index
      %get3A_228 = arith.constant 64 : index
      %get3A_229 = tpu.vector_load %arg9[%get3A_227, %get3A_228] {strides = array<i32>} : memref<50x80xi32, #tpu.memory_space<vmem>>, vector<16xi32>,
      %get3A_230 = arith.index_cast %scan3A_136 : i32 to index
      %get3A_231 = arith.constant 64 : index
      %get3A_232 = tpu.vector_load %arg10[%get3A_230, %get3A_231] {strides = array<i32>} : memref<50x80xi32, #tpu.memory_space<vmem>>, vector<16xi32>,
      %gather3A_233 = tpu.vector_load_idx %arg11[%get3A_229] : memref<10240xf32, #tpu.memory_space<vmem>>[vector<16xi32>], vector<16xf32>,
      %gather3A_234 = tpu.vector_load_idx %arg11[%get3A_232] : memref<10240xf32, #tpu.memory_space<vmem>>[vector<16xi32>], vector<16xf32>,
      %mul3A_235 = arith.mulf %gather3A_233, %gather3A_234 : vector<16xf32>
      %add3A_236 = arith.constant 200 : i32
      %add3A_237 = arith.addi %add3A_236, %scan3A_136 : i32
      %mul3A_238 = arith.constant 80 : i32
      %mul3A_239 = arith.muli %add3A_237, %mul3A_238 : i32
      %add3A_240 = arith.constant 64 : i32
      %add3A_241 = arith.addi %mul3A_239, %add3A_240 : i32
      %mul3A_242 = arith.constant 10240 : i32
      %mul3A_243 = vector.broadcast %mul3A_242 : i32 to vector<16xi32>
      %mul3A_244 = arith.muli %get3A_232, %mul3A_243 : vector<16xi32>
      %add3A_245 = arith.addi %mul3A_244, %get3A_229 : vector<16xi32>
      %swap3A_246 = arith.index_cast %add3A_241 : i32 to index
      %swap3A_247 = tpu.vector_load %arg6[%swap3A_246] {strides = array<i32>} : memref<20016xi32, #tpu.memory_space<vmem>>, vector<16xi32>,
      tpu.vector_store %arg6[%swap3A_246], %add3A_245 {strides = array<i32>} : memref<20016xi32, #tpu.memory_space<vmem>>, vector<16xi32>,
      %swap3A_248 = arith.index_cast %add3A_241 : i32 to index
      %swap3A_249 = tpu.vector_load %arg7[%swap3A_248] {strides = array<i32>} : memref<20016xf32, #tpu.memory_space<vmem>>, vector<16xf32>,
      tpu.vector_store %arg7[%swap3A_248], %mul3A_235 {strides = array<i32>} : memref<20016xf32, #tpu.memory_space<vmem>>, vector<16xf32>,
    }
    %scan3A_29 = arith.constant 50 : i32
    %mul3A_30 = arith.constant 5120 : i32
    %mul3A_31 = arith.muli %arg0, %mul3A_30 : i32
    %mul3A_32 = arith.constant 10240 : i32
    %mul3A_33 = arith.muli %mul3A_31, %mul3A_32 : i32
    %add3A_34 = arith.constant 52428800 : i32
    %add3A_35 = arith.addi %mul3A_33, %add3A_34 : i32
    %scan3A_36 = arith.constant 0 : i32
    %scan3A_37 = arith.constant 0 : i32
    %scan3A_38 = arith.constant 1250 : i32
    %scan3A_39 = arith.addi %scan3A_37, %scan3A_38 : i32
    %scan3A_40 = arith.constant 1 : i32
    %scan3A_41 = scf.for %scan3A_136 = %scan3A_37 to %scan3A_39 step %scan3A_40 iter_args(%scan3A_137 = %scan3A_36) -> (i32)  : i32 {
      %mul3A_138 = arith.constant 16 : i32
      %mul3A_139 = arith.muli %scan3A_136, %mul3A_138 : i32
      %get3A = arith.index_cast %mul3A_139 : i32 to index
      %get3A_140 = tpu.vector_load %arg6[%get3A] {strides = array<i32>} : memref<20016xi32, #tpu.memory_space<vmem>>, vector<16xi32>,
      %mul3A_141 = arith.constant 16 : i32
      %mul3A_142 = arith.muli %scan3A_136, %mul3A_141 : i32
      %get3A_143 = arith.index_cast %mul3A_142 : i32 to index
      %get3A_144 = tpu.vector_load %arg7[%get3A_143] {strides = array<i32>} : memref<20016xf32, #tpu.memory_space<vmem>>, vector<16xf32>,
      %ge3A = vector.broadcast %mul3A_33 : i32 to vector<16xi32>
      %ge3A_145 = arith.cmpi sge, %get3A_140, %ge3A : vector<16xi32>
      %lt3A = vector.broadcast %add3A_35 : i32 to vector<16xi32>
      %lt3A_146 = arith.cmpi slt, %get3A_140, %lt3A : vector<16xi32>
      %and3A = arith.andi %ge3A_145, %lt3A_146 : vector<16xi1>
      %swap3A_147 = arith.index_cast %scan3A_137 : i32 to index
      %swap3A_148 = tpu.vector_load %arg6[%swap3A_147] masked %and3A {strides = array<i32>} : memref<20016xi32, #tpu.memory_space<vmem>>, vector<16xi32>, vector<16xi1>
      tpu.vector_store %arg6[%swap3A_147], %get3A_140 masked %and3A {strides = array<i32>} : memref<20016xi32, #tpu.memory_space<vmem>>, vector<16xi32>, vector<16xi1>
      %swap3A_149 = arith.index_cast %scan3A_137 : i32 to index
      %swap3A_150 = tpu.vector_load %arg7[%swap3A_149] masked %and3A {strides = array<i32>} : memref<20016xf32, #tpu.memory_space<vmem>>, vector<16xf32>, vector<16xi1>
      tpu.vector_store %arg7[%swap3A_149], %get3A_144 masked %and3A {strides = array<i32>} : memref<20016xf32, #tpu.memory_space<vmem>>, vector<16xf32>, vector<16xi1>
      %all_reduce_population_count3A = tpu.all_reduce %and3A {dim = 0 : i64, kind = #tpu.reduction_kind<sum>} : vector<16xi1> -> vector<16xi32>
      %reduce_max3A = arith.constant true
      %reduce_max3A_151 = vector.broadcast %reduce_max3A : i1 to vector<16xi1>
      %reduce_max3A_152 = arith.constant -2147483648 : i32
      %reduce_max3A_153 = vector.broadcast %reduce_max3A_152 : i32 to vector<16xi32>
      %reduce_max3A_154 = arith.xori %all_reduce_population_count3A, %reduce_max3A_153 : vector<16xi32>
      %reduce_max3A_155 = tpu.scan <max>, %reduce_max3A_154 masked %reduce_max3A_151 : vector<16xi32>, vector<16xi1> -> vector<16xi32>
      %reduce_max3A_156 = arith.xori %reduce_max3A_155, %reduce_max3A_153 : vector<16xi32>
      %reduce_max3A_157 = vector.extract %reduce_max3A_156[15] : i32 from vector<16xi32>
      %add3A_158 = arith.addi %scan3A_137, %reduce_max3A_157 : i32
      scf.yield %add3A_158 : i32
    }
    %scan3A_42 = arith.constant 1250 : i32
    %broadcast_in_dim3A = arith.constant -1 : i32
    %broadcast_in_dim3A_43 = vector.broadcast %broadcast_in_dim3A : i32 to vector<16xi32>
    %swap3A = arith.index_cast %scan3A_41 : i32 to index
    %swap3A_44 = tpu.vector_load %arg6[%swap3A] {strides = array<i32>} : memref<20016xi32, #tpu.memory_space<vmem>>, vector<16xi32>,
    tpu.vector_store %arg6[%swap3A], %broadcast_in_dim3A_43 {strides = array<i32>} : memref<20016xi32, #tpu.memory_space<vmem>>, vector<16xi32>,
    %add3A_45 = arith.constant 15 : i32
    %add3A_46 = arith.addi %scan3A_41, %add3A_45 : i32
    %div3A = arith.constant 16 : i32
    %div3A_47 = arith.divsi %add3A_46, %div3A : i32
    %while3A = arith.constant 0 : i32
    %while3A_48 = arith.constant 0 : i32
    %while3A_49 = arith.constant 0 : i32
    %while3A_50 = arith.constant 0 : i32
    %while3A_51 = arith.constant 0 : i32
    %while3A_52 = arith.constant 0 : i32
    %while3A_53 = arith.constant 0 : i32
    %while3A_54 = arith.constant 0 : i32
    %while3A_55 = arith.constant 0 : i32
    %while3A_56 = arith.constant 0 : i32
    %while3A_57 = arith.constant 0 : i32
    %while3A_58 = arith.subi %div3A_47, %while3A : i32
    %while3A_59 = arith.addi %while3A, %while3A_58 : i32
    %while3A_60 = arith.constant 1 : i32
    %while3A_61 = arith.divsi %while3A_58, %while3A_60 : i32
    %while3A_62 = arith.muli %while3A_61, %while3A_60 : i32
    %while3A_63 = arith.addi %while3A, %while3A_62 : i32
    %while3A_64 = arith.constant 1 : i32
    %while3A_65:10 = scf.for %while3A_136 = %while3A to %while3A_63 step %while3A_64 iter_args(%while3A_137 = %while3A_48, %while3A_138 = %while3A_49, %while3A_139 = %while3A_50, %while3A_140 = %while3A_51, %while3A_141 = %while3A_52, %while3A_142 = %while3A_53, %while3A_143 = %while3A_54, %while3A_144 = %while3A_55, %while3A_145 = %while3A_56, %while3A_146 = %while3A_57) -> (i32, i32, i32, i32, i32, i32, i32, i32, i32, i32)  : i32 {
      %mul3A_147 = arith.constant 16 : i32
      %mul3A_148 = arith.muli %while3A_136, %mul3A_147 : i32
      %get3A = arith.index_cast %mul3A_148 : i32 to index
      %get3A_149 = tpu.vector_load %arg6[%get3A] {strides = array<i32>} : memref<20016xi32, #tpu.memory_space<vmem>>, vector<16xi32>,
      %mul3A_150 = arith.constant 16 : i32
      %mul3A_151 = arith.muli %while3A_136, %mul3A_150 : i32
      %add3A_152 = vector.broadcast %mul3A_151 : i32 to vector<16xi32>
      %add3A_153 = arith.addi %iota3A, %add3A_152 : vector<16xi32>
      %add3A_154 = arith.constant 0 : i32
      %add3A_155 = arith.addi %mul3A_33, %add3A_154 : i32
      %ge3A = vector.broadcast %add3A_155 : i32 to vector<16xi32>
      %ge3A_156 = arith.cmpi sge, %get3A_149, %ge3A : vector<16xi32>
      %add3A_157 = arith.constant 5242880 : i32
      %add3A_158 = arith.addi %mul3A_33, %add3A_157 : i32
      %lt3A = vector.broadcast %add3A_158 : i32 to vector<16xi32>
      %lt3A_159 = arith.cmpi slt, %get3A_149, %lt3A : vector<16xi32>
      %and3A = arith.andi %ge3A_156, %lt3A_159 : vector<16xi1>
      %swap3A_160 = arith.constant 0 : i32
      %swap3A_161 = arith.index_cast %swap3A_160 : i32 to index
      %swap3A_162 = arith.index_cast %while3A_137 : i32 to index
      %swap3A_163 = tpu.vector_load %arg8[%swap3A_161, %swap3A_162] masked %and3A {strides = array<i32>} : memref<10x1536xi32, #tpu.memory_space<vmem>>, vector<16xi32>, vector<16xi1>
      tpu.vector_store %arg8[%swap3A_161, %swap3A_162], %add3A_153 masked %and3A {strides = array<i32>} : memref<10x1536xi32, #tpu.memory_space<vmem>>, vector<16xi32>, vector<16xi1>
      %all_reduce_population_count3A = tpu.all_reduce %and3A {dim = 0 : i64, kind = #tpu.reduction_kind<sum>} : vector<16xi1> -> vector<16xi32>
      %reduce_max3A = arith.constant true
      %reduce_max3A_164 = vector.broadcast %reduce_max3A : i1 to vector<16xi1>
      %reduce_max3A_165 = arith.constant -2147483648 : i32
      %reduce_max3A_166 = vector.broadcast %reduce_max3A_165 : i32 to vector<16xi32>
      %reduce_max3A_167 = arith.xori %all_reduce_population_count3A, %reduce_max3A_166 : vector<16xi32>
      %reduce_max3A_168 = tpu.scan <max>, %reduce_max3A_167 masked %reduce_max3A_164 : vector<16xi32>, vector<16xi1> -> vector<16xi32>
      %reduce_max3A_169 = arith.xori %reduce_max3A_168, %reduce_max3A_166 : vector<16xi32>
      %reduce_max3A_170 = vector.extract %reduce_max3A_169[15] : i32 from vector<16xi32>
      %add3A_171 = arith.addi %while3A_137, %reduce_max3A_170 : i32
      %min3A = arith.constant 1520 : i32
      %min3A_172 = arith.minsi %add3A_171, %min3A : i32
      %add3A_173 = arith.constant 5242880 : i32
      %add3A_174 = arith.addi %mul3A_33, %add3A_173 : i32
      %ge3A_175 = vector.broadcast %add3A_174 : i32 to vector<16xi32>
      %ge3A_176 = arith.cmpi sge, %get3A_149, %ge3A_175 : vector<16xi32>
      %add3A_177 = arith.constant 10485760 : i32
      %add3A_178 = arith.addi %mul3A_33, %add3A_177 : i32
      %lt3A_179 = vector.broadcast %add3A_178 : i32 to vector<16xi32>
      %lt3A_180 = arith.cmpi slt, %get3A_149, %lt3A_179 : vector<16xi32>
      %and3A_181 = arith.andi %ge3A_176, %lt3A_180 : vector<16xi1>
      %swap3A_182 = arith.constant 1 : i32
      %swap3A_183 = arith.index_cast %swap3A_182 : i32 to index
      %swap3A_184 = arith.index_cast %while3A_138 : i32 to index
      %swap3A_185 = tpu.vector_load %arg8[%swap3A_183, %swap3A_184] masked %and3A_181 {strides = array<i32>} : memref<10x1536xi32, #tpu.memory_space<vmem>>, vector<16xi32>, vector<16xi1>
      tpu.vector_store %arg8[%swap3A_183, %swap3A_184], %add3A_153 masked %and3A_181 {strides = array<i32>} : memref<10x1536xi32, #tpu.memory_space<vmem>>, vector<16xi32>, vector<16xi1>
      %all_reduce_population_count3A_186 = tpu.all_reduce %and3A_181 {dim = 0 : i64, kind = #tpu.reduction_kind<sum>} : vector<16xi1> -> vector<16xi32>
      %reduce_max3A_187 = arith.constant true
      %reduce_max3A_188 = vector.broadcast %reduce_max3A_187 : i1 to vector<16xi1>
      %reduce_max3A_189 = arith.constant -2147483648 : i32
      %reduce_max3A_190 = vector.broadcast %reduce_max3A_189 : i32 to vector<16xi32>
      %reduce_max3A_191 = arith.xori %all_reduce_population_count3A_186, %reduce_max3A_190 : vector<16xi32>
      %reduce_max3A_192 = tpu.scan <max>, %reduce_max3A_191 masked %reduce_max3A_188 : vector<16xi32>, vector<16xi1> -> vector<16xi32>
      %reduce_max3A_193 = arith.xori %reduce_max3A_192, %reduce_max3A_190 : vector<16xi32>
      %reduce_max3A_194 = vector.extract %reduce_max3A_193[15] : i32 from vector<16xi32>
      %add3A_195 = arith.addi %while3A_138, %reduce_max3A_194 : i32
      %min3A_196 = arith.constant 1520 : i32
      %min3A_197 = arith.minsi %add3A_195, %min3A_196 : i32
      %add3A_198 = arith.constant 10485760 : i32
      %add3A_199 = arith.addi %mul3A_33, %add3A_198 : i32
      %ge3A_200 = vector.broadcast %add3A_199 : i32 to vector<16xi32>
      %ge3A_201 = arith.cmpi sge, %get3A_149, %ge3A_200 : vector<16xi32>
      %add3A_202 = arith.constant 15728640 : i32
      %add3A_203 = arith.addi %mul3A_33, %add3A_202 : i32
      %lt3A_204 = vector.broadcast %add3A_203 : i32 to vector<16xi32>
      %lt3A_205 = arith.cmpi slt, %get3A_149, %lt3A_204 : vector<16xi32>
      %and3A_206 = arith.andi %ge3A_201, %lt3A_205 : vector<16xi1>
      %swap3A_207 = arith.constant 2 : i32
      %swap3A_208 = arith.index_cast %swap3A_207 : i32 to index
      %swap3A_209 = arith.index_cast %while3A_139 : i32 to index
      %swap3A_210 = tpu.vector_load %arg8[%swap3A_208, %swap3A_209] masked %and3A_206 {strides = array<i32>} : memref<10x1536xi32, #tpu.memory_space<vmem>>, vector<16xi32>, vector<16xi1>
      tpu.vector_store %arg8[%swap3A_208, %swap3A_209], %add3A_153 masked %and3A_206 {strides = array<i32>} : memref<10x1536xi32, #tpu.memory_space<vmem>>, vector<16xi32>, vector<16xi1>
      %all_reduce_population_count3A_211 = tpu.all_reduce %and3A_206 {dim = 0 : i64, kind = #tpu.reduction_kind<sum>} : vector<16xi1> -> vector<16xi32>
      %reduce_max3A_212 = arith.constant true
      %reduce_max3A_213 = vector.broadcast %reduce_max3A_212 : i1 to vector<16xi1>
      %reduce_max3A_214 = arith.constant -2147483648 : i32
      %reduce_max3A_215 = vector.broadcast %reduce_max3A_214 : i32 to vector<16xi32>
      %reduce_max3A_216 = arith.xori %all_reduce_population_count3A_211, %reduce_max3A_215 : vector<16xi32>
      %reduce_max3A_217 = tpu.scan <max>, %reduce_max3A_216 masked %reduce_max3A_213 : vector<16xi32>, vector<16xi1> -> vector<16xi32>
      %reduce_max3A_218 = arith.xori %reduce_max3A_217, %reduce_max3A_215 : vector<16xi32>
      %reduce_max3A_219 = vector.extract %reduce_max3A_218[15] : i32 from vector<16xi32>
      %add3A_220 = arith.addi %while3A_139, %reduce_max3A_219 : i32
      %min3A_221 = arith.constant 1520 : i32
      %min3A_222 = arith.minsi %add3A_220, %min3A_221 : i32
      %add3A_223 = arith.constant 15728640 : i32
      %add3A_224 = arith.addi %mul3A_33, %add3A_223 : i32
      %ge3A_225 = vector.broadcast %add3A_224 : i32 to vector<16xi32>
      %ge3A_226 = arith.cmpi sge, %get3A_149, %ge3A_225 : vector<16xi32>
      %add3A_227 = arith.constant 20971520 : i32
      %add3A_228 = arith.addi %mul3A_33, %add3A_227 : i32
      %lt3A_229 = vector.broadcast %add3A_228 : i32 to vector<16xi32>
      %lt3A_230 = arith.cmpi slt, %get3A_149, %lt3A_229 : vector<16xi32>
      %and3A_231 = arith.andi %ge3A_226, %lt3A_230 : vector<16xi1>
      %swap3A_232 = arith.constant 3 : i32
      %swap3A_233 = arith.index_cast %swap3A_232 : i32 to index
      %swap3A_234 = arith.index_cast %while3A_140 : i32 to index
      %swap3A_235 = tpu.vector_load %arg8[%swap3A_233, %swap3A_234] masked %and3A_231 {strides = array<i32>} : memref<10x1536xi32, #tpu.memory_space<vmem>>, vector<16xi32>, vector<16xi1>
      tpu.vector_store %arg8[%swap3A_233, %swap3A_234], %add3A_153 masked %and3A_231 {strides = array<i32>} : memref<10x1536xi32, #tpu.memory_space<vmem>>, vector<16xi32>, vector<16xi1>
      %all_reduce_population_count3A_236 = tpu.all_reduce %and3A_231 {dim = 0 : i64, kind = #tpu.reduction_kind<sum>} : vector<16xi1> -> vector<16xi32>
      %reduce_max3A_237 = arith.constant true
      %reduce_max3A_238 = vector.broadcast %reduce_max3A_237 : i1 to vector<16xi1>
      %reduce_max3A_239 = arith.constant -2147483648 : i32
      %reduce_max3A_240 = vector.broadcast %reduce_max3A_239 : i32 to vector<16xi32>
      %reduce_max3A_241 = arith.xori %all_reduce_population_count3A_236, %reduce_max3A_240 : vector<16xi32>
      %reduce_max3A_242 = tpu.scan <max>, %reduce_max3A_241 masked %reduce_max3A_238 : vector<16xi32>, vector<16xi1> -> vector<16xi32>
      %reduce_max3A_243 = arith.xori %reduce_max3A_242, %reduce_max3A_240 : vector<16xi32>
      %reduce_max3A_244 = vector.extract %reduce_max3A_243[15] : i32 from vector<16xi32>
      %add3A_245 = arith.addi %while3A_140, %reduce_max3A_244 : i32
      %min3A_246 = arith.constant 1520 : i32
      %min3A_247 = arith.minsi %add3A_245, %min3A_246 : i32
      %add3A_248 = arith.constant 20971520 : i32
      %add3A_249 = arith.addi %mul3A_33, %add3A_248 : i32
      %ge3A_250 = vector.broadcast %add3A_249 : i32 to vector<16xi32>
      %ge3A_251 = arith.cmpi sge, %get3A_149, %ge3A_250 : vector<16xi32>
      %add3A_252 = arith.constant 26214400 : i32
      %add3A_253 = arith.addi %mul3A_33, %add3A_252 : i32
      %lt3A_254 = vector.broadcast %add3A_253 : i32 to vector<16xi32>
      %lt3A_255 = arith.cmpi slt, %get3A_149, %lt3A_254 : vector<16xi32>
      %and3A_256 = arith.andi %ge3A_251, %lt3A_255 : vector<16xi1>
      %swap3A_257 = arith.constant 4 : i32
      %swap3A_258 = arith.index_cast %swap3A_257 : i32 to index
      %swap3A_259 = arith.index_cast %while3A_141 : i32 to index
      %swap3A_260 = tpu.vector_load %arg8[%swap3A_258, %swap3A_259] masked %and3A_256 {strides = array<i32>} : memref<10x1536xi32, #tpu.memory_space<vmem>>, vector<16xi32>, vector<16xi1>
      tpu.vector_store %arg8[%swap3A_258, %swap3A_259], %add3A_153 masked %and3A_256 {strides = array<i32>} : memref<10x1536xi32, #tpu.memory_space<vmem>>, vector<16xi32>, vector<16xi1>
      %all_reduce_population_count3A_261 = tpu.all_reduce %and3A_256 {dim = 0 : i64, kind = #tpu.reduction_kind<sum>} : vector<16xi1> -> vector<16xi32>
      %reduce_max3A_262 = arith.constant true
      %reduce_max3A_263 = vector.broadcast %reduce_max3A_262 : i1 to vector<16xi1>
      %reduce_max3A_264 = arith.constant -2147483648 : i32
      %reduce_max3A_265 = vector.broadcast %reduce_max3A_264 : i32 to vector<16xi32>
      %reduce_max3A_266 = arith.xori %all_reduce_population_count3A_261, %reduce_max3A_265 : vector<16xi32>
      %reduce_max3A_267 = tpu.scan <max>, %reduce_max3A_266 masked %reduce_max3A_263 : vector<16xi32>, vector<16xi1> -> vector<16xi32>
      %reduce_max3A_268 = arith.xori %reduce_max3A_267, %reduce_max3A_265 : vector<16xi32>
      %reduce_max3A_269 = vector.extract %reduce_max3A_268[15] : i32 from vector<16xi32>
      %add3A_270 = arith.addi %while3A_141, %reduce_max3A_269 : i32
      %min3A_271 = arith.constant 1520 : i32
      %min3A_272 = arith.minsi %add3A_270, %min3A_271 : i32
      %add3A_273 = arith.constant 26214400 : i32
      %add3A_274 = arith.addi %mul3A_33, %add3A_273 : i32
      %ge3A_275 = vector.broadcast %add3A_274 : i32 to vector<16xi32>
      %ge3A_276 = arith.cmpi sge, %get3A_149, %ge3A_275 : vector<16xi32>
      %add3A_277 = arith.constant 31457280 : i32
      %add3A_278 = arith.addi %mul3A_33, %add3A_277 : i32
      %lt3A_279 = vector.broadcast %add3A_278 : i32 to vector<16xi32>
      %lt3A_280 = arith.cmpi slt, %get3A_149, %lt3A_279 : vector<16xi32>
      %and3A_281 = arith.andi %ge3A_276, %lt3A_280 : vector<16xi1>
      %swap3A_282 = arith.constant 5 : i32
      %swap3A_283 = arith.index_cast %swap3A_282 : i32 to index
      %swap3A_284 = arith.index_cast %while3A_142 : i32 to index
      %swap3A_285 = tpu.vector_load %arg8[%swap3A_283, %swap3A_284] masked %and3A_281 {strides = array<i32>} : memref<10x1536xi32, #tpu.memory_space<vmem>>, vector<16xi32>, vector<16xi1>
      tpu.vector_store %arg8[%swap3A_283, %swap3A_284], %add3A_153 masked %and3A_281 {strides = array<i32>} : memref<10x1536xi32, #tpu.memory_space<vmem>>, vector<16xi32>, vector<16xi1>
      %all_reduce_population_count3A_286 = tpu.all_reduce %and3A_281 {dim = 0 : i64, kind = #tpu.reduction_kind<sum>} : vector<16xi1> -> vector<16xi32>
      %reduce_max3A_287 = arith.constant true
      %reduce_max3A_288 = vector.broadcast %reduce_max3A_287 : i1 to vector<16xi1>
      %reduce_max3A_289 = arith.constant -2147483648 : i32
      %reduce_max3A_290 = vector.broadcast %reduce_max3A_289 : i32 to vector<16xi32>
      %reduce_max3A_291 = arith.xori %all_reduce_population_count3A_286, %reduce_max3A_290 : vector<16xi32>
      %reduce_max3A_292 = tpu.scan <max>, %reduce_max3A_291 masked %reduce_max3A_288 : vector<16xi32>, vector<16xi1> -> vector<16xi32>
      %reduce_max3A_293 = arith.xori %reduce_max3A_292, %reduce_max3A_290 : vector<16xi32>
      %reduce_max3A_294 = vector.extract %reduce_max3A_293[15] : i32 from vector<16xi32>
      %add3A_295 = arith.addi %while3A_142, %reduce_max3A_294 : i32
      %min3A_296 = arith.constant 1520 : i32
      %min3A_297 = arith.minsi %add3A_295, %min3A_296 : i32
      %add3A_298 = arith.constant 31457280 : i32
      %add3A_299 = arith.addi %mul3A_33, %add3A_298 : i32
      %ge3A_300 = vector.broadcast %add3A_299 : i32 to vector<16xi32>
      %ge3A_301 = arith.cmpi sge, %get3A_149, %ge3A_300 : vector<16xi32>
      %add3A_302 = arith.constant 36700160 : i32
      %add3A_303 = arith.addi %mul3A_33, %add3A_302 : i32
      %lt3A_304 = vector.broadcast %add3A_303 : i32 to vector<16xi32>
      %lt3A_305 = arith.cmpi slt, %get3A_149, %lt3A_304 : vector<16xi32>
      %and3A_306 = arith.andi %ge3A_301, %lt3A_305 : vector<16xi1>
      %swap3A_307 = arith.constant 6 : i32
      %swap3A_308 = arith.index_cast %swap3A_307 : i32 to index
      %swap3A_309 = arith.index_cast %while3A_143 : i32 to index
      %swap3A_310 = tpu.vector_load %arg8[%swap3A_308, %swap3A_309] masked %and3A_306 {strides = array<i32>} : memref<10x1536xi32, #tpu.memory_space<vmem>>, vector<16xi32>, vector<16xi1>
      tpu.vector_store %arg8[%swap3A_308, %swap3A_309], %add3A_153 masked %and3A_306 {strides = array<i32>} : memref<10x1536xi32, #tpu.memory_space<vmem>>, vector<16xi32>, vector<16xi1>
      %all_reduce_population_count3A_311 = tpu.all_reduce %and3A_306 {dim = 0 : i64, kind = #tpu.reduction_kind<sum>} : vector<16xi1> -> vector<16xi32>
      %reduce_max3A_312 = arith.constant true
      %reduce_max3A_313 = vector.broadcast %reduce_max3A_312 : i1 to vector<16xi1>
      %reduce_max3A_314 = arith.constant -2147483648 : i32
      %reduce_max3A_315 = vector.broadcast %reduce_max3A_314 : i32 to vector<16xi32>
      %reduce_max3A_316 = arith.xori %all_reduce_population_count3A_311, %reduce_max3A_315 : vector<16xi32>
      %reduce_max3A_317 = tpu.scan <max>, %reduce_max3A_316 masked %reduce_max3A_313 : vector<16xi32>, vector<16xi1> -> vector<16xi32>
      %reduce_max3A_318 = arith.xori %reduce_max3A_317, %reduce_max3A_315 : vector<16xi32>
      %reduce_max3A_319 = vector.extract %reduce_max3A_318[15] : i32 from vector<16xi32>
      %add3A_320 = arith.addi %while3A_143, %reduce_max3A_319 : i32
      %min3A_321 = arith.constant 1520 : i32
      %min3A_322 = arith.minsi %add3A_320, %min3A_321 : i32
      %add3A_323 = arith.constant 36700160 : i32
      %add3A_324 = arith.addi %mul3A_33, %add3A_323 : i32
      %ge3A_325 = vector.broadcast %add3A_324 : i32 to vector<16xi32>
      %ge3A_326 = arith.cmpi sge, %get3A_149, %ge3A_325 : vector<16xi32>
      %add3A_327 = arith.constant 41943040 : i32
      %add3A_328 = arith.addi %mul3A_33, %add3A_327 : i32
      %lt3A_329 = vector.broadcast %add3A_328 : i32 to vector<16xi32>
      %lt3A_330 = arith.cmpi slt, %get3A_149, %lt3A_329 : vector<16xi32>
      %and3A_331 = arith.andi %ge3A_326, %lt3A_330 : vector<16xi1>
      %swap3A_332 = arith.constant 7 : i32
      %swap3A_333 = arith.index_cast %swap3A_332 : i32 to index
      %swap3A_334 = arith.index_cast %while3A_144 : i32 to index
      %swap3A_335 = tpu.vector_load %arg8[%swap3A_333, %swap3A_334] masked %and3A_331 {strides = array<i32>} : memref<10x1536xi32, #tpu.memory_space<vmem>>, vector<16xi32>, vector<16xi1>
      tpu.vector_store %arg8[%swap3A_333, %swap3A_334], %add3A_153 masked %and3A_331 {strides = array<i32>} : memref<10x1536xi32, #tpu.memory_space<vmem>>, vector<16xi32>, vector<16xi1>
      %all_reduce_population_count3A_336 = tpu.all_reduce %and3A_331 {dim = 0 : i64, kind = #tpu.reduction_kind<sum>} : vector<16xi1> -> vector<16xi32>
      %reduce_max3A_337 = arith.constant true
      %reduce_max3A_338 = vector.broadcast %reduce_max3A_337 : i1 to vector<16xi1>
      %reduce_max3A_339 = arith.constant -2147483648 : i32
      %reduce_max3A_340 = vector.broadcast %reduce_max3A_339 : i32 to vector<16xi32>
      %reduce_max3A_341 = arith.xori %all_reduce_population_count3A_336, %reduce_max3A_340 : vector<16xi32>
      %reduce_max3A_342 = tpu.scan <max>, %reduce_max3A_341 masked %reduce_max3A_338 : vector<16xi32>, vector<16xi1> -> vector<16xi32>
      %reduce_max3A_343 = arith.xori %reduce_max3A_342, %reduce_max3A_340 : vector<16xi32>
      %reduce_max3A_344 = vector.extract %reduce_max3A_343[15] : i32 from vector<16xi32>
      %add3A_345 = arith.addi %while3A_144, %reduce_max3A_344 : i32
      %min3A_346 = arith.constant 1520 : i32
      %min3A_347 = arith.minsi %add3A_345, %min3A_346 : i32
      %add3A_348 = arith.constant 41943040 : i32
      %add3A_349 = arith.addi %mul3A_33, %add3A_348 : i32
      %ge3A_350 = vector.broadcast %add3A_349 : i32 to vector<16xi32>
      %ge3A_351 = arith.cmpi sge, %get3A_149, %ge3A_350 : vector<16xi32>
      %add3A_352 = arith.constant 47185920 : i32
      %add3A_353 = arith.addi %mul3A_33, %add3A_352 : i32
      %lt3A_354 = vector.broadcast %add3A_353 : i32 to vector<16xi32>
      %lt3A_355 = arith.cmpi slt, %get3A_149, %lt3A_354 : vector<16xi32>
      %and3A_356 = arith.andi %ge3A_351, %lt3A_355 : vector<16xi1>
      %swap3A_357 = arith.constant 8 : i32
      %swap3A_358 = arith.index_cast %swap3A_357 : i32 to index
      %swap3A_359 = arith.index_cast %while3A_145 : i32 to index
      %swap3A_360 = tpu.vector_load %arg8[%swap3A_358, %swap3A_359] masked %and3A_356 {strides = array<i32>} : memref<10x1536xi32, #tpu.memory_space<vmem>>, vector<16xi32>, vector<16xi1>
      tpu.vector_store %arg8[%swap3A_358, %swap3A_359], %add3A_153 masked %and3A_356 {strides = array<i32>} : memref<10x1536xi32, #tpu.memory_space<vmem>>, vector<16xi32>, vector<16xi1>
      %all_reduce_population_count3A_361 = tpu.all_reduce %and3A_356 {dim = 0 : i64, kind = #tpu.reduction_kind<sum>} : vector<16xi1> -> vector<16xi32>
      %reduce_max3A_362 = arith.constant true
      %reduce_max3A_363 = vector.broadcast %reduce_max3A_362 : i1 to vector<16xi1>
      %reduce_max3A_364 = arith.constant -2147483648 : i32
      %reduce_max3A_365 = vector.broadcast %reduce_max3A_364 : i32 to vector<16xi32>
      %reduce_max3A_366 = arith.xori %all_reduce_population_count3A_361, %reduce_max3A_365 : vector<16xi32>
      %reduce_max3A_367 = tpu.scan <max>, %reduce_max3A_366 masked %reduce_max3A_363 : vector<16xi32>, vector<16xi1> -> vector<16xi32>
      %reduce_max3A_368 = arith.xori %reduce_max3A_367, %reduce_max3A_365 : vector<16xi32>
      %reduce_max3A_369 = vector.extract %reduce_max3A_368[15] : i32 from vector<16xi32>
      %add3A_370 = arith.addi %while3A_145, %reduce_max3A_369 : i32
      %min3A_371 = arith.constant 1520 : i32
      %min3A_372 = arith.minsi %add3A_370, %min3A_371 : i32
      %add3A_373 = arith.constant 47185920 : i32
      %add3A_374 = arith.addi %mul3A_33, %add3A_373 : i32
      %ge3A_375 = vector.broadcast %add3A_374 : i32 to vector<16xi32>
      %ge3A_376 = arith.cmpi sge, %get3A_149, %ge3A_375 : vector<16xi32>
      %add3A_377 = arith.constant 52428800 : i32
      %add3A_378 = arith.addi %mul3A_33, %add3A_377 : i32
      %lt3A_379 = vector.broadcast %add3A_378 : i32 to vector<16xi32>
      %lt3A_380 = arith.cmpi slt, %get3A_149, %lt3A_379 : vector<16xi32>
      %and3A_381 = arith.andi %ge3A_376, %lt3A_380 : vector<16xi1>
      %swap3A_382 = arith.constant 9 : i32
      %swap3A_383 = arith.index_cast %swap3A_382 : i32 to index
      %swap3A_384 = arith.index_cast %while3A_146 : i32 to index
      %swap3A_385 = tpu.vector_load %arg8[%swap3A_383, %swap3A_384] masked %and3A_381 {strides = array<i32>} : memref<10x1536xi32, #tpu.memory_space<vmem>>, vector<16xi32>, vector<16xi1>
      tpu.vector_store %arg8[%swap3A_383, %swap3A_384], %add3A_153 masked %and3A_381 {strides = array<i32>} : memref<10x1536xi32, #tpu.memory_space<vmem>>, vector<16xi32>, vector<16xi1>
      %all_reduce_population_count3A_386 = tpu.all_reduce %and3A_381 {dim = 0 : i64, kind = #tpu.reduction_kind<sum>} : vector<16xi1> -> vector<16xi32>
      %reduce_max3A_387 = arith.constant true
      %reduce_max3A_388 = vector.broadcast %reduce_max3A_387 : i1 to vector<16xi1>
      %reduce_max3A_389 = arith.constant -2147483648 : i32
      %reduce_max3A_390 = vector.broadcast %reduce_max3A_389 : i32 to vector<16xi32>
      %reduce_max3A_391 = arith.xori %all_reduce_population_count3A_386, %reduce_max3A_390 : vector<16xi32>
      %reduce_max3A_392 = tpu.scan <max>, %reduce_max3A_391 masked %reduce_max3A_388 : vector<16xi32>, vector<16xi1> -> vector<16xi32>
      %reduce_max3A_393 = arith.xori %reduce_max3A_392, %reduce_max3A_390 : vector<16xi32>
      %reduce_max3A_394 = vector.extract %reduce_max3A_393[15] : i32 from vector<16xi32>
      %add3A_395 = arith.addi %while3A_146, %reduce_max3A_394 : i32
      %min3A_396 = arith.constant 1520 : i32
      %min3A_397 = arith.minsi %add3A_395, %min3A_396 : i32
      scf.yield %min3A_172, %min3A_197, %min3A_222, %min3A_247, %min3A_272, %min3A_297, %min3A_322, %min3A_347, %min3A_372, %min3A_397 : i32, i32, i32, i32, i32, i32, i32, i32, i32, i32
    }
    %while3A_66 = arith.constant 1 : i32
    %while3A_67:10 = scf.for %while3A_136 = %while3A_63 to %while3A_59 step %while3A_66 iter_args(%while3A_137 = %while3A_65#0, %while3A_138 = %while3A_65#1, %while3A_139 = %while3A_65#2, %while3A_140 = %while3A_65#3, %while3A_141 = %while3A_65#4, %while3A_142 = %while3A_65#5, %while3A_143 = %while3A_65#6, %while3A_144 = %while3A_65#7, %while3A_145 = %while3A_65#8, %while3A_146 = %while3A_65#9) -> (i32, i32, i32, i32, i32, i32, i32, i32, i32, i32)  : i32 {
      %mul3A_147 = arith.constant 16 : i32
      %mul3A_148 = arith.muli %while3A_136, %mul3A_147 : i32
      %get3A = arith.index_cast %mul3A_148 : i32 to index
      %get3A_149 = tpu.vector_load %arg6[%get3A] {strides = array<i32>} : memref<20016xi32, #tpu.memory_space<vmem>>, vector<16xi32>,
      %mul3A_150 = arith.constant 16 : i32
      %mul3A_151 = arith.muli %while3A_136, %mul3A_150 : i32
      %add3A_152 = vector.broadcast %mul3A_151 : i32 to vector<16xi32>
      %add3A_153 = arith.addi %iota3A, %add3A_152 : vector<16xi32>
      %add3A_154 = arith.constant 0 : i32
      %add3A_155 = arith.addi %mul3A_33, %add3A_154 : i32
      %ge3A = vector.broadcast %add3A_155 : i32 to vector<16xi32>
      %ge3A_156 = arith.cmpi sge, %get3A_149, %ge3A : vector<16xi32>
      %add3A_157 = arith.constant 5242880 : i32
      %add3A_158 = arith.addi %mul3A_33, %add3A_157 : i32
      %lt3A = vector.broadcast %add3A_158 : i32 to vector<16xi32>
      %lt3A_159 = arith.cmpi slt, %get3A_149, %lt3A : vector<16xi32>
      %and3A = arith.andi %ge3A_156, %lt3A_159 : vector<16xi1>
      %swap3A_160 = arith.constant 0 : i32
      %swap3A_161 = arith.index_cast %swap3A_160 : i32 to index
      %swap3A_162 = arith.index_cast %while3A_137 : i32 to index
      %swap3A_163 = tpu.vector_load %arg8[%swap3A_161, %swap3A_162] masked %and3A {strides = array<i32>} : memref<10x1536xi32, #tpu.memory_space<vmem>>, vector<16xi32>, vector<16xi1>
      tpu.vector_store %arg8[%swap3A_161, %swap3A_162], %add3A_153 masked %and3A {strides = array<i32>} : memref<10x1536xi32, #tpu.memory_space<vmem>>, vector<16xi32>, vector<16xi1>
      %all_reduce_population_count3A = tpu.all_reduce %and3A {dim = 0 : i64, kind = #tpu.reduction_kind<sum>} : vector<16xi1> -> vector<16xi32>
      %reduce_max3A = arith.constant true
      %reduce_max3A_164 = vector.broadcast %reduce_max3A : i1 to vector<16xi1>
      %reduce_max3A_165 = arith.constant -2147483648 : i32
      %reduce_max3A_166 = vector.broadcast %reduce_max3A_165 : i32 to vector<16xi32>
      %reduce_max3A_167 = arith.xori %all_reduce_population_count3A, %reduce_max3A_166 : vector<16xi32>
      %reduce_max3A_168 = tpu.scan <max>, %reduce_max3A_167 masked %reduce_max3A_164 : vector<16xi32>, vector<16xi1> -> vector<16xi32>
      %reduce_max3A_169 = arith.xori %reduce_max3A_168, %reduce_max3A_166 : vector<16xi32>
      %reduce_max3A_170 = vector.extract %reduce_max3A_169[15] : i32 from vector<16xi32>
      %add3A_171 = arith.addi %while3A_137, %reduce_max3A_170 : i32
      %min3A = arith.constant 1520 : i32
      %min3A_172 = arith.minsi %add3A_171, %min3A : i32
      %add3A_173 = arith.constant 5242880 : i32
      %add3A_174 = arith.addi %mul3A_33, %add3A_173 : i32
      %ge3A_175 = vector.broadcast %add3A_174 : i32 to vector<16xi32>
      %ge3A_176 = arith.cmpi sge, %get3A_149, %ge3A_175 : vector<16xi32>
      %add3A_177 = arith.constant 10485760 : i32
      %add3A_178 = arith.addi %mul3A_33, %add3A_177 : i32
      %lt3A_179 = vector.broadcast %add3A_178 : i32 to vector<16xi32>
      %lt3A_180 = arith.cmpi slt, %get3A_149, %lt3A_179 : vector<16xi32>
      %and3A_181 = arith.andi %ge3A_176, %lt3A_180 : vector<16xi1>
      %swap3A_182 = arith.constant 1 : i32
      %swap3A_183 = arith.index_cast %swap3A_182 : i32 to index
      %swap3A_184 = arith.index_cast %while3A_138 : i32 to index
      %swap3A_185 = tpu.vector_load %arg8[%swap3A_183, %swap3A_184] masked %and3A_181 {strides = array<i32>} : memref<10x1536xi32, #tpu.memory_space<vmem>>, vector<16xi32>, vector<16xi1>
      tpu.vector_store %arg8[%swap3A_183, %swap3A_184], %add3A_153 masked %and3A_181 {strides = array<i32>} : memref<10x1536xi32, #tpu.memory_space<vmem>>, vector<16xi32>, vector<16xi1>
      %all_reduce_population_count3A_186 = tpu.all_reduce %and3A_181 {dim = 0 : i64, kind = #tpu.reduction_kind<sum>} : vector<16xi1> -> vector<16xi32>
      %reduce_max3A_187 = arith.constant true
      %reduce_max3A_188 = vector.broadcast %reduce_max3A_187 : i1 to vector<16xi1>
      %reduce_max3A_189 = arith.constant -2147483648 : i32
      %reduce_max3A_190 = vector.broadcast %reduce_max3A_189 : i32 to vector<16xi32>
      %reduce_max3A_191 = arith.xori %all_reduce_population_count3A_186, %reduce_max3A_190 : vector<16xi32>
      %reduce_max3A_192 = tpu.scan <max>, %reduce_max3A_191 masked %reduce_max3A_188 : vector<16xi32>, vector<16xi1> -> vector<16xi32>
      %reduce_max3A_193 = arith.xori %reduce_max3A_192, %reduce_max3A_190 : vector<16xi32>
      %reduce_max3A_194 = vector.extract %reduce_max3A_193[15] : i32 from vector<16xi32>
      %add3A_195 = arith.addi %while3A_138, %reduce_max3A_194 : i32
      %min3A_196 = arith.constant 1520 : i32
      %min3A_197 = arith.minsi %add3A_195, %min3A_196 : i32
      %add3A_198 = arith.constant 10485760 : i32
      %add3A_199 = arith.addi %mul3A_33, %add3A_198 : i32
      %ge3A_200 = vector.broadcast %add3A_199 : i32 to vector<16xi32>
      %ge3A_201 = arith.cmpi sge, %get3A_149, %ge3A_200 : vector<16xi32>
      %add3A_202 = arith.constant 15728640 : i32
      %add3A_203 = arith.addi %mul3A_33, %add3A_202 : i32
      %lt3A_204 = vector.broadcast %add3A_203 : i32 to vector<16xi32>
      %lt3A_205 = arith.cmpi slt, %get3A_149, %lt3A_204 : vector<16xi32>
      %and3A_206 = arith.andi %ge3A_201, %lt3A_205 : vector<16xi1>
      %swap3A_207 = arith.constant 2 : i32
      %swap3A_208 = arith.index_cast %swap3A_207 : i32 to index
      %swap3A_209 = arith.index_cast %while3A_139 : i32 to index
      %swap3A_210 = tpu.vector_load %arg8[%swap3A_208, %swap3A_209] masked %and3A_206 {strides = array<i32>} : memref<10x1536xi32, #tpu.memory_space<vmem>>, vector<16xi32>, vector<16xi1>
      tpu.vector_store %arg8[%swap3A_208, %swap3A_209], %add3A_153 masked %and3A_206 {strides = array<i32>} : memref<10x1536xi32, #tpu.memory_space<vmem>>, vector<16xi32>, vector<16xi1>
      %all_reduce_population_count3A_211 = tpu.all_reduce %and3A_206 {dim = 0 : i64, kind = #tpu.reduction_kind<sum>} : vector<16xi1> -> vector<16xi32>
      %reduce_max3A_212 = arith.constant true
      %reduce_max3A_213 = vector.broadcast %reduce_max3A_212 : i1 to vector<16xi1>
      %reduce_max3A_214 = arith.constant -2147483648 : i32
      %reduce_max3A_215 = vector.broadcast %reduce_max3A_214 : i32 to vector<16xi32>
      %reduce_max3A_216 = arith.xori %all_reduce_population_count3A_211, %reduce_max3A_215 : vector<16xi32>
      %reduce_max3A_217 = tpu.scan <max>, %reduce_max3A_216 masked %reduce_max3A_213 : vector<16xi32>, vector<16xi1> -> vector<16xi32>
      %reduce_max3A_218 = arith.xori %reduce_max3A_217, %reduce_max3A_215 : vector<16xi32>
      %reduce_max3A_219 = vector.extract %reduce_max3A_218[15] : i32 from vector<16xi32>
      %add3A_220 = arith.addi %while3A_139, %reduce_max3A_219 : i32
      %min3A_221 = arith.constant 1520 : i32
      %min3A_222 = arith.minsi %add3A_220, %min3A_221 : i32
      %add3A_223 = arith.constant 15728640 : i32
      %add3A_224 = arith.addi %mul3A_33, %add3A_223 : i32
      %ge3A_225 = vector.broadcast %add3A_224 : i32 to vector<16xi32>
      %ge3A_226 = arith.cmpi sge, %get3A_149, %ge3A_225 : vector<16xi32>
      %add3A_227 = arith.constant 20971520 : i32
      %add3A_228 = arith.addi %mul3A_33, %add3A_227 : i32
      %lt3A_229 = vector.broadcast %add3A_228 : i32 to vector<16xi32>
      %lt3A_230 = arith.cmpi slt, %get3A_149, %lt3A_229 : vector<16xi32>
      %and3A_231 = arith.andi %ge3A_226, %lt3A_230 : vector<16xi1>
      %swap3A_232 = arith.constant 3 : i32
      %swap3A_233 = arith.index_cast %swap3A_232 : i32 to index
      %swap3A_234 = arith.index_cast %while3A_140 : i32 to index
      %swap3A_235 = tpu.vector_load %arg8[%swap3A_233, %swap3A_234] masked %and3A_231 {strides = array<i32>} : memref<10x1536xi32, #tpu.memory_space<vmem>>, vector<16xi32>, vector<16xi1>
      tpu.vector_store %arg8[%swap3A_233, %swap3A_234], %add3A_153 masked %and3A_231 {strides = array<i32>} : memref<10x1536xi32, #tpu.memory_space<vmem>>, vector<16xi32>, vector<16xi1>
      %all_reduce_population_count3A_236 = tpu.all_reduce %and3A_231 {dim = 0 : i64, kind = #tpu.reduction_kind<sum>} : vector<16xi1> -> vector<16xi32>
      %reduce_max3A_237 = arith.constant true
      %reduce_max3A_238 = vector.broadcast %reduce_max3A_237 : i1 to vector<16xi1>
      %reduce_max3A_239 = arith.constant -2147483648 : i32
      %reduce_max3A_240 = vector.broadcast %reduce_max3A_239 : i32 to vector<16xi32>
      %reduce_max3A_241 = arith.xori %all_reduce_population_count3A_236, %reduce_max3A_240 : vector<16xi32>
      %reduce_max3A_242 = tpu.scan <max>, %reduce_max3A_241 masked %reduce_max3A_238 : vector<16xi32>, vector<16xi1> -> vector<16xi32>
      %reduce_max3A_243 = arith.xori %reduce_max3A_242, %reduce_max3A_240 : vector<16xi32>
      %reduce_max3A_244 = vector.extract %reduce_max3A_243[15] : i32 from vector<16xi32>
      %add3A_245 = arith.addi %while3A_140, %reduce_max3A_244 : i32
      %min3A_246 = arith.constant 1520 : i32
      %min3A_247 = arith.minsi %add3A_245, %min3A_246 : i32
      %add3A_248 = arith.constant 20971520 : i32
      %add3A_249 = arith.addi %mul3A_33, %add3A_248 : i32
      %ge3A_250 = vector.broadcast %add3A_249 : i32 to vector<16xi32>
      %ge3A_251 = arith.cmpi sge, %get3A_149, %ge3A_250 : vector<16xi32>
      %add3A_252 = arith.constant 26214400 : i32
      %add3A_253 = arith.addi %mul3A_33, %add3A_252 : i32
      %lt3A_254 = vector.broadcast %add3A_253 : i32 to vector<16xi32>
      %lt3A_255 = arith.cmpi slt, %get3A_149, %lt3A_254 : vector<16xi32>
      %and3A_256 = arith.andi %ge3A_251, %lt3A_255 : vector<16xi1>
      %swap3A_257 = arith.constant 4 : i32
      %swap3A_258 = arith.index_cast %swap3A_257 : i32 to index
      %swap3A_259 = arith.index_cast %while3A_141 : i32 to index
      %swap3A_260 = tpu.vector_load %arg8[%swap3A_258, %swap3A_259] masked %and3A_256 {strides = array<i32>} : memref<10x1536xi32, #tpu.memory_space<vmem>>, vector<16xi32>, vector<16xi1>
      tpu.vector_store %arg8[%swap3A_258, %swap3A_259], %add3A_153 masked %and3A_256 {strides = array<i32>} : memref<10x1536xi32, #tpu.memory_space<vmem>>, vector<16xi32>, vector<16xi1>
      %all_reduce_population_count3A_261 = tpu.all_reduce %and3A_256 {dim = 0 : i64, kind = #tpu.reduction_kind<sum>} : vector<16xi1> -> vector<16xi32>
      %reduce_max3A_262 = arith.constant true
      %reduce_max3A_263 = vector.broadcast %reduce_max3A_262 : i1 to vector<16xi1>
      %reduce_max3A_264 = arith.constant -2147483648 : i32
      %reduce_max3A_265 = vector.broadcast %reduce_max3A_264 : i32 to vector<16xi32>
      %reduce_max3A_266 = arith.xori %all_reduce_population_count3A_261, %reduce_max3A_265 : vector<16xi32>
      %reduce_max3A_267 = tpu.scan <max>, %reduce_max3A_266 masked %reduce_max3A_263 : vector<16xi32>, vector<16xi1> -> vector<16xi32>
      %reduce_max3A_268 = arith.xori %reduce_max3A_267, %reduce_max3A_265 : vector<16xi32>
      %reduce_max3A_269 = vector.extract %reduce_max3A_268[15] : i32 from vector<16xi32>
      %add3A_270 = arith.addi %while3A_141, %reduce_max3A_269 : i32
      %min3A_271 = arith.constant 1520 : i32
      %min3A_272 = arith.minsi %add3A_270, %min3A_271 : i32
      %add3A_273 = arith.constant 26214400 : i32
      %add3A_274 = arith.addi %mul3A_33, %add3A_273 : i32
      %ge3A_275 = vector.broadcast %add3A_274 : i32 to vector<16xi32>
      %ge3A_276 = arith.cmpi sge, %get3A_149, %ge3A_275 : vector<16xi32>
      %add3A_277 = arith.constant 31457280 : i32
      %add3A_278 = arith.addi %mul3A_33, %add3A_277 : i32
      %lt3A_279 = vector.broadcast %add3A_278 : i32 to vector<16xi32>
      %lt3A_280 = arith.cmpi slt, %get3A_149, %lt3A_279 : vector<16xi32>
      %and3A_281 = arith.andi %ge3A_276, %lt3A_280 : vector<16xi1>
      %swap3A_282 = arith.constant 5 : i32
      %swap3A_283 = arith.index_cast %swap3A_282 : i32 to index
      %swap3A_284 = arith.index_cast %while3A_142 : i32 to index
      %swap3A_285 = tpu.vector_load %arg8[%swap3A_283, %swap3A_284] masked %and3A_281 {strides = array<i32>} : memref<10x1536xi32, #tpu.memory_space<vmem>>, vector<16xi32>, vector<16xi1>
      tpu.vector_store %arg8[%swap3A_283, %swap3A_284], %add3A_153 masked %and3A_281 {strides = array<i32>} : memref<10x1536xi32, #tpu.memory_space<vmem>>, vector<16xi32>, vector<16xi1>
      %all_reduce_population_count3A_286 = tpu.all_reduce %and3A_281 {dim = 0 : i64, kind = #tpu.reduction_kind<sum>} : vector<16xi1> -> vector<16xi32>
      %reduce_max3A_287 = arith.constant true
      %reduce_max3A_288 = vector.broadcast %reduce_max3A_287 : i1 to vector<16xi1>
      %reduce_max3A_289 = arith.constant -2147483648 : i32
      %reduce_max3A_290 = vector.broadcast %reduce_max3A_289 : i32 to vector<16xi32>
      %reduce_max3A_291 = arith.xori %all_reduce_population_count3A_286, %reduce_max3A_290 : vector<16xi32>
      %reduce_max3A_292 = tpu.scan <max>, %reduce_max3A_291 masked %reduce_max3A_288 : vector<16xi32>, vector<16xi1> -> vector<16xi32>
      %reduce_max3A_293 = arith.xori %reduce_max3A_292, %reduce_max3A_290 : vector<16xi32>
      %reduce_max3A_294 = vector.extract %reduce_max3A_293[15] : i32 from vector<16xi32>
      %add3A_295 = arith.addi %while3A_142, %reduce_max3A_294 : i32
      %min3A_296 = arith.constant 1520 : i32
      %min3A_297 = arith.minsi %add3A_295, %min3A_296 : i32
      %add3A_298 = arith.constant 31457280 : i32
      %add3A_299 = arith.addi %mul3A_33, %add3A_298 : i32
      %ge3A_300 = vector.broadcast %add3A_299 : i32 to vector<16xi32>
      %ge3A_301 = arith.cmpi sge, %get3A_149, %ge3A_300 : vector<16xi32>
      %add3A_302 = arith.constant 36700160 : i32
      %add3A_303 = arith.addi %mul3A_33, %add3A_302 : i32
      %lt3A_304 = vector.broadcast %add3A_303 : i32 to vector<16xi32>
      %lt3A_305 = arith.cmpi slt, %get3A_149, %lt3A_304 : vector<16xi32>
      %and3A_306 = arith.andi %ge3A_301, %lt3A_305 : vector<16xi1>
      %swap3A_307 = arith.constant 6 : i32
      %swap3A_308 = arith.index_cast %swap3A_307 : i32 to index
      %swap3A_309 = arith.index_cast %while3A_143 : i32 to index
      %swap3A_310 = tpu.vector_load %arg8[%swap3A_308, %swap3A_309] masked %and3A_306 {strides = array<i32>} : memref<10x1536xi32, #tpu.memory_space<vmem>>, vector<16xi32>, vector<16xi1>
      tpu.vector_store %arg8[%swap3A_308, %swap3A_309], %add3A_153 masked %and3A_306 {strides = array<i32>} : memref<10x1536xi32, #tpu.memory_space<vmem>>, vector<16xi32>, vector<16xi1>
      %all_reduce_population_count3A_311 = tpu.all_reduce %and3A_306 {dim = 0 : i64, kind = #tpu.reduction_kind<sum>} : vector<16xi1> -> vector<16xi32>
      %reduce_max3A_312 = arith.constant true
      %reduce_max3A_313 = vector.broadcast %reduce_max3A_312 : i1 to vector<16xi1>
      %reduce_max3A_314 = arith.constant -2147483648 : i32
      %reduce_max3A_315 = vector.broadcast %reduce_max3A_314 : i32 to vector<16xi32>
      %reduce_max3A_316 = arith.xori %all_reduce_population_count3A_311, %reduce_max3A_315 : vector<16xi32>
      %reduce_max3A_317 = tpu.scan <max>, %reduce_max3A_316 masked %reduce_max3A_313 : vector<16xi32>, vector<16xi1> -> vector<16xi32>
      %reduce_max3A_318 = arith.xori %reduce_max3A_317, %reduce_max3A_315 : vector<16xi32>
      %reduce_max3A_319 = vector.extract %reduce_max3A_318[15] : i32 from vector<16xi32>
      %add3A_320 = arith.addi %while3A_143, %reduce_max3A_319 : i32
      %min3A_321 = arith.constant 1520 : i32
      %min3A_322 = arith.minsi %add3A_320, %min3A_321 : i32
      %add3A_323 = arith.constant 36700160 : i32
      %add3A_324 = arith.addi %mul3A_33, %add3A_323 : i32
      %ge3A_325 = vector.broadcast %add3A_324 : i32 to vector<16xi32>
      %ge3A_326 = arith.cmpi sge, %get3A_149, %ge3A_325 : vector<16xi32>
      %add3A_327 = arith.constant 41943040 : i32
      %add3A_328 = arith.addi %mul3A_33, %add3A_327 : i32
      %lt3A_329 = vector.broadcast %add3A_328 : i32 to vector<16xi32>
      %lt3A_330 = arith.cmpi slt, %get3A_149, %lt3A_329 : vector<16xi32>
      %and3A_331 = arith.andi %ge3A_326, %lt3A_330 : vector<16xi1>
      %swap3A_332 = arith.constant 7 : i32
      %swap3A_333 = arith.index_cast %swap3A_332 : i32 to index
      %swap3A_334 = arith.index_cast %while3A_144 : i32 to index
      %swap3A_335 = tpu.vector_load %arg8[%swap3A_333, %swap3A_334] masked %and3A_331 {strides = array<i32>} : memref<10x1536xi32, #tpu.memory_space<vmem>>, vector<16xi32>, vector<16xi1>
      tpu.vector_store %arg8[%swap3A_333, %swap3A_334], %add3A_153 masked %and3A_331 {strides = array<i32>} : memref<10x1536xi32, #tpu.memory_space<vmem>>, vector<16xi32>, vector<16xi1>
      %all_reduce_population_count3A_336 = tpu.all_reduce %and3A_331 {dim = 0 : i64, kind = #tpu.reduction_kind<sum>} : vector<16xi1> -> vector<16xi32>
      %reduce_max3A_337 = arith.constant true
      %reduce_max3A_338 = vector.broadcast %reduce_max3A_337 : i1 to vector<16xi1>
      %reduce_max3A_339 = arith.constant -2147483648 : i32
      %reduce_max3A_340 = vector.broadcast %reduce_max3A_339 : i32 to vector<16xi32>
      %reduce_max3A_341 = arith.xori %all_reduce_population_count3A_336, %reduce_max3A_340 : vector<16xi32>
      %reduce_max3A_342 = tpu.scan <max>, %reduce_max3A_341 masked %reduce_max3A_338 : vector<16xi32>, vector<16xi1> -> vector<16xi32>
      %reduce_max3A_343 = arith.xori %reduce_max3A_342, %reduce_max3A_340 : vector<16xi32>
      %reduce_max3A_344 = vector.extract %reduce_max3A_343[15] : i32 from vector<16xi32>
      %add3A_345 = arith.addi %while3A_144, %reduce_max3A_344 : i32
      %min3A_346 = arith.constant 1520 : i32
      %min3A_347 = arith.minsi %add3A_345, %min3A_346 : i32
      %add3A_348 = arith.constant 41943040 : i32
      %add3A_349 = arith.addi %mul3A_33, %add3A_348 : i32
      %ge3A_350 = vector.broadcast %add3A_349 : i32 to vector<16xi32>
      %ge3A_351 = arith.cmpi sge, %get3A_149, %ge3A_350 : vector<16xi32>
      %add3A_352 = arith.constant 47185920 : i32
      %add3A_353 = arith.addi %mul3A_33, %add3A_352 : i32
      %lt3A_354 = vector.broadcast %add3A_353 : i32 to vector<16xi32>
      %lt3A_355 = arith.cmpi slt, %get3A_149, %lt3A_354 : vector<16xi32>
      %and3A_356 = arith.andi %ge3A_351, %lt3A_355 : vector<16xi1>
      %swap3A_357 = arith.constant 8 : i32
      %swap3A_358 = arith.index_cast %swap3A_357 : i32 to index
      %swap3A_359 = arith.index_cast %while3A_145 : i32 to index
      %swap3A_360 = tpu.vector_load %arg8[%swap3A_358, %swap3A_359] masked %and3A_356 {strides = array<i32>} : memref<10x1536xi32, #tpu.memory_space<vmem>>, vector<16xi32>, vector<16xi1>
      tpu.vector_store %arg8[%swap3A_358, %swap3A_359], %add3A_153 masked %and3A_356 {strides = array<i32>} : memref<10x1536xi32, #tpu.memory_space<vmem>>, vector<16xi32>, vector<16xi1>
      %all_reduce_population_count3A_361 = tpu.all_reduce %and3A_356 {dim = 0 : i64, kind = #tpu.reduction_kind<sum>} : vector<16xi1> -> vector<16xi32>
      %reduce_max3A_362 = arith.constant true
      %reduce_max3A_363 = vector.broadcast %reduce_max3A_362 : i1 to vector<16xi1>
      %reduce_max3A_364 = arith.constant -2147483648 : i32
      %reduce_max3A_365 = vector.broadcast %reduce_max3A_364 : i32 to vector<16xi32>
      %reduce_max3A_366 = arith.xori %all_reduce_population_count3A_361, %reduce_max3A_365 : vector<16xi32>
      %reduce_max3A_367 = tpu.scan <max>, %reduce_max3A_366 masked %reduce_max3A_363 : vector<16xi32>, vector<16xi1> -> vector<16xi32>
      %reduce_max3A_368 = arith.xori %reduce_max3A_367, %reduce_max3A_365 : vector<16xi32>
      %reduce_max3A_369 = vector.extract %reduce_max3A_368[15] : i32 from vector<16xi32>
      %add3A_370 = arith.addi %while3A_145, %reduce_max3A_369 : i32
      %min3A_371 = arith.constant 1520 : i32
      %min3A_372 = arith.minsi %add3A_370, %min3A_371 : i32
      %add3A_373 = arith.constant 47185920 : i32
      %add3A_374 = arith.addi %mul3A_33, %add3A_373 : i32
      %ge3A_375 = vector.broadcast %add3A_374 : i32 to vector<16xi32>
      %ge3A_376 = arith.cmpi sge, %get3A_149, %ge3A_375 : vector<16xi32>
      %add3A_377 = arith.constant 52428800 : i32
      %add3A_378 = arith.addi %mul3A_33, %add3A_377 : i32
      %lt3A_379 = vector.broadcast %add3A_378 : i32 to vector<16xi32>
      %lt3A_380 = arith.cmpi slt, %get3A_149, %lt3A_379 : vector<16xi32>
      %and3A_381 = arith.andi %ge3A_376, %lt3A_380 : vector<16xi1>
      %swap3A_382 = arith.constant 9 : i32
      %swap3A_383 = arith.index_cast %swap3A_382 : i32 to index
      %swap3A_384 = arith.index_cast %while3A_146 : i32 to index
      %swap3A_385 = tpu.vector_load %arg8[%swap3A_383, %swap3A_384] masked %and3A_381 {strides = array<i32>} : memref<10x1536xi32, #tpu.memory_space<vmem>>, vector<16xi32>, vector<16xi1>
      tpu.vector_store %arg8[%swap3A_383, %swap3A_384], %add3A_153 masked %and3A_381 {strides = array<i32>} : memref<10x1536xi32, #tpu.memory_space<vmem>>, vector<16xi32>, vector<16xi1>
      %all_reduce_population_count3A_386 = tpu.all_reduce %and3A_381 {dim = 0 : i64, kind = #tpu.reduction_kind<sum>} : vector<16xi1> -> vector<16xi32>
      %reduce_max3A_387 = arith.constant true
      %reduce_max3A_388 = vector.broadcast %reduce_max3A_387 : i1 to vector<16xi1>
      %reduce_max3A_389 = arith.constant -2147483648 : i32
      %reduce_max3A_390 = vector.broadcast %reduce_max3A_389 : i32 to vector<16xi32>
      %reduce_max3A_391 = arith.xori %all_reduce_population_count3A_386, %reduce_max3A_390 : vector<16xi32>
      %reduce_max3A_392 = tpu.scan <max>, %reduce_max3A_391 masked %reduce_max3A_388 : vector<16xi32>, vector<16xi1> -> vector<16xi32>
      %reduce_max3A_393 = arith.xori %reduce_max3A_392, %reduce_max3A_390 : vector<16xi32>
      %reduce_max3A_394 = vector.extract %reduce_max3A_393[15] : i32 from vector<16xi32>
      %add3A_395 = arith.addi %while3A_146, %reduce_max3A_394 : i32
      %min3A_396 = arith.constant 1520 : i32
      %min3A_397 = arith.minsi %add3A_395, %min3A_396 : i32
      scf.yield %min3A_172, %min3A_197, %min3A_222, %min3A_247, %min3A_272, %min3A_297, %min3A_322, %min3A_347, %min3A_372, %min3A_397 : i32, i32, i32, i32, i32, i32, i32, i32, i32, i32
    }
    %broadcast_in_dim3A_68 = vector.broadcast %scan3A_41 : i32 to vector<16xi32>
    %swap3A_69 = arith.constant 0 : i32
    %swap3A_70 = arith.index_cast %swap3A_69 : i32 to index
    %swap3A_71 = arith.index_cast %while3A_67#0 : i32 to index
    %swap3A_72 = tpu.vector_load %arg8[%swap3A_70, %swap3A_71] {strides = array<i32>} : memref<10x1536xi32, #tpu.memory_space<vmem>>, vector<16xi32>,
    tpu.vector_store %arg8[%swap3A_70, %swap3A_71], %broadcast_in_dim3A_68 {strides = array<i32>} : memref<10x1536xi32, #tpu.memory_space<vmem>>, vector<16xi32>,
    %broadcast_in_dim3A_73 = vector.broadcast %scan3A_41 : i32 to vector<16xi32>
    %swap3A_74 = arith.constant 1 : i32
    %swap3A_75 = arith.index_cast %swap3A_74 : i32 to index
    %swap3A_76 = arith.index_cast %while3A_67#1 : i32 to index
    %swap3A_77 = tpu.vector_load %arg8[%swap3A_75, %swap3A_76] {strides = array<i32>} : memref<10x1536xi32, #tpu.memory_space<vmem>>, vector<16xi32>,
    tpu.vector_store %arg8[%swap3A_75, %swap3A_76], %broadcast_in_dim3A_73 {strides = array<i32>} : memref<10x1536xi32, #tpu.memory_space<vmem>>, vector<16xi32>,
    %broadcast_in_dim3A_78 = vector.broadcast %scan3A_41 : i32 to vector<16xi32>
    %swap3A_79 = arith.constant 2 : i32
    %swap3A_80 = arith.index_cast %swap3A_79 : i32 to index
    %swap3A_81 = arith.index_cast %while3A_67#2 : i32 to index
    %swap3A_82 = tpu.vector_load %arg8[%swap3A_80, %swap3A_81] {strides = array<i32>} : memref<10x1536xi32, #tpu.memory_space<vmem>>, vector<16xi32>,
    tpu.vector_store %arg8[%swap3A_80, %swap3A_81], %broadcast_in_dim3A_78 {strides = array<i32>} : memref<10x1536xi32, #tpu.memory_space<vmem>>, vector<16xi32>,
    %broadcast_in_dim3A_83 = vector.broadcast %scan3A_41 : i32 to vector<16xi32>
    %swap3A_84 = arith.constant 3 : i32
    %swap3A_85 = arith.index_cast %swap3A_84 : i32 to index
    %swap3A_86 = arith.index_cast %while3A_67#3 : i32 to index
    %swap3A_87 = tpu.vector_load %arg8[%swap3A_85, %swap3A_86] {strides = array<i32>} : memref<10x1536xi32, #tpu.memory_space<vmem>>, vector<16xi32>,
    tpu.vector_store %arg8[%swap3A_85, %swap3A_86], %broadcast_in_dim3A_83 {strides = array<i32>} : memref<10x1536xi32, #tpu.memory_space<vmem>>, vector<16xi32>,
    %broadcast_in_dim3A_88 = vector.broadcast %scan3A_41 : i32 to vector<16xi32>
    %swap3A_89 = arith.constant 4 : i32
    %swap3A_90 = arith.index_cast %swap3A_89 : i32 to index
    %swap3A_91 = arith.index_cast %while3A_67#4 : i32 to index
    %swap3A_92 = tpu.vector_load %arg8[%swap3A_90, %swap3A_91] {strides = array<i32>} : memref<10x1536xi32, #tpu.memory_space<vmem>>, vector<16xi32>,
    tpu.vector_store %arg8[%swap3A_90, %swap3A_91], %broadcast_in_dim3A_88 {strides = array<i32>} : memref<10x1536xi32, #tpu.memory_space<vmem>>, vector<16xi32>,
    %broadcast_in_dim3A_93 = vector.broadcast %scan3A_41 : i32 to vector<16xi32>
    %swap3A_94 = arith.constant 5 : i32
    %swap3A_95 = arith.index_cast %swap3A_94 : i32 to index
    %swap3A_96 = arith.index_cast %while3A_67#5 : i32 to index
    %swap3A_97 = tpu.vector_load %arg8[%swap3A_95, %swap3A_96] {strides = array<i32>} : memref<10x1536xi32, #tpu.memory_space<vmem>>, vector<16xi32>,
    tpu.vector_store %arg8[%swap3A_95, %swap3A_96], %broadcast_in_dim3A_93 {strides = array<i32>} : memref<10x1536xi32, #tpu.memory_space<vmem>>, vector<16xi32>,
    %broadcast_in_dim3A_98 = vector.broadcast %scan3A_41 : i32 to vector<16xi32>
    %swap3A_99 = arith.constant 6 : i32
    %swap3A_100 = arith.index_cast %swap3A_99 : i32 to index
    %swap3A_101 = arith.index_cast %while3A_67#6 : i32 to index
    %swap3A_102 = tpu.vector_load %arg8[%swap3A_100, %swap3A_101] {strides = array<i32>} : memref<10x1536xi32, #tpu.memory_space<vmem>>, vector<16xi32>,
    tpu.vector_store %arg8[%swap3A_100, %swap3A_101], %broadcast_in_dim3A_98 {strides = array<i32>} : memref<10x1536xi32, #tpu.memory_space<vmem>>, vector<16xi32>,
    %broadcast_in_dim3A_103 = vector.broadcast %scan3A_41 : i32 to vector<16xi32>
    %swap3A_104 = arith.constant 7 : i32
    %swap3A_105 = arith.index_cast %swap3A_104 : i32 to index
    %swap3A_106 = arith.index_cast %while3A_67#7 : i32 to index
    %swap3A_107 = tpu.vector_load %arg8[%swap3A_105, %swap3A_106] {strides = array<i32>} : memref<10x1536xi32, #tpu.memory_space<vmem>>, vector<16xi32>,
    tpu.vector_store %arg8[%swap3A_105, %swap3A_106], %broadcast_in_dim3A_103 {strides = array<i32>} : memref<10x1536xi32, #tpu.memory_space<vmem>>, vector<16xi32>,
    %broadcast_in_dim3A_108 = vector.broadcast %scan3A_41 : i32 to vector<16xi32>
    %swap3A_109 = arith.constant 8 : i32
    %swap3A_110 = arith.index_cast %swap3A_109 : i32 to index
    %swap3A_111 = arith.index_cast %while3A_67#8 : i32 to index
    %swap3A_112 = tpu.vector_load %arg8[%swap3A_110, %swap3A_111] {strides = array<i32>} : memref<10x1536xi32, #tpu.memory_space<vmem>>, vector<16xi32>,
    tpu.vector_store %arg8[%swap3A_110, %swap3A_111], %broadcast_in_dim3A_108 {strides = array<i32>} : memref<10x1536xi32, #tpu.memory_space<vmem>>, vector<16xi32>,
    %broadcast_in_dim3A_113 = vector.broadcast %scan3A_41 : i32 to vector<16xi32>
    %swap3A_114 = arith.constant 9 : i32
    %swap3A_115 = arith.index_cast %swap3A_114 : i32 to index
    %swap3A_116 = arith.index_cast %while3A_67#9 : i32 to index
    %swap3A_117 = tpu.vector_load %arg8[%swap3A_115, %swap3A_116] {strides = array<i32>} : memref<10x1536xi32, #tpu.memory_space<vmem>>, vector<16xi32>,
    tpu.vector_store %arg8[%swap3A_115, %swap3A_116], %broadcast_in_dim3A_113 {strides = array<i32>} : memref<10x1536xi32, #tpu.memory_space<vmem>>, vector<16xi32>,
    %scan3A_118 = arith.constant 0 : i32
    %scan3A_119 = arith.constant 0 : i32
    %scan3A_120 = arith.constant 640 : i32
    %scan3A_121 = arith.addi %scan3A_119, %scan3A_120 : i32
    %scan3A_122 = arith.constant 1 : i32
    scf.for %scan3A_136 = %scan3A_119 to %scan3A_121 step %scan3A_122  : i32 {
      %broadcast_in_dim3A_137 = arith.constant 0.000000e+00 : f32
      %broadcast_in_dim3A_138 = vector.broadcast %broadcast_in_dim3A_137 : f32 to vector<16xf32>
      %mul3A_139 = arith.constant 16 : i32
      %mul3A_140 = arith.muli %scan3A_136, %mul3A_139 : i32
      %swap3A_141 = arith.index_cast %mul3A_140 : i32 to index
      %swap3A_142 = tpu.vector_load %arg11[%swap3A_141] {strides = array<i32>} : memref<10240xf32, #tpu.memory_space<vmem>>, vector<16xf32>,
      tpu.vector_store %arg11[%swap3A_141], %broadcast_in_dim3A_138 {strides = array<i32>} : memref<10240xf32, #tpu.memory_space<vmem>>, vector<16xf32>,
    }
    %scan3A_123 = arith.constant 640 : i32
    %mul3A_124 = arith.constant 32 : i32
    %mul3A_125 = arith.muli %add3A, %mul3A_124 : i32
    %add3A_126 = arith.constant 655360 : i32
    %add3A_127 = arith.addi %add3A_126, %mul3A_125 : i32
    %add3A_128 = vector.broadcast %add3A_127 : i32 to vector<16xi32>
    %add3A_129 = arith.addi %add3A_128, %iota3A : vector<16xi32>
    %scan3A_130 = arith.constant 0 : i32
    %scan3A_131 = arith.constant 0 : i32
    %scan3A_132 = arith.constant 80 : i32
    %scan3A_133 = arith.addi %scan3A_131, %scan3A_132 : i32
    %scan3A_134 = arith.constant 1 : i32
    scf.for %scan3A_136 = %scan3A_131 to %scan3A_133 step %scan3A_134  : i32 {
      %mul3A_137 = arith.constant 5120 : i32
      %mul3A_138 = arith.muli %arg0, %mul3A_137 : i32
      %mul3A_139 = arith.constant 64 : i32
      %mul3A_140 = arith.muli %scan3A_136, %mul3A_139 : i32
      %add3A_141 = arith.addi %mul3A_138, %mul3A_140 : i32
      %mul3A_142 = arith.constant 10240 : i32
      %mul3A_143 = arith.muli %add3A_141, %mul3A_142 : i32
      %shift_right_logical3A = arith.constant 3 : i32
      %shift_right_logical3A_144 = arith.shrui %scan3A_136, %shift_right_logical3A : i32
      %eq3A = arith.constant 0 : i32
      %eq3A_145 = arith.cmpi eq, %shift_right_logical3A_144, %eq3A : i32
      %jit3A = arith.constant 0 : i32
      %select_n3A = arith.select %eq3A_145, %while3A_67#0, %jit3A : i32
      %eq3A_146 = arith.constant 1 : i32
      %eq3A_147 = arith.cmpi eq, %shift_right_logical3A_144, %eq3A_146 : i32
      %select_n3A_148 = arith.select %eq3A_147, %while3A_67#1, %select_n3A : i32
      %eq3A_149 = arith.constant 2 : i32
      %eq3A_150 = arith.cmpi eq, %shift_right_logical3A_144, %eq3A_149 : i32
      %select_n3A_151 = arith.select %eq3A_150, %while3A_67#2, %select_n3A_148 : i32
      %eq3A_152 = arith.constant 3 : i32
      %eq3A_153 = arith.cmpi eq, %shift_right_logical3A_144, %eq3A_152 : i32
      %select_n3A_154 = arith.select %eq3A_153, %while3A_67#3, %select_n3A_151 : i32
      %eq3A_155 = arith.constant 4 : i32
      %eq3A_156 = arith.cmpi eq, %shift_right_logical3A_144, %eq3A_155 : i32
      %select_n3A_157 = arith.select %eq3A_156, %while3A_67#4, %select_n3A_154 : i32
      %eq3A_158 = arith.constant 5 : i32
      %eq3A_159 = arith.cmpi eq, %shift_right_logical3A_144, %eq3A_158 : i32
      %select_n3A_160 = arith.select %eq3A_159, %while3A_67#5, %select_n3A_157 : i32
      %eq3A_161 = arith.constant 6 : i32
      %eq3A_162 = arith.cmpi eq, %shift_right_logical3A_144, %eq3A_161 : i32
      %select_n3A_163 = arith.select %eq3A_162, %while3A_67#6, %select_n3A_160 : i32
      %eq3A_164 = arith.constant 7 : i32
      %eq3A_165 = arith.cmpi eq, %shift_right_logical3A_144, %eq3A_164 : i32
      %select_n3A_166 = arith.select %eq3A_165, %while3A_67#7, %select_n3A_163 : i32
      %eq3A_167 = arith.constant 8 : i32
      %eq3A_168 = arith.cmpi eq, %shift_right_logical3A_144, %eq3A_167 : i32
      %select_n3A_169 = arith.select %eq3A_168, %while3A_67#8, %select_n3A_166 : i32
      %eq3A_170 = arith.constant 9 : i32
      %eq3A_171 = arith.cmpi eq, %shift_right_logical3A_144, %eq3A_170 : i32
      %select_n3A_172 = arith.select %eq3A_171, %while3A_67#9, %select_n3A_169 : i32
      %add3A_173 = arith.constant 15 : i32
      %add3A_174 = arith.addi %select_n3A_172, %add3A_173 : i32
      %div3A_175 = arith.constant 16 : i32
      %div3A_176 = arith.divsi %add3A_174, %div3A_175 : i32
      %scan3A_177 = arith.constant 0 : i32
      %scan3A_178 = arith.constant 0 : i32
      %scan3A_179 = arith.constant 4 : i32
      %scan3A_180 = arith.addi %scan3A_178, %scan3A_179 : i32
      %scan3A_181 = arith.constant 1 : i32
      scf.for %scan3A_247 = %scan3A_178 to %scan3A_180 step %scan3A_181  : i32 {
        %mul3A_248 = arith.constant 40960 : i32
        %mul3A_249 = arith.muli %arg1, %mul3A_248 : i32
        %mul3A_250 = arith.constant 10240 : i32
        %mul3A_251 = arith.muli %scan3A_247, %mul3A_250 : i32
        %add3A_252 = arith.addi %mul3A_249, %mul3A_251 : i32
        %dma_start3A = tpu.memref_slice %arg15[%add3A_252] : memref<656384xf32, #tpu.memory_space<vmem_shared>> -> memref<10240xf32, #tpu.memory_space<vmem_shared>>
        %dma_start3A_253 = tpu.memref_slice %arg15[%add3A_252] : memref<656384xf32, #tpu.memory_space<vmem_shared>> -> memref<10240xf32, #tpu.memory_space<vmem_shared>>
        tpu.enqueue_dma source(%arg11 : memref<10240xf32, #tpu.memory_space<vmem>>) target(%dma_start3A_253 : memref<10240xf32, #tpu.memory_space<vmem_shared>>) target_semaphore(%arg16 : memref<!tpu.dma_semaphore, #tpu.memory_space<semaphore_mem>>)
      }
      %scan3A_182 = arith.constant 4 : i32
      %scan3A_183 = arith.constant 0 : i32
      %scan3A_184 = arith.constant 0 : i32
      %scan3A_185 = arith.constant 4 : i32
      %scan3A_186 = arith.addi %scan3A_184, %scan3A_185 : i32
      %scan3A_187 = arith.constant 1 : i32
      scf.for %scan3A_247 = %scan3A_184 to %scan3A_186 step %scan3A_187  : i32 {
        %mul3A_248 = arith.constant 40960 : i32
        %mul3A_249 = arith.muli %arg1, %mul3A_248 : i32
        %dma_wait3A = tpu.memref_slice %arg15[%mul3A_249] : memref<656384xf32, #tpu.memory_space<vmem_shared>> -> memref<10240xf32, #tpu.memory_space<vmem_shared>>
        %dma_wait3A_250 = tpu.memref_slice %arg15[%mul3A_249] : memref<656384xf32, #tpu.memory_space<vmem_shared>> -> memref<10240xf32, #tpu.memory_space<vmem_shared>>
        tpu.wait_dma2 semaphore(%arg16 : memref<!tpu.dma_semaphore, #tpu.memory_space<semaphore_mem>>) src(%arg11 : memref<10240xf32, #tpu.memory_space<vmem>>) dst(%dma_wait3A_250 : memref<10240xf32, #tpu.memory_space<vmem_shared>>)
      }
      %scan3A_188 = arith.constant 4 : i32
      %barrier3A = arith.constant 0 : index
      tpu.barrier barrier_id(%barrier3A)
      %scan3A_189 = arith.constant 0 : i32
      %scan3A_190 = arith.constant 0 : i32
      %scan3A_191 = arith.constant 130 : i32
      %scan3A_192 = arith.addi %scan3A_190, %scan3A_191 : i32
      %scan3A_193 = arith.constant 1 : i32
      scf.for %scan3A_247 = %scan3A_190 to %scan3A_192 step %scan3A_193  : i32 {
        %mul3A_248 = arith.constant 16 : i32
        %mul3A_249 = arith.muli %scan3A_247, %mul3A_248 : i32
        %swap3A_250 = arith.index_cast %mul3A_249 : i32 to index
        %swap3A_251 = tpu.vector_load %arg12[%swap3A_250] {strides = array<i32>} : memref<2080xi32, #tpu.memory_space<vmem>>, vector<16xi32>,
        tpu.vector_store %arg12[%swap3A_250], %add3A_129 {strides = array<i32>} : memref<2080xi32, #tpu.memory_space<vmem>>, vector<16xi32>,
      }
      %scan3A_194 = arith.constant 130 : i32
      %while3A_195 = arith.constant 0 : i32
      %while3A_196 = arith.constant 0 : i32
      %while3A_197 = arith.subi %div3A_176, %while3A_195 : i32
      %while3A_198 = arith.addi %while3A_195, %while3A_197 : i32
      %while3A_199 = arith.constant 1 : i32
      %while3A_200 = arith.divsi %while3A_197, %while3A_199 : i32
      %while3A_201 = arith.muli %while3A_200, %while3A_199 : i32
      %while3A_202 = arith.addi %while3A_195, %while3A_201 : i32
      %while3A_203 = arith.constant 1 : i32
      %while3A_204 = scf.for %while3A_247 = %while3A_195 to %while3A_202 step %while3A_203 iter_args(%while3A_248 = %while3A_196) -> (i32)  : i32 {
        %mul3A_249 = arith.constant 16 : i32
        %mul3A_250 = arith.muli %while3A_247, %mul3A_249 : i32
        %get3A = arith.index_cast %shift_right_logical3A_144 : i32 to index
        %get3A_251 = arith.index_cast %mul3A_250 : i32 to index
        %get3A_252 = tpu.vector_load %arg8[%get3A, %get3A_251] {strides = array<i32>} : memref<10x1536xi32, #tpu.memory_space<vmem>>, vector<16xi32>,
        %gather3A = tpu.vector_load_idx %arg6[%get3A_252] : memref<20016xi32, #tpu.memory_space<vmem>>[vector<16xi32>], vector<16xi32>,
        %gather3A_253 = tpu.vector_load_idx %arg7[%get3A_252] : memref<20016xf32, #tpu.memory_space<vmem>>[vector<16xi32>], vector<16xf32>,
        %ge3A = vector.broadcast %mul3A_143 : i32 to vector<16xi32>
        %ge3A_254 = arith.cmpi sge, %gather3A, %ge3A : vector<16xi32>
        %add3A_255 = arith.constant 655360 : i32
        %add3A_256 = arith.addi %mul3A_143, %add3A_255 : i32
        %lt3A = vector.broadcast %add3A_256 : i32 to vector<16xi32>
        %lt3A_257 = arith.cmpi slt, %gather3A, %lt3A : vector<16xi32>
        %and3A = arith.andi %ge3A_254, %lt3A_257 : vector<16xi1>
        %sub3A = vector.broadcast %mul3A_143 : i32 to vector<16xi32>
        %sub3A_258 = arith.subi %gather3A, %sub3A : vector<16xi32>
        %swap3A_259 = arith.index_cast %while3A_248 : i32 to index
        %swap3A_260 = tpu.vector_load %arg12[%swap3A_259] masked %and3A {strides = array<i32>} : memref<2080xi32, #tpu.memory_space<vmem>>, vector<16xi32>, vector<16xi1>
        tpu.vector_store %arg12[%swap3A_259], %sub3A_258 masked %and3A {strides = array<i32>} : memref<2080xi32, #tpu.memory_space<vmem>>, vector<16xi32>, vector<16xi1>
        %swap3A_261 = arith.index_cast %while3A_248 : i32 to index
        %swap3A_262 = tpu.vector_load %arg13[%swap3A_261] masked %and3A {strides = array<i32>} : memref<2080xf32, #tpu.memory_space<vmem>>, vector<16xf32>, vector<16xi1>
        tpu.vector_store %arg13[%swap3A_261], %gather3A_253 masked %and3A {strides = array<i32>} : memref<2080xf32, #tpu.memory_space<vmem>>, vector<16xf32>, vector<16xi1>
        %all_reduce_population_count3A = tpu.all_reduce %and3A {dim = 0 : i64, kind = #tpu.reduction_kind<sum>} : vector<16xi1> -> vector<16xi32>
        %reduce_max3A = arith.constant true
        %reduce_max3A_263 = vector.broadcast %reduce_max3A : i1 to vector<16xi1>
        %reduce_max3A_264 = arith.constant -2147483648 : i32
        %reduce_max3A_265 = vector.broadcast %reduce_max3A_264 : i32 to vector<16xi32>
        %reduce_max3A_266 = arith.xori %all_reduce_population_count3A, %reduce_max3A_265 : vector<16xi32>
        %reduce_max3A_267 = tpu.scan <max>, %reduce_max3A_266 masked %reduce_max3A_263 : vector<16xi32>, vector<16xi1> -> vector<16xi32>
        %reduce_max3A_268 = arith.xori %reduce_max3A_267, %reduce_max3A_265 : vector<16xi32>
        %reduce_max3A_269 = vector.extract %reduce_max3A_268[15] : i32 from vector<16xi32>
        %add3A_270 = arith.addi %while3A_248, %reduce_max3A_269 : i32
        %min3A = arith.constant 2064 : i32
        %min3A_271 = arith.minsi %add3A_270, %min3A : i32
        scf.yield %min3A_271 : i32
      }
      %while3A_205 = arith.constant 1 : i32
      %while3A_206 = scf.for %while3A_247 = %while3A_202 to %while3A_198 step %while3A_205 iter_args(%while3A_248 = %while3A_204) -> (i32)  : i32 {
        %mul3A_249 = arith.constant 16 : i32
        %mul3A_250 = arith.muli %while3A_247, %mul3A_249 : i32
        %get3A = arith.index_cast %shift_right_logical3A_144 : i32 to index
        %get3A_251 = arith.index_cast %mul3A_250 : i32 to index
        %get3A_252 = tpu.vector_load %arg8[%get3A, %get3A_251] {strides = array<i32>} : memref<10x1536xi32, #tpu.memory_space<vmem>>, vector<16xi32>,
        %gather3A = tpu.vector_load_idx %arg6[%get3A_252] : memref<20016xi32, #tpu.memory_space<vmem>>[vector<16xi32>], vector<16xi32>,
        %gather3A_253 = tpu.vector_load_idx %arg7[%get3A_252] : memref<20016xf32, #tpu.memory_space<vmem>>[vector<16xi32>], vector<16xf32>,
        %ge3A = vector.broadcast %mul3A_143 : i32 to vector<16xi32>
        %ge3A_254 = arith.cmpi sge, %gather3A, %ge3A : vector<16xi32>
        %add3A_255 = arith.constant 655360 : i32
        %add3A_256 = arith.addi %mul3A_143, %add3A_255 : i32
        %lt3A = vector.broadcast %add3A_256 : i32 to vector<16xi32>
        %lt3A_257 = arith.cmpi slt, %gather3A, %lt3A : vector<16xi32>
        %and3A = arith.andi %ge3A_254, %lt3A_257 : vector<16xi1>
        %sub3A = vector.broadcast %mul3A_143 : i32 to vector<16xi32>
        %sub3A_258 = arith.subi %gather3A, %sub3A : vector<16xi32>
        %swap3A_259 = arith.index_cast %while3A_248 : i32 to index
        %swap3A_260 = tpu.vector_load %arg12[%swap3A_259] masked %and3A {strides = array<i32>} : memref<2080xi32, #tpu.memory_space<vmem>>, vector<16xi32>, vector<16xi1>
        tpu.vector_store %arg12[%swap3A_259], %sub3A_258 masked %and3A {strides = array<i32>} : memref<2080xi32, #tpu.memory_space<vmem>>, vector<16xi32>, vector<16xi1>
        %swap3A_261 = arith.index_cast %while3A_248 : i32 to index
        %swap3A_262 = tpu.vector_load %arg13[%swap3A_261] masked %and3A {strides = array<i32>} : memref<2080xf32, #tpu.memory_space<vmem>>, vector<16xf32>, vector<16xi1>
        tpu.vector_store %arg13[%swap3A_261], %gather3A_253 masked %and3A {strides = array<i32>} : memref<2080xf32, #tpu.memory_space<vmem>>, vector<16xf32>, vector<16xi1>
        %all_reduce_population_count3A = tpu.all_reduce %and3A {dim = 0 : i64, kind = #tpu.reduction_kind<sum>} : vector<16xi1> -> vector<16xi32>
        %reduce_max3A = arith.constant true
        %reduce_max3A_263 = vector.broadcast %reduce_max3A : i1 to vector<16xi1>
        %reduce_max3A_264 = arith.constant -2147483648 : i32
        %reduce_max3A_265 = vector.broadcast %reduce_max3A_264 : i32 to vector<16xi32>
        %reduce_max3A_266 = arith.xori %all_reduce_population_count3A, %reduce_max3A_265 : vector<16xi32>
        %reduce_max3A_267 = tpu.scan <max>, %reduce_max3A_266 masked %reduce_max3A_263 : vector<16xi32>, vector<16xi1> -> vector<16xi32>
        %reduce_max3A_268 = arith.xori %reduce_max3A_267, %reduce_max3A_265 : vector<16xi32>
        %reduce_max3A_269 = vector.extract %reduce_max3A_268[15] : i32 from vector<16xi32>
        %add3A_270 = arith.addi %while3A_248, %reduce_max3A_269 : i32
        %min3A = arith.constant 2064 : i32
        %min3A_271 = arith.minsi %add3A_270, %min3A : i32
        scf.yield %min3A_271 : i32
      }
      %add3A_207 = arith.constant 79 : i32
      %add3A_208 = arith.addi %while3A_206, %add3A_207 : i32
      %div3A_209 = arith.constant 80 : i32
      %div3A_210 = arith.divsi %add3A_208, %div3A_209 : i32
      %while3A_211 = arith.constant 0 : i32
      %while3A_212 = arith.constant 0 : i32
      %while3A_213 = arith.subi %div3A_210, %while3A_212 : i32
      %while3A_214 = arith.addi %while3A_212, %while3A_213 : i32
      %while3A_215 = arith.constant 1 : i32
      %while3A_216 = arith.divsi %while3A_213, %while3A_215 : i32
      %while3A_217 = arith.muli %while3A_216, %while3A_215 : i32
      %while3A_218 = arith.addi %while3A_212, %while3A_217 : i32
      %while3A_219 = arith.constant 1 : i32
      scf.for %while3A_247 = %while3A_212 to %while3A_218 step %while3A_219  : i32 {
        %mul3A_248 = arith.constant 80 : i32
        %mul3A_249 = arith.muli %while3A_247, %mul3A_248 : i32
        %add3A_250 = arith.constant 0 : i32
        %add3A_251 = arith.addi %mul3A_249, %add3A_250 : i32
        %get3A = arith.index_cast %add3A_251 : i32 to index
        %get3A_252 = tpu.vector_load %arg12[%get3A] {strides = array<i32>} : memref<2080xi32, #tpu.memory_space<vmem>>, vector<16xi32>,
        %swap3A_253 = arith.index_cast %while3A_247 : i32 to index
        %swap3A_254 = arith.constant 0 : index
        %swap3A_255 = tpu.vector_load %arg14[%swap3A_253, %swap3A_254] {strides = array<i32>} : memref<26x80xi32, #tpu.memory_space<vmem>>, vector<16xi32>,
        tpu.vector_store %arg14[%swap3A_253, %swap3A_254], %get3A_252 {strides = array<i32>} : memref<26x80xi32, #tpu.memory_space<vmem>>, vector<16xi32>,
        %mul3A_256 = arith.constant 80 : i32
        %mul3A_257 = arith.muli %while3A_247, %mul3A_256 : i32
        %add3A_258 = arith.constant 16 : i32
        %add3A_259 = arith.addi %mul3A_257, %add3A_258 : i32
        %get3A_260 = arith.index_cast %add3A_259 : i32 to index
        %get3A_261 = tpu.vector_load %arg12[%get3A_260] {strides = array<i32>} : memref<2080xi32, #tpu.memory_space<vmem>>, vector<16xi32>,
        %swap3A_262 = arith.index_cast %while3A_247 : i32 to index
        %swap3A_263 = arith.constant 16 : index
        %swap3A_264 = tpu.vector_load %arg14[%swap3A_262, %swap3A_263] {strides = array<i32>} : memref<26x80xi32, #tpu.memory_space<vmem>>, vector<16xi32>,
        tpu.vector_store %arg14[%swap3A_262, %swap3A_263], %get3A_261 {strides = array<i32>} : memref<26x80xi32, #tpu.memory_space<vmem>>, vector<16xi32>,
        %mul3A_265 = arith.constant 80 : i32
        %mul3A_266 = arith.muli %while3A_247, %mul3A_265 : i32
        %add3A_267 = arith.constant 32 : i32
        %add3A_268 = arith.addi %mul3A_266, %add3A_267 : i32
        %get3A_269 = arith.index_cast %add3A_268 : i32 to index
        %get3A_270 = tpu.vector_load %arg12[%get3A_269] {strides = array<i32>} : memref<2080xi32, #tpu.memory_space<vmem>>, vector<16xi32>,
        %swap3A_271 = arith.index_cast %while3A_247 : i32 to index
        %swap3A_272 = arith.constant 32 : index
        %swap3A_273 = tpu.vector_load %arg14[%swap3A_271, %swap3A_272] {strides = array<i32>} : memref<26x80xi32, #tpu.memory_space<vmem>>, vector<16xi32>,
        tpu.vector_store %arg14[%swap3A_271, %swap3A_272], %get3A_270 {strides = array<i32>} : memref<26x80xi32, #tpu.memory_space<vmem>>, vector<16xi32>,
        %mul3A_274 = arith.constant 80 : i32
        %mul3A_275 = arith.muli %while3A_247, %mul3A_274 : i32
        %add3A_276 = arith.constant 48 : i32
        %add3A_277 = arith.addi %mul3A_275, %add3A_276 : i32
        %get3A_278 = arith.index_cast %add3A_277 : i32 to index
        %get3A_279 = tpu.vector_load %arg12[%get3A_278] {strides = array<i32>} : memref<2080xi32, #tpu.memory_space<vmem>>, vector<16xi32>,
        %swap3A_280 = arith.index_cast %while3A_247 : i32 to index
        %swap3A_281 = arith.constant 48 : index
        %swap3A_282 = tpu.vector_load %arg14[%swap3A_280, %swap3A_281] {strides = array<i32>} : memref<26x80xi32, #tpu.memory_space<vmem>>, vector<16xi32>,
        tpu.vector_store %arg14[%swap3A_280, %swap3A_281], %get3A_279 {strides = array<i32>} : memref<26x80xi32, #tpu.memory_space<vmem>>, vector<16xi32>,
        %mul3A_283 = arith.constant 80 : i32
        %mul3A_284 = arith.muli %while3A_247, %mul3A_283 : i32
        %add3A_285 = arith.constant 64 : i32
        %add3A_286 = arith.addi %mul3A_284, %add3A_285 : i32
        %get3A_287 = arith.index_cast %add3A_286 : i32 to index
        %get3A_288 = tpu.vector_load %arg12[%get3A_287] {strides = array<i32>} : memref<2080xi32, #tpu.memory_space<vmem>>, vector<16xi32>,
        %swap3A_289 = arith.index_cast %while3A_247 : i32 to index
        %swap3A_290 = arith.constant 64 : index
        %swap3A_291 = tpu.vector_load %arg14[%swap3A_289, %swap3A_290] {strides = array<i32>} : memref<26x80xi32, #tpu.memory_space<vmem>>, vector<16xi32>,
        tpu.vector_store %arg14[%swap3A_289, %swap3A_290], %get3A_288 {strides = array<i32>} : memref<26x80xi32, #tpu.memory_space<vmem>>, vector<16xi32>,
      }
      %while3A_220 = arith.constant 1 : i32
      scf.for %while3A_247 = %while3A_218 to %while3A_214 step %while3A_220  : i32 {
        %mul3A_248 = arith.constant 80 : i32
        %mul3A_249 = arith.muli %while3A_247, %mul3A_248 : i32
        %add3A_250 = arith.constant 0 : i32
        %add3A_251 = arith.addi %mul3A_249, %add3A_250 : i32
        %get3A = arith.index_cast %add3A_251 : i32 to index
        %get3A_252 = tpu.vector_load %arg12[%get3A] {strides = array<i32>} : memref<2080xi32, #tpu.memory_space<vmem>>, vector<16xi32>,
        %swap3A_253 = arith.index_cast %while3A_247 : i32 to index
        %swap3A_254 = arith.constant 0 : index
        %swap3A_255 = tpu.vector_load %arg14[%swap3A_253, %swap3A_254] {strides = array<i32>} : memref<26x80xi32, #tpu.memory_space<vmem>>, vector<16xi32>,
        tpu.vector_store %arg14[%swap3A_253, %swap3A_254], %get3A_252 {strides = array<i32>} : memref<26x80xi32, #tpu.memory_space<vmem>>, vector<16xi32>,
        %mul3A_256 = arith.constant 80 : i32
        %mul3A_257 = arith.muli %while3A_247, %mul3A_256 : i32
        %add3A_258 = arith.constant 16 : i32
        %add3A_259 = arith.addi %mul3A_257, %add3A_258 : i32
        %get3A_260 = arith.index_cast %add3A_259 : i32 to index
        %get3A_261 = tpu.vector_load %arg12[%get3A_260] {strides = array<i32>} : memref<2080xi32, #tpu.memory_space<vmem>>, vector<16xi32>,
        %swap3A_262 = arith.index_cast %while3A_247 : i32 to index
        %swap3A_263 = arith.constant 16 : index
        %swap3A_264 = tpu.vector_load %arg14[%swap3A_262, %swap3A_263] {strides = array<i32>} : memref<26x80xi32, #tpu.memory_space<vmem>>, vector<16xi32>,
        tpu.vector_store %arg14[%swap3A_262, %swap3A_263], %get3A_261 {strides = array<i32>} : memref<26x80xi32, #tpu.memory_space<vmem>>, vector<16xi32>,
        %mul3A_265 = arith.constant 80 : i32
        %mul3A_266 = arith.muli %while3A_247, %mul3A_265 : i32
        %add3A_267 = arith.constant 32 : i32
        %add3A_268 = arith.addi %mul3A_266, %add3A_267 : i32
        %get3A_269 = arith.index_cast %add3A_268 : i32 to index
        %get3A_270 = tpu.vector_load %arg12[%get3A_269] {strides = array<i32>} : memref<2080xi32, #tpu.memory_space<vmem>>, vector<16xi32>,
        %swap3A_271 = arith.index_cast %while3A_247 : i32 to index
        %swap3A_272 = arith.constant 32 : index
        %swap3A_273 = tpu.vector_load %arg14[%swap3A_271, %swap3A_272] {strides = array<i32>} : memref<26x80xi32, #tpu.memory_space<vmem>>, vector<16xi32>,
        tpu.vector_store %arg14[%swap3A_271, %swap3A_272], %get3A_270 {strides = array<i32>} : memref<26x80xi32, #tpu.memory_space<vmem>>, vector<16xi32>,
        %mul3A_274 = arith.constant 80 : i32
        %mul3A_275 = arith.muli %while3A_247, %mul3A_274 : i32
        %add3A_276 = arith.constant 48 : i32
        %add3A_277 = arith.addi %mul3A_275, %add3A_276 : i32
        %get3A_278 = arith.index_cast %add3A_277 : i32 to index
        %get3A_279 = tpu.vector_load %arg12[%get3A_278] {strides = array<i32>} : memref<2080xi32, #tpu.memory_space<vmem>>, vector<16xi32>,
        %swap3A_280 = arith.index_cast %while3A_247 : i32 to index
        %swap3A_281 = arith.constant 48 : index
        %swap3A_282 = tpu.vector_load %arg14[%swap3A_280, %swap3A_281] {strides = array<i32>} : memref<26x80xi32, #tpu.memory_space<vmem>>, vector<16xi32>,
        tpu.vector_store %arg14[%swap3A_280, %swap3A_281], %get3A_279 {strides = array<i32>} : memref<26x80xi32, #tpu.memory_space<vmem>>, vector<16xi32>,
        %mul3A_283 = arith.constant 80 : i32
        %mul3A_284 = arith.muli %while3A_247, %mul3A_283 : i32
        %add3A_285 = arith.constant 64 : i32
        %add3A_286 = arith.addi %mul3A_284, %add3A_285 : i32
        %get3A_287 = arith.index_cast %add3A_286 : i32 to index
        %get3A_288 = tpu.vector_load %arg12[%get3A_287] {strides = array<i32>} : memref<2080xi32, #tpu.memory_space<vmem>>, vector<16xi32>,
        %swap3A_289 = arith.index_cast %while3A_247 : i32 to index
        %swap3A_290 = arith.constant 64 : index
        %swap3A_291 = tpu.vector_load %arg14[%swap3A_289, %swap3A_290] {strides = array<i32>} : memref<26x80xi32, #tpu.memory_space<vmem>>, vector<16xi32>,
        tpu.vector_store %arg14[%swap3A_289, %swap3A_290], %get3A_288 {strides = array<i32>} : memref<26x80xi32, #tpu.memory_space<vmem>>, vector<16xi32>,
      }
      %while3A_221 = arith.constant 0 : i32
      %while3A_222 = arith.constant 0 : i32
      %while3A_223 = arith.subi %div3A_210, %while3A_222 : i32
      %while3A_224 = arith.addi %while3A_222, %while3A_223 : i32
      %while3A_225 = arith.constant 1 : i32
      %while3A_226 = arith.divsi %while3A_223, %while3A_225 : i32
      %while3A_227 = arith.muli %while3A_226, %while3A_225 : i32
      %while3A_228 = arith.addi %while3A_222, %while3A_227 : i32
      %while3A_229 = arith.constant 1 : i32
      scf.for %while3A_247 = %while3A_222 to %while3A_228 step %while3A_229  : i32 {
        %mul3A_248 = arith.constant 80 : i32
        %mul3A_249 = arith.muli %while3A_247, %mul3A_248 : i32
        %dma_start3A = tpu.memref_slice %arg13[%mul3A_249] : memref<2080xf32, #tpu.memory_space<vmem>> -> memref<80xf32, #tpu.memory_space<vmem>>
        %dma_start3A_250 = arith.constant 0 : i32
        %dma_start3A_251 = tpu.memref_slice %arg14[%while3A_247, %dma_start3A_250] : memref<26x80xi32, #tpu.memory_space<vmem>> -> memref<1x80xi32, #tpu.memory_space<vmem>>
        %dma_start3A_252 = tpu.memref_squeeze %dma_start3A_251 : memref<1x80xi32, #tpu.memory_space<vmem>> -> memref<80xi32, #tpu.memory_space<vmem>>
        %dma_start3A_253 = arith.constant 0 : i32
        %dma_start3A_254 = tpu.memref_slice %arg15[%dma_start3A_253] : memref<656384xf32, #tpu.memory_space<vmem_shared>> -> memref<656384xf32, #tpu.memory_space<vmem_shared>>
        tpu.enqueue_indirect_dma source(%dma_start3A : memref<80xf32, #tpu.memory_space<vmem>>) target(%dma_start3A_254 : memref<656384xf32, #tpu.memory_space<vmem_shared>>) offsets(%dma_start3A_252 : memref<80xi32, #tpu.memory_space<vmem>>) semaphore(%arg16 : memref<!tpu.dma_semaphore, #tpu.memory_space<semaphore_mem>>) {add = true}
      }
      %while3A_230 = arith.constant 1 : i32
      scf.for %while3A_247 = %while3A_228 to %while3A_224 step %while3A_230  : i32 {
        %mul3A_248 = arith.constant 80 : i32
        %mul3A_249 = arith.muli %while3A_247, %mul3A_248 : i32
        %dma_start3A = tpu.memref_slice %arg13[%mul3A_249] : memref<2080xf32, #tpu.memory_space<vmem>> -> memref<80xf32, #tpu.memory_space<vmem>>
        %dma_start3A_250 = arith.constant 0 : i32
        %dma_start3A_251 = tpu.memref_slice %arg14[%while3A_247, %dma_start3A_250] : memref<26x80xi32, #tpu.memory_space<vmem>> -> memref<1x80xi32, #tpu.memory_space<vmem>>
        %dma_start3A_252 = tpu.memref_squeeze %dma_start3A_251 : memref<1x80xi32, #tpu.memory_space<vmem>> -> memref<80xi32, #tpu.memory_space<vmem>>
        %dma_start3A_253 = arith.constant 0 : i32
        %dma_start3A_254 = tpu.memref_slice %arg15[%dma_start3A_253] : memref<656384xf32, #tpu.memory_space<vmem_shared>> -> memref<656384xf32, #tpu.memory_space<vmem_shared>>
        tpu.enqueue_indirect_dma source(%dma_start3A : memref<80xf32, #tpu.memory_space<vmem>>) target(%dma_start3A_254 : memref<656384xf32, #tpu.memory_space<vmem_shared>>) offsets(%dma_start3A_252 : memref<80xi32, #tpu.memory_space<vmem>>) semaphore(%arg16 : memref<!tpu.dma_semaphore, #tpu.memory_space<semaphore_mem>>) {add = true}
      }
      %while3A_231 = arith.constant 0 : i32
      %while3A_232 = arith.constant 0 : i32
      %while3A_233 = arith.subi %div3A_210, %while3A_232 : i32
      %while3A_234 = arith.addi %while3A_232, %while3A_233 : i32
      %while3A_235 = arith.constant 1 : i32
      %while3A_236 = arith.divsi %while3A_233, %while3A_235 : i32
      %while3A_237 = arith.muli %while3A_236, %while3A_235 : i32
      %while3A_238 = arith.addi %while3A_232, %while3A_237 : i32
      %while3A_239 = arith.constant 1 : i32
      scf.for %while3A_247 = %while3A_232 to %while3A_238 step %while3A_239  : i32 {
        %dma_wait3A = arith.constant 0 : i32
        %dma_wait3A_248 = arith.constant 0 : i32
        %dma_wait3A_249 = tpu.memref_slice %arg13[%dma_wait3A_248] : memref<2080xf32, #tpu.memory_space<vmem>> -> memref<80xf32, #tpu.memory_space<vmem>>
        %dma_wait3A_250 = arith.constant 0 : i32
        %dma_wait3A_251 = tpu.memref_slice %arg14[%dma_wait3A, %dma_wait3A_250] : memref<26x80xi32, #tpu.memory_space<vmem>> -> memref<1x80xi32, #tpu.memory_space<vmem>>
        %dma_wait3A_252 = tpu.memref_squeeze %dma_wait3A_251 : memref<1x80xi32, #tpu.memory_space<vmem>> -> memref<80xi32, #tpu.memory_space<vmem>>
        %dma_wait3A_253 = arith.constant 0 : i32
        %dma_wait3A_254 = tpu.memref_slice %arg15[%dma_wait3A_253] : memref<656384xf32, #tpu.memory_space<vmem_shared>> -> memref<656384xf32, #tpu.memory_space<vmem_shared>>
        tpu.wait_indirect_dma semaphore(%arg16 : memref<!tpu.dma_semaphore, #tpu.memory_space<semaphore_mem>>) src(%dma_wait3A_249 : memref<80xf32, #tpu.memory_space<vmem>>) dst(%dma_wait3A_254 : memref<656384xf32, #tpu.memory_space<vmem_shared>>)
      }
      %while3A_240 = arith.constant 1 : i32
      scf.for %while3A_247 = %while3A_238 to %while3A_234 step %while3A_240  : i32 {
        %dma_wait3A = arith.constant 0 : i32
        %dma_wait3A_248 = arith.constant 0 : i32
        %dma_wait3A_249 = tpu.memref_slice %arg13[%dma_wait3A_248] : memref<2080xf32, #tpu.memory_space<vmem>> -> memref<80xf32, #tpu.memory_space<vmem>>
        %dma_wait3A_250 = arith.constant 0 : i32
        %dma_wait3A_251 = tpu.memref_slice %arg14[%dma_wait3A, %dma_wait3A_250] : memref<26x80xi32, #tpu.memory_space<vmem>> -> memref<1x80xi32, #tpu.memory_space<vmem>>
        %dma_wait3A_252 = tpu.memref_squeeze %dma_wait3A_251 : memref<1x80xi32, #tpu.memory_space<vmem>> -> memref<80xi32, #tpu.memory_space<vmem>>
        %dma_wait3A_253 = arith.constant 0 : i32
        %dma_wait3A_254 = tpu.memref_slice %arg15[%dma_wait3A_253] : memref<656384xf32, #tpu.memory_space<vmem_shared>> -> memref<656384xf32, #tpu.memory_space<vmem_shared>>
        tpu.wait_indirect_dma semaphore(%arg16 : memref<!tpu.dma_semaphore, #tpu.memory_space<semaphore_mem>>) src(%dma_wait3A_249 : memref<80xf32, #tpu.memory_space<vmem>>) dst(%dma_wait3A_254 : memref<656384xf32, #tpu.memory_space<vmem_shared>>)
      }
      %barrier3A_241 = arith.constant 0 : index
      tpu.barrier barrier_id(%barrier3A_241)
      %mul3A_242 = arith.constant 40960 : i32
      %mul3A_243 = arith.muli %arg1, %mul3A_242 : i32
      %mul3A_244 = arith.constant 40960 : i32
      %mul3A_245 = arith.muli %arg1, %mul3A_244 : i32
      %add3A_246 = arith.addi %mul3A_143, %mul3A_245 : i32
      "tpu.region"() ({
        %run_scoped3A = tpu.sem_alloc : memref<!tpu.dma_semaphore, #tpu.memory_space<semaphore_mem>>
        %dma_start3A = tpu.memref_slice %arg5[%add3A_246] : memref<104857600xf32, #tpu.memory_space<hbm>> -> memref<40960xf32, #tpu.memory_space<hbm>>
        %dma_start3A_247 = tpu.memref_slice %arg15[%mul3A_243] : memref<656384xf32, #tpu.memory_space<vmem_shared>> -> memref<40960xf32, #tpu.memory_space<vmem_shared>>
        tpu.enqueue_dma source(%dma_start3A_247 : memref<40960xf32, #tpu.memory_space<vmem_shared>>) target(%dma_start3A : memref<40960xf32, #tpu.memory_space<hbm>>) target_semaphore(%run_scoped3A : memref<!tpu.dma_semaphore, #tpu.memory_space<semaphore_mem>>)
        %dma_wait3A = tpu.memref_slice %arg5[%add3A_246] : memref<104857600xf32, #tpu.memory_space<hbm>> -> memref<40960xf32, #tpu.memory_space<hbm>>
        %dma_wait3A_248 = tpu.memref_slice %arg15[%mul3A_243] : memref<656384xf32, #tpu.memory_space<vmem_shared>> -> memref<40960xf32, #tpu.memory_space<vmem_shared>>
        tpu.wait_dma2 semaphore(%run_scoped3A : memref<!tpu.dma_semaphore, #tpu.memory_space<semaphore_mem>>) src(%dma_wait3A_248 : memref<40960xf32, #tpu.memory_space<vmem_shared>>) dst(%dma_wait3A : memref<40960xf32, #tpu.memory_space<hbm>>)
        tpu.yield
      }) : () -> ()
    }
    %scan3A_135 = arith.constant 80 : i32
    return
  }
}

#map = affine_map<(d0, d1) -> (0, 0, 0)>
#map1 = affine_map<(d0, d1) -> (0)>
module attributes {stable_mosaic.version = 14 : i64} {
  func.func @_hist_kernel(%arg0: i32, %arg1: i32, %arg2: memref<16x250x80xi32, #tpu.memory_space<hbm>>, %arg3: memref<10240xf32, #tpu.memory_space<hbm>>, %arg4: memref<10240xf32, #tpu.memory_space<hbm>>, %arg5: memref<250x80xi32, #tpu.memory_space<vmem>>, %arg6: memref<80xf32, #tpu.memory_space<vmem>>, %arg7: memref<640xf32, #tpu.memory_space<vmem>>, %arg8: memref<640xf32, #tpu.memory_space<vmem>>, %arg9: memref<640xf32, #tpu.memory_space<vmem>>, %arg10: memref<10240xf32, #tpu.memory_space<vmem_shared>>, %arg11: memref<!tpu.dma_semaphore, #tpu.memory_space<semaphore_mem>>) attributes {dimension_semantics = [#tpu.dimension_semantics<core_parallel>, #tpu.dimension_semantics<subcore_parallel>], iteration_bounds = array<i64: 2, 16>, scalar_prefetch = 0 : i64, scratch_operands = 7 : i64, tpu.core_type = #tpu.core_type<sc_vector_subcore>, window_params = [{transform_indices = #map}, {transform_indices = #map1}, {transform_indices = #map1}]} {
    %eq3A = arith.constant 0 : i32
    %eq3A_0 = arith.cmpi eq, %arg0, %eq3A : i32
    %convert_element_type3A = arith.extui %eq3A_0 : i1 to i32
    %cond3A = arith.constant 0 : i32
    %cond3A_1 = arith.cmpi ne, %convert_element_type3A, %cond3A : i32
    scf.if %cond3A_1 {
      "tpu.region"() ({
        %run_scoped3A = tpu.sem_alloc : memref<!tpu.dma_semaphore, #tpu.memory_space<semaphore_mem>>
        %dma_start3A = arith.constant 0 : i32
        %dma_start3A_51 = arith.constant 0 : i32
        %dma_start3A_52 = tpu.memref_slice %arg2[%arg1, %dma_start3A, %dma_start3A_51] : memref<16x250x80xi32, #tpu.memory_space<hbm>> -> memref<1x250x80xi32, #tpu.memory_space<hbm>>
        %dma_start3A_53 = tpu.memref_squeeze %dma_start3A_52 : memref<1x250x80xi32, #tpu.memory_space<hbm>> -> memref<250x80xi32, #tpu.memory_space<hbm>>
        %dma_start3A_54 = arith.constant 0 : i32
        %dma_start3A_55 = arith.constant 0 : i32
        %dma_start3A_56 = tpu.memref_slice %arg2[%arg1, %dma_start3A_54, %dma_start3A_55] : memref<16x250x80xi32, #tpu.memory_space<hbm>> -> memref<1x250x80xi32, #tpu.memory_space<hbm>>
        %dma_start3A_57 = tpu.memref_squeeze %dma_start3A_56 : memref<1x250x80xi32, #tpu.memory_space<hbm>> -> memref<250x80xi32, #tpu.memory_space<hbm>>
        tpu.enqueue_dma source(%dma_start3A_57 : memref<250x80xi32, #tpu.memory_space<hbm>>) target(%arg5 : memref<250x80xi32, #tpu.memory_space<vmem>>) target_semaphore(%run_scoped3A : memref<!tpu.dma_semaphore, #tpu.memory_space<semaphore_mem>>)
        %dma_wait3A = arith.constant 0 : i32
        %dma_wait3A_58 = arith.constant 0 : i32
        %dma_wait3A_59 = tpu.memref_slice %arg2[%arg1, %dma_wait3A, %dma_wait3A_58] : memref<16x250x80xi32, #tpu.memory_space<hbm>> -> memref<1x250x80xi32, #tpu.memory_space<hbm>>
        %dma_wait3A_60 = tpu.memref_squeeze %dma_wait3A_59 : memref<1x250x80xi32, #tpu.memory_space<hbm>> -> memref<250x80xi32, #tpu.memory_space<hbm>>
        %dma_wait3A_61 = arith.constant 0 : i32
        %dma_wait3A_62 = arith.constant 0 : i32
        %dma_wait3A_63 = tpu.memref_slice %arg2[%arg1, %dma_wait3A_61, %dma_wait3A_62] : memref<16x250x80xi32, #tpu.memory_space<hbm>> -> memref<1x250x80xi32, #tpu.memory_space<hbm>>
        %dma_wait3A_64 = tpu.memref_squeeze %dma_wait3A_63 : memref<1x250x80xi32, #tpu.memory_space<hbm>> -> memref<250x80xi32, #tpu.memory_space<hbm>>
        tpu.wait_dma2 semaphore(%run_scoped3A : memref<!tpu.dma_semaphore, #tpu.memory_space<semaphore_mem>>) src(%dma_wait3A_64 : memref<250x80xi32, #tpu.memory_space<hbm>>) dst(%arg5 : memref<250x80xi32, #tpu.memory_space<vmem>>)
        tpu.yield
      }) : () -> ()
      %broadcast_in_dim3A = arith.constant 1.000000e+00 : f32
      %broadcast_in_dim3A_2 = vector.broadcast %broadcast_in_dim3A : f32 to vector<16xf32>
      %swap3A = arith.constant 0 : index
      %swap3A_3 = tpu.vector_load %arg6[%swap3A] {strides = array<i32>} : memref<80xf32, #tpu.memory_space<vmem>>, vector<16xf32>,
      tpu.vector_store %arg6[%swap3A], %broadcast_in_dim3A_2 {strides = array<i32>} : memref<80xf32, #tpu.memory_space<vmem>>, vector<16xf32>,
      %broadcast_in_dim3A_4 = arith.constant 1.000000e+00 : f32
      %broadcast_in_dim3A_5 = vector.broadcast %broadcast_in_dim3A_4 : f32 to vector<16xf32>
      %swap3A_6 = arith.constant 16 : index
      %swap3A_7 = tpu.vector_load %arg6[%swap3A_6] {strides = array<i32>} : memref<80xf32, #tpu.memory_space<vmem>>, vector<16xf32>,
      tpu.vector_store %arg6[%swap3A_6], %broadcast_in_dim3A_5 {strides = array<i32>} : memref<80xf32, #tpu.memory_space<vmem>>, vector<16xf32>,
      %broadcast_in_dim3A_8 = arith.constant 1.000000e+00 : f32
      %broadcast_in_dim3A_9 = vector.broadcast %broadcast_in_dim3A_8 : f32 to vector<16xf32>
      %swap3A_10 = arith.constant 32 : index
      %swap3A_11 = tpu.vector_load %arg6[%swap3A_10] {strides = array<i32>} : memref<80xf32, #tpu.memory_space<vmem>>, vector<16xf32>,
      tpu.vector_store %arg6[%swap3A_10], %broadcast_in_dim3A_9 {strides = array<i32>} : memref<80xf32, #tpu.memory_space<vmem>>, vector<16xf32>,
      %broadcast_in_dim3A_12 = arith.constant 1.000000e+00 : f32
      %broadcast_in_dim3A_13 = vector.broadcast %broadcast_in_dim3A_12 : f32 to vector<16xf32>
      %swap3A_14 = arith.constant 48 : index
      %swap3A_15 = tpu.vector_load %arg6[%swap3A_14] {strides = array<i32>} : memref<80xf32, #tpu.memory_space<vmem>>, vector<16xf32>,
      tpu.vector_store %arg6[%swap3A_14], %broadcast_in_dim3A_13 {strides = array<i32>} : memref<80xf32, #tpu.memory_space<vmem>>, vector<16xf32>,
      %broadcast_in_dim3A_16 = arith.constant 1.000000e+00 : f32
      %broadcast_in_dim3A_17 = vector.broadcast %broadcast_in_dim3A_16 : f32 to vector<16xf32>
      %swap3A_18 = arith.constant 64 : index
      %swap3A_19 = tpu.vector_load %arg6[%swap3A_18] {strides = array<i32>} : memref<80xf32, #tpu.memory_space<vmem>>, vector<16xf32>,
      tpu.vector_store %arg6[%swap3A_18], %broadcast_in_dim3A_17 {strides = array<i32>} : memref<80xf32, #tpu.memory_space<vmem>>, vector<16xf32>,
      %scan3A = arith.constant 0 : i32
      %scan3A_20 = arith.constant 0 : i32
      %scan3A_21 = arith.constant 40 : i32
      %scan3A_22 = arith.addi %scan3A_20, %scan3A_21 : i32
      %scan3A_23 = arith.constant 1 : i32
      scf.for %scan3A_51 = %scan3A_20 to %scan3A_22 step %scan3A_23  : i32 {
        %broadcast_in_dim3A_52 = arith.constant 0.000000e+00 : f32
        %broadcast_in_dim3A_53 = vector.broadcast %broadcast_in_dim3A_52 : f32 to vector<16xf32>
        %mul3A_54 = arith.constant 16 : i32
        %mul3A_55 = arith.muli %scan3A_51, %mul3A_54 : i32
        %swap3A_56 = arith.index_cast %mul3A_55 : i32 to index
        %swap3A_57 = tpu.vector_load %arg7[%swap3A_56] {strides = array<i32>} : memref<640xf32, #tpu.memory_space<vmem>>, vector<16xf32>,
        tpu.vector_store %arg7[%swap3A_56], %broadcast_in_dim3A_53 {strides = array<i32>} : memref<640xf32, #tpu.memory_space<vmem>>, vector<16xf32>,
      }
      %scan3A_24 = arith.constant 40 : i32
      %mul3A = arith.constant 640 : i32
      %mul3A_25 = arith.muli %arg1, %mul3A : i32
      "tpu.region"() ({
        %run_scoped3A = tpu.sem_alloc : memref<!tpu.dma_semaphore, #tpu.memory_space<semaphore_mem>>
        %dma_start3A = tpu.memref_slice %arg10[%mul3A_25] : memref<10240xf32, #tpu.memory_space<vmem_shared>> -> memref<640xf32, #tpu.memory_space<vmem_shared>>
        %dma_start3A_51 = tpu.memref_slice %arg10[%mul3A_25] : memref<10240xf32, #tpu.memory_space<vmem_shared>> -> memref<640xf32, #tpu.memory_space<vmem_shared>>
        tpu.enqueue_dma source(%arg7 : memref<640xf32, #tpu.memory_space<vmem>>) target(%dma_start3A_51 : memref<640xf32, #tpu.memory_space<vmem_shared>>) target_semaphore(%run_scoped3A : memref<!tpu.dma_semaphore, #tpu.memory_space<semaphore_mem>>)
        %dma_wait3A = tpu.memref_slice %arg10[%mul3A_25] : memref<10240xf32, #tpu.memory_space<vmem_shared>> -> memref<640xf32, #tpu.memory_space<vmem_shared>>
        %dma_wait3A_52 = tpu.memref_slice %arg10[%mul3A_25] : memref<10240xf32, #tpu.memory_space<vmem_shared>> -> memref<640xf32, #tpu.memory_space<vmem_shared>>
        tpu.wait_dma2 semaphore(%run_scoped3A : memref<!tpu.dma_semaphore, #tpu.memory_space<semaphore_mem>>) src(%arg7 : memref<640xf32, #tpu.memory_space<vmem>>) dst(%dma_wait3A_52 : memref<640xf32, #tpu.memory_space<vmem_shared>>)
        tpu.yield
      }) : () -> ()
      %barrier3A = arith.constant 0 : index
      tpu.barrier barrier_id(%barrier3A)
      %scan3A_26 = arith.constant 0 : i32
      %scan3A_27 = arith.constant 0 : i32
      %scan3A_28 = arith.constant 250 : i32
      %scan3A_29 = arith.addi %scan3A_27, %scan3A_28 : i32
      %scan3A_30 = arith.constant 1 : i32
      scf.for %scan3A_51 = %scan3A_27 to %scan3A_29 step %scan3A_30  : i32 {
        %dma_start3A = arith.constant 0 : i32
        %dma_start3A_52 = tpu.memref_slice %arg5[%scan3A_51, %dma_start3A] : memref<250x80xi32, #tpu.memory_space<vmem>> -> memref<1x80xi32, #tpu.memory_space<vmem>>
        %dma_start3A_53 = tpu.memref_squeeze %dma_start3A_52 : memref<1x80xi32, #tpu.memory_space<vmem>> -> memref<80xi32, #tpu.memory_space<vmem>>
        %dma_start3A_54 = arith.constant 0 : i32
        %dma_start3A_55 = tpu.memref_slice %arg10[%dma_start3A_54] : memref<10240xf32, #tpu.memory_space<vmem_shared>> -> memref<10240xf32, #tpu.memory_space<vmem_shared>>
        tpu.enqueue_indirect_dma source(%arg6 : memref<80xf32, #tpu.memory_space<vmem>>) target(%dma_start3A_55 : memref<10240xf32, #tpu.memory_space<vmem_shared>>) offsets(%dma_start3A_53 : memref<80xi32, #tpu.memory_space<vmem>>) semaphore(%arg11 : memref<!tpu.dma_semaphore, #tpu.memory_space<semaphore_mem>>) {add = true}
      }
      %scan3A_31 = arith.constant 250 : i32
      %scan3A_32 = arith.constant 0 : i32
      %scan3A_33 = arith.constant 0 : i32
      %scan3A_34 = arith.constant 250 : i32
      %scan3A_35 = arith.addi %scan3A_33, %scan3A_34 : i32
      %scan3A_36 = arith.constant 1 : i32
      scf.for %scan3A_51 = %scan3A_33 to %scan3A_35 step %scan3A_36  : i32 {
        %dma_wait3A = arith.constant 0 : i32
        %dma_wait3A_52 = arith.constant 0 : i32
        %dma_wait3A_53 = tpu.memref_slice %arg5[%dma_wait3A, %dma_wait3A_52] : memref<250x80xi32, #tpu.memory_space<vmem>> -> memref<1x80xi32, #tpu.memory_space<vmem>>
        %dma_wait3A_54 = tpu.memref_squeeze %dma_wait3A_53 : memref<1x80xi32, #tpu.memory_space<vmem>> -> memref<80xi32, #tpu.memory_space<vmem>>
        %dma_wait3A_55 = arith.constant 0 : i32
        %dma_wait3A_56 = tpu.memref_slice %arg10[%dma_wait3A_55] : memref<10240xf32, #tpu.memory_space<vmem_shared>> -> memref<10240xf32, #tpu.memory_space<vmem_shared>>
        tpu.wait_indirect_dma semaphore(%arg11 : memref<!tpu.dma_semaphore, #tpu.memory_space<semaphore_mem>>) src(%arg6 : memref<80xf32, #tpu.memory_space<vmem>>) dst(%dma_wait3A_56 : memref<10240xf32, #tpu.memory_space<vmem_shared>>)
      }
      %scan3A_37 = arith.constant 250 : i32
      %barrier3A_38 = arith.constant 0 : index
      tpu.barrier barrier_id(%barrier3A_38)
      %mul3A_39 = arith.constant 640 : i32
      %mul3A_40 = arith.muli %arg1, %mul3A_39 : i32
      "tpu.region"() ({
        %run_scoped3A = tpu.sem_alloc : memref<!tpu.dma_semaphore, #tpu.memory_space<semaphore_mem>>
        %dma_start3A = tpu.memref_slice %arg10[%mul3A_40] : memref<10240xf32, #tpu.memory_space<vmem_shared>> -> memref<640xf32, #tpu.memory_space<vmem_shared>>
        %dma_start3A_51 = tpu.memref_slice %arg10[%mul3A_40] : memref<10240xf32, #tpu.memory_space<vmem_shared>> -> memref<640xf32, #tpu.memory_space<vmem_shared>>
        tpu.enqueue_dma source(%dma_start3A_51 : memref<640xf32, #tpu.memory_space<vmem_shared>>) target(%arg7 : memref<640xf32, #tpu.memory_space<vmem>>) target_semaphore(%run_scoped3A : memref<!tpu.dma_semaphore, #tpu.memory_space<semaphore_mem>>)
        %dma_wait3A = tpu.memref_slice %arg10[%mul3A_40] : memref<10240xf32, #tpu.memory_space<vmem_shared>> -> memref<640xf32, #tpu.memory_space<vmem_shared>>
        %dma_wait3A_52 = tpu.memref_slice %arg10[%mul3A_40] : memref<10240xf32, #tpu.memory_space<vmem_shared>> -> memref<640xf32, #tpu.memory_space<vmem_shared>>
        tpu.wait_dma2 semaphore(%run_scoped3A : memref<!tpu.dma_semaphore, #tpu.memory_space<semaphore_mem>>) src(%dma_wait3A_52 : memref<640xf32, #tpu.memory_space<vmem_shared>>) dst(%arg7 : memref<640xf32, #tpu.memory_space<vmem>>)
        tpu.yield
      }) : () -> ()
      %scan3A_41 = arith.constant 0 : i32
      %scan3A_42 = arith.constant 0 : i32
      %scan3A_43 = arith.constant 40 : i32
      %scan3A_44 = arith.addi %scan3A_42, %scan3A_43 : i32
      %scan3A_45 = arith.constant 1 : i32
      scf.for %scan3A_51 = %scan3A_42 to %scan3A_44 step %scan3A_45  : i32 {
        %mul3A_52 = arith.constant 16 : i32
        %mul3A_53 = arith.muli %scan3A_51, %mul3A_52 : i32
        %get3A = arith.index_cast %mul3A_53 : i32 to index
        %get3A_54 = tpu.vector_load %arg7[%get3A] {strides = array<i32>} : memref<640xf32, #tpu.memory_space<vmem>>, vector<16xf32>,
        %add3A = arith.constant 1.000000e+00 : f32
        %add3A_55 = vector.broadcast %add3A : f32 to vector<16xf32>
        %add3A_56 = arith.addf %get3A_54, %add3A_55 : vector<16xf32>
        %bitcast_convert_type3A = tpu.bitcast %add3A_56 : vector<16xf32> -> vector<16xi32>
        %shift_right_logical3A = arith.constant 1 : i32
        %shift_right_logical3A_57 = vector.broadcast %shift_right_logical3A : i32 to vector<16xi32>
        %shift_right_logical3A_58 = arith.shrui %bitcast_convert_type3A, %shift_right_logical3A_57 : vector<16xi32>
        %sub3A = arith.constant 1597463007 : i32
        %sub3A_59 = vector.broadcast %sub3A : i32 to vector<16xi32>
        %sub3A_60 = arith.subi %sub3A_59, %shift_right_logical3A_58 : vector<16xi32>
        %bitcast_convert_type3A_61 = tpu.bitcast %sub3A_60 : vector<16xi32> -> vector<16xf32>
        %mul3A_62 = arith.constant 5.000000e-01 : f32
        %mul3A_63 = vector.broadcast %mul3A_62 : f32 to vector<16xf32>
        %mul3A_64 = arith.mulf %mul3A_63, %add3A_56 : vector<16xf32>
        %mul3A_65 = arith.mulf %mul3A_64, %bitcast_convert_type3A_61 : vector<16xf32>
        %mul3A_66 = arith.mulf %mul3A_65, %bitcast_convert_type3A_61 : vector<16xf32>
        %sub3A_67 = arith.constant 1.500000e+00 : f32
        %sub3A_68 = vector.broadcast %sub3A_67 : f32 to vector<16xf32>
        %sub3A_69 = arith.subf %sub3A_68, %mul3A_66 : vector<16xf32>
        %mul3A_70 = arith.mulf %bitcast_convert_type3A_61, %sub3A_69 : vector<16xf32>
        %mul3A_71 = arith.constant 5.000000e-01 : f32
        %mul3A_72 = vector.broadcast %mul3A_71 : f32 to vector<16xf32>
        %mul3A_73 = arith.mulf %mul3A_72, %add3A_56 : vector<16xf32>
        %mul3A_74 = arith.mulf %mul3A_73, %mul3A_70 : vector<16xf32>
        %mul3A_75 = arith.mulf %mul3A_74, %mul3A_70 : vector<16xf32>
        %sub3A_76 = arith.constant 1.500000e+00 : f32
        %sub3A_77 = vector.broadcast %sub3A_76 : f32 to vector<16xf32>
        %sub3A_78 = arith.subf %sub3A_77, %mul3A_75 : vector<16xf32>
        %mul3A_79 = arith.mulf %mul3A_70, %sub3A_78 : vector<16xf32>
        %mul3A_80 = arith.constant 5.000000e-01 : f32
        %mul3A_81 = vector.broadcast %mul3A_80 : f32 to vector<16xf32>
        %mul3A_82 = arith.mulf %mul3A_81, %add3A_56 : vector<16xf32>
        %mul3A_83 = arith.mulf %mul3A_82, %mul3A_79 : vector<16xf32>
        %mul3A_84 = arith.mulf %mul3A_83, %mul3A_79 : vector<16xf32>
        %sub3A_85 = arith.constant 1.500000e+00 : f32
        %sub3A_86 = vector.broadcast %sub3A_85 : f32 to vector<16xf32>
        %sub3A_87 = arith.subf %sub3A_86, %mul3A_84 : vector<16xf32>
        %mul3A_88 = arith.mulf %mul3A_79, %sub3A_87 : vector<16xf32>
        %mul3A_89 = arith.constant 16 : i32
        %mul3A_90 = arith.muli %scan3A_51, %mul3A_89 : i32
        %swap3A_91 = arith.index_cast %mul3A_90 : i32 to index
        %swap3A_92 = tpu.vector_load %arg8[%swap3A_91] {strides = array<i32>} : memref<640xf32, #tpu.memory_space<vmem>>, vector<16xf32>,
        tpu.vector_store %arg8[%swap3A_91], %mul3A_88 {strides = array<i32>} : memref<640xf32, #tpu.memory_space<vmem>>, vector<16xf32>,
        %mul3A_93 = arith.mulf %mul3A_88, %mul3A_88 : vector<16xf32>
        %mul3A_94 = arith.constant 16 : i32
        %mul3A_95 = arith.muli %scan3A_51, %mul3A_94 : i32
        %swap3A_96 = arith.index_cast %mul3A_95 : i32 to index
        %swap3A_97 = tpu.vector_load %arg9[%swap3A_96] {strides = array<i32>} : memref<640xf32, #tpu.memory_space<vmem>>, vector<16xf32>,
        tpu.vector_store %arg9[%swap3A_96], %mul3A_93 {strides = array<i32>} : memref<640xf32, #tpu.memory_space<vmem>>, vector<16xf32>,
      }
      %scan3A_46 = arith.constant 40 : i32
      %mul3A_47 = arith.constant 640 : i32
      %mul3A_48 = arith.muli %arg1, %mul3A_47 : i32
      "tpu.region"() ({
        %run_scoped3A = tpu.sem_alloc : memref<!tpu.dma_semaphore, #tpu.memory_space<semaphore_mem>>
        %dma_start3A = tpu.memref_slice %arg3[%mul3A_48] : memref<10240xf32, #tpu.memory_space<hbm>> -> memref<640xf32, #tpu.memory_space<hbm>>
        %dma_start3A_51 = tpu.memref_slice %arg3[%mul3A_48] : memref<10240xf32, #tpu.memory_space<hbm>> -> memref<640xf32, #tpu.memory_space<hbm>>
        tpu.enqueue_dma source(%arg8 : memref<640xf32, #tpu.memory_space<vmem>>) target(%dma_start3A_51 : memref<640xf32, #tpu.memory_space<hbm>>) target_semaphore(%run_scoped3A : memref<!tpu.dma_semaphore, #tpu.memory_space<semaphore_mem>>)
        %dma_wait3A = tpu.memref_slice %arg3[%mul3A_48] : memref<10240xf32, #tpu.memory_space<hbm>> -> memref<640xf32, #tpu.memory_space<hbm>>
        %dma_wait3A_52 = tpu.memref_slice %arg3[%mul3A_48] : memref<10240xf32, #tpu.memory_space<hbm>> -> memref<640xf32, #tpu.memory_space<hbm>>
        tpu.wait_dma2 semaphore(%run_scoped3A : memref<!tpu.dma_semaphore, #tpu.memory_space<semaphore_mem>>) src(%arg8 : memref<640xf32, #tpu.memory_space<vmem>>) dst(%dma_wait3A_52 : memref<640xf32, #tpu.memory_space<hbm>>)
        tpu.yield
      }) : () -> ()
      %mul3A_49 = arith.constant 640 : i32
      %mul3A_50 = arith.muli %arg1, %mul3A_49 : i32
      "tpu.region"() ({
        %run_scoped3A = tpu.sem_alloc : memref<!tpu.dma_semaphore, #tpu.memory_space<semaphore_mem>>
        %dma_start3A = tpu.memref_slice %arg4[%mul3A_50] : memref<10240xf32, #tpu.memory_space<hbm>> -> memref<640xf32, #tpu.memory_space<hbm>>
        %dma_start3A_51 = tpu.memref_slice %arg4[%mul3A_50] : memref<10240xf32, #tpu.memory_space<hbm>> -> memref<640xf32, #tpu.memory_space<hbm>>
        tpu.enqueue_dma source(%arg9 : memref<640xf32, #tpu.memory_space<vmem>>) target(%dma_start3A_51 : memref<640xf32, #tpu.memory_space<hbm>>) target_semaphore(%run_scoped3A : memref<!tpu.dma_semaphore, #tpu.memory_space<semaphore_mem>>)
        %dma_wait3A = tpu.memref_slice %arg4[%mul3A_50] : memref<10240xf32, #tpu.memory_space<hbm>> -> memref<640xf32, #tpu.memory_space<hbm>>
        %dma_wait3A_52 = tpu.memref_slice %arg4[%mul3A_50] : memref<10240xf32, #tpu.memory_space<hbm>> -> memref<640xf32, #tpu.memory_space<hbm>>
        tpu.wait_dma2 semaphore(%run_scoped3A : memref<!tpu.dma_semaphore, #tpu.memory_space<semaphore_mem>>) src(%arg9 : memref<640xf32, #tpu.memory_space<vmem>>) dst(%dma_wait3A_52 : memref<640xf32, #tpu.memory_space<hbm>>)
        tpu.yield
      }) : () -> ()
    } else {
    }
    return
  }
}

module attributes {stable_mosaic.version = 14 : i64} {
  func.func @body(%arg0: i32, %arg1: memref<1024x128xf32, #tpu.memory_space<vmem>>, %arg2: memref<128x256xf32, #tpu.memory_space<vmem>>, %arg3: memref<1024x256xbf16, #tpu.memory_space<vmem>>) attributes {dimension_semantics = [#tpu.dimension_semantics<arbitrary>], iteration_bounds = array<i64: 10>, scalar_prefetch = 0 : i64, scratch_operands = 0 : i64, tpu.core_type = #tpu.core_type<tc>, window_params = [{transform_indices = @transform_0, window_bounds = array<i64: 1024, 128>}, {pipeline_mode = #tpu.pipeline_mode<synchronous>, transform_indices = @transform_1, window_bounds = array<i64: 128, 256>}, {transform_indices = @transform_2, window_bounds = array<i64: 1024, 256>}]} {
    %get3A = arith.constant 0 : index
    %get3A_0 = arith.constant 0 : index
    %get3A_1 = vector.load %arg1[%get3A, %get3A_0] : memref<1024x128xf32, #tpu.memory_space<vmem>>, vector<1024x128xf32>
    %convert_element_type3A = arith.truncf %get3A_1 : vector<1024x128xf32> to vector<1024x128xbf16>
    %get3A_2 = arith.constant 0 : index
    %get3A_3 = arith.constant 0 : index
    %get3A_4 = vector.load %arg2[%get3A_2, %get3A_3] : memref<128x256xf32, #tpu.memory_space<vmem>>, vector<128x256xf32>
    %convert_element_type3A_5 = arith.truncf %get3A_4 : vector<128x256xf32> to vector<128x256xbf16>
    %dot_general3A = arith.constant dense<0.000000e+00> : vector<1024x256xf32>
    %dot_general3A_6 = tpu.matmul %convert_element_type3A, %convert_element_type3A_5, %dot_general3A {dimension_numbers = #tpu.dot_dimension_numbers<[1], [0], [0], [1], [0, 0, 1, 1], [], []>, transpose_lhs_hint = false} : vector<1024x128xbf16>, vector<128x256xbf16>, vector<1024x256xf32> -> vector<1024x256xf32>
    %convert_element_type3A_7 = arith.truncf %dot_general3A_6 : vector<1024x256xf32> to vector<1024x256xbf16>
    %swap3A = arith.constant 0 : index
    %swap3A_8 = arith.constant 0 : index
    %swap3A_9 = vector.load %arg3[%swap3A, %swap3A_8] : memref<1024x256xbf16, #tpu.memory_space<vmem>>, vector<1024x256xbf16>
    tpu.vector_store %arg3[%swap3A, %swap3A_8], %convert_element_type3A_7 {strides = array<i32>} : memref<1024x256xbf16, #tpu.memory_space<vmem>>, vector<1024x256xbf16>,
    return
  }
  func.func @transform_0(%arg0: i32) -> (i32, i32) {
    %c0_i32 = arith.constant 0 : i32
    %c0_i32_0 = arith.constant 0 : i32
    return %arg0, %c0_i32 : i32, i32
  }
  func.func @transform_1(%arg0: i32) -> (i32, i32) {
    %c0_i32 = arith.constant 0 : i32
    %c0_i32_0 = arith.constant 0 : i32
    %c0_i32_1 = arith.constant 0 : i32
    return %c0_i32, %c0_i32_0 : i32, i32
  }
  func.func @transform_2(%arg0: i32) -> (i32, i32) {
    %c0_i32 = arith.constant 0 : i32
    %c0_i32_0 = arith.constant 0 : i32
    return %arg0, %c0_i32 : i32, i32
  }
}

module attributes {stable_mosaic.version = 14 : i64} {
  func.func @body(%arg0: i32, %arg1: memref<1024x256xf32, #tpu.memory_space<vmem>>, %arg2: memref<256x64xf32, #tpu.memory_space<vmem>>, %arg3: memref<1024x64xbf16, #tpu.memory_space<vmem>>) attributes {dimension_semantics = [#tpu.dimension_semantics<arbitrary>], iteration_bounds = array<i64: 10>, scalar_prefetch = 0 : i64, scratch_operands = 0 : i64, tpu.core_type = #tpu.core_type<tc>, window_params = [{transform_indices = @transform_0, window_bounds = array<i64: 1024, 256>}, {pipeline_mode = #tpu.pipeline_mode<synchronous>, transform_indices = @transform_1, window_bounds = array<i64: 256, 64>}, {transform_indices = @transform_2, window_bounds = array<i64: 1024, 64>}]} {
    %get3A = arith.constant 0 : index
    %get3A_0 = arith.constant 0 : index
    %get3A_1 = vector.load %arg1[%get3A, %get3A_0] : memref<1024x256xf32, #tpu.memory_space<vmem>>, vector<1024x256xf32>
    %convert_element_type3A = arith.truncf %get3A_1 : vector<1024x256xf32> to vector<1024x256xbf16>
    %get3A_2 = arith.constant 0 : index
    %get3A_3 = arith.constant 0 : index
    %get3A_4 = vector.load %arg2[%get3A_2, %get3A_3] : memref<256x64xf32, #tpu.memory_space<vmem>>, vector<256x64xf32>
    %convert_element_type3A_5 = arith.truncf %get3A_4 : vector<256x64xf32> to vector<256x64xbf16>
    %dot_general3A = arith.constant dense<0.000000e+00> : vector<1024x64xf32>
    %dot_general3A_6 = tpu.matmul %convert_element_type3A, %convert_element_type3A_5, %dot_general3A {dimension_numbers = #tpu.dot_dimension_numbers<[1], [0], [0], [1], [0, 0, 1, 1], [], []>, transpose_lhs_hint = false} : vector<1024x256xbf16>, vector<256x64xbf16>, vector<1024x64xf32> -> vector<1024x64xf32>
    %convert_element_type3A_7 = arith.truncf %dot_general3A_6 : vector<1024x64xf32> to vector<1024x64xbf16>
    %swap3A = arith.constant 0 : index
    %swap3A_8 = arith.constant 0 : index
    %swap3A_9 = vector.load %arg3[%swap3A, %swap3A_8] : memref<1024x64xbf16, #tpu.memory_space<vmem>>, vector<1024x64xbf16>
    tpu.vector_store %arg3[%swap3A, %swap3A_8], %convert_element_type3A_7 {strides = array<i32>} : memref<1024x64xbf16, #tpu.memory_space<vmem>>, vector<1024x64xbf16>,
    return
  }
  func.func @transform_0(%arg0: i32) -> (i32, i32) {
    %c0_i32 = arith.constant 0 : i32
    %c0_i32_0 = arith.constant 0 : i32
    return %arg0, %c0_i32 : i32, i32
  }
  func.func @transform_1(%arg0: i32) -> (i32, i32) {
    %c0_i32 = arith.constant 0 : i32
    %c0_i32_0 = arith.constant 0 : i32
    %c0_i32_1 = arith.constant 0 : i32
    return %c0_i32, %c0_i32_0 : i32, i32
  }
  func.func @transform_2(%arg0: i32) -> (i32, i32) {
    %c0_i32 = arith.constant 0 : i32
    %c0_i32_0 = arith.constant 0 : i32
    return %arg0, %c0_i32 : i32, i32
  }
}

module attributes {stable_mosaic.version = 14 : i64} {
  func.func @body(%arg0: i32, %arg1: i32, %arg2: memref<1024x2048xf32, #tpu.memory_space<vmem>>, %arg3: memref<2048x256xbf16, #tpu.memory_space<vmem>>, %arg4: memref<1024x256xbf16, #tpu.memory_space<vmem>>, %arg5: memref<1024x1xf32, #tpu.memory_space<vmem>>, %arg6: memref<1x256xf32, #tpu.memory_space<vmem>>, %arg7: memref<1024x256xf32, #tpu.memory_space<vmem>>, %arg8: memref<1024x2048xbf16, #tpu.memory_space<vmem>>) attributes {dimension_semantics = [#tpu.dimension_semantics<parallel>, #tpu.dimension_semantics<arbitrary>], iteration_bounds = array<i64: 10, 5>, scalar_prefetch = 0 : i64, scratch_operands = 0 : i64, tpu.core_type = #tpu.core_type<tc>, window_params = [{transform_indices = @transform_0, window_bounds = array<i64: 1024, 2048>}, {transform_indices = @transform_1, window_bounds = array<i64: 2048, 256>}, {transform_indices = @transform_2, window_bounds = array<i64: 1024, 256>}, {transform_indices = @transform_3, window_bounds = array<i64: 1024, 1>}, {pipeline_mode = #tpu.pipeline_mode<synchronous>, transform_indices = @transform_4, window_bounds = array<i64: 1, 256>}, {transform_indices = @transform_5, window_bounds = array<i64: 1024, 256>}, {transform_indices = @transform_6, window_bounds = array<i64: 1024, 2048>}]} {
    %eq3A = arith.constant 0 : i32
    %eq3A_0 = arith.cmpi eq, %arg1, %eq3A : i32
    %convert_element_type3A = arith.extui %eq3A_0 : i1 to i32
    %cond3A = arith.constant 0 : i32
    %cond3A_1 = arith.cmpi ne, %convert_element_type3A, %cond3A : i32
    scf.if %cond3A_1 {
      %get3A_22 = arith.constant 0 : index
      %get3A_23 = arith.constant 0 : index
      %get3A_24 = vector.load %arg4[%get3A_22, %get3A_23] : memref<1024x256xbf16, #tpu.memory_space<vmem>>, vector<1024x256xbf16>
      %convert_element_type3A_25 = arith.extf %get3A_24 : vector<1024x256xbf16> to vector<1024x256xf32>
      %get3A_26 = arith.constant 0 : index
      %get3A_27 = arith.constant 0 : index
      %get3A_28 = vector.load %arg5[%get3A_26, %get3A_27] : memref<1024x1xf32, #tpu.memory_space<vmem>>, vector<1024x1xf32>
      %mul3A = vector.broadcast %get3A_28 : vector<1024x1xf32> to vector<1024x256xf32>
      %mul3A_29 = arith.mulf %convert_element_type3A_25, %mul3A : vector<1024x256xf32>
      %get3A_30 = arith.constant 0 : index
      %get3A_31 = arith.constant 0 : index
      %get3A_32 = vector.load %arg6[%get3A_30, %get3A_31] : memref<1x256xf32, #tpu.memory_space<vmem>>, vector<1x256xf32>
      %add3A_33 = vector.broadcast %get3A_32 : vector<1x256xf32> to vector<1024x256xf32>
      %add3A_34 = arith.addf %mul3A_29, %add3A_33 : vector<1024x256xf32>
      %swap3A_35 = arith.constant 0 : index
      %swap3A_36 = arith.constant 0 : index
      %swap3A_37 = vector.load %arg7[%swap3A_35, %swap3A_36] : memref<1024x256xf32, #tpu.memory_space<vmem>>, vector<1024x256xf32>
      tpu.vector_store %arg7[%swap3A_35, %swap3A_36], %add3A_34 {strides = array<i32>} : memref<1024x256xf32, #tpu.memory_space<vmem>>, vector<1024x256xf32>,
    } else {
    }
    %get3A = arith.constant 0 : index
    %get3A_2 = arith.constant 0 : index
    %get3A_3 = vector.load %arg2[%get3A, %get3A_2] : memref<1024x2048xf32, #tpu.memory_space<vmem>>, vector<1024x2048xf32>
    %convert_element_type3A_4 = arith.truncf %get3A_3 : vector<1024x2048xf32> to vector<1024x2048xbf16>
    %swap3A = arith.constant 0 : index
    %swap3A_5 = arith.constant 0 : index
    %swap3A_6 = vector.load %arg8[%swap3A, %swap3A_5] : memref<1024x2048xbf16, #tpu.memory_space<vmem>>, vector<1024x2048xbf16>
    tpu.vector_store %arg8[%swap3A, %swap3A_5], %convert_element_type3A_4 {strides = array<i32>} : memref<1024x2048xbf16, #tpu.memory_space<vmem>>, vector<1024x2048xbf16>,
    %get3A_7 = arith.constant 0 : index
    %get3A_8 = arith.constant 0 : index
    %get3A_9 = vector.load %arg7[%get3A_7, %get3A_8] : memref<1024x256xf32, #tpu.memory_space<vmem>>, vector<1024x256xf32>
    %get3A_10 = arith.constant 0 : index
    %get3A_11 = arith.constant 0 : index
    %get3A_12 = vector.load %arg3[%get3A_10, %get3A_11] : memref<2048x256xbf16, #tpu.memory_space<vmem>>, vector<2048x256xbf16>
    %dot_general3A = arith.constant dense<0.000000e+00> : vector<1024x256xf32>
    %dot_general3A_13 = tpu.matmul %convert_element_type3A_4, %get3A_12, %dot_general3A {dimension_numbers = #tpu.dot_dimension_numbers<[1], [0], [0], [1], [0, 0, 1, 1], [], []>, transpose_lhs_hint = false} : vector<1024x2048xbf16>, vector<2048x256xbf16>, vector<1024x256xf32> -> vector<1024x256xf32>
    %add3A = arith.addf %get3A_9, %dot_general3A_13 : vector<1024x256xf32>
    %swap3A_14 = arith.constant 0 : index
    %swap3A_15 = arith.constant 0 : index
    %swap3A_16 = vector.load %arg7[%swap3A_14, %swap3A_15] : memref<1024x256xf32, #tpu.memory_space<vmem>>, vector<1024x256xf32>
    tpu.vector_store %arg7[%swap3A_14, %swap3A_15], %add3A {strides = array<i32>} : memref<1024x256xf32, #tpu.memory_space<vmem>>, vector<1024x256xf32>,
    %eq3A_17 = arith.constant 4 : i32
    %eq3A_18 = arith.cmpi eq, %arg1, %eq3A_17 : i32
    %convert_element_type3A_19 = arith.extui %eq3A_18 : i1 to i32
    %cond3A_20 = arith.constant 0 : i32
    %cond3A_21 = arith.cmpi ne, %convert_element_type3A_19, %cond3A_20 : i32
    scf.if %cond3A_21 {
      %get3A_22 = arith.constant 0 : index
      %get3A_23 = arith.constant 0 : index
      %get3A_24 = vector.load %arg7[%get3A_22, %get3A_23] : memref<1024x256xf32, #tpu.memory_space<vmem>>, vector<1024x256xf32>
      %max3A = arith.constant 0.000000e+00 : f32
      %max3A_25 = vector.broadcast %max3A : f32 to vector<1024x256xf32>
      %max3A_26 = arith.maximumf %get3A_24, %max3A_25 : vector<1024x256xf32>
      %swap3A_27 = arith.constant 0 : index
      %swap3A_28 = arith.constant 0 : index
      %swap3A_29 = vector.load %arg7[%swap3A_27, %swap3A_28] : memref<1024x256xf32, #tpu.memory_space<vmem>>, vector<1024x256xf32>
      tpu.vector_store %arg7[%swap3A_27, %swap3A_28], %max3A_26 {strides = array<i32>} : memref<1024x256xf32, #tpu.memory_space<vmem>>, vector<1024x256xf32>,
    } else {
    }
    return
  }
  func.func @transform_0(%arg0: i32, %arg1: i32) -> (i32, i32) {
    %c0_i32 = arith.constant 0 : i32
    return %arg0, %arg1 : i32, i32
  }
  func.func @transform_1(%arg0: i32, %arg1: i32) -> (i32, i32) {
    %c0_i32 = arith.constant 0 : i32
    %c0_i32_0 = arith.constant 0 : i32
    return %arg1, %c0_i32 : i32, i32
  }
  func.func @transform_2(%arg0: i32, %arg1: i32) -> (i32, i32) {
    %c0_i32 = arith.constant 0 : i32
    %c0_i32_0 = arith.constant 0 : i32
    return %arg0, %c0_i32 : i32, i32
  }
  func.func @transform_3(%arg0: i32, %arg1: i32) -> (i32, i32) {
    %c0_i32 = arith.constant 0 : i32
    %c0_i32_0 = arith.constant 0 : i32
    return %arg0, %c0_i32 : i32, i32
  }
  func.func @transform_4(%arg0: i32, %arg1: i32) -> (i32, i32) {
    %c0_i32 = arith.constant 0 : i32
    %c0_i32_0 = arith.constant 0 : i32
    %c0_i32_1 = arith.constant 0 : i32
    return %c0_i32, %c0_i32_0 : i32, i32
  }
  func.func @transform_5(%arg0: i32, %arg1: i32) -> (i32, i32) {
    %c0_i32 = arith.constant 0 : i32
    %c0_i32_0 = arith.constant 0 : i32
    return %arg0, %c0_i32 : i32, i32
  }
  func.func @transform_6(%arg0: i32, %arg1: i32) -> (i32, i32) {
    %c0_i32 = arith.constant 0 : i32
    return %arg0, %arg1 : i32, i32
  }
}

module attributes {stable_mosaic.version = 14 : i64} {
  func.func @body(%arg0: i32, %arg1: i32, %arg2: memref<1024x2048xbf16, #tpu.memory_space<vmem>>, %arg3: memref<2048x64xbf16, #tpu.memory_space<vmem>>, %arg4: memref<1024x64xbf16, #tpu.memory_space<vmem>>, %arg5: memref<1024x1xf32, #tpu.memory_space<vmem>>, %arg6: memref<1x64xf32, #tpu.memory_space<vmem>>, %arg7: memref<1024x64xf32, #tpu.memory_space<vmem>>) attributes {dimension_semantics = [#tpu.dimension_semantics<parallel>, #tpu.dimension_semantics<arbitrary>], iteration_bounds = array<i64: 10, 5>, scalar_prefetch = 0 : i64, scratch_operands = 0 : i64, tpu.core_type = #tpu.core_type<tc>, window_params = [{transform_indices = @transform_0, window_bounds = array<i64: 1024, 2048>}, {transform_indices = @transform_1, window_bounds = array<i64: 2048, 64>}, {transform_indices = @transform_2, window_bounds = array<i64: 1024, 64>}, {transform_indices = @transform_3, window_bounds = array<i64: 1024, 1>}, {pipeline_mode = #tpu.pipeline_mode<synchronous>, transform_indices = @transform_4, window_bounds = array<i64: 1, 64>}, {transform_indices = @transform_5, window_bounds = array<i64: 1024, 64>}]} {
    %eq3A = arith.constant 0 : i32
    %eq3A_0 = arith.cmpi eq, %arg1, %eq3A : i32
    %convert_element_type3A = arith.extui %eq3A_0 : i1 to i32
    %cond3A = arith.constant 0 : i32
    %cond3A_1 = arith.cmpi ne, %convert_element_type3A, %cond3A : i32
    scf.if %cond3A_1 {
      %get3A_13 = arith.constant 0 : index
      %get3A_14 = arith.constant 0 : index
      %get3A_15 = vector.load %arg4[%get3A_13, %get3A_14] : memref<1024x64xbf16, #tpu.memory_space<vmem>>, vector<1024x64xbf16>
      %convert_element_type3A_16 = arith.extf %get3A_15 : vector<1024x64xbf16> to vector<1024x64xf32>
      %get3A_17 = arith.constant 0 : index
      %get3A_18 = arith.constant 0 : index
      %get3A_19 = vector.load %arg5[%get3A_17, %get3A_18] : memref<1024x1xf32, #tpu.memory_space<vmem>>, vector<1024x1xf32>
      %mul3A = vector.broadcast %get3A_19 : vector<1024x1xf32> to vector<1024x64xf32>
      %mul3A_20 = arith.mulf %convert_element_type3A_16, %mul3A : vector<1024x64xf32>
      %get3A_21 = arith.constant 0 : index
      %get3A_22 = arith.constant 0 : index
      %get3A_23 = vector.load %arg6[%get3A_21, %get3A_22] : memref<1x64xf32, #tpu.memory_space<vmem>>, vector<1x64xf32>
      %add3A_24 = vector.broadcast %get3A_23 : vector<1x64xf32> to vector<1024x64xf32>
      %add3A_25 = arith.addf %mul3A_20, %add3A_24 : vector<1024x64xf32>
      %swap3A_26 = arith.constant 0 : index
      %swap3A_27 = arith.constant 0 : index
      %swap3A_28 = vector.load %arg7[%swap3A_26, %swap3A_27] : memref<1024x64xf32, #tpu.memory_space<vmem>>, vector<1024x64xf32>
      tpu.vector_store %arg7[%swap3A_26, %swap3A_27], %add3A_25 {strides = array<i32>} : memref<1024x64xf32, #tpu.memory_space<vmem>>, vector<1024x64xf32>,
    } else {
    }
    %get3A = arith.constant 0 : index
    %get3A_2 = arith.constant 0 : index
    %get3A_3 = vector.load %arg7[%get3A, %get3A_2] : memref<1024x64xf32, #tpu.memory_space<vmem>>, vector<1024x64xf32>
    %get3A_4 = arith.constant 0 : index
    %get3A_5 = arith.constant 0 : index
    %get3A_6 = vector.load %arg2[%get3A_4, %get3A_5] : memref<1024x2048xbf16, #tpu.memory_space<vmem>>, vector<1024x2048xbf16>
    %get3A_7 = arith.constant 0 : index
    %get3A_8 = arith.constant 0 : index
    %get3A_9 = vector.load %arg3[%get3A_7, %get3A_8] : memref<2048x64xbf16, #tpu.memory_space<vmem>>, vector<2048x64xbf16>
    %dot_general3A = arith.constant dense<0.000000e+00> : vector<1024x64xf32>
    %dot_general3A_10 = tpu.matmul %get3A_6, %get3A_9, %dot_general3A {dimension_numbers = #tpu.dot_dimension_numbers<[1], [0], [0], [1], [0, 0, 1, 1], [], []>, transpose_lhs_hint = false} : vector<1024x2048xbf16>, vector<2048x64xbf16>, vector<1024x64xf32> -> vector<1024x64xf32>
    %add3A = arith.addf %get3A_3, %dot_general3A_10 : vector<1024x64xf32>
    %swap3A = arith.constant 0 : index
    %swap3A_11 = arith.constant 0 : index
    %swap3A_12 = vector.load %arg7[%swap3A, %swap3A_11] : memref<1024x64xf32, #tpu.memory_space<vmem>>, vector<1024x64xf32>
    tpu.vector_store %arg7[%swap3A, %swap3A_11], %add3A {strides = array<i32>} : memref<1024x64xf32, #tpu.memory_space<vmem>>, vector<1024x64xf32>,
    return
  }
  func.func @transform_0(%arg0: i32, %arg1: i32) -> (i32, i32) {
    %c0_i32 = arith.constant 0 : i32
    return %arg0, %arg1 : i32, i32
  }
  func.func @transform_1(%arg0: i32, %arg1: i32) -> (i32, i32) {
    %c0_i32 = arith.constant 0 : i32
    %c0_i32_0 = arith.constant 0 : i32
    return %arg1, %c0_i32 : i32, i32
  }
  func.func @transform_2(%arg0: i32, %arg1: i32) -> (i32, i32) {
    %c0_i32 = arith.constant 0 : i32
    %c0_i32_0 = arith.constant 0 : i32
    return %arg0, %c0_i32 : i32, i32
  }
  func.func @transform_3(%arg0: i32, %arg1: i32) -> (i32, i32) {
    %c0_i32 = arith.constant 0 : i32
    %c0_i32_0 = arith.constant 0 : i32
    return %arg0, %c0_i32 : i32, i32
  }
  func.func @transform_4(%arg0: i32, %arg1: i32) -> (i32, i32) {
    %c0_i32 = arith.constant 0 : i32
    %c0_i32_0 = arith.constant 0 : i32
    %c0_i32_1 = arith.constant 0 : i32
    return %c0_i32, %c0_i32_0 : i32, i32
  }
  func.func @transform_5(%arg0: i32, %arg1: i32) -> (i32, i32) {
    %c0_i32 = arith.constant 0 : i32
    %c0_i32_0 = arith.constant 0 : i32
    return %arg0, %c0_i32 : i32, i32
  }
}

module attributes {stable_mosaic.version = 14 : i64} {
  func.func @body(%arg0: i32, %arg1: memref<1024x64xf32, #tpu.memory_space<vmem>>, %arg2: memref<64x256xf32, #tpu.memory_space<vmem>>, %arg3: memref<1024x256xbf16, #tpu.memory_space<vmem>>) attributes {dimension_semantics = [#tpu.dimension_semantics<arbitrary>], iteration_bounds = array<i64: 10>, scalar_prefetch = 0 : i64, scratch_operands = 0 : i64, tpu.core_type = #tpu.core_type<tc>, window_params = [{transform_indices = @transform_0, window_bounds = array<i64: 1024, 64>}, {pipeline_mode = #tpu.pipeline_mode<synchronous>, transform_indices = @transform_1, window_bounds = array<i64: 64, 256>}, {transform_indices = @transform_2, window_bounds = array<i64: 1024, 256>}]} {
    %get3A = arith.constant 0 : index
    %get3A_0 = arith.constant 0 : index
    %get3A_1 = vector.load %arg1[%get3A, %get3A_0] : memref<1024x64xf32, #tpu.memory_space<vmem>>, vector<1024x64xf32>
    %convert_element_type3A = arith.truncf %get3A_1 : vector<1024x64xf32> to vector<1024x64xbf16>
    %get3A_2 = arith.constant 0 : index
    %get3A_3 = arith.constant 0 : index
    %get3A_4 = vector.load %arg2[%get3A_2, %get3A_3] : memref<64x256xf32, #tpu.memory_space<vmem>>, vector<64x256xf32>
    %convert_element_type3A_5 = arith.truncf %get3A_4 : vector<64x256xf32> to vector<64x256xbf16>
    %dot_general3A = arith.constant dense<0.000000e+00> : vector<1024x256xf32>
    %dot_general3A_6 = tpu.matmul %convert_element_type3A, %convert_element_type3A_5, %dot_general3A {dimension_numbers = #tpu.dot_dimension_numbers<[1], [0], [0], [1], [0, 0, 1, 1], [], []>, transpose_lhs_hint = false} : vector<1024x64xbf16>, vector<64x256xbf16>, vector<1024x256xf32> -> vector<1024x256xf32>
    %convert_element_type3A_7 = arith.truncf %dot_general3A_6 : vector<1024x256xf32> to vector<1024x256xbf16>
    %swap3A = arith.constant 0 : index
    %swap3A_8 = arith.constant 0 : index
    %swap3A_9 = vector.load %arg3[%swap3A, %swap3A_8] : memref<1024x256xbf16, #tpu.memory_space<vmem>>, vector<1024x256xbf16>
    tpu.vector_store %arg3[%swap3A, %swap3A_8], %convert_element_type3A_7 {strides = array<i32>} : memref<1024x256xbf16, #tpu.memory_space<vmem>>, vector<1024x256xbf16>,
    return
  }
  func.func @transform_0(%arg0: i32) -> (i32, i32) {
    %c0_i32 = arith.constant 0 : i32
    %c0_i32_0 = arith.constant 0 : i32
    return %arg0, %c0_i32 : i32, i32
  }
  func.func @transform_1(%arg0: i32) -> (i32, i32) {
    %c0_i32 = arith.constant 0 : i32
    %c0_i32_0 = arith.constant 0 : i32
    %c0_i32_1 = arith.constant 0 : i32
    return %c0_i32, %c0_i32_0 : i32, i32
  }
  func.func @transform_2(%arg0: i32) -> (i32, i32) {
    %c0_i32 = arith.constant 0 : i32
    %c0_i32_0 = arith.constant 0 : i32
    return %arg0, %c0_i32 : i32, i32
  }
}

module attributes {stable_mosaic.version = 14 : i64} {
  func.func @body(%arg0: i32, %arg1: i32, %arg2: memref<1024x2048xbf16, #tpu.memory_space<vmem>>, %arg3: memref<2048x256xbf16, #tpu.memory_space<vmem>>, %arg4: memref<1024x256xbf16, #tpu.memory_space<vmem>>, %arg5: memref<1024x1xf32, #tpu.memory_space<vmem>>, %arg6: memref<1x256xf32, #tpu.memory_space<vmem>>, %arg7: memref<1024x256xf32, #tpu.memory_space<vmem>>) attributes {dimension_semantics = [#tpu.dimension_semantics<parallel>, #tpu.dimension_semantics<arbitrary>], iteration_bounds = array<i64: 10, 5>, scalar_prefetch = 0 : i64, scratch_operands = 0 : i64, tpu.core_type = #tpu.core_type<tc>, window_params = [{transform_indices = @transform_0, window_bounds = array<i64: 1024, 2048>}, {transform_indices = @transform_1, window_bounds = array<i64: 2048, 256>}, {transform_indices = @transform_2, window_bounds = array<i64: 1024, 256>}, {transform_indices = @transform_3, window_bounds = array<i64: 1024, 1>}, {pipeline_mode = #tpu.pipeline_mode<synchronous>, transform_indices = @transform_4, window_bounds = array<i64: 1, 256>}, {transform_indices = @transform_5, window_bounds = array<i64: 1024, 256>}]} {
    %eq3A = arith.constant 0 : i32
    %eq3A_0 = arith.cmpi eq, %arg1, %eq3A : i32
    %convert_element_type3A = arith.extui %eq3A_0 : i1 to i32
    %cond3A = arith.constant 0 : i32
    %cond3A_1 = arith.cmpi ne, %convert_element_type3A, %cond3A : i32
    scf.if %cond3A_1 {
      %get3A_18 = arith.constant 0 : index
      %get3A_19 = arith.constant 0 : index
      %get3A_20 = vector.load %arg4[%get3A_18, %get3A_19] : memref<1024x256xbf16, #tpu.memory_space<vmem>>, vector<1024x256xbf16>
      %convert_element_type3A_21 = arith.extf %get3A_20 : vector<1024x256xbf16> to vector<1024x256xf32>
      %get3A_22 = arith.constant 0 : index
      %get3A_23 = arith.constant 0 : index
      %get3A_24 = vector.load %arg5[%get3A_22, %get3A_23] : memref<1024x1xf32, #tpu.memory_space<vmem>>, vector<1024x1xf32>
      %mul3A = vector.broadcast %get3A_24 : vector<1024x1xf32> to vector<1024x256xf32>
      %mul3A_25 = arith.mulf %convert_element_type3A_21, %mul3A : vector<1024x256xf32>
      %get3A_26 = arith.constant 0 : index
      %get3A_27 = arith.constant 0 : index
      %get3A_28 = vector.load %arg6[%get3A_26, %get3A_27] : memref<1x256xf32, #tpu.memory_space<vmem>>, vector<1x256xf32>
      %add3A_29 = vector.broadcast %get3A_28 : vector<1x256xf32> to vector<1024x256xf32>
      %add3A_30 = arith.addf %mul3A_25, %add3A_29 : vector<1024x256xf32>
      %swap3A_31 = arith.constant 0 : index
      %swap3A_32 = arith.constant 0 : index
      %swap3A_33 = vector.load %arg7[%swap3A_31, %swap3A_32] : memref<1024x256xf32, #tpu.memory_space<vmem>>, vector<1024x256xf32>
      tpu.vector_store %arg7[%swap3A_31, %swap3A_32], %add3A_30 {strides = array<i32>} : memref<1024x256xf32, #tpu.memory_space<vmem>>, vector<1024x256xf32>,
    } else {
    }
    %get3A = arith.constant 0 : index
    %get3A_2 = arith.constant 0 : index
    %get3A_3 = vector.load %arg7[%get3A, %get3A_2] : memref<1024x256xf32, #tpu.memory_space<vmem>>, vector<1024x256xf32>
    %get3A_4 = arith.constant 0 : index
    %get3A_5 = arith.constant 0 : index
    %get3A_6 = vector.load %arg2[%get3A_4, %get3A_5] : memref<1024x2048xbf16, #tpu.memory_space<vmem>>, vector<1024x2048xbf16>
    %get3A_7 = arith.constant 0 : index
    %get3A_8 = arith.constant 0 : index
    %get3A_9 = vector.load %arg3[%get3A_7, %get3A_8] : memref<2048x256xbf16, #tpu.memory_space<vmem>>, vector<2048x256xbf16>
    %dot_general3A = arith.constant dense<0.000000e+00> : vector<1024x256xf32>
    %dot_general3A_10 = tpu.matmul %get3A_6, %get3A_9, %dot_general3A {dimension_numbers = #tpu.dot_dimension_numbers<[1], [0], [0], [1], [0, 0, 1, 1], [], []>, transpose_lhs_hint = false} : vector<1024x2048xbf16>, vector<2048x256xbf16>, vector<1024x256xf32> -> vector<1024x256xf32>
    %add3A = arith.addf %get3A_3, %dot_general3A_10 : vector<1024x256xf32>
    %swap3A = arith.constant 0 : index
    %swap3A_11 = arith.constant 0 : index
    %swap3A_12 = vector.load %arg7[%swap3A, %swap3A_11] : memref<1024x256xf32, #tpu.memory_space<vmem>>, vector<1024x256xf32>
    tpu.vector_store %arg7[%swap3A, %swap3A_11], %add3A {strides = array<i32>} : memref<1024x256xf32, #tpu.memory_space<vmem>>, vector<1024x256xf32>,
    %eq3A_13 = arith.constant 4 : i32
    %eq3A_14 = arith.cmpi eq, %arg1, %eq3A_13 : i32
    %convert_element_type3A_15 = arith.extui %eq3A_14 : i1 to i32
    %cond3A_16 = arith.constant 0 : i32
    %cond3A_17 = arith.cmpi ne, %convert_element_type3A_15, %cond3A_16 : i32
    scf.if %cond3A_17 {
      %get3A_18 = arith.constant 0 : index
      %get3A_19 = arith.constant 0 : index
      %get3A_20 = vector.load %arg7[%get3A_18, %get3A_19] : memref<1024x256xf32, #tpu.memory_space<vmem>>, vector<1024x256xf32>
      %max3A = arith.constant 0.000000e+00 : f32
      %max3A_21 = vector.broadcast %max3A : f32 to vector<1024x256xf32>
      %max3A_22 = arith.maximumf %get3A_20, %max3A_21 : vector<1024x256xf32>
      %swap3A_23 = arith.constant 0 : index
      %swap3A_24 = arith.constant 0 : index
      %swap3A_25 = vector.load %arg7[%swap3A_23, %swap3A_24] : memref<1024x256xf32, #tpu.memory_space<vmem>>, vector<1024x256xf32>
      tpu.vector_store %arg7[%swap3A_23, %swap3A_24], %max3A_22 {strides = array<i32>} : memref<1024x256xf32, #tpu.memory_space<vmem>>, vector<1024x256xf32>,
    } else {
    }
    return
  }
  func.func @transform_0(%arg0: i32, %arg1: i32) -> (i32, i32) {
    %c0_i32 = arith.constant 0 : i32
    return %arg0, %arg1 : i32, i32
  }
  func.func @transform_1(%arg0: i32, %arg1: i32) -> (i32, i32) {
    %c0_i32 = arith.constant 0 : i32
    %c0_i32_0 = arith.constant 0 : i32
    return %arg1, %c0_i32 : i32, i32
  }
  func.func @transform_2(%arg0: i32, %arg1: i32) -> (i32, i32) {
    %c0_i32 = arith.constant 0 : i32
    %c0_i32_0 = arith.constant 0 : i32
    return %arg0, %c0_i32 : i32, i32
  }
  func.func @transform_3(%arg0: i32, %arg1: i32) -> (i32, i32) {
    %c0_i32 = arith.constant 0 : i32
    %c0_i32_0 = arith.constant 0 : i32
    return %arg0, %c0_i32 : i32, i32
  }
  func.func @transform_4(%arg0: i32, %arg1: i32) -> (i32, i32) {
    %c0_i32 = arith.constant 0 : i32
    %c0_i32_0 = arith.constant 0 : i32
    %c0_i32_1 = arith.constant 0 : i32
    return %c0_i32, %c0_i32_0 : i32, i32
  }
  func.func @transform_5(%arg0: i32, %arg1: i32) -> (i32, i32) {
    %c0_i32 = arith.constant 0 : i32
    %c0_i32_0 = arith.constant 0 : i32
    return %arg0, %c0_i32 : i32, i32
  }
}

module attributes {stable_mosaic.version = 14 : i64} {
  func.func @body(%arg0: i32, %arg1: memref<1024x256xf32, #tpu.memory_space<vmem>>, %arg2: memref<256x128xf32, #tpu.memory_space<vmem>>, %arg3: memref<1024x128xbf16, #tpu.memory_space<vmem>>) attributes {dimension_semantics = [#tpu.dimension_semantics<arbitrary>], iteration_bounds = array<i64: 10>, scalar_prefetch = 0 : i64, scratch_operands = 0 : i64, tpu.core_type = #tpu.core_type<tc>, window_params = [{transform_indices = @transform_0, window_bounds = array<i64: 1024, 256>}, {pipeline_mode = #tpu.pipeline_mode<synchronous>, transform_indices = @transform_1, window_bounds = array<i64: 256, 128>}, {transform_indices = @transform_2, window_bounds = array<i64: 1024, 128>}]} {
    %get3A = arith.constant 0 : index
    %get3A_0 = arith.constant 0 : index
    %get3A_1 = vector.load %arg1[%get3A, %get3A_0] : memref<1024x256xf32, #tpu.memory_space<vmem>>, vector<1024x256xf32>
    %convert_element_type3A = arith.truncf %get3A_1 : vector<1024x256xf32> to vector<1024x256xbf16>
    %get3A_2 = arith.constant 0 : index
    %get3A_3 = arith.constant 0 : index
    %get3A_4 = vector.load %arg2[%get3A_2, %get3A_3] : memref<256x128xf32, #tpu.memory_space<vmem>>, vector<256x128xf32>
    %convert_element_type3A_5 = arith.truncf %get3A_4 : vector<256x128xf32> to vector<256x128xbf16>
    %dot_general3A = arith.constant dense<0.000000e+00> : vector<1024x128xf32>
    %dot_general3A_6 = tpu.matmul %convert_element_type3A, %convert_element_type3A_5, %dot_general3A {dimension_numbers = #tpu.dot_dimension_numbers<[1], [0], [0], [1], [0, 0, 1, 1], [], []>, transpose_lhs_hint = false} : vector<1024x256xbf16>, vector<256x128xbf16>, vector<1024x128xf32> -> vector<1024x128xf32>
    %convert_element_type3A_7 = arith.truncf %dot_general3A_6 : vector<1024x128xf32> to vector<1024x128xbf16>
    %swap3A = arith.constant 0 : index
    %swap3A_8 = arith.constant 0 : index
    %swap3A_9 = vector.load %arg3[%swap3A, %swap3A_8] : memref<1024x128xbf16, #tpu.memory_space<vmem>>, vector<1024x128xbf16>
    tpu.vector_store %arg3[%swap3A, %swap3A_8], %convert_element_type3A_7 {strides = array<i32>} : memref<1024x128xbf16, #tpu.memory_space<vmem>>, vector<1024x128xbf16>,
    return
  }
  func.func @transform_0(%arg0: i32) -> (i32, i32) {
    %c0_i32 = arith.constant 0 : i32
    %c0_i32_0 = arith.constant 0 : i32
    return %arg0, %c0_i32 : i32, i32
  }
  func.func @transform_1(%arg0: i32) -> (i32, i32) {
    %c0_i32 = arith.constant 0 : i32
    %c0_i32_0 = arith.constant 0 : i32
    %c0_i32_1 = arith.constant 0 : i32
    return %c0_i32, %c0_i32_0 : i32, i32
  }
  func.func @transform_2(%arg0: i32) -> (i32, i32) {
    %c0_i32 = arith.constant 0 : i32
    %c0_i32_0 = arith.constant 0 : i32
    return %arg0, %c0_i32 : i32, i32
  }
}

module attributes {stable_mosaic.version = 14 : i64} {
  func.func @body(%arg0: i32, %arg1: i32, %arg2: memref<1024x2048xbf16, #tpu.memory_space<vmem>>, %arg3: memref<2048x128xbf16, #tpu.memory_space<vmem>>, %arg4: memref<1024x128xbf16, #tpu.memory_space<vmem>>, %arg5: memref<1024x1xf32, #tpu.memory_space<vmem>>, %arg6: memref<1x128xf32, #tpu.memory_space<vmem>>, %arg7: memref<1024x128xf32, #tpu.memory_space<vmem>>) attributes {dimension_semantics = [#tpu.dimension_semantics<parallel>, #tpu.dimension_semantics<arbitrary>], iteration_bounds = array<i64: 10, 5>, scalar_prefetch = 0 : i64, scratch_operands = 0 : i64, tpu.core_type = #tpu.core_type<tc>, window_params = [{transform_indices = @transform_0, window_bounds = array<i64: 1024, 2048>}, {transform_indices = @transform_1, window_bounds = array<i64: 2048, 128>}, {transform_indices = @transform_2, window_bounds = array<i64: 1024, 128>}, {transform_indices = @transform_3, window_bounds = array<i64: 1024, 1>}, {pipeline_mode = #tpu.pipeline_mode<synchronous>, transform_indices = @transform_4, window_bounds = array<i64: 1, 128>}, {transform_indices = @transform_5, window_bounds = array<i64: 1024, 128>}]} {
    %eq3A = arith.constant 0 : i32
    %eq3A_0 = arith.cmpi eq, %arg1, %eq3A : i32
    %convert_element_type3A = arith.extui %eq3A_0 : i1 to i32
    %cond3A = arith.constant 0 : i32
    %cond3A_1 = arith.cmpi ne, %convert_element_type3A, %cond3A : i32
    scf.if %cond3A_1 {
      %get3A_13 = arith.constant 0 : index
      %get3A_14 = arith.constant 0 : index
      %get3A_15 = vector.load %arg4[%get3A_13, %get3A_14] : memref<1024x128xbf16, #tpu.memory_space<vmem>>, vector<1024x128xbf16>
      %convert_element_type3A_16 = arith.extf %get3A_15 : vector<1024x128xbf16> to vector<1024x128xf32>
      %get3A_17 = arith.constant 0 : index
      %get3A_18 = arith.constant 0 : index
      %get3A_19 = vector.load %arg5[%get3A_17, %get3A_18] : memref<1024x1xf32, #tpu.memory_space<vmem>>, vector<1024x1xf32>
      %mul3A = vector.broadcast %get3A_19 : vector<1024x1xf32> to vector<1024x128xf32>
      %mul3A_20 = arith.mulf %convert_element_type3A_16, %mul3A : vector<1024x128xf32>
      %get3A_21 = arith.constant 0 : index
      %get3A_22 = arith.constant 0 : index
      %get3A_23 = vector.load %arg6[%get3A_21, %get3A_22] : memref<1x128xf32, #tpu.memory_space<vmem>>, vector<1x128xf32>
      %add3A_24 = vector.broadcast %get3A_23 : vector<1x128xf32> to vector<1024x128xf32>
      %add3A_25 = arith.addf %mul3A_20, %add3A_24 : vector<1024x128xf32>
      %swap3A_26 = arith.constant 0 : index
      %swap3A_27 = arith.constant 0 : index
      %swap3A_28 = vector.load %arg7[%swap3A_26, %swap3A_27] : memref<1024x128xf32, #tpu.memory_space<vmem>>, vector<1024x128xf32>
      tpu.vector_store %arg7[%swap3A_26, %swap3A_27], %add3A_25 {strides = array<i32>} : memref<1024x128xf32, #tpu.memory_space<vmem>>, vector<1024x128xf32>,
    } else {
    }
    %get3A = arith.constant 0 : index
    %get3A_2 = arith.constant 0 : index
    %get3A_3 = vector.load %arg7[%get3A, %get3A_2] : memref<1024x128xf32, #tpu.memory_space<vmem>>, vector<1024x128xf32>
    %get3A_4 = arith.constant 0 : index
    %get3A_5 = arith.constant 0 : index
    %get3A_6 = vector.load %arg2[%get3A_4, %get3A_5] : memref<1024x2048xbf16, #tpu.memory_space<vmem>>, vector<1024x2048xbf16>
    %get3A_7 = arith.constant 0 : index
    %get3A_8 = arith.constant 0 : index
    %get3A_9 = vector.load %arg3[%get3A_7, %get3A_8] : memref<2048x128xbf16, #tpu.memory_space<vmem>>, vector<2048x128xbf16>
    %dot_general3A = arith.constant dense<0.000000e+00> : vector<1024x128xf32>
    %dot_general3A_10 = tpu.matmul %get3A_6, %get3A_9, %dot_general3A {dimension_numbers = #tpu.dot_dimension_numbers<[1], [0], [0], [1], [0, 0, 1, 1], [], []>, transpose_lhs_hint = false} : vector<1024x2048xbf16>, vector<2048x128xbf16>, vector<1024x128xf32> -> vector<1024x128xf32>
    %add3A = arith.addf %get3A_3, %dot_general3A_10 : vector<1024x128xf32>
    %swap3A = arith.constant 0 : index
    %swap3A_11 = arith.constant 0 : index
    %swap3A_12 = vector.load %arg7[%swap3A, %swap3A_11] : memref<1024x128xf32, #tpu.memory_space<vmem>>, vector<1024x128xf32>
    tpu.vector_store %arg7[%swap3A, %swap3A_11], %add3A {strides = array<i32>} : memref<1024x128xf32, #tpu.memory_space<vmem>>, vector<1024x128xf32>,
    return
  }
  func.func @transform_0(%arg0: i32, %arg1: i32) -> (i32, i32) {
    %c0_i32 = arith.constant 0 : i32
    return %arg0, %arg1 : i32, i32
  }
  func.func @transform_1(%arg0: i32, %arg1: i32) -> (i32, i32) {
    %c0_i32 = arith.constant 0 : i32
    %c0_i32_0 = arith.constant 0 : i32
    return %arg1, %c0_i32 : i32, i32
  }
  func.func @transform_2(%arg0: i32, %arg1: i32) -> (i32, i32) {
    %c0_i32 = arith.constant 0 : i32
    %c0_i32_0 = arith.constant 0 : i32
    return %arg0, %c0_i32 : i32, i32
  }
  func.func @transform_3(%arg0: i32, %arg1: i32) -> (i32, i32) {
    %c0_i32 = arith.constant 0 : i32
    %c0_i32_0 = arith.constant 0 : i32
    return %arg0, %c0_i32 : i32, i32
  }
  func.func @transform_4(%arg0: i32, %arg1: i32) -> (i32, i32) {
    %c0_i32 = arith.constant 0 : i32
    %c0_i32_0 = arith.constant 0 : i32
    %c0_i32_1 = arith.constant 0 : i32
    return %c0_i32, %c0_i32_0 : i32, i32
  }
  func.func @transform_5(%arg0: i32, %arg1: i32) -> (i32, i32) {
    %c0_i32 = arith.constant 0 : i32
    %c0_i32_0 = arith.constant 0 : i32
    return %arg0, %c0_i32 : i32, i32
  }
}

</mosaic_0001>

<sc_bundles>
// kernel: kernel.12.cloned.1.call-start
scs
__scs_entry_jumppad:
0x0: {  	(pc) =	sbr.rel $0x88, $3  }
0x1: {  	(tag) =	ssettag $0x0;
	lr =	simm.s32 $0x1  }
0x2: {  	[smem:$0x3F97] =	sst lr;
	_ =	strace $0xD0000000  }
0x3: {  	_ = 	snop  }
0x4: {  	_ = 	snop  }
0x5: {  	_ = 	snop  }
0x6: {  	_ = 	snop  }
0x7: {  	_ = 	snop  }
__scs_overlays_trampoline_lowered:
0x8: {  	[smem:$0x3FA6] =	sst s0  }
0x9: {  	[smem:$0x3FA7] =	sst s1  }
0xa: {  	[smem:$0x3FA8] =	sst s2  }
0xb: {  	[smem:$0x3FA9] =	sst s3  }
0xc: {  	[smem:$0x3FAA] =	sst s4  }
0xd: {  	[smem:$0x3FAB] =	sst s5  }
0xe: {  	[smem:$0x3FAC] =	sst s6  }
0xf: {  	[smem:$0x3FAD] =	sst s7  }
0x10: {  	[smem:$0x3FAE] =	sst s8  }
0x11: {  	[smem:$0x3FAF] =	sst s9;
	s0 =	simm.s32 @!p0 $0x0  }
0x12: {  	s1 =	sld [smem:$0x3F95];
	s0 =	simm.s32 @p0 $0x1  }
0x13: {  	[smem:$0x3FB0] =	sst s0;
	s0 =	simm.s32 @!p1 $0x0  }
0x14: {  	s2 =	sld [smem:$0x3F94];
	s0 =	simm.s32 @p1 $0x1  }
0x15: {  	[smem:$0x3FB1] =	sst s0;
	s0 =	simm.s32 @!p2 $0x0  }
0x16: {  	s3 =	sld [smem:$0x3FDB];
	s0 =	simm.s32 @p2 $0x1  }
0x17: {  	s4 =	simm.s32 $0x1BF5;
	[smem:$0x3FB3] =	sst s0  }
0x18: {  	s0 =	sld [smem:$0x3F96];
	_ =	swait.ge [sflag:s4], $0x0  }
0x19: {  	s7 =	sld [smem:$0x3F97]  }
0x1a: {  	s8 =	sadd.s32 $0xFFFFE003, lr  }
0x1b: {  	s9 =	sadd.s32 $0xFFFFFEF7, lr;
	s5 =	simm.s32 $0xFFFFFFFF;
	p2 =	slt.u32 s8, $0xFFFFF086  }
0x1c: {  	p1 =	slt.u32 s9, $0xF7A;
	s5 =	simm.s32 @!p2 $0x0  }
0x1d: {  	s5 =	simm.s32 @p1 $0x1;
	p0 =	seq.s32 s7, s2  }
0x1e: {  	s7 =	smul.u32 @!p0 $0xF7A, s2;
	p2 =	seq.s32 @!p0 s5, $0x0  }
0x1f: {  	s9 =	smul.u32 $0xF7A, s1;
	s8 =	simm.s32 @!p0 $0x1BF5;
	p2 =	por !p2, p0  }
0x20: {  	[sflag:s8] =	ssyncset.s32 @!p0 $0xFFFFF086;
	s6 =	sadd.s32 @!p0 s3, s7;
	s7 =	simm.s32 @!p0 $0x108  }
0x21: {  	s3 =	sadd.s32 s3, s9;
	s6 =	sadd.s32 @!p0 $0x88, s6;
	s7 =	simm.s32 @p2 $0x1082  }
0x22: {  	[simem:s7], [sflag:s8] =	dma.local @!p0 [hbm:s6], $0xF7A  }
0x23: {  	s9 =	sor.u32 $0xD0000000, s2;
	s6 =	simm.s32 $0x108;
	_ =	swait.ge @!p0 [sflag:s8], $0x0  }
0x24: {  	s3 =	sadd.s32 $0x88, s3;
	s6 =	simm.s32 @!p1 $0x1082;
	[sflag:s4] =	ssyncset.s32 $0xFFFFF086  }
0x25: {  	[simem:s6], [sflag:s4] =	dma.local [hbm:s3], $0xF7A  }
0x26: {  	[smem:$0x3F97] =	sst s1;
	(tag) =	ssettag s2;
	_ =	strace s9  }
0x27: {  	s1 =	sld [smem:$0x3FA7]  }
0x28: {  	s2 =	sld [smem:$0x3FA8]  }
0x29: {  	s4 =	sld [smem:$0x3FAA]  }
0x2a: {  	p0 =	seq.s32 s5, $0x0;
	s5 =	sld [smem:$0x3FAB]  }
0x2b: {  	s6 =	sld [smem:$0x3FAC]  }
0x2c: {  	s7 =	sld [smem:$0x3FAD]  }
0x2d: {  	s3 =	simm.s32 $0x108;
	s8 =	sld [smem:$0x3FAE]  }
0x2e: {  	s3 =	simm.s32 @!p0 $0x1082;
	s9 =	sld [smem:$0x3FAF]  }
0x2f: {  	lr =	sadd.s32 s0, s3;
	s0 =	sld [smem:$0x3FA6]  }
0x30: {  	s3 =	sld [smem:$0x3FA9]  }
0x31: {  	[smem:$0x3FB2] =	sst s10  }
0x32: {  	s10 =	sld [smem:$0x3FB0];
	_ =	sdelay $0x3  }
0x33: {  	p0 =	seq.s32 s10, $0x1;
	s10 =	sld [smem:$0x3FB2];
	_ =	sdelay $0x3  }
0x34: {  	[smem:$0x3FB2] =	sst s10  }
0x35: {  	s10 =	sld [smem:$0x3FB1];
	_ =	sdelay $0x3  }
0x36: {  	p1 =	seq.s32 s10, $0x1;
	s10 =	sld [smem:$0x3FB2];
	_ =	sdelay $0x3  }
0x37: {  	[smem:$0x3FB2] =	sst s10  }
0x38: {  	s10 =	sld [smem:$0x3FB3]  }
0x39: {  	_ = 	snop;
	(pc) =	sbr.ind lr, $3  }
0x3a: {  	_ = 	snop  }
0x3b: {  	_ = 	snop  }
0x3c: {  	p2 =	seq.s32 s10, $0x1;
	s10 =	sld [smem:$0x3FB2]  }
0x3d: {  	_ =	shalt  }
0x3e: {  	_ =	shalt  }
0x3f: {  	_ =	shalt  }
0x40: {  	_ =	shalt  }
0x41: {  	_ =	shalt  }
0x42: {  	_ =	shalt  }
0x43: {  	_ =	shalt  }
0x44: {  	_ =	shalt  }
0x45: {  	_ =	shalt  }
0x46: {  	_ =	shalt  }
0x47: {  	_ =	shalt  }
0x48: {  	_ =	shalt  }
0x49: {  	_ =	shalt  }
0x4a: {  	_ =	shalt  }
0x4b: {  	_ =	shalt  }
0x4c: {  	_ =	shalt  }
0x4d: {  	_ =	shalt  }
0x4e: {  	_ =	shalt  }
0x4f: {  	_ =	shalt  }
0x50: {  	_ =	shalt  }
0x51: {  	_ =	shalt  }
0x52: {  	_ =	shalt  }
0x53: {  	_ =	shalt  }
0x54: {  	_ =	shalt  }
0x55: {  	_ =	shalt  }
0x56: {  	_ =	shalt  }
0x57: {  	_ =	shalt  }
0x58: {  	_ =	shalt  }
0x59: {  	_ =	shalt  }
0x5a: {  	_ =	shalt  }
0x5b: {  	_ =	shalt  }
0x5c: {  	_ =	shalt  }
0x5d: {  	_ =	shalt  }
0x5e: {  	_ =	shalt  }
0x5f: {  	_ =	shalt  }
0x60: {  	_ =	shalt  }
0x61: {  	_ =	shalt  }
0x62: {  	_ =	shalt  }
0x63: {  	_ =	shalt  }
0x64: {  	_ =	shalt  }
0x65: {  	_ =	shalt  }
0x66: {  	_ =	shalt  }
0x67: {  	_ =	shalt  }
0x68: {  	_ =	shalt  }
0x69: {  	_ =	shalt  }
0x6a: {  	_ =	shalt  }
0x6b: {  	_ =	shalt  }
0x6c: {  	_ =	shalt  }
0x6d: {  	_ =	shalt  }
0x6e: {  	_ =	shalt  }
0x6f: {  	_ =	shalt  }
0x70: {  	_ =	shalt  }
0x71: {  	_ =	shalt  }
0x72: {  	_ =	shalt  }
0x73: {  	_ =	shalt  }
0x74: {  	_ =	shalt  }
0x75: {  	_ =	shalt  }
0x76: {  	_ =	shalt  }
0x77: {  	_ =	shalt  }
0x78: {  	_ =	shalt  }
0x79: {  	_ =	shalt  }
0x7a: {  	_ =	shalt  }
0x7b: {  	_ =	shalt  }
0x7c: {  	_ =	shalt  }
0x7d: {  	_ =	shalt  }
0x7e: {  	_ =	shalt  }
0x7f: {  	_ =	shalt  }
0x80: {  	_ =	shalt  }
0x81: {  	_ =	shalt  }
0x82: {  	_ =	shalt  }
0x83: {  	_ =	shalt  }
0x84: {  	_ =	shalt  }
0x85: {  	_ =	shalt  }
0x86: {  	_ =	shalt  }
0x87: {  	_ =	shalt  }
.Lfunc_end0:
.L_simem_size_0:
called_computation_lowered:
.L_overlay_start_0:
0x88: {  	s2 =	sld [smem:$0x3FD9]  }
0x89: {  	s3 =	sld [smem:$0x3FFE];
	_ =	sdelay $0x1  }
0x8a: {  	s1 =	srdreg.scid  }
0x8b: {  	s0 =	sand.u32 $0x1, s1  }
0x8c: {  	s14 =	sshll.u32 s0, $0xA;
	s2 =	sadd.s32 s3, s2  }
0x8d: {  	s2 =	sadd.s32 s2, s14  }
0x8e: {  	[smem:$0x3FBE] =	sst s2  }
0x8f: {  	_ = 	snop  }
0x90: {  	s2 =	sld [smem:$0x3FD0];
	_ =	sdelay $0x2  }
0x91: {  	s15 =	simm.s32 $0xA;
	s4 =	simm.s32 $0x10  }
0x92: {  	[smem:s4], [sflag:s15] =	dma.local [hbm:s2], $0x1  }
0x93: {  	_ =	swait.eq [sflag:s15], $0x1  }
0x94: {  	[sflag:s15] =	ssyncset.done $0x0  }
0x95: {  	[sflag:s15] =	ssyncadd.s32 $0xFFFFFFFF  }
0x96: {  	s16 =	sld [smem:$0x11];
	(tm) =	ssettm $0x1  }
0x97: {  	s17 =	sld [smem:$0x3FFB];
	_ =	sdelay $0x3  }
0x98: {  	_ =	strace s17  }
0x99: {  	s3 =	sld [smem:$0x3FFC];
	_ =	sdelay $0x3  }
0x9a: {  	_ =	strace s3  }
0x9b: {  	s3 =	sld [smem:$0x3FFD];
	_ =	sdelay $0x3  }
0x9c: {  	_ =	strace s3  }
0x9d: {  	_ =	strace $0x8FFFFFFF  }
0x9e: {  	s18 =	sld [smem:$0x3FDB];
	_ =	sdelay $0x1  }
0x9f: {  	s19 =	simm.s32 $_scs_section_size  }
0xa0: {  	s5 =	simm.s32 $_size__tile_overlayer_lowered;
	s6 =	simm.s32 $_tile_overlayer_lowered  }
0xa1: {  	s22 =	simm.s32 $0x1BFF;
	s21 =	sshll.u32 s6, $0x1;
	s3 =	sadd.s32 s19, s18  }
0xa2: {  	s7 =	simm.s32 $0x0;
	s20 =	sshll.u32 s5, $0x1;
	s5 =	sadd.s32 s21, s3  }
0xa3: {  	[timem:s7], [sflag:s22] =	dma.local [hbm:s5], s20  }
0xa4: {  	_ =	swait.ge [sflag:s22], s20  }
0xa5: {  	s4 =	ssub.s32 $0x0, s20;
	[sflag:s22] =	ssyncset.done $0x0  }
0xa6: {  	[sflag:s22] =	ssyncadd.s32 s4;
	_ =	sdelay $0x1  }
0xa7: {  	s23 =	simm.s32 $0x1B8B  }
0xa8: {  	_ =	swait.ge [sflag:s23], $0x1  }
0xa9: {  	[sflag:s23] =	ssyncset.done $0x0  }
0xaa: {  	s25 =	simm.s32 $0x1B8E;
	s24 =	sld [smem:$0x3FFE];
	[sflag:s23] =	ssyncadd.s32 $0xFFFFFFFF  }
0xab: {  	s26 =	simm.s32 $execute0_lowered;
	[smem:$0x3FD2] =	sst s25  }
0xac: {  	s5 =	sshll.u32 s26, $0x1;
	_ =	strace $0x80000046;
	[dreg:$0x1] =	wrdreg $0xFFFFFFFF  }
0xad: {  	s28 =	simm.s32 $_size_execute0_lowered;
	s3 =	sadd.s32 s3, s5;
	[dreg:$0x0] =	wrdreg $0x0  }
0xae: {  	s5 =	sshll.u32 s28, $0x1;
	[dreg:$0x2] =	wrdreg s3  }
0xaf: {  	[dreg:$0x3] =	wrdreg s5  }
0xb0: {  	[dreg:$0x4] =	wrdreg $0xC0  }
0xb1: {  	_ =	task [dreg:s7], $0x5FFFF  }
0xb2: {  	[dreg:$0x1] =	wrdreg $0xFFFFFFFF  }
0xb3: {  	[dreg:$0x0] =	wrdreg $0x60  }
0xb4: {  	[dreg:$0x2] =	wrdreg s16  }
0xb5: {  	[dreg:$0x3] =	wrdreg s24  }
0xb6: {  	[dreg:$0x4] =	wrdreg $0x55F00  }
0xb7: {  	[dreg:$0x5] =	wrdreg $0x9  }
0xb8: {  	_ =	task.clear_ibuf [dreg:s7], $0x6FFFF;
	_ =	strace $0x90000046  }
0xb9: {  	s29 =	simm.s32 $0x9;
	_ =	strace $0x80000048  }
0xba: {  	_ =	swait.ge [sflag:s29], $0x1  }
0xbb: {  	[sflag:s29] =	ssyncadd.s32 $0xFFFFFFFF  }
0xbc: {  	_ =	strace $0x90000048  }
0xbd: {  	_ =	sfence  }
0xbe: {  	s30 =	sld [smem:$0x0];
	_ =	sdelay $0x2  }
0xbf: {  	s31 =	sshll.u32 s1, $0xD;
	s1 =	sshrl.u32 s1, $0x2  }
0xc0: {  	s3 =	sand.u32 $0x4000, s31;
	s1 =	sadd.s32 s1, s30  }
0xc1: {  	s0 =	sor.u32 s3, s0;
	s1 =	sshll.u32 s1, $0x11  }
0xc2: {  	s0 =	sor.u32 s1, s0  }
0xc3: {  	s0 =	sadd.s32 $0x8F2B, s0  }
0xc4: {  	[sflag:s0] =	ssyncadd.remote.s32 $0x1  }
0xc5: {  	_ =	sfence.sel $0xFFFF  }
0xc6: {  	[dreg:$0x0] =	wrdreg $0xFFFFFFFF;
	(pc) =	sbr.abs _section_cstart, $3  }
0xc7: {  	[dreg:$0x1] =	wrdreg $0xFFFFFFFF  }
0xc8: {  	_ =	task.clear_ibuf [dreg:s7], $0x2FFFF;
	_ =	strace $0x9FFFFFFF  }
0xc9: {  	(tm) =	ssettm $0x7FFFFFFF  }
tec
execute0_lowered:
.L_overlay_start_1:
0x0: {  	(tag) =	ssettag $0x1  }
0x1: {  	s1 =	srdreg.scid  }
0x2: {  	s1 =	sand.u32 $0x1, s1  }
0x3: {  	p0 =	seq.s32 s1, $0x1  }
.Ltmp0:
0x4: {  	s3 =	rddreg [dreg:$0x0];
	(pc) =	sbr.rel @p0 .LBB2_8-.Ltmp0, $4  }
0x5: {  	s2 =	rddreg [dreg:$0x1]  }
0x6: {  	s4 =	rddreg [dreg:$0x2];
	s5 =	simm.s32 $0x0  }
0x7: {  	[smem:$0x7FF] =	sst s5  }
0x8: {  	s0 =	rddreg [dreg:$0x3];
	_ =	strace $0x80000047;
	s1 =	stileid.u32  }
0x9: {  	s6 =	smul.u32 $0x9C4, s1;
	_ =	sdelay $0x1  }
0xa: {  	s7 =	simm.s32 $0x2;
	s3 =	sadd.s32 s3, s6  }
0xb: {  	[tilespmem:s5], [sflag:$0x2] =	stream.linear.gather [hbm4b:s3+s5], $0x4E20, $0x38;
	[tilespmem:$0x5870] =	vst v63  }
0xc: {  	_ =	swait.ge [sflag:s7], $0x4E20  }
0xd: {  	[sflag:s7] =	ssyncset.done $0x0  }
0xe: {  	v0 =	vimm.f32 $1.000000000e+00;
	[sflag:s7] =	ssyncadd.s32 $0xFFFFB1E0  }
0xf: {  	[tilespmem:$0x4E20] =	vst v0  }
0x10: {  	[tilespmem:$0x4E30] =	vst v0  }
0x11: {  	[tilespmem:$0x4E40] =	vst v0  }
0x12: {  	[tilespmem:$0x4E50] =	vst v0  }
0x13: {  	v63 =	vimm.f32 $0.0e+00;
	[tilespmem:$0x4E60] =	vst v0  }
0x14: {  	[tilespmem:$0x4E70] =	vst v63  }
0x15: {  	[tilespmem:$0x4E80] =	vst v63  }
0x16: {  	[tilespmem:$0x4E90] =	vst v63  }
0x17: {  	[tilespmem:$0x4EA0] =	vst v63  }
0x18: {  	[tilespmem:$0x4EB0] =	vst v63  }
0x19: {  	[tilespmem:$0x4EC0] =	vst v63  }
0x1a: {  	[tilespmem:$0x4ED0] =	vst v63  }
0x1b: {  	[tilespmem:$0x4EE0] =	vst v63  }
0x1c: {  	[tilespmem:$0x4EF0] =	vst v63  }
0x1d: {  	[tilespmem:$0x4F00] =	vst v63  }
0x1e: {  	[tilespmem:$0x4F10] =	vst v63  }
0x1f: {  	[tilespmem:$0x4F20] =	vst v63  }
0x20: {  	[tilespmem:$0x4F30] =	vst v63  }
0x21: {  	[tilespmem:$0x4F40] =	vst v63  }
0x22: {  	[tilespmem:$0x4F50] =	vst v63  }
0x23: {  	[tilespmem:$0x4F60] =	vst v63  }
0x24: {  	[tilespmem:$0x4F70] =	vst v63  }
0x25: {  	[tilespmem:$0x4F80] =	vst v63  }
0x26: {  	[tilespmem:$0x4F90] =	vst v63  }
0x27: {  	[tilespmem:$0x4FA0] =	vst v63  }
0x28: {  	[tilespmem:$0x4FB0] =	vst v63  }
0x29: {  	[tilespmem:$0x4FC0] =	vst v63  }
0x2a: {  	[tilespmem:$0x4FD0] =	vst v63  }
0x2b: {  	[tilespmem:$0x4FE0] =	vst v63  }
0x2c: {  	[tilespmem:$0x4FF0] =	vst v63  }
0x2d: {  	[tilespmem:$0x5000] =	vst v63  }
0x2e: {  	[tilespmem:$0x5010] =	vst v63  }
0x2f: {  	[tilespmem:$0x5020] =	vst v63  }
0x30: {  	[tilespmem:$0x5030] =	vst v63  }
0x31: {  	[tilespmem:$0x5040] =	vst v63  }
0x32: {  	[tilespmem:$0x5050] =	vst v63  }
0x33: {  	[tilespmem:$0x5060] =	vst v63  }
0x34: {  	[tilespmem:$0x5070] =	vst v63  }
0x35: {  	[tilespmem:$0x5080] =	vst v63  }
0x36: {  	[tilespmem:$0x5090] =	vst v63  }
0x37: {  	[tilespmem:$0x50A0] =	vst v63  }
0x38: {  	[tilespmem:$0x50B0] =	vst v63  }
0x39: {  	s31 =	smul.u32 $0x280, s1;
	[tilespmem:$0x50C0] =	vst v63  }
0x3a: {  	[tilespmem:$0x50D0] =	vst v63  }
0x3b: {  	s8 =	simm.s32 $0x4E70;
	s6 =	sadd.s32 s31, s4;
	[tilespmem:$0x50E0] =	vst v63  }
0x3c: {  	[spmem:s6] =	stream.linear.scatter [tilespmem:s8], [sflag:$0x2], $0x280, $0x38;
	[tilespmem:$0x5870] =	vst v63  }
0x3d: {  	s3 =	sshrl.u32 s31, $0x3;
	_ =	swait.ge [sflag:s7], $0x280  }
0x3e: {  	s2 =	sadd.s32 s3, s2;
	[sflag:s7] =	ssyncset.done $0x0  }
0x3f: {  	s3 =	sadd.s32 $0x3200, s2;
	s2 =	sadd.s32 $0x2C00, s2;
	[sflag:s7] =	ssyncadd.s32 $0xFFFFFD80  }
0x40: {  	s8 =	simm.s32 $0x4E20;
	s7 =	simm.s32 $0x50;
	[bflag:$0x0] =	sbarrier.arrive $0xFFFF  }
.LBB2_2:
0x41: {  	p0 =	sne.s32 s5, $0x13740  }
.Ltmp1:
0x42: {  	_ = 	snop;
	(pc) =	sbr.rel @p0 .LBB2_2-.Ltmp1, $3  }
0x43: {  	_ =	sdelay $0x1  }
0x44: {  	s9 =	sshra.s32 s5, $0x2;
	s5 =	sadd.s32 $0x140, s5  }
0x45: {  	[spmem:s4] =	stream.indirect.scatter.add.f32 [tilespmem:s8], [sflag:$0x1], $0x1, s9, s7, $0xb8;
	[tilespmem:$0x5870] =	vst v63  }
0x46: {  	s4 =	simm.s32 $0x1  }
0x47: {  	_ =	swait.ge [sflag:s4], $0x50  }
0x48: {  	s5 =	simm.s32 $0xF9;
	[sflag:s4] =	ssyncset.done $0x0  }
.LBB2_4:
0x49: {  	p0 =	sne.s32 s5, $0x1;
	s5 =	sadd.s32 $0xFFFFFFFF, s5;
	[sflag:s4] =	ssyncadd.s32 $0xFFFFFFB0  }
.Ltmp2:
0x4a: {  	(pc) =	sbr.rel @p0 .LBB2_4-.Ltmp2, $3  }
0x4b: {  	_ =	sdelay $0x1  }
0x4c: {  	_ =	swait.ge [sflag:s4], $0x50  }
0x4d: {  	[sflag:s4] =	ssyncset.done $0x0  }
0x4e: {  	[sflag:s4] =	ssyncadd.s32 $0xFFFFFFB0  }
0x4f: {  	s30 =	simm.s32 $0x4E70;
	s31 =	simm.s32 $0x2;
	[bflag:$0x0] =	sbarrier.arrive $0xFFFF  }
0x50: {  	[tilespmem:s30], [sflag:$0x2] =	stream.linear.gather [spmem:s6], $0x280, $0x38;
	[tilespmem:$0x5870] =	vst v63  }
0x51: {  	_ =	swait.ge [sflag:s31], $0x280  }
0x52: {  	[sflag:s31] =	ssyncset.done $0x0  }
0x53: {  	s6 =	simm.s32 $0x0;
	[sflag:s31] =	ssyncadd.s32 $0xFFFFFD80  }
0x54: {  	v0 =	vld [tilespmem:s6+$0x4E70];
	_ =	sdelay $0x3  }
0x55: {  	s5 =	simm.s32 $0x10  }
0x56: {  	v1 =	vld [tilespmem:s5+$0x4E70];
	v0 =	vadd.f32 $1.000000000e+00, v0;
	_ =	sdelay $0x1  }
0x57: {  	v2 =	vshrl.u32 v0, $0x1;
	v3 =	vmul.f32 $5.000000000e-01, v0  }
0x58: {  	v0 =	vsub.s32 $0x5F3759DF, v2  }
0x59: {  	v2 =	vmul.f32 v0, v3  }
0x5a: {  	s4 =	simm.s32 $0x20;
	v1 =	vadd.f32 $1.000000000e+00, v1  }
0x5b: {  	v4 =	vld [tilespmem:s4+$0x4E70];
	v2 =	vmul.f32 v0, v2  }
0x5c: {  	v5 =	vshrl.u32 v1, $0x1;
	v6 =	vmul.f32 $5.000000000e-01, v1  }
0x5d: {  	v1 =	vsub.f32 $1.500000000e+00, v2;
	v2 =	vsub.s32 $0x5F3759DF, v5  }
0x5e: {  	v5 =	vmul.f32 v2, v6  }
0x5f: {  	s7 =	simm.s32 $0x30;
	v1 =	vmul.f32 v0, v1  }
0x60: {  	v0 =	vadd.f32 $1.000000000e+00, v4;
	v4 =	vld [tilespmem:s7+$0x4E70];
	v5 =	vmul.f32 v2, v5  }
0x61: {  	v7 =	vmul.f32 v1, v3  }
0x62: {  	v8 =	vshrl.u32 v0, $0x1;
	v0 =	vmul.f32 $5.000000000e-01, v0;
	v5 =	vsub.f32 $1.500000000e+00, v5  }
0x63: {  	v8 =	vsub.s32 $0x5F3759DF, v8;
	v7 =	vmul.f32 v7, v1  }
0x64: {  	s8 =	simm.s32 $0x40;
	v9 =	vmul.f32 v8, v0;
	v2 =	vmul.f32 v2, v5  }
0x65: {  	v4 =	vadd.f32 $1.000000000e+00, v4;
	v5 =	vsub.f32 $1.500000000e+00, v7;
	v7 =	vld [tilespmem:s8+$0x4E70]  }
0x66: {  	v9 =	vmul.f32 v8, v9;
	v10 =	vmul.f32 v2, v6  }
0x67: {  	v12 =	vmul.f32 v5, v1;
	v5 =	vshrl.u32 v4, $0x1  }
0x68: {  	v1 =	vmul.f32 $5.000000000e-01, v4;
	v4 =	vsub.f32 $1.500000000e+00, v9;
	v9 =	vmul.f32 v10, v2  }
0x69: {  	v5 =	vsub.s32 $0x5F3759DF, v5;
	v10 =	vmul.f32 v12, v3  }
0x6a: {  	v3 =	vmul.f32 v8, v4;
	v4 =	vadd.f32 $1.000000000e+00, v7;
	v7 =	vsub.f32 $1.500000000e+00, v9  }
0x6b: {  	s9 =	simm.s32 $0x50;
	v11 =	vmul.f32 v5, v1  }
0x6c: {  	v8 =	vmul.f32 v10, v12;
	v2 =	vmul.f32 v7, v2;
	v7 =	vld [tilespmem:s9+$0x4E70]  }
0x6d: {  	v9 =	vmul.f32 v5, v11;
	v10 =	vmul.f32 v3, v0  }
0x6e: {  	v13 =	vshrl.u32 v4, $0x1;
	v14 =	vsub.f32 $1.500000000e+00, v8  }
0x6f: {  	v4 =	vmul.f32 $5.000000000e-01, v4;
	v11 =	vsub.f32 $1.500000000e+00, v9;
	v8 =	vmul.f32 v10, v3  }
0x70: {  	s10 =	simm.s32 $0x180;
	v10 =	vsub.s32 $0x5F3759DF, v13;
	v9 =	vmul.f32 v2, v6;
	v6 =	vmul.f32 v14, v12  }
.LBB2_6:
0x71: {  	s11 =	sshra.s32 s10, $0x2;
	v12 =	vadd.f32 $1.000000000e+00, v7;
	v13 =	vmul.f32 v10, v4;
	v11 =	vmul.f32 v5, v11;
	v14 =	vmovc v1;
	v1 =	vmovc v4;
	p0 =	sne.s32 s10, $0x9C0  }
.Ltmp3:
0x72: {  	v4 =	vsub.f32 $1.500000000e+00, v8;
	v5 =	vmovc v10;
	v7 =	vld [tilespmem:s11+$0x4E70];
	v8 =	vmul.f32 v9, v2;
	[tilespmem:s6+$0x50F0] =	vst v6;
	v6 =	vmul.f32 v6, v6;
	(pc) =	sbr.rel @p0 .LBB2_6-.Ltmp3, $4  }
0x73: {  	v9 =	vmul.f32 v5, v13;
	v10 =	vmul.f32 v11, v14  }
0x74: {  	s10 =	sadd.s32 $0x40, s10;
	v13 =	vshrl.u32 v12, $0x1;
	v15 =	vmul.f32 v4, v3;
	v3 =	vmovc v11;
	v16 =	vsub.f32 $1.500000000e+00, v8;
	[tilespmem:s6+$0x5370] =	vst v6;
	s6 =	smov.u32 s5  }
0x75: {  	v4 =	vmul.f32 $5.000000000e-01, v12;
	s5 =	smov.u32 s4;
	s4 =	smov.u32 s7;
	s7 =	smov.u32 s8;
	v11 =	vsub.f32 $1.500000000e+00, v9;
	v8 =	vmul.f32 v10, v3  }
0x76: {  	s8 =	smov.u32 s9;
	s9 =	smov.u32 s11;
	v10 =	vsub.s32 $0x5F3759DF, v13;
	v9 =	vmul.f32 v15, v0;
	v0 =	vmovc v14;
	v6 =	vmul.f32 v16, v2;
	v2 =	vmovc v15  }
0x77: {  	v7 =	vadd.f32 $1.000000000e+00, v7;
	_ =	sdelay $0x1  }
0x78: {  	v12 =	vmul.f32 v10, v4;
	v13 =	vshrl.u32 v7, $0x1;
	v7 =	vmul.f32 $5.000000000e-01, v7  }
0x79: {  	v13 =	vsub.s32 $0x5F3759DF, v13  }
0x7a: {  	v12 =	vmul.f32 v10, v12;
	v14 =	vmul.f32 v13, v7  }
0x7b: {  	v5 =	vmul.f32 v5, v11  }
0x7c: {  	v36 =	vsub.f32 $1.500000000e+00, v12;
	v37 =	vmul.f32 v13, v14  }
0x7d: {  	v38 =	vmul.f32 v5, v1  }
0x7e: {  	v39 =	vmul.f32 v10, v36;
	v40 =	vsub.f32 $1.500000000e+00, v37  }
0x7f: {  	v8 =	vsub.f32 $1.500000000e+00, v8;
	v41 =	vmul.f32 v38, v5  }
0x80: {  	v42 =	vmul.f32 v39, v4;
	v11 =	vmul.f32 v13, v40  }
0x81: {  	v9 =	vmul.f32 v9, v2;
	v3 =	vmul.f32 v8, v3;
	v43 =	vsub.f32 $1.500000000e+00, v41  }
0x82: {  	v44 =	vmul.f32 v42, v39;
	v45 =	vmul.f32 v11, v7  }
0x83: {  	v0 =	vmul.f32 v3, v0;
	v5 =	vmul.f32 v43, v5  }
0x84: {  	v46 =	vsub.f32 $1.500000000e+00, v44;
	v47 =	vmul.f32 v45, v11  }
0x85: {  	v9 =	vsub.f32 $1.500000000e+00, v9;
	v0 =	vmul.f32 v0, v3;
	v48 =	vmul.f32 v5, v1  }
0x86: {  	v49 =	vmul.f32 v6, v6;
	v8 =	vmul.f32 v46, v39;
	v50 =	vsub.f32 $1.500000000e+00, v47  }
0x87: {  	v51 =	vmul.f32 v9, v2;
	v0 =	vsub.f32 $1.500000000e+00, v0;
	v1 =	vmul.f32 v48, v5  }
0x88: {  	v52 =	vmul.f32 v8, v4;
	v53 =	vmul.f32 v50, v11  }
0x89: {  	[tilespmem:s6+$0x50F0] =	vst v6;
	v54 =	vmul.f32 v51, v51;
	v0 =	vmul.f32 v0, v3  }
0x8a: {  	[tilespmem:s6+$0x5370] =	vst v49;
	v1 =	vsub.f32 $1.500000000e+00, v1;
	v55 =	vmul.f32 v52, v8;
	v56 =	vmul.f32 v53, v7  }
0x8b: {  	[tilespmem:s5+$0x50F0] =	vst v51;
	v57 =	vmul.f32 v0, v0  }
0x8c: {  	[tilespmem:s5+$0x5370] =	vst v54;
	v1 =	vmul.f32 v1, v5;
	v3 =	vsub.f32 $1.500000000e+00, v55;
	v4 =	vmul.f32 v56, v53  }
0x8d: {  	[tilespmem:s4+$0x50F0] =	vst v0  }
0x8e: {  	[tilespmem:s4+$0x5370] =	vst v57;
	v58 =	vmul.f32 v1, v1;
	v59 =	vmul.f32 v3, v8;
	v60 =	vsub.f32 $1.500000000e+00, v4  }
0x8f: {  	[tilespmem:s7+$0x50F0] =	vst v1  }
0x90: {  	[tilespmem:s7+$0x5370] =	vst v58;
	v61 =	vmul.f32 v59, v59;
	v62 =	vmul.f32 v60, v53  }
0x91: {  	[tilespmem:s8+$0x50F0] =	vst v59  }
0x92: {  	[tilespmem:s8+$0x5370] =	vst v61;
	v63 =	vmul.f32 v62, v62  }
0x93: {  	[tilespmem:s9+$0x50F0] =	vst v62  }
0x94: {  	s28 =	simm.s32 $0x0;
	s29 =	simm.s32 $0x50F0;
	s30 =	simm.s32 $0x2;
	[tilespmem:s9+$0x5370] =	vst v63  }
0x95: {  	[hbm4b:s3+s28] =	stream.linear.scatter [tilespmem:s29], [sflag:$0x2], $0x280, $0x38;
	[tilespmem:$0x5870] =	vst v63  }
0x96: {  	_ =	swait.ge [sflag:s30], $0x280  }
0x97: {  	[sflag:s30] =	ssyncset.done $0x0  }
0x98: {  	s31 =	simm.s32 $0x5370;
	[sflag:s30] =	ssyncadd.s32 $0xFFFFFD80  }
0x99: {  	[hbm4b:s2+s28] =	stream.linear.scatter [tilespmem:s31], [sflag:$0x2], $0x280, $0x38;
	[tilespmem:$0x5870] =	vst v63  }
0x9a: {  	_ =	swait.ge [sflag:s30], $0x280  }
0x9b: {  	[sflag:s30] =	ssyncset.done $0x0  }
0x9c: {  	[sflag:s30] =	ssyncadd.s32 $0xFFFFFD80  }
.LBB2_8:
0x9d: {  	_ =	sfence.sel $0x180000  }
0x9e: {  	[bflag:$0x0] =	sbarrier.arrive $0xFFFF  }
0x9f: {  	p0 =	sne.s32 s1, $0x0;
	_ =	strace $0x90000047  }
0xa0: {  	s0 =	sadd.s32 @!p0 $0x100000, s0;
	[bflag:$0x2] =	sbarrier.arrive $0xFFFF  }
0xa1: {  	[sflag:s0] =	ssyncadd.tile.s32 @!p0 $0x1;
	_ =	shalt  }
.Lfunc_end2:
_tile_overlayer_lowered:
.L_overlay_start_2:
0xa2: {  	(tag) =	ssettag $0x2  }
0xa3: {  	s0 =	rddreg [dreg:$0x0];
	s2 =	stileid.u32  }
0xa4: {  	s1 =	rddreg [dreg:$0x1];
	p0 =	sne.s32 s2, $0x0  }
0xa5: {  	s3 =	rddreg [dreg:$0x2];
	[bflag:$0x3] =	sbarrier.arrive $0xFFFF;
	s2 =	simm.s32 @!p0 $0x1C02  }
0xa6: {  	[timem:s3], [sflag:s2] =	dma.local @!p0 [hbm:s0], s1  }
0xa7: {  	s0 =	simm.s32 @!p0 $0x2  }
0xa8: {  	_ =	swait.ge @!p0 [sflag:s0], s1  }
0xa9: {  	s1 =	ssub.s32 @!p0 $0x0, s1;
	[sflag:s0] =	ssyncset.done @!p0 $0x0  }
0xaa: {  	[sflag:s0] =	ssyncadd.s32 @!p0 s1  }
0xab: {  	[bflag:$0x3] =	sbarrier.arrive $0xFFFF  }
0xac: {  	_ =	shalt  }

// kernel: kernel.15.cloned.1.call-start
scs
__scs_entry_jumppad:
0x0: {  	(pc) =	sbr.rel $0x88, $3  }
0x1: {  	(tag) =	ssettag $0x0;
	lr =	simm.s32 $0x1  }
0x2: {  	[smem:$0x3F97] =	sst lr;
	_ =	strace $0xD0000000  }
0x3: {  	_ = 	snop  }
0x4: {  	_ = 	snop  }
0x5: {  	_ = 	snop  }
0x6: {  	_ = 	snop  }
0x7: {  	_ = 	snop  }
__scs_overlays_trampoline_lowered:
0x8: {  	[smem:$0x3FA6] =	sst s0  }
0x9: {  	[smem:$0x3FA7] =	sst s1  }
0xa: {  	[smem:$0x3FA8] =	sst s2  }
0xb: {  	[smem:$0x3FA9] =	sst s3  }
0xc: {  	[smem:$0x3FAA] =	sst s4  }
0xd: {  	[smem:$0x3FAB] =	sst s5  }
0xe: {  	[smem:$0x3FAC] =	sst s6  }
0xf: {  	[smem:$0x3FAD] =	sst s7  }
0x10: {  	[smem:$0x3FAE] =	sst s8  }
0x11: {  	[smem:$0x3FAF] =	sst s9;
	s0 =	simm.s32 @!p0 $0x0  }
0x12: {  	s1 =	sld [smem:$0x3F95];
	s0 =	simm.s32 @p0 $0x1  }
0x13: {  	[smem:$0x3FB0] =	sst s0;
	s0 =	simm.s32 @!p1 $0x0  }
0x14: {  	s2 =	sld [smem:$0x3F94];
	s0 =	simm.s32 @p1 $0x1  }
0x15: {  	[smem:$0x3FB1] =	sst s0;
	s0 =	simm.s32 @!p2 $0x0  }
0x16: {  	s3 =	sld [smem:$0x3FDB];
	s0 =	simm.s32 @p2 $0x1  }
0x17: {  	s4 =	simm.s32 $0x1BF5;
	[smem:$0x3FB3] =	sst s0  }
0x18: {  	s0 =	sld [smem:$0x3F96];
	_ =	swait.ge [sflag:s4], $0x0  }
0x19: {  	s7 =	sld [smem:$0x3F97]  }
0x1a: {  	s8 =	sadd.s32 $0xFFFFE003, lr  }
0x1b: {  	s9 =	sadd.s32 $0xFFFFFEF7, lr;
	s5 =	simm.s32 $0xFFFFFFFF;
	p2 =	slt.u32 s8, $0xFFFFF086  }
0x1c: {  	p1 =	slt.u32 s9, $0xF7A;
	s5 =	simm.s32 @!p2 $0x0  }
0x1d: {  	s5 =	simm.s32 @p1 $0x1;
	p0 =	seq.s32 s7, s2  }
0x1e: {  	s7 =	smul.u32 @!p0 $0xF7A, s2;
	p2 =	seq.s32 @!p0 s5, $0x0  }
0x1f: {  	s9 =	smul.u32 $0xF7A, s1;
	s8 =	simm.s32 @!p0 $0x1BF5;
	p2 =	por !p2, p0  }
0x20: {  	[sflag:s8] =	ssyncset.s32 @!p0 $0xFFFFF086;
	s6 =	sadd.s32 @!p0 s3, s7;
	s7 =	simm.s32 @!p0 $0x108  }
0x21: {  	s3 =	sadd.s32 s3, s9;
	s6 =	sadd.s32 @!p0 $0x88, s6;
	s7 =	simm.s32 @p2 $0x1082  }
0x22: {  	[simem:s7], [sflag:s8] =	dma.local @!p0 [hbm:s6], $0xF7A  }
0x23: {  	s9 =	sor.u32 $0xD0000000, s2;
	s6 =	simm.s32 $0x108;
	_ =	swait.ge @!p0 [sflag:s8], $0x0  }
0x24: {  	s3 =	sadd.s32 $0x88, s3;
	s6 =	simm.s32 @!p1 $0x1082;
	[sflag:s4] =	ssyncset.s32 $0xFFFFF086  }
0x25: {  	[simem:s6], [sflag:s4] =	dma.local [hbm:s3], $0xF7A  }
0x26: {  	[smem:$0x3F97] =	sst s1;
	(tag) =	ssettag s2;
	_ =	strace s9  }
0x27: {  	s1 =	sld [smem:$0x3FA7]  }
0x28: {  	s2 =	sld [smem:$0x3FA8]  }
0x29: {  	s4 =	sld [smem:$0x3FAA]  }
0x2a: {  	p0 =	seq.s32 s5, $0x0;
	s5 =	sld [smem:$0x3FAB]  }
0x2b: {  	s6 =	sld [smem:$0x3FAC]  }
0x2c: {  	s7 =	sld [smem:$0x3FAD]  }
0x2d: {  	s3 =	simm.s32 $0x108;
	s8 =	sld [smem:$0x3FAE]  }
0x2e: {  	s3 =	simm.s32 @!p0 $0x1082;
	s9 =	sld [smem:$0x3FAF]  }
0x2f: {  	lr =	sadd.s32 s0, s3;
	s0 =	sld [smem:$0x3FA6]  }
0x30: {  	s3 =	sld [smem:$0x3FA9]  }
0x31: {  	[smem:$0x3FB2] =	sst s10  }
0x32: {  	s10 =	sld [smem:$0x3FB0];
	_ =	sdelay $0x3  }
0x33: {  	p0 =	seq.s32 s10, $0x1;
	s10 =	sld [smem:$0x3FB2];
	_ =	sdelay $0x3  }
0x34: {  	[smem:$0x3FB2] =	sst s10  }
0x35: {  	s10 =	sld [smem:$0x3FB1];
	_ =	sdelay $0x3  }
0x36: {  	p1 =	seq.s32 s10, $0x1;
	s10 =	sld [smem:$0x3FB2];
	_ =	sdelay $0x3  }
0x37: {  	[smem:$0x3FB2] =	sst s10  }
0x38: {  	s10 =	sld [smem:$0x3FB3]  }
0x39: {  	_ = 	snop;
	(pc) =	sbr.ind lr, $3  }
0x3a: {  	_ = 	snop  }
0x3b: {  	_ = 	snop  }
0x3c: {  	p2 =	seq.s32 s10, $0x1;
	s10 =	sld [smem:$0x3FB2]  }
0x3d: {  	_ =	shalt  }
0x3e: {  	_ =	shalt  }
0x3f: {  	_ =	shalt  }
0x40: {  	_ =	shalt  }
0x41: {  	_ =	shalt  }
0x42: {  	_ =	shalt  }
0x43: {  	_ =	shalt  }
0x44: {  	_ =	shalt  }
0x45: {  	_ =	shalt  }
0x46: {  	_ =	shalt  }
0x47: {  	_ =	shalt  }
0x48: {  	_ =	shalt  }
0x49: {  	_ =	shalt  }
0x4a: {  	_ =	shalt  }
0x4b: {  	_ =	shalt  }
0x4c: {  	_ =	shalt  }
0x4d: {  	_ =	shalt  }
0x4e: {  	_ =	shalt  }
0x4f: {  	_ =	shalt  }
0x50: {  	_ =	shalt  }
0x51: {  	_ =	shalt  }
0x52: {  	_ =	shalt  }
0x53: {  	_ =	shalt  }
0x54: {  	_ =	shalt  }
0x55: {  	_ =	shalt  }
0x56: {  	_ =	shalt  }
0x57: {  	_ =	shalt  }
0x58: {  	_ =	shalt  }
0x59: {  	_ =	shalt  }
0x5a: {  	_ =	shalt  }
0x5b: {  	_ =	shalt  }
0x5c: {  	_ =	shalt  }
0x5d: {  	_ =	shalt  }
0x5e: {  	_ =	shalt  }
0x5f: {  	_ =	shalt  }
0x60: {  	_ =	shalt  }
0x61: {  	_ =	shalt  }
0x62: {  	_ =	shalt  }
0x63: {  	_ =	shalt  }
0x64: {  	_ =	shalt  }
0x65: {  	_ =	shalt  }
0x66: {  	_ =	shalt  }
0x67: {  	_ =	shalt  }
0x68: {  	_ =	shalt  }
0x69: {  	_ =	shalt  }
0x6a: {  	_ =	shalt  }
0x6b: {  	_ =	shalt  }
0x6c: {  	_ =	shalt  }
0x6d: {  	_ =	shalt  }
0x6e: {  	_ =	shalt  }
0x6f: {  	_ =	shalt  }
0x70: {  	_ =	shalt  }
0x71: {  	_ =	shalt  }
0x72: {  	_ =	shalt  }
0x73: {  	_ =	shalt  }
0x74: {  	_ =	shalt  }
0x75: {  	_ =	shalt  }
0x76: {  	_ =	shalt  }
0x77: {  	_ =	shalt  }
0x78: {  	_ =	shalt  }
0x79: {  	_ =	shalt  }
0x7a: {  	_ =	shalt  }
0x7b: {  	_ =	shalt  }
0x7c: {  	_ =	shalt  }
0x7d: {  	_ =	shalt  }
0x7e: {  	_ =	shalt  }
0x7f: {  	_ =	shalt  }
0x80: {  	_ =	shalt  }
0x81: {  	_ =	shalt  }
0x82: {  	_ =	shalt  }
0x83: {  	_ =	shalt  }
0x84: {  	_ =	shalt  }
0x85: {  	_ =	shalt  }
0x86: {  	_ =	shalt  }
0x87: {  	_ =	shalt  }
.Lfunc_end0:
.L_simem_size_0:
called_computation.1_lowered:
.L_overlay_start_0:
0x88: {  	s2 =	sld [smem:$0x3FD9]  }
0x89: {  	s3 =	sld [smem:$0x3FFE];
	_ =	sdelay $0x1  }
0x8a: {  	s1 =	srdreg.scid  }
0x8b: {  	s0 =	sand.u32 $0x1, s1  }
0x8c: {  	s14 =	sshll.u32 s0, $0xA;
	s2 =	sadd.s32 s3, s2  }
0x8d: {  	s2 =	sadd.s32 s2, s14  }
0x8e: {  	[smem:$0x3FBE] =	sst s2  }
0x8f: {  	_ = 	snop  }
0x90: {  	s2 =	sld [smem:$0x3FD0];
	_ =	sdelay $0x2  }
0x91: {  	s15 =	simm.s32 $0xA;
	s4 =	simm.s32 $0x10  }
0x92: {  	[smem:s4], [sflag:s15] =	dma.local [hbm:s2], $0x1  }
0x93: {  	_ =	swait.eq [sflag:s15], $0x1  }
0x94: {  	[sflag:s15] =	ssyncset.done $0x0  }
0x95: {  	s16 =	sld [smem:$0x10];
	[sflag:s15] =	ssyncadd.s32 $0xFFFFFFFF  }
0x96: {  	s17 =	sld [smem:$0x11];
	(tm) =	ssettm $0x1  }
0x97: {  	s18 =	sld [smem:$0x3FFB];
	_ =	sdelay $0x3  }
0x98: {  	_ =	strace s18  }
0x99: {  	s4 =	sld [smem:$0x3FFC];
	_ =	sdelay $0x3  }
0x9a: {  	_ =	strace s4  }
0x9b: {  	s4 =	sld [smem:$0x3FFD];
	_ =	sdelay $0x3  }
0x9c: {  	_ =	strace s4  }
0x9d: {  	_ =	strace $0x8FFFFFFF  }
0x9e: {  	s19 =	sld [smem:$0x3FDB];
	_ =	sdelay $0x1  }
0x9f: {  	s5 =	simm.s32 $_scs_section_size  }
0xa0: {  	s6 =	simm.s32 $_size__tile_overlayer_lowered;
	s7 =	simm.s32 $_tile_overlayer_lowered  }
0xa1: {  	s22 =	simm.s32 $0x1BFF;
	s21 =	sshll.u32 s7, $0x1;
	s4 =	sadd.s32 s5, s19  }
0xa2: {  	s8 =	simm.s32 $0x0;
	s20 =	sshll.u32 s6, $0x1;
	s6 =	sadd.s32 s21, s4  }
0xa3: {  	[timem:s8], [sflag:s22] =	dma.local [hbm:s6], s20  }
0xa4: {  	_ =	swait.ge [sflag:s22], s20  }
0xa5: {  	s5 =	ssub.s32 $0x0, s20;
	[sflag:s22] =	ssyncset.done $0x0  }
0xa6: {  	[sflag:s22] =	ssyncadd.s32 s5;
	_ =	sdelay $0x1  }
0xa7: {  	s23 =	simm.s32 $0x1B8B  }
0xa8: {  	_ =	swait.ge [sflag:s23], $0x1  }
0xa9: {  	[sflag:s23] =	ssyncset.done $0x0  }
0xaa: {  	s25 =	simm.s32 $0x1B8E;
	s24 =	sld [smem:$0x3FFE];
	[sflag:s23] =	ssyncadd.s32 $0xFFFFFFFF  }
0xab: {  	s26 =	simm.s32 $execute0_lowered;
	[smem:$0x3FD2] =	sst s25  }
0xac: {  	s6 =	sshll.u32 s26, $0x1;
	_ =	strace $0x80000049;
	[dreg:$0x1] =	wrdreg $0xFFFFFFFF  }
0xad: {  	s28 =	simm.s32 $_size_execute0_lowered;
	s4 =	sadd.s32 s4, s6;
	[dreg:$0x0] =	wrdreg $0x0  }
0xae: {  	s6 =	sshll.u32 s28, $0x1;
	[dreg:$0x2] =	wrdreg s4  }
0xaf: {  	[dreg:$0x3] =	wrdreg s6  }
0xb0: {  	[dreg:$0x4] =	wrdreg $0xC0  }
0xb1: {  	_ =	task [dreg:s8], $0x5FFFF  }
0xb2: {  	[dreg:$0x1] =	wrdreg $0xFFFFFFFF  }
0xb3: {  	[dreg:$0x0] =	wrdreg $0x60  }
0xb4: {  	[dreg:$0x2] =	wrdreg s16  }
0xb5: {  	[dreg:$0x3] =	wrdreg s17  }
0xb6: {  	[dreg:$0x4] =	wrdreg s24  }
0xb7: {  	[dreg:$0x5] =	wrdreg $0x138000  }
0xb8: {  	[dreg:$0x6] =	wrdreg $0x9  }
0xb9: {  	_ =	task.clear_ibuf [dreg:s8], $0x7FFFF;
	_ =	strace $0x90000049  }
0xba: {  	s29 =	simm.s32 $0x9;
	_ =	strace $0x8000004B  }
0xbb: {  	_ =	swait.ge [sflag:s29], $0x1  }
0xbc: {  	[sflag:s29] =	ssyncadd.s32 $0xFFFFFFFF  }
0xbd: {  	_ =	strace $0x9000004B  }
0xbe: {  	_ =	sfence  }
0xbf: {  	s30 =	sld [smem:$0x0];
	_ =	sdelay $0x2  }
0xc0: {  	s31 =	sshll.u32 s1, $0xD;
	s1 =	sshrl.u32 s1, $0x2  }
0xc1: {  	s3 =	sand.u32 $0x4000, s31;
	s1 =	sadd.s32 s1, s30  }
0xc2: {  	s0 =	sor.u32 s3, s0;
	s1 =	sshll.u32 s1, $0x11  }
0xc3: {  	s0 =	sor.u32 s1, s0  }
0xc4: {  	s0 =	sadd.s32 $0x8F2B, s0  }
0xc5: {  	[sflag:s0] =	ssyncadd.remote.s32 $0x1  }
0xc6: {  	_ =	sfence.sel $0xFFFF  }
0xc7: {  	[dreg:$0x0] =	wrdreg $0xFFFFFFFF;
	(pc) =	sbr.abs _section_cstart, $3  }
0xc8: {  	[dreg:$0x1] =	wrdreg $0xFFFFFFFF  }
0xc9: {  	_ =	task.clear_ibuf [dreg:s8], $0x2FFFF;
	_ =	strace $0x9FFFFFFF  }
0xca: {  	(tm) =	ssettm $0x7FFFFFFF  }
0xcb: {  	_ =	shalt  }
tec
execute0_lowered:
.L_overlay_start_1:
0x0: {  	(tag) =	ssettag $0x1  }
0x1: {  	s0 =	rddreg [dreg:$0x0]  }
0x2: {  	s1 =	rddreg [dreg:$0x1]  }
0x3: {  	s4 =	rddreg [dreg:$0x2]  }
0x4: {  	s2 =	rddreg [dreg:$0x3];
	s5 =	srdreg.scid  }
0x5: {  	s3 =	simm.s32 $0x0;
	s28 =	stileid.u32;
	s29 =	simm.s32 $0x1  }
0x6: {  	s30 =	simm.s32 $0x4E30;
	s31 =	simm.s32 $0x50;
	s5 =	sand.u32 $0x1, s5  }
0x7: {  	[smem:$0x7FF] =	sst s3;
	s7 =	smul.u32 $0x4E20, s28;
	s8 =	sadd.s32 $0x3200, s4  }
0x8: {  	s4 =	sadd.s32 $0x3800, s4;
	_ =	strace $0x8000004A;
	[dreg:$0x5] =	wrdreg s8  }
0x9: {  	s6 =	ssub.s32 $0x2, s5;
	[dreg:$0x6] =	wrdreg s4;
	s16 =	smul.u32 $0x3200000, s5  }
0xa: {  	s21 =	sshll.u32 s5, $0x9;
	s5 =	smul.u32 $0x1400, s5;
	s24 =	sshrl.u32 s6, $0x1  }
0xb: {  	s8 =	simm.s32 $0xE800;
	s26 =	sshrl.u32 s7, $0x3;
	s25 =	ssub.s32 s6, s24  }
0xc: {  	s7 =	sadd.s32 s0, s26;
	s9 =	sadd.s32 s1, s26;
	s10 =	sadd.s32 $0x1F4, s26  }
0xd: {  	s12 =	sadd.s32 $0x3E8, s26;
	s14 =	sadd.s32 $0x5DC, s26;
	s6 =	sadd.s32 $0x7D0, s26  }
0xe: {  	s18 =	sadd.s32 $0x3200000, s16;
	s19 =	sadd.s32 $0x500000, s16;
	[dreg:$0x11] =	wrdreg s5  }
0xf: {  	s20 =	sadd.s32 $0xA00000, s16;
	s22 =	sadd.s32 $0x1400000, s16;
	[dreg:$0x7] =	wrdreg s7  }
0x10: {  	s24 =	sadd.s32 $0x1900000, s16;
	[dreg:$0x8] =	wrdreg s9;
	s11 =	sadd.s32 s0, s10  }
0x11: {  	s5 =	simm.s32 $0xD860;
	s7 =	sadd.s32 s1, s10;
	[dreg:$0x9] =	wrdreg s11  }
0x12: {  	s13 =	sadd.s32 s0, s12;
	s15 =	sadd.s32 s0, s14;
	[dreg:$0xa] =	wrdreg s7  }
0x13: {  	s0 =	sadd.s32 s0, s6;
	s17 =	sadd.s32 s1, s6;
	[dreg:$0xb] =	wrdreg s13  }
0x14: {  	s9 =	sshll.u32 s28, $0x5;
	s10 =	smul.u32 $0x28000, s28;
	[dreg:$0xd] =	wrdreg s15  }
0x15: {  	s25 =	smax.u32 s25, $0x1;
	v6 =	vmov s24;
	s24 =	simm.s32 $0xF7A0;
	[dreg:$0xf] =	wrdreg s0  }
0x16: {  	s7 =	sadd.s32 s1, s12;
	[dreg:$0x10] =	wrdreg s17;
	s11 =	sadd.s32 $0xF00000, s16  }
0x17: {  	s12 =	sadd.s32 $0x1E00000, s16;
	s17 =	smul.u32 $0xA000, s28;
	s13 =	sadd.s32 $0x2300000, s16  }
0x18: {  	s15 =	sadd.s32 $0x2D00000, s16;
	[dreg:$0x12] =	wrdreg s25;
	s25 =	simm.s32 $0x2  }
.Ltmp0:
0x19: {  	v11 =	vlaneseq.u32;
	v13 =	vimm.s32 $0xFFFFFFFF;
	[dreg:$0xc] =	wrdreg s7;
	s7 =	sadd.s32 s1, s14;
	(pc) =	sbr.rel .LBB2_1-.Ltmp0, $4  }
0x1a: {  	v14 =	vimm.f32 $0.0e+00;
	v0 =	vmov s16;
	v1 =	vmov s18;
	s23 =	sshrl.u32 s10, $0x2;
	s14 =	sadd.s32 $0x2800000, s16;
	s1 =	simm.s32 $0x0  }
0x1b: {  	v2 =	vmov s19;
	v3 =	vmov s20;
	v5 =	vmov s22;
	[dreg:$0xe] =	wrdreg s7;
	s7 =	sor.u32 s9, s21;
	s26 =	sadd.s32 s17, s2  }
0x1c: {  	v4 =	vmov s11;
	v7 =	vmov s12;
	v8 =	vmov s13;
	s18 =	sadd.s32 s23, s2;
	s7 =	sor.u32 $0xA0000, s7;
	s20 =	sshrl.u32 s26, $0x3  }
0x1d: {  	v10 =	vmov s15;
	v9 =	vmov s14;
	s21 =	sadd.s32 $0x2800, s18;
	s22 =	sadd.s32 $0x5000, s18;
	s23 =	sadd.s32 $0x7800, s18;
	v12 =	vor.u32 s7, v11  }
.LBB2_43:
0x1e: {  	s1 =	rddreg [dreg:$0x13]  }
0x1f: {  	s0 =	rddreg [dreg:$0x12];
	s1 =	sadd.s32 $0x1, s1  }
0x20: {  	p0 =	sne.s32 s1, s0  }
.Ltmp1:
0x21: {  	_ = 	snop;
	(pc) =	sbr.rel @!p0 .LBB2_44-.Ltmp1, $2  }
0x22: {  	_ =	sdelay $0x2  }
0x23: {  	s5 =	simm.s32 $0xD860;
	s8 =	simm.s32 $0xE800  }
.LBB2_1:
0x24: {  	[dreg:$0x13] =	wrdreg s1  }
0x25: {  	s0 =	rddreg [dreg:$0x5]  }
0x26: {  	[tilespmem:s24], [sflag:$0x2] =	stream.linear.gather [hbm4b:s0+s3], $0x2800, $0x38;
	[tilespmem:$0x1D840] =	vst v63  }
0x27: {  	_ =	swait.ge [sflag:s25], $0x2800  }
0x28: {  	[sflag:s25] =	ssyncset.done $0x0  }
0x29: {  	s19 =	rddreg [dreg:$0x7];
	[sflag:s25] =	ssyncadd.s32 $0xFFFFD800  }
0x2a: {  	[tilespmem:s5], [sflag:$0x2] =	stream.linear.gather [hbm4b:s19+s3], $0xFA0, $0x38;
	[tilespmem:$0x1D840] =	vst v63  }
0x2b: {  	_ =	swait.ge [sflag:s25], $0xFA0  }
0x2c: {  	[sflag:s25] =	ssyncset.done $0x0  }
0x2d: {  	s26 =	rddreg [dreg:$0x8];
	[sflag:s25] =	ssyncadd.s32 $0xFFFFF060  }
0x2e: {  	[tilespmem:s8], [sflag:$0x2] =	stream.linear.gather [hbm4b:s26+s3], $0xFA0, $0x38;
	[tilespmem:$0x1D840] =	vst v63  }
0x2f: {  	_ =	swait.ge [sflag:s25], $0xFA0  }
0x30: {  	[sflag:s25] =	ssyncset.done $0x0  }
0x31: {  	s0 =	simm.s32 $0x40;
	[sflag:s25] =	ssyncadd.s32 $0xFFFFF060  }
0x32: {  	v15 =	vld [tilespmem:s0+$0xD820]  }
0x33: {  	v16 =	vld [tilespmem:s0+$0xE7C0];
	_ =	sdelay $0x5  }
0x34: {  	v19 =	vld [tilespmem:s0+$0xD830]  }
0x35: {  	v17 =	vld.idx.msk [tilespmem:v15+s24+$0x0], $0xffff  }
0x36: {  	v18 =	vld.idx.msk [tilespmem:v16+s24+$0x0], $0xffff  }
0x37: {  	v20 =	vld [tilespmem:s0+$0xE7D0];
	_ =	sdelay $0x1  }
0x38: {  	v16 =	vmul.u32 $0x2800, v16;
	_ =	sdelay $0x1  }
0x39: {  	v15 =	vadd.s32 v15, v16;
	v16 =	vmul.f32 v18, v17  }
0x3a: {  	[tilespmem:s0+$0xFFFFFFC0] =	vst v15  }
0x3b: {  	v17 =	vld [tilespmem:s0+$0xD840];
	[tilespmem:s0+$0x4DF0] =	vst v16  }
0x3c: {  	v15 =	vld.idx.msk [tilespmem:v19+s24+$0x0], $0xffff  }
0x3d: {  	v16 =	vld.idx.msk [tilespmem:v20+s24+$0x0], $0xffff  }
0x3e: {  	v18 =	vld [tilespmem:s0+$0xE7E0];
	_ =	sdelay $0x1  }
0x3f: {  	v20 =	vmul.u32 $0x2800, v20;
	_ =	sdelay $0x1  }
0x40: {  	v19 =	vadd.s32 v19, v20;
	v15 =	vmul.f32 v16, v15  }
0x41: {  	[tilespmem:s0+$0xFFFFFFD0] =	vst v19  }
0x42: {  	[tilespmem:s0+$0x4E00] =	vst v15;
	v15 =	vmul.u32 $0x2800, v18  }
0x43: {  	v16 =	vld.idx.msk [tilespmem:v17+s24+$0x0], $0xffff  }
0x44: {  	v18 =	vld.idx.msk [tilespmem:v18+s24+$0x0], $0xffff;
	v15 =	vadd.s32 v17, v15  }
0x45: {  	[tilespmem:s0+$0xFFFFFFE0] =	vst v15;
	v15 =	vld [tilespmem:s0+$0xD850]  }
0x46: {  	v17 =	vld [tilespmem:s0+$0xE7F0];
	_ =	sdelay $0x3  }
0x47: {  	v16 =	vmul.f32 v18, v16;
	_ =	sdelay $0x1  }
0x48: {  	v18 =	vld [tilespmem:s0+$0xE800];
	[tilespmem:s0+$0x4E10] =	vst v16;
	v16 =	vmul.u32 $0x2800, v17  }
0x49: {  	v19 =	vld.idx.msk [tilespmem:v15+s24+$0x0], $0xffff  }
0x4a: {  	v15 =	vadd.s32 v15, v16;
	v16 =	vld.idx.msk [tilespmem:v17+s24+$0x0], $0xffff  }
0x4b: {  	[tilespmem:s0+$0xFFFFFFF0] =	vst v15;
	v15 =	vld [tilespmem:s0+$0xD860];
	_ =	sdelay $0x3  }
0x4c: {  	v16 =	vmul.f32 v16, v19;
	_ =	sdelay $0x1  }
0x4d: {  	v17 =	vmul.u32 $0x2800, v18;
	[tilespmem:s0+$0x4E20] =	vst v16  }
0x4e: {  	v18 =	vld.idx.msk [tilespmem:v18+s24+$0x0], $0xffff  }
0x4f: {  	s1 =	simm.s32 $0x90;
	v17 =	vadd.s32 v15, v17;
	v16 =	vld.idx.msk [tilespmem:v15+s24+$0x0], $0xffff  }
0x50: {  	v15 =	vld [tilespmem:s1+$0xD820];
	[tilespmem:s0+$0x0] =	vst v17  }
0x51: {  	s4 =	simm.s32 $0x380;
	v17 =	vld [tilespmem:s1+$0xE7C0]  }
.LBB2_2:
0x52: {  	p0 =	sne.s32 s4, $0x3E40;
	s6 =	smov.u32 s4;
	s4 =	sadd.s32 $0x140, s4  }
0x53: {  	_ =	sdelay $0x1  }
0x54: {  	v16 =	vmul.f32 v18, v16  }
0x55: {  	v18 =	vmul.u32 $0x2800, v17  }
0x56: {  	[tilespmem:s0+$0x4E30] =	vst v16;
	s0 =	smov.u32 s1  }
0x57: {  	v16 =	vld.idx.msk [tilespmem:v15+s24+$0x0], $0xffff;
	v15 =	vadd.s32 v15, v18  }
0x58: {  	v17 =	vld.idx.msk [tilespmem:v17+s24+$0x0], $0xffff  }
0x59: {  	v18 =	vld [tilespmem:s0+$0xD830]  }
0x5a: {  	v19 =	vld [tilespmem:s0+$0xE7D0];
	_ =	sdelay $0x3  }
0x5b: {  	v16 =	vmul.f32 v17, v16  }
0x5c: {  	[tilespmem:s0+$0xFFFFFFC0] =	vst v15;
	v15 =	vmul.u32 $0x2800, v19  }
0x5d: {  	[tilespmem:s0+$0x4DF0] =	vst v16  }
0x5e: {  	v16 =	vld.idx.msk [tilespmem:v18+s24+$0x0], $0xffff;
	v15 =	vadd.s32 v18, v15  }
0x5f: {  	v17 =	vld.idx.msk [tilespmem:v19+s24+$0x0], $0xffff  }
0x60: {  	v18 =	vld [tilespmem:s0+$0xD840]  }
0x61: {  	v19 =	vld [tilespmem:s0+$0xE7E0];
	_ =	sdelay $0x3  }
0x62: {  	v16 =	vmul.f32 v17, v16  }
0x63: {  	[tilespmem:s0+$0xFFFFFFD0] =	vst v15  }
0x64: {  	v15 =	vmul.u32 $0x2800, v19;
	[tilespmem:s0+$0x4E00] =	vst v16  }
0x65: {  	v16 =	vld.idx.msk [tilespmem:v18+s24+$0x0], $0xffff  }
0x66: {  	v15 =	vadd.s32 v18, v15;
	v17 =	vld.idx.msk [tilespmem:v19+s24+$0x0], $0xffff  }
0x67: {  	[tilespmem:s0+$0xFFFFFFE0] =	vst v15;
	v15 =	vld [tilespmem:s0+$0xD850]  }
0x68: {  	v18 =	vld [tilespmem:s0+$0xE7F0];
	_ =	sdelay $0x3  }
0x69: {  	v16 =	vmul.f32 v17, v16  }
0x6a: {  	v17 =	vmul.u32 $0x2800, v18  }
0x6b: {  	[tilespmem:s0+$0x4E10] =	vst v16;
	v19 =	vld [tilespmem:s0+$0xE800]  }
0x6c: {  	v16 =	vld.idx.msk [tilespmem:v15+s24+$0x0], $0xffff;
	v15 =	vadd.s32 v15, v17  }
0x6d: {  	v17 =	vld.idx.msk [tilespmem:v18+s24+$0x0], $0xffff  }
0x6e: {  	[tilespmem:s0+$0xFFFFFFF0] =	vst v15;
	v15 =	vld [tilespmem:s0+$0xD860];
	_ =	sdelay $0x4  }
0x6f: {  	v16 =	vmul.f32 v17, v16;
	_ =	sdelay $0x1  }
.Ltmp2:
0x70: {  	v17 =	vmul.u32 $0x2800, v19;
	[tilespmem:s0+$0x4E20] =	vst v16;
	(pc) =	sbr.rel @p0 .LBB2_2-.Ltmp2, $4  }
0x71: {  	v16 =	vld.idx.msk [tilespmem:v15+s24+$0x0], $0xffff  }
0x72: {  	s1 =	sshra.s32 s6, $0x2;
	v17 =	vadd.s32 v15, v17;
	v18 =	vld.idx.msk [tilespmem:v19+s24+$0x0], $0xffff  }
0x73: {  	v15 =	vld [tilespmem:s1+$0xD820];
	[tilespmem:s0+$0x0] =	vst v17  }
0x74: {  	v17 =	vld [tilespmem:s1+$0xE7C0]  }
0x75: {  	_ =	sdelay $0x3  }
0x76: {  	v16 =	vmul.f32 v18, v16;
	_ =	sdelay $0x1  }
0x77: {  	[tilespmem:s0+$0x4E30] =	vst v16  }
0x78: {  	v16 =	vld.idx.msk [tilespmem:v15+s24+$0x0], $0xffff  }
0x79: {  	v18 =	vld.idx.msk [tilespmem:v17+s24+$0x0], $0xffff  }
0x7a: {  	v19 =	vld [tilespmem:s1+$0xD830]  }
0x7b: {  	v20 =	vld [tilespmem:s1+$0xE7D0];
	_ =	sdelay $0x1  }
0x7c: {  	v17 =	vmul.u32 $0x2800, v17;
	_ =	sdelay $0x1  }
0x7d: {  	v15 =	vadd.s32 v15, v17;
	v16 =	vmul.f32 v18, v16  }
0x7e: {  	[tilespmem:s1+$0xFFFFFFC0] =	vst v15  }
0x7f: {  	v17 =	vld [tilespmem:s1+$0xD840];
	[tilespmem:s1+$0x4DF0] =	vst v16  }
0x80: {  	v15 =	vld.idx.msk [tilespmem:v19+s24+$0x0], $0xffff  }
0x81: {  	v16 =	vld.idx.msk [tilespmem:v20+s24+$0x0], $0xffff  }
0x82: {  	v18 =	vld [tilespmem:s1+$0xE7E0];
	_ =	sdelay $0x1  }
0x83: {  	v20 =	vmul.u32 $0x2800, v20;
	_ =	sdelay $0x1  }
0x84: {  	v19 =	vadd.s32 v19, v20;
	v15 =	vmul.f32 v16, v15  }
0x85: {  	[tilespmem:s1+$0xFFFFFFD0] =	vst v19  }
0x86: {  	[tilespmem:s1+$0x4E00] =	vst v15;
	v15 =	vmul.u32 $0x2800, v18  }
0x87: {  	v16 =	vld.idx.msk [tilespmem:v17+s24+$0x0], $0xffff  }
0x88: {  	v18 =	vld.idx.msk [tilespmem:v18+s24+$0x0], $0xffff;
	v15 =	vadd.s32 v17, v15  }
0x89: {  	[tilespmem:s1+$0xFFFFFFE0] =	vst v15;
	v15 =	vld [tilespmem:s1+$0xD850]  }
0x8a: {  	v17 =	vld [tilespmem:s1+$0xE7F0];
	_ =	sdelay $0x3  }
0x8b: {  	v16 =	vmul.f32 v18, v16;
	_ =	sdelay $0x1  }
0x8c: {  	v18 =	vld [tilespmem:s1+$0xE800];
	[tilespmem:s1+$0x4E10] =	vst v16;
	v16 =	vmul.u32 $0x2800, v17  }
0x8d: {  	v19 =	vld.idx.msk [tilespmem:v15+s24+$0x0], $0xffff  }
0x8e: {  	v15 =	vadd.s32 v15, v16;
	v16 =	vld.idx.msk [tilespmem:v17+s24+$0x0], $0xffff  }
0x8f: {  	[tilespmem:s1+$0xFFFFFFF0] =	vst v15;
	v15 =	vld [tilespmem:s1+$0xD860];
	_ =	sdelay $0x3  }
0x90: {  	v16 =	vmul.f32 v16, v19;
	_ =	sdelay $0x1  }
0x91: {  	[tilespmem:s1+$0x4E20] =	vst v16  }
0x92: {  	v17 =	vld.idx.msk [tilespmem:v18+s24+$0x0], $0xffff  }
0x93: {  	v16 =	vld.idx.msk [tilespmem:v15+s24+$0x0], $0xffff;
	_ =	sdelay $0x2  }
0x94: {  	v18 =	vmul.u32 $0x2800, v18;
	_ =	sdelay $0x1  }
0x95: {  	v15 =	vadd.s32 v15, v18;
	v16 =	vmul.f32 v17, v16  }
0x96: {  	[tilespmem:s1+$0x0] =	vst v15  }
0x97: {  	s16 =	simm.s32 $0x0;
	s19 =	rddreg [dreg:$0x9];
	[tilespmem:s1+$0x4E30] =	vst v16  }
0x98: {  	[tilespmem:s5], [sflag:$0x2] =	stream.linear.gather [hbm4b:s19+s16], $0xFA0, $0x38;
	[tilespmem:$0x1D840] =	vst v63  }
0x99: {  	_ =	swait.ge [sflag:s25], $0xFA0  }
0x9a: {  	[sflag:s25] =	ssyncset.done $0x0  }
0x9b: {  	s26 =	rddreg [dreg:$0xa];
	[sflag:s25] =	ssyncadd.s32 $0xFFFFF060  }
0x9c: {  	[tilespmem:s8], [sflag:$0x2] =	stream.linear.gather [hbm4b:s26+s16], $0xFA0, $0x38;
	[tilespmem:$0x1D840] =	vst v63  }
0x9d: {  	_ =	swait.ge [sflag:s25], $0xFA0  }
0x9e: {  	[sflag:s25] =	ssyncset.done $0x0  }
0x9f: {  	s0 =	simm.s32 $0x0;
	[sflag:s25] =	ssyncadd.s32 $0xFFFFF060  }
0xa0: {  	v15 =	vld [tilespmem:s0+$0xD860]  }
0xa1: {  	v16 =	vld [tilespmem:s0+$0xE800];
	_ =	sdelay $0x5  }
0xa2: {  	v19 =	vld [tilespmem:s0+$0xD870]  }
0xa3: {  	v17 =	vld.idx.msk [tilespmem:v15+s24+$0x0], $0xffff  }
0xa4: {  	v18 =	vld.idx.msk [tilespmem:v16+s24+$0x0], $0xffff  }
0xa5: {  	v20 =	vld [tilespmem:s0+$0xE810];
	_ =	sdelay $0x1  }
0xa6: {  	v16 =	vmul.u32 $0x2800, v16;
	_ =	sdelay $0x1  }
0xa7: {  	v15 =	vadd.s32 v15, v16;
	v16 =	vmul.f32 v18, v17  }
0xa8: {  	[tilespmem:s0+$0xFA0] =	vst v15  }
0xa9: {  	v17 =	vld [tilespmem:s0+$0xD880];
	[tilespmem:s0+$0x5DD0] =	vst v16  }
0xaa: {  	v15 =	vld.idx.msk [tilespmem:v19+s24+$0x0], $0xffff  }
0xab: {  	v16 =	vld.idx.msk [tilespmem:v20+s24+$0x0], $0xffff  }
0xac: {  	v18 =	vld [tilespmem:s0+$0xE820];
	_ =	sdelay $0x1  }
0xad: {  	v20 =	vmul.u32 $0x2800, v20;
	_ =	sdelay $0x1  }
0xae: {  	v19 =	vadd.s32 v19, v20;
	v15 =	vmul.f32 v16, v15  }
0xaf: {  	[tilespmem:s0+$0xFB0] =	vst v19  }
0xb0: {  	[tilespmem:s0+$0x5DE0] =	vst v15;
	v15 =	vmul.u32 $0x2800, v18  }
0xb1: {  	v16 =	vld.idx.msk [tilespmem:v17+s24+$0x0], $0xffff  }
0xb2: {  	v18 =	vld.idx.msk [tilespmem:v18+s24+$0x0], $0xffff;
	v15 =	vadd.s32 v17, v15  }
0xb3: {  	[tilespmem:s0+$0xFC0] =	vst v15;
	v15 =	vld [tilespmem:s0+$0xD890]  }
0xb4: {  	v17 =	vld [tilespmem:s0+$0xE830];
	_ =	sdelay $0x3  }
0xb5: {  	v16 =	vmul.f32 v18, v16;
	_ =	sdelay $0x1  }
0xb6: {  	v18 =	vld [tilespmem:s0+$0xE840];
	[tilespmem:s0+$0x5DF0] =	vst v16;
	v16 =	vmul.u32 $0x2800, v17  }
0xb7: {  	v19 =	vld.idx.msk [tilespmem:v15+s24+$0x0], $0xffff  }
0xb8: {  	v15 =	vadd.s32 v15, v16;
	v16 =	vld.idx.msk [tilespmem:v17+s24+$0x0], $0xffff  }
0xb9: {  	[tilespmem:s0+$0xFD0] =	vst v15;
	v15 =	vld [tilespmem:s0+$0xD8A0];
	_ =	sdelay $0x3  }
0xba: {  	v16 =	vmul.f32 v16, v19;
	_ =	sdelay $0x1  }
0xbb: {  	v17 =	vmul.u32 $0x2800, v18;
	[tilespmem:s0+$0x5E00] =	vst v16  }
0xbc: {  	v18 =	vld.idx.msk [tilespmem:v18+s24+$0x0], $0xffff  }
0xbd: {  	s1 =	simm.s32 $0x50;
	v17 =	vadd.s32 v15, v17;
	v16 =	vld.idx.msk [tilespmem:v15+s24+$0x0], $0xffff  }
0xbe: {  	v15 =	vld [tilespmem:s1+$0xD860];
	[tilespmem:s0+$0xFE0] =	vst v17  }
0xbf: {  	s4 =	simm.s32 $0x280;
	v17 =	vld [tilespmem:s1+$0xE800]  }
.LBB2_4:
0xc0: {  	p0 =	sne.s32 s4, $0x3D40;
	s6 =	smov.u32 s4;
	s4 =	sadd.s32 $0x140, s4  }
0xc1: {  	_ =	sdelay $0x1  }
0xc2: {  	v16 =	vmul.f32 v18, v16  }
0xc3: {  	v18 =	vmul.u32 $0x2800, v17  }
0xc4: {  	[tilespmem:s0+$0x5E10] =	vst v16;
	s0 =	smov.u32 s1  }
0xc5: {  	v16 =	vld.idx.msk [tilespmem:v15+s24+$0x0], $0xffff;
	v15 =	vadd.s32 v15, v18  }
0xc6: {  	v17 =	vld.idx.msk [tilespmem:v17+s24+$0x0], $0xffff  }
0xc7: {  	v18 =	vld [tilespmem:s0+$0xD870]  }
0xc8: {  	v19 =	vld [tilespmem:s0+$0xE810];
	_ =	sdelay $0x3  }
0xc9: {  	v16 =	vmul.f32 v17, v16  }
0xca: {  	[tilespmem:s0+$0xFA0] =	vst v15;
	v15 =	vmul.u32 $0x2800, v19  }
0xcb: {  	[tilespmem:s0+$0x5DD0] =	vst v16  }
0xcc: {  	v16 =	vld.idx.msk [tilespmem:v18+s24+$0x0], $0xffff;
	v15 =	vadd.s32 v18, v15  }
0xcd: {  	v17 =	vld.idx.msk [tilespmem:v19+s24+$0x0], $0xffff  }
0xce: {  	v18 =	vld [tilespmem:s0+$0xD880]  }
0xcf: {  	v19 =	vld [tilespmem:s0+$0xE820];
	_ =	sdelay $0x3  }
0xd0: {  	v16 =	vmul.f32 v17, v16  }
0xd1: {  	[tilespmem:s0+$0xFB0] =	vst v15  }
0xd2: {  	v15 =	vmul.u32 $0x2800, v19;
	[tilespmem:s0+$0x5DE0] =	vst v16  }
0xd3: {  	v16 =	vld.idx.msk [tilespmem:v18+s24+$0x0], $0xffff  }
0xd4: {  	v15 =	vadd.s32 v18, v15;
	v17 =	vld.idx.msk [tilespmem:v19+s24+$0x0], $0xffff  }
0xd5: {  	[tilespmem:s0+$0xFC0] =	vst v15;
	v15 =	vld [tilespmem:s0+$0xD890]  }
0xd6: {  	v18 =	vld [tilespmem:s0+$0xE830];
	_ =	sdelay $0x3  }
0xd7: {  	v16 =	vmul.f32 v17, v16  }
0xd8: {  	v17 =	vmul.u32 $0x2800, v18  }
0xd9: {  	[tilespmem:s0+$0x5DF0] =	vst v16;
	v19 =	vld [tilespmem:s0+$0xE840]  }
0xda: {  	v16 =	vld.idx.msk [tilespmem:v15+s24+$0x0], $0xffff;
	v15 =	vadd.s32 v15, v17  }
0xdb: {  	v17 =	vld.idx.msk [tilespmem:v18+s24+$0x0], $0xffff  }
0xdc: {  	[tilespmem:s0+$0xFD0] =	vst v15;
	v15 =	vld [tilespmem:s0+$0xD8A0];
	_ =	sdelay $0x4  }
0xdd: {  	v16 =	vmul.f32 v17, v16;
	_ =	sdelay $0x1  }
.Ltmp3:
0xde: {  	v17 =	vmul.u32 $0x2800, v19;
	[tilespmem:s0+$0x5E00] =	vst v16;
	(pc) =	sbr.rel @p0 .LBB2_4-.Ltmp3, $4  }
0xdf: {  	v16 =	vld.idx.msk [tilespmem:v15+s24+$0x0], $0xffff  }
0xe0: {  	s1 =	sshra.s32 s6, $0x2;
	v17 =	vadd.s32 v15, v17;
	v18 =	vld.idx.msk [tilespmem:v19+s24+$0x0], $0xffff  }
0xe1: {  	v15 =	vld [tilespmem:s1+$0xD860];
	[tilespmem:s0+$0xFE0] =	vst v17  }
0xe2: {  	v17 =	vld [tilespmem:s1+$0xE800]  }
0xe3: {  	_ =	sdelay $0x3  }
0xe4: {  	v16 =	vmul.f32 v18, v16;
	_ =	sdelay $0x1  }
0xe5: {  	[tilespmem:s0+$0x5E10] =	vst v16  }
0xe6: {  	v16 =	vld.idx.msk [tilespmem:v15+s24+$0x0], $0xffff  }
0xe7: {  	v18 =	vld.idx.msk [tilespmem:v17+s24+$0x0], $0xffff  }
0xe8: {  	v19 =	vld [tilespmem:s1+$0xD870]  }
0xe9: {  	v20 =	vld [tilespmem:s1+$0xE810];
	_ =	sdelay $0x1  }
0xea: {  	v17 =	vmul.u32 $0x2800, v17;
	_ =	sdelay $0x1  }
0xeb: {  	v15 =	vadd.s32 v15, v17;
	v16 =	vmul.f32 v18, v16  }
0xec: {  	[tilespmem:s1+$0xFA0] =	vst v15  }
0xed: {  	v17 =	vld [tilespmem:s1+$0xD880];
	[tilespmem:s1+$0x5DD0] =	vst v16  }
0xee: {  	v15 =	vld.idx.msk [tilespmem:v19+s24+$0x0], $0xffff  }
0xef: {  	v16 =	vld.idx.msk [tilespmem:v20+s24+$0x0], $0xffff  }
0xf0: {  	v18 =	vld [tilespmem:s1+$0xE820];
	_ =	sdelay $0x1  }
0xf1: {  	v20 =	vmul.u32 $0x2800, v20;
	_ =	sdelay $0x1  }
0xf2: {  	v19 =	vadd.s32 v19, v20;
	v15 =	vmul.f32 v16, v15  }
0xf3: {  	[tilespmem:s1+$0xFB0] =	vst v19  }
0xf4: {  	[tilespmem:s1+$0x5DE0] =	vst v15;
	v15 =	vmul.u32 $0x2800, v18  }
0xf5: {  	v16 =	vld.idx.msk [tilespmem:v17+s24+$0x0], $0xffff  }
0xf6: {  	v18 =	vld.idx.msk [tilespmem:v18+s24+$0x0], $0xffff;
	v15 =	vadd.s32 v17, v15  }
0xf7: {  	[tilespmem:s1+$0xFC0] =	vst v15;
	v15 =	vld [tilespmem:s1+$0xD890]  }
0xf8: {  	v17 =	vld [tilespmem:s1+$0xE830];
	_ =	sdelay $0x3  }
0xf9: {  	v16 =	vmul.f32 v18, v16;
	_ =	sdelay $0x1  }
0xfa: {  	v18 =	vld [tilespmem:s1+$0xE840];
	[tilespmem:s1+$0x5DF0] =	vst v16;
	v16 =	vmul.u32 $0x2800, v17  }
0xfb: {  	v19 =	vld.idx.msk [tilespmem:v15+s24+$0x0], $0xffff  }
0xfc: {  	v15 =	vadd.s32 v15, v16;
	v16 =	vld.idx.msk [tilespmem:v17+s24+$0x0], $0xffff  }
0xfd: {  	[tilespmem:s1+$0xFD0] =	vst v15;
	v15 =	vld [tilespmem:s1+$0xD8A0];
	_ =	sdelay $0x3  }
0xfe: {  	v16 =	vmul.f32 v16, v19;
	_ =	sdelay $0x1  }
0xff: {  	[tilespmem:s1+$0x5E00] =	vst v16  }
0x100: {  	v17 =	vld.idx.msk [tilespmem:v18+s24+$0x0], $0xffff  }
0x101: {  	v16 =	vld.idx.msk [tilespmem:v15+s24+$0x0], $0xffff;
	_ =	sdelay $0x2  }
0x102: {  	v18 =	vmul.u32 $0x2800, v18;
	_ =	sdelay $0x1  }
0x103: {  	v15 =	vadd.s32 v15, v18;
	v16 =	vmul.f32 v17, v16  }
0x104: {  	[tilespmem:s1+$0xFE0] =	vst v15  }
0x105: {  	s16 =	simm.s32 $0x0;
	s19 =	rddreg [dreg:$0xb];
	[tilespmem:s1+$0x5E10] =	vst v16  }
0x106: {  	[tilespmem:s5], [sflag:$0x2] =	stream.linear.gather [hbm4b:s19+s16], $0xFA0, $0x38;
	[tilespmem:$0x1D840] =	vst v63  }
0x107: {  	_ =	swait.ge [sflag:s25], $0xFA0  }
0x108: {  	[sflag:s25] =	ssyncset.done $0x0  }
0x109: {  	s26 =	rddreg [dreg:$0xc];
	[sflag:s25] =	ssyncadd.s32 $0xFFFFF060  }
0x10a: {  	[tilespmem:s8], [sflag:$0x2] =	stream.linear.gather [hbm4b:s26+s16], $0xFA0, $0x38;
	[tilespmem:$0x1D840] =	vst v63  }
0x10b: {  	_ =	swait.ge [sflag:s25], $0xFA0  }
0x10c: {  	[sflag:s25] =	ssyncset.done $0x0  }
0x10d: {  	s0 =	simm.s32 $0x0;
	[sflag:s25] =	ssyncadd.s32 $0xFFFFF060  }
0x10e: {  	v15 =	vld [tilespmem:s0+$0xD860]  }
0x10f: {  	v16 =	vld [tilespmem:s0+$0xE800];
	_ =	sdelay $0x5  }
0x110: {  	v19 =	vld [tilespmem:s0+$0xD870]  }
0x111: {  	v17 =	vld.idx.msk [tilespmem:v15+s24+$0x0], $0xffff  }
0x112: {  	v18 =	vld.idx.msk [tilespmem:v16+s24+$0x0], $0xffff  }
0x113: {  	v20 =	vld [tilespmem:s0+$0xE810];
	_ =	sdelay $0x1  }
0x114: {  	v16 =	vmul.u32 $0x2800, v16;
	_ =	sdelay $0x1  }
0x115: {  	v15 =	vadd.s32 v15, v16;
	v16 =	vmul.f32 v18, v17  }
0x116: {  	[tilespmem:s0+$0x1F40] =	vst v15  }
0x117: {  	v17 =	vld [tilespmem:s0+$0xD880];
	[tilespmem:s0+$0x6D70] =	vst v16  }
0x118: {  	v15 =	vld.idx.msk [tilespmem:v19+s24+$0x0], $0xffff  }
0x119: {  	v16 =	vld.idx.msk [tilespmem:v20+s24+$0x0], $0xffff  }
0x11a: {  	v18 =	vld [tilespmem:s0+$0xE820];
	_ =	sdelay $0x1  }
0x11b: {  	v20 =	vmul.u32 $0x2800, v20;
	_ =	sdelay $0x1  }
0x11c: {  	v19 =	vadd.s32 v19, v20;
	v15 =	vmul.f32 v16, v15  }
0x11d: {  	[tilespmem:s0+$0x1F50] =	vst v19  }
0x11e: {  	[tilespmem:s0+$0x6D80] =	vst v15;
	v15 =	vmul.u32 $0x2800, v18  }
0x11f: {  	v16 =	vld.idx.msk [tilespmem:v17+s24+$0x0], $0xffff  }
0x120: {  	v18 =	vld.idx.msk [tilespmem:v18+s24+$0x0], $0xffff;
	v15 =	vadd.s32 v17, v15  }
0x121: {  	[tilespmem:s0+$0x1F60] =	vst v15;
	v15 =	vld [tilespmem:s0+$0xD890]  }
0x122: {  	v17 =	vld [tilespmem:s0+$0xE830];
	_ =	sdelay $0x3  }
0x123: {  	v16 =	vmul.f32 v18, v16;
	_ =	sdelay $0x1  }
0x124: {  	v18 =	vld [tilespmem:s0+$0xE840];
	[tilespmem:s0+$0x6D90] =	vst v16;
	v16 =	vmul.u32 $0x2800, v17  }
0x125: {  	v19 =	vld.idx.msk [tilespmem:v15+s24+$0x0], $0xffff  }
0x126: {  	v15 =	vadd.s32 v15, v16;
	v16 =	vld.idx.msk [tilespmem:v17+s24+$0x0], $0xffff  }
0x127: {  	[tilespmem:s0+$0x1F70] =	vst v15;
	v15 =	vld [tilespmem:s0+$0xD8A0];
	_ =	sdelay $0x3  }
0x128: {  	v16 =	vmul.f32 v16, v19;
	_ =	sdelay $0x1  }
0x129: {  	v17 =	vmul.u32 $0x2800, v18;
	[tilespmem:s0+$0x6DA0] =	vst v16  }
0x12a: {  	v18 =	vld.idx.msk [tilespmem:v18+s24+$0x0], $0xffff  }
0x12b: {  	s1 =	simm.s32 $0x50;
	v17 =	vadd.s32 v15, v17;
	v16 =	vld.idx.msk [tilespmem:v15+s24+$0x0], $0xffff  }
0x12c: {  	v15 =	vld [tilespmem:s1+$0xD860];
	[tilespmem:s0+$0x1F80] =	vst v17  }
0x12d: {  	s4 =	simm.s32 $0x280;
	v17 =	vld [tilespmem:s1+$0xE800]  }
.LBB2_6:
0x12e: {  	p0 =	sne.s32 s4, $0x3D40;
	s6 =	smov.u32 s4;
	s4 =	sadd.s32 $0x140, s4  }
0x12f: {  	_ =	sdelay $0x1  }
0x130: {  	v16 =	vmul.f32 v18, v16  }
0x131: {  	v18 =	vmul.u32 $0x2800, v17  }
0x132: {  	[tilespmem:s0+$0x6DB0] =	vst v16;
	s0 =	smov.u32 s1  }
0x133: {  	v16 =	vld.idx.msk [tilespmem:v15+s24+$0x0], $0xffff;
	v15 =	vadd.s32 v15, v18  }
0x134: {  	v17 =	vld.idx.msk [tilespmem:v17+s24+$0x0], $0xffff  }
0x135: {  	v18 =	vld [tilespmem:s0+$0xD870]  }
0x136: {  	v19 =	vld [tilespmem:s0+$0xE810];
	_ =	sdelay $0x3  }
0x137: {  	v16 =	vmul.f32 v17, v16  }
0x138: {  	[tilespmem:s0+$0x1F40] =	vst v15;
	v15 =	vmul.u32 $0x2800, v19  }
0x139: {  	[tilespmem:s0+$0x6D70] =	vst v16  }
0x13a: {  	v16 =	vld.idx.msk [tilespmem:v18+s24+$0x0], $0xffff;
	v15 =	vadd.s32 v18, v15  }
0x13b: {  	v17 =	vld.idx.msk [tilespmem:v19+s24+$0x0], $0xffff  }
0x13c: {  	v18 =	vld [tilespmem:s0+$0xD880]  }
0x13d: {  	v19 =	vld [tilespmem:s0+$0xE820];
	_ =	sdelay $0x3  }
0x13e: {  	v16 =	vmul.f32 v17, v16  }
0x13f: {  	[tilespmem:s0+$0x1F50] =	vst v15  }
0x140: {  	v15 =	vmul.u32 $0x2800, v19;
	[tilespmem:s0+$0x6D80] =	vst v16  }
0x141: {  	v16 =	vld.idx.msk [tilespmem:v18+s24+$0x0], $0xffff  }
0x142: {  	v15 =	vadd.s32 v18, v15;
	v17 =	vld.idx.msk [tilespmem:v19+s24+$0x0], $0xffff  }
0x143: {  	[tilespmem:s0+$0x1F60] =	vst v15;
	v15 =	vld [tilespmem:s0+$0xD890]  }
0x144: {  	v18 =	vld [tilespmem:s0+$0xE830];
	_ =	sdelay $0x3  }
0x145: {  	v16 =	vmul.f32 v17, v16  }
0x146: {  	v17 =	vmul.u32 $0x2800, v18  }
0x147: {  	[tilespmem:s0+$0x6D90] =	vst v16;
	v19 =	vld [tilespmem:s0+$0xE840]  }
0x148: {  	v16 =	vld.idx.msk [tilespmem:v15+s24+$0x0], $0xffff;
	v15 =	vadd.s32 v15, v17  }
0x149: {  	v17 =	vld.idx.msk [tilespmem:v18+s24+$0x0], $0xffff  }
0x14a: {  	[tilespmem:s0+$0x1F70] =	vst v15;
	v15 =	vld [tilespmem:s0+$0xD8A0];
	_ =	sdelay $0x4  }
0x14b: {  	v16 =	vmul.f32 v17, v16;
	_ =	sdelay $0x1  }
.Ltmp4:
0x14c: {  	v17 =	vmul.u32 $0x2800, v19;
	[tilespmem:s0+$0x6DA0] =	vst v16;
	(pc) =	sbr.rel @p0 .LBB2_6-.Ltmp4, $4  }
0x14d: {  	v16 =	vld.idx.msk [tilespmem:v15+s24+$0x0], $0xffff  }
0x14e: {  	s1 =	sshra.s32 s6, $0x2;
	v17 =	vadd.s32 v15, v17;
	v18 =	vld.idx.msk [tilespmem:v19+s24+$0x0], $0xffff  }
0x14f: {  	v15 =	vld [tilespmem:s1+$0xD860];
	[tilespmem:s0+$0x1F80] =	vst v17  }
0x150: {  	v17 =	vld [tilespmem:s1+$0xE800]  }
0x151: {  	_ =	sdelay $0x3  }
0x152: {  	v16 =	vmul.f32 v18, v16;
	_ =	sdelay $0x1  }
0x153: {  	[tilespmem:s0+$0x6DB0] =	vst v16  }
0x154: {  	v16 =	vld.idx.msk [tilespmem:v15+s24+$0x0], $0xffff  }
0x155: {  	v18 =	vld.idx.msk [tilespmem:v17+s24+$0x0], $0xffff  }
0x156: {  	v19 =	vld [tilespmem:s1+$0xD870]  }
0x157: {  	v20 =	vld [tilespmem:s1+$0xE810];
	_ =	sdelay $0x1  }
0x158: {  	v17 =	vmul.u32 $0x2800, v17;
	_ =	sdelay $0x1  }
0x159: {  	v15 =	vadd.s32 v15, v17;
	v16 =	vmul.f32 v18, v16  }
0x15a: {  	[tilespmem:s1+$0x1F40] =	vst v15  }
0x15b: {  	v17 =	vld [tilespmem:s1+$0xD880];
	[tilespmem:s1+$0x6D70] =	vst v16  }
0x15c: {  	v15 =	vld.idx.msk [tilespmem:v19+s24+$0x0], $0xffff  }
0x15d: {  	v16 =	vld.idx.msk [tilespmem:v20+s24+$0x0], $0xffff  }
0x15e: {  	v18 =	vld [tilespmem:s1+$0xE820];
	_ =	sdelay $0x1  }
0x15f: {  	v20 =	vmul.u32 $0x2800, v20;
	_ =	sdelay $0x1  }
0x160: {  	v19 =	vadd.s32 v19, v20;
	v15 =	vmul.f32 v16, v15  }
0x161: {  	[tilespmem:s1+$0x1F50] =	vst v19  }
0x162: {  	[tilespmem:s1+$0x6D80] =	vst v15;
	v15 =	vmul.u32 $0x2800, v18  }
0x163: {  	v16 =	vld.idx.msk [tilespmem:v17+s24+$0x0], $0xffff  }
0x164: {  	v18 =	vld.idx.msk [tilespmem:v18+s24+$0x0], $0xffff;
	v15 =	vadd.s32 v17, v15  }
0x165: {  	[tilespmem:s1+$0x1F60] =	vst v15;
	v15 =	vld [tilespmem:s1+$0xD890]  }
0x166: {  	v17 =	vld [tilespmem:s1+$0xE830];
	_ =	sdelay $0x3  }
0x167: {  	v16 =	vmul.f32 v18, v16;
	_ =	sdelay $0x1  }
0x168: {  	v18 =	vld [tilespmem:s1+$0xE840];
	[tilespmem:s1+$0x6D90] =	vst v16;
	v16 =	vmul.u32 $0x2800, v17  }
0x169: {  	v19 =	vld.idx.msk [tilespmem:v15+s24+$0x0], $0xffff  }
0x16a: {  	v15 =	vadd.s32 v15, v16;
	v16 =	vld.idx.msk [tilespmem:v17+s24+$0x0], $0xffff  }
0x16b: {  	[tilespmem:s1+$0x1F70] =	vst v15;
	v15 =	vld [tilespmem:s1+$0xD8A0];
	_ =	sdelay $0x3  }
0x16c: {  	v16 =	vmul.f32 v16, v19;
	_ =	sdelay $0x1  }
0x16d: {  	[tilespmem:s1+$0x6DA0] =	vst v16  }
0x16e: {  	v17 =	vld.idx.msk [tilespmem:v18+s24+$0x0], $0xffff  }
0x16f: {  	v16 =	vld.idx.msk [tilespmem:v15+s24+$0x0], $0xffff;
	_ =	sdelay $0x2  }
0x170: {  	v18 =	vmul.u32 $0x2800, v18;
	_ =	sdelay $0x1  }
0x171: {  	v15 =	vadd.s32 v15, v18;
	v16 =	vmul.f32 v17, v16  }
0x172: {  	[tilespmem:s1+$0x1F80] =	vst v15  }
0x173: {  	s16 =	simm.s32 $0x0;
	s19 =	rddreg [dreg:$0xd];
	[tilespmem:s1+$0x6DB0] =	vst v16  }
0x174: {  	[tilespmem:s5], [sflag:$0x2] =	stream.linear.gather [hbm4b:s19+s16], $0xFA0, $0x38;
	[tilespmem:$0x1D840] =	vst v63  }
0x175: {  	_ =	swait.ge [sflag:s25], $0xFA0  }
0x176: {  	[sflag:s25] =	ssyncset.done $0x0  }
0x177: {  	s26 =	rddreg [dreg:$0xe];
	[sflag:s25] =	ssyncadd.s32 $0xFFFFF060  }
0x178: {  	[tilespmem:s8], [sflag:$0x2] =	stream.linear.gather [hbm4b:s26+s16], $0xFA0, $0x38;
	[tilespmem:$0x1D840] =	vst v63  }
0x179: {  	_ =	swait.ge [sflag:s25], $0xFA0  }
0x17a: {  	[sflag:s25] =	ssyncset.done $0x0  }
0x17b: {  	s0 =	simm.s32 $0x0;
	[sflag:s25] =	ssyncadd.s32 $0xFFFFF060  }
0x17c: {  	v15 =	vld [tilespmem:s0+$0xD860]  }
0x17d: {  	v16 =	vld [tilespmem:s0+$0xE800];
	_ =	sdelay $0x5  }
0x17e: {  	v19 =	vld [tilespmem:s0+$0xD870]  }
0x17f: {  	v17 =	vld.idx.msk [tilespmem:v15+s24+$0x0], $0xffff  }
0x180: {  	v18 =	vld.idx.msk [tilespmem:v16+s24+$0x0], $0xffff  }
0x181: {  	v20 =	vld [tilespmem:s0+$0xE810];
	_ =	sdelay $0x1  }
0x182: {  	v16 =	vmul.u32 $0x2800, v16;
	_ =	sdelay $0x1  }
0x183: {  	v15 =	vadd.s32 v15, v16;
	v16 =	vmul.f32 v18, v17  }
0x184: {  	[tilespmem:s0+$0x2EE0] =	vst v15  }
0x185: {  	v17 =	vld [tilespmem:s0+$0xD880];
	[tilespmem:s0+$0x7D10] =	vst v16  }
0x186: {  	v15 =	vld.idx.msk [tilespmem:v19+s24+$0x0], $0xffff  }
0x187: {  	v16 =	vld.idx.msk [tilespmem:v20+s24+$0x0], $0xffff  }
0x188: {  	v18 =	vld [tilespmem:s0+$0xE820];
	_ =	sdelay $0x1  }
0x189: {  	v20 =	vmul.u32 $0x2800, v20;
	_ =	sdelay $0x1  }
0x18a: {  	v19 =	vadd.s32 v19, v20;
	v15 =	vmul.f32 v16, v15  }
0x18b: {  	[tilespmem:s0+$0x2EF0] =	vst v19  }
0x18c: {  	[tilespmem:s0+$0x7D20] =	vst v15;
	v15 =	vmul.u32 $0x2800, v18  }
0x18d: {  	v16 =	vld.idx.msk [tilespmem:v17+s24+$0x0], $0xffff  }
0x18e: {  	v18 =	vld.idx.msk [tilespmem:v18+s24+$0x0], $0xffff;
	v15 =	vadd.s32 v17, v15  }
0x18f: {  	[tilespmem:s0+$0x2F00] =	vst v15;
	v15 =	vld [tilespmem:s0+$0xD890]  }
0x190: {  	v17 =	vld [tilespmem:s0+$0xE830];
	_ =	sdelay $0x3  }
0x191: {  	v16 =	vmul.f32 v18, v16;
	_ =	sdelay $0x1  }
0x192: {  	v18 =	vld [tilespmem:s0+$0xE840];
	[tilespmem:s0+$0x7D30] =	vst v16;
	v16 =	vmul.u32 $0x2800, v17  }
0x193: {  	v19 =	vld.idx.msk [tilespmem:v15+s24+$0x0], $0xffff  }
0x194: {  	v15 =	vadd.s32 v15, v16;
	v16 =	vld.idx.msk [tilespmem:v17+s24+$0x0], $0xffff  }
0x195: {  	[tilespmem:s0+$0x2F10] =	vst v15;
	v15 =	vld [tilespmem:s0+$0xD8A0];
	_ =	sdelay $0x3  }
0x196: {  	v16 =	vmul.f32 v16, v19;
	_ =	sdelay $0x1  }
0x197: {  	v17 =	vmul.u32 $0x2800, v18;
	[tilespmem:s0+$0x7D40] =	vst v16  }
0x198: {  	v18 =	vld.idx.msk [tilespmem:v18+s24+$0x0], $0xffff  }
0x199: {  	s1 =	simm.s32 $0x50;
	v17 =	vadd.s32 v15, v17;
	v16 =	vld.idx.msk [tilespmem:v15+s24+$0x0], $0xffff  }
0x19a: {  	v15 =	vld [tilespmem:s1+$0xD860];
	[tilespmem:s0+$0x2F20] =	vst v17  }
0x19b: {  	s4 =	simm.s32 $0x280;
	v17 =	vld [tilespmem:s1+$0xE800]  }
.LBB2_8:
0x19c: {  	p0 =	sne.s32 s4, $0x3D40;
	s6 =	smov.u32 s4;
	s4 =	sadd.s32 $0x140, s4  }
0x19d: {  	_ =	sdelay $0x1  }
0x19e: {  	v16 =	vmul.f32 v18, v16  }
0x19f: {  	v18 =	vmul.u32 $0x2800, v17  }
0x1a0: {  	[tilespmem:s0+$0x7D50] =	vst v16;
	s0 =	smov.u32 s1  }
0x1a1: {  	v16 =	vld.idx.msk [tilespmem:v15+s24+$0x0], $0xffff;
	v15 =	vadd.s32 v15, v18  }
0x1a2: {  	v17 =	vld.idx.msk [tilespmem:v17+s24+$0x0], $0xffff  }
0x1a3: {  	v18 =	vld [tilespmem:s0+$0xD870]  }
0x1a4: {  	v19 =	vld [tilespmem:s0+$0xE810];
	_ =	sdelay $0x3  }
0x1a5: {  	v16 =	vmul.f32 v17, v16  }
0x1a6: {  	[tilespmem:s0+$0x2EE0] =	vst v15;
	v15 =	vmul.u32 $0x2800, v19  }
0x1a7: {  	[tilespmem:s0+$0x7D10] =	vst v16  }
0x1a8: {  	v16 =	vld.idx.msk [tilespmem:v18+s24+$0x0], $0xffff;
	v15 =	vadd.s32 v18, v15  }
0x1a9: {  	v17 =	vld.idx.msk [tilespmem:v19+s24+$0x0], $0xffff  }
0x1aa: {  	v18 =	vld [tilespmem:s0+$0xD880]  }
0x1ab: {  	v19 =	vld [tilespmem:s0+$0xE820];
	_ =	sdelay $0x3  }
0x1ac: {  	v16 =	vmul.f32 v17, v16  }
0x1ad: {  	[tilespmem:s0+$0x2EF0] =	vst v15  }
0x1ae: {  	v15 =	vmul.u32 $0x2800, v19;
	[tilespmem:s0+$0x7D20] =	vst v16  }
0x1af: {  	v16 =	vld.idx.msk [tilespmem:v18+s24+$0x0], $0xffff  }
0x1b0: {  	v15 =	vadd.s32 v18, v15;
	v17 =	vld.idx.msk [tilespmem:v19+s24+$0x0], $0xffff  }
0x1b1: {  	[tilespmem:s0+$0x2F00] =	vst v15;
	v15 =	vld [tilespmem:s0+$0xD890]  }
0x1b2: {  	v18 =	vld [tilespmem:s0+$0xE830];
	_ =	sdelay $0x3  }
0x1b3: {  	v16 =	vmul.f32 v17, v16  }
0x1b4: {  	v17 =	vmul.u32 $0x2800, v18  }
0x1b5: {  	[tilespmem:s0+$0x7D30] =	vst v16;
	v19 =	vld [tilespmem:s0+$0xE840]  }
0x1b6: {  	v16 =	vld.idx.msk [tilespmem:v15+s24+$0x0], $0xffff;
	v15 =	vadd.s32 v15, v17  }
0x1b7: {  	v17 =	vld.idx.msk [tilespmem:v18+s24+$0x0], $0xffff  }
0x1b8: {  	[tilespmem:s0+$0x2F10] =	vst v15;
	v15 =	vld [tilespmem:s0+$0xD8A0];
	_ =	sdelay $0x4  }
0x1b9: {  	v16 =	vmul.f32 v17, v16;
	_ =	sdelay $0x1  }
.Ltmp5:
0x1ba: {  	v17 =	vmul.u32 $0x2800, v19;
	[tilespmem:s0+$0x7D40] =	vst v16;
	(pc) =	sbr.rel @p0 .LBB2_8-.Ltmp5, $4  }
0x1bb: {  	v16 =	vld.idx.msk [tilespmem:v15+s24+$0x0], $0xffff  }
0x1bc: {  	s1 =	sshra.s32 s6, $0x2;
	v17 =	vadd.s32 v15, v17;
	v18 =	vld.idx.msk [tilespmem:v19+s24+$0x0], $0xffff  }
0x1bd: {  	v15 =	vld [tilespmem:s1+$0xD860];
	[tilespmem:s0+$0x2F20] =	vst v17  }
0x1be: {  	v17 =	vld [tilespmem:s1+$0xE800]  }
0x1bf: {  	_ =	sdelay $0x3  }
0x1c0: {  	v16 =	vmul.f32 v18, v16;
	_ =	sdelay $0x1  }
0x1c1: {  	[tilespmem:s0+$0x7D50] =	vst v16  }
0x1c2: {  	v16 =	vld.idx.msk [tilespmem:v15+s24+$0x0], $0xffff  }
0x1c3: {  	v18 =	vld.idx.msk [tilespmem:v17+s24+$0x0], $0xffff  }
0x1c4: {  	v19 =	vld [tilespmem:s1+$0xD870]  }
0x1c5: {  	v20 =	vld [tilespmem:s1+$0xE810];
	_ =	sdelay $0x1  }
0x1c6: {  	v17 =	vmul.u32 $0x2800, v17;
	_ =	sdelay $0x1  }
0x1c7: {  	v15 =	vadd.s32 v15, v17;
	v16 =	vmul.f32 v18, v16  }
0x1c8: {  	[tilespmem:s1+$0x2EE0] =	vst v15  }
0x1c9: {  	v17 =	vld [tilespmem:s1+$0xD880];
	[tilespmem:s1+$0x7D10] =	vst v16  }
0x1ca: {  	v15 =	vld.idx.msk [tilespmem:v19+s24+$0x0], $0xffff  }
0x1cb: {  	v16 =	vld.idx.msk [tilespmem:v20+s24+$0x0], $0xffff  }
0x1cc: {  	v18 =	vld [tilespmem:s1+$0xE820];
	_ =	sdelay $0x1  }
0x1cd: {  	v20 =	vmul.u32 $0x2800, v20;
	_ =	sdelay $0x1  }
0x1ce: {  	v19 =	vadd.s32 v19, v20;
	v15 =	vmul.f32 v16, v15  }
0x1cf: {  	[tilespmem:s1+$0x2EF0] =	vst v19  }
0x1d0: {  	[tilespmem:s1+$0x7D20] =	vst v15;
	v15 =	vmul.u32 $0x2800, v18  }
0x1d1: {  	v16 =	vld.idx.msk [tilespmem:v17+s24+$0x0], $0xffff  }
0x1d2: {  	v18 =	vld.idx.msk [tilespmem:v18+s24+$0x0], $0xffff;
	v15 =	vadd.s32 v17, v15  }
0x1d3: {  	[tilespmem:s1+$0x2F00] =	vst v15;
	v15 =	vld [tilespmem:s1+$0xD890]  }
0x1d4: {  	v17 =	vld [tilespmem:s1+$0xE830];
	_ =	sdelay $0x3  }
0x1d5: {  	v16 =	vmul.f32 v18, v16;
	_ =	sdelay $0x1  }
0x1d6: {  	v18 =	vld [tilespmem:s1+$0xE840];
	[tilespmem:s1+$0x7D30] =	vst v16;
	v16 =	vmul.u32 $0x2800, v17  }
0x1d7: {  	v19 =	vld.idx.msk [tilespmem:v15+s24+$0x0], $0xffff  }
0x1d8: {  	v15 =	vadd.s32 v15, v16;
	v16 =	vld.idx.msk [tilespmem:v17+s24+$0x0], $0xffff  }
0x1d9: {  	[tilespmem:s1+$0x2F10] =	vst v15;
	v15 =	vld [tilespmem:s1+$0xD8A0];
	_ =	sdelay $0x3  }
0x1da: {  	v16 =	vmul.f32 v16, v19;
	_ =	sdelay $0x1  }
0x1db: {  	[tilespmem:s1+$0x7D40] =	vst v16  }
0x1dc: {  	v17 =	vld.idx.msk [tilespmem:v18+s24+$0x0], $0xffff  }
0x1dd: {  	v16 =	vld.idx.msk [tilespmem:v15+s24+$0x0], $0xffff;
	_ =	sdelay $0x2  }
0x1de: {  	v18 =	vmul.u32 $0x2800, v18;
	_ =	sdelay $0x1  }
0x1df: {  	v15 =	vadd.s32 v15, v18;
	v16 =	vmul.f32 v17, v16  }
0x1e0: {  	[tilespmem:s1+$0x2F20] =	vst v15  }
0x1e1: {  	s4 =	simm.s32 $0x0;
	s19 =	rddreg [dreg:$0xf];
	[tilespmem:s1+$0x7D50] =	vst v16  }
0x1e2: {  	[tilespmem:s5], [sflag:$0x2] =	stream.linear.gather [hbm4b:s19+s4], $0xFA0, $0x38;
	[tilespmem:$0x1D840] =	vst v63  }
0x1e3: {  	_ =	swait.ge [sflag:s25], $0xFA0  }
0x1e4: {  	[sflag:s25] =	ssyncset.done $0x0  }
0x1e5: {  	s26 =	rddreg [dreg:$0x10];
	[sflag:s25] =	ssyncadd.s32 $0xFFFFF060  }
0x1e6: {  	[tilespmem:s8], [sflag:$0x2] =	stream.linear.gather [hbm4b:s26+s4], $0xFA0, $0x38;
	[tilespmem:$0x1D840] =	vst v63  }
0x1e7: {  	_ =	swait.ge [sflag:s25], $0xFA0  }
0x1e8: {  	[sflag:s25] =	ssyncset.done $0x0  }
0x1e9: {  	s0 =	simm.s32 $0x0;
	[sflag:s25] =	ssyncadd.s32 $0xFFFFF060  }
0x1ea: {  	v15 =	vld [tilespmem:s0+$0xD860]  }
0x1eb: {  	v16 =	vld [tilespmem:s0+$0xE800];
	_ =	sdelay $0x5  }
0x1ec: {  	v19 =	vld [tilespmem:s0+$0xD870]  }
0x1ed: {  	v17 =	vld.idx.msk [tilespmem:v15+s24+$0x0], $0xffff  }
0x1ee: {  	v18 =	vld.idx.msk [tilespmem:v16+s24+$0x0], $0xffff  }
0x1ef: {  	v20 =	vld [tilespmem:s0+$0xE810];
	_ =	sdelay $0x1  }
0x1f0: {  	v16 =	vmul.u32 $0x2800, v16;
	_ =	sdelay $0x1  }
0x1f1: {  	v15 =	vadd.s32 v15, v16;
	v16 =	vmul.f32 v18, v17  }
0x1f2: {  	[tilespmem:s0+$0x3E80] =	vst v15  }
0x1f3: {  	v17 =	vld [tilespmem:s0+$0xD880];
	[tilespmem:s0+$0x8CB0] =	vst v16  }
0x1f4: {  	v15 =	vld.idx.msk [tilespmem:v19+s24+$0x0], $0xffff  }
0x1f5: {  	v16 =	vld.idx.msk [tilespmem:v20+s24+$0x0], $0xffff  }
0x1f6: {  	v18 =	vld [tilespmem:s0+$0xE820];
	_ =	sdelay $0x1  }
0x1f7: {  	v20 =	vmul.u32 $0x2800, v20;
	_ =	sdelay $0x1  }
0x1f8: {  	v19 =	vadd.s32 v19, v20;
	v15 =	vmul.f32 v16, v15  }
0x1f9: {  	[tilespmem:s0+$0x3E90] =	vst v19  }
0x1fa: {  	[tilespmem:s0+$0x8CC0] =	vst v15;
	v15 =	vmul.u32 $0x2800, v18  }
0x1fb: {  	v16 =	vld.idx.msk [tilespmem:v17+s24+$0x0], $0xffff  }
0x1fc: {  	v18 =	vld.idx.msk [tilespmem:v18+s24+$0x0], $0xffff;
	v15 =	vadd.s32 v17, v15  }
0x1fd: {  	[tilespmem:s0+$0x3EA0] =	vst v15;
	v15 =	vld [tilespmem:s0+$0xD890]  }
0x1fe: {  	v17 =	vld [tilespmem:s0+$0xE830];
	_ =	sdelay $0x3  }
0x1ff: {  	v16 =	vmul.f32 v18, v16;
	_ =	sdelay $0x1  }
0x200: {  	v18 =	vld [tilespmem:s0+$0xE840];
	[tilespmem:s0+$0x8CD0] =	vst v16;
	v16 =	vmul.u32 $0x2800, v17  }
0x201: {  	v19 =	vld.idx.msk [tilespmem:v15+s24+$0x0], $0xffff  }
0x202: {  	v15 =	vadd.s32 v15, v16;
	v16 =	vld.idx.msk [tilespmem:v17+s24+$0x0], $0xffff  }
0x203: {  	[tilespmem:s0+$0x3EB0] =	vst v15;
	v15 =	vld [tilespmem:s0+$0xD8A0];
	_ =	sdelay $0x3  }
0x204: {  	v16 =	vmul.f32 v16, v19;
	_ =	sdelay $0x1  }
0x205: {  	v17 =	vmul.u32 $0x2800, v18;
	[tilespmem:s0+$0x8CE0] =	vst v16  }
0x206: {  	v18 =	vld.idx.msk [tilespmem:v18+s24+$0x0], $0xffff  }
0x207: {  	s1 =	simm.s32 $0x50;
	v17 =	vadd.s32 v15, v17;
	v16 =	vld.idx.msk [tilespmem:v15+s24+$0x0], $0xffff  }
0x208: {  	v15 =	vld [tilespmem:s1+$0xD860];
	[tilespmem:s0+$0x3EC0] =	vst v17  }
0x209: {  	s6 =	simm.s32 $0x280;
	v17 =	vld [tilespmem:s1+$0xE800]  }
.LBB2_10:
0x20a: {  	p0 =	sne.s32 s6, $0x3D40;
	s7 =	smov.u32 s6;
	s6 =	sadd.s32 $0x140, s6  }
0x20b: {  	_ =	sdelay $0x1  }
0x20c: {  	v16 =	vmul.f32 v18, v16  }
0x20d: {  	v18 =	vmul.u32 $0x2800, v17  }
0x20e: {  	[tilespmem:s0+$0x8CF0] =	vst v16;
	s0 =	smov.u32 s1  }
0x20f: {  	v16 =	vld.idx.msk [tilespmem:v15+s24+$0x0], $0xffff;
	v15 =	vadd.s32 v15, v18  }
0x210: {  	v17 =	vld.idx.msk [tilespmem:v17+s24+$0x0], $0xffff  }
0x211: {  	v18 =	vld [tilespmem:s0+$0xD870]  }
0x212: {  	v19 =	vld [tilespmem:s0+$0xE810];
	_ =	sdelay $0x3  }
0x213: {  	v16 =	vmul.f32 v17, v16  }
0x214: {  	[tilespmem:s0+$0x3E80] =	vst v15;
	v15 =	vmul.u32 $0x2800, v19  }
0x215: {  	[tilespmem:s0+$0x8CB0] =	vst v16  }
0x216: {  	v16 =	vld.idx.msk [tilespmem:v18+s24+$0x0], $0xffff;
	v15 =	vadd.s32 v18, v15  }
0x217: {  	v17 =	vld.idx.msk [tilespmem:v19+s24+$0x0], $0xffff  }
0x218: {  	v18 =	vld [tilespmem:s0+$0xD880]  }
0x219: {  	v19 =	vld [tilespmem:s0+$0xE820];
	_ =	sdelay $0x3  }
0x21a: {  	v16 =	vmul.f32 v17, v16  }
0x21b: {  	[tilespmem:s0+$0x3E90] =	vst v15  }
0x21c: {  	v15 =	vmul.u32 $0x2800, v19;
	[tilespmem:s0+$0x8CC0] =	vst v16  }
0x21d: {  	v16 =	vld.idx.msk [tilespmem:v18+s24+$0x0], $0xffff  }
0x21e: {  	v15 =	vadd.s32 v18, v15;
	v17 =	vld.idx.msk [tilespmem:v19+s24+$0x0], $0xffff  }
0x21f: {  	[tilespmem:s0+$0x3EA0] =	vst v15;
	v15 =	vld [tilespmem:s0+$0xD890]  }
0x220: {  	v18 =	vld [tilespmem:s0+$0xE830];
	_ =	sdelay $0x3  }
0x221: {  	v16 =	vmul.f32 v17, v16  }
0x222: {  	v17 =	vmul.u32 $0x2800, v18  }
0x223: {  	[tilespmem:s0+$0x8CD0] =	vst v16;
	v19 =	vld [tilespmem:s0+$0xE840]  }
0x224: {  	v16 =	vld.idx.msk [tilespmem:v15+s24+$0x0], $0xffff;
	v15 =	vadd.s32 v15, v17  }
0x225: {  	v17 =	vld.idx.msk [tilespmem:v18+s24+$0x0], $0xffff  }
0x226: {  	[tilespmem:s0+$0x3EB0] =	vst v15;
	v15 =	vld [tilespmem:s0+$0xD8A0];
	_ =	sdelay $0x4  }
0x227: {  	v16 =	vmul.f32 v17, v16;
	_ =	sdelay $0x1  }
.Ltmp6:
0x228: {  	v17 =	vmul.u32 $0x2800, v19;
	[tilespmem:s0+$0x8CE0] =	vst v16;
	(pc) =	sbr.rel @p0 .LBB2_10-.Ltmp6, $4  }
0x229: {  	v16 =	vld.idx.msk [tilespmem:v15+s24+$0x0], $0xffff  }
0x22a: {  	s1 =	sshra.s32 s7, $0x2;
	v17 =	vadd.s32 v15, v17;
	v18 =	vld.idx.msk [tilespmem:v19+s24+$0x0], $0xffff  }
0x22b: {  	v15 =	vld [tilespmem:s1+$0xD860];
	[tilespmem:s0+$0x3EC0] =	vst v17  }
0x22c: {  	v17 =	vld [tilespmem:s1+$0xE800]  }
0x22d: {  	_ =	sdelay $0x3  }
0x22e: {  	v16 =	vmul.f32 v18, v16;
	_ =	sdelay $0x1  }
0x22f: {  	[tilespmem:s0+$0x8CF0] =	vst v16  }
0x230: {  	v16 =	vld.idx.msk [tilespmem:v15+s24+$0x0], $0xffff  }
0x231: {  	v52 =	vld.idx.msk [tilespmem:v17+s24+$0x0], $0xffff  }
0x232: {  	v19 =	vld [tilespmem:s1+$0xD870]  }
0x233: {  	v20 =	vld [tilespmem:s1+$0xE810];
	_ =	sdelay $0x1  }
0x234: {  	v53 =	vmul.u32 $0x2800, v17;
	_ =	sdelay $0x1  }
0x235: {  	v15 =	vadd.s32 v15, v53;
	v16 =	vmul.f32 v52, v16  }
0x236: {  	[tilespmem:s1+$0x3E80] =	vst v15  }
0x237: {  	v54 =	vld [tilespmem:s1+$0xD880];
	[tilespmem:s1+$0x8CB0] =	vst v16  }
0x238: {  	v15 =	vld.idx.msk [tilespmem:v19+s24+$0x0], $0xffff  }
0x239: {  	v16 =	vld.idx.msk [tilespmem:v20+s24+$0x0], $0xffff  }
0x23a: {  	v55 =	vld [tilespmem:s1+$0xE820];
	_ =	sdelay $0x1  }
0x23b: {  	v20 =	vmul.u32 $0x2800, v20;
	_ =	sdelay $0x1  }
0x23c: {  	v19 =	vadd.s32 v19, v20;
	v15 =	vmul.f32 v16, v15  }
0x23d: {  	[tilespmem:s1+$0x3E90] =	vst v19  }
0x23e: {  	v57 =	vld [tilespmem:s1+$0xE830];
	[tilespmem:s1+$0x8CC0] =	vst v15;
	v15 =	vmul.u32 $0x2800, v55  }
0x23f: {  	v56 =	vld.idx.msk [tilespmem:v54+s24+$0x0], $0xffff  }
0x240: {  	v18 =	vld.idx.msk [tilespmem:v55+s24+$0x0], $0xffff;
	v15 =	vadd.s32 v54, v15  }
0x241: {  	[tilespmem:s1+$0x3EA0] =	vst v15;
	v15 =	vld [tilespmem:s1+$0xD890];
	_ =	sdelay $0x3  }
0x242: {  	v16 =	vmul.f32 v18, v56;
	_ =	sdelay $0x1  }
0x243: {  	v59 =	vld [tilespmem:s1+$0xE840];
	v58 =	vmul.u32 $0x2800, v57;
	[tilespmem:s1+$0x8CD0] =	vst v16  }
0x244: {  	v60 =	vld.idx.msk [tilespmem:v57+s24+$0x0], $0xffff  }
0x245: {  	v19 =	vld.idx.msk [tilespmem:v15+s24+$0x0], $0xffff;
	v15 =	vadd.s32 v15, v58  }
0x246: {  	[tilespmem:s1+$0x3EB0] =	vst v15;
	v15 =	vld [tilespmem:s1+$0xD8A0];
	_ =	sdelay $0x3  }
0x247: {  	v16 =	vmul.f32 v60, v19;
	_ =	sdelay $0x1  }
0x248: {  	[tilespmem:s1+$0x8CE0] =	vst v16  }
0x249: {  	v61 =	vld.idx.msk [tilespmem:v59+s24+$0x0], $0xffff  }
0x24a: {  	v16 =	vld.idx.msk [tilespmem:v15+s24+$0x0], $0xffff;
	_ =	sdelay $0x2  }
0x24b: {  	v18 =	vmul.u32 $0x2800, v59;
	_ =	sdelay $0x1  }
0x24c: {  	v15 =	vadd.s32 v15, v18;
	v16 =	vmul.f32 v61, v16  }
0x24d: {  	[tilespmem:s1+$0x3EC0] =	vst v15  }
0x24e: {  	s26 =	simm.s32 $0x0;
	[tilespmem:s1+$0x8CF0] =	vst v16  }
0x24f: {  	v15 =	vld [tilespmem:s26+$0x0];
	_ =	sdelay $0x4  }
0x250: {  	vm0 =	vge.s32 v15, v0;
	vm1 =	vlt.s32 v15, v1  }
0x251: {  	vm0 =	vmand vm0, vm1  }
0x252: {  	v62 =	vmpcnt.ones.xlane vm0;
	_ =	sdelay $0x1  }
0x253: {  	v16 =	vxor.u32 $0x80000000, v62  }
0x254: {  	(xrf0) =	vmax.scan.msk.u32 $0xffff, v16;
	_ =	sdelay $0x2  }
0x255: {  	v63 =	vld [tilespmem:s26+$0x4E30];
	_ =	sdelay $0x2  }
0x256: {  	[tilespmem:s4+$0x0] =	vst.msk vm0, v15;
	v15, _, _ =	vpop (xrf0)  }
0x257: {  	(v2sf) =	vpush v15, $0xF  }
0x258: {  	s0 =	simm.s32 $0x80;
	s1 =	simm.s32 $0x10;
	[tilespmem:s4+$0x4E30] =	vst.msk vm0, v63  }
.LBB2_12:
0x259: {  	p0 =	sne.s32 s0, $0x13840;
	v15 =	vld [tilespmem:s1+$0x0];
	_ =	sdelay $0x4  }
0x25a: {  	vm0 =	vge.s32 v15, v0;
	vm1 =	vlt.s32 v15, v1  }
0x25b: {  	vm0 =	vmand vm0, vm1  }
0x25c: {  	v16 =	vmpcnt.ones.xlane vm0;
	_ =	sdelay $0x1  }
0x25d: {  	v16 =	vxor.u32 $0x80000000, v16  }
0x25e: {  	(xrf0) =	vmax.scan.msk.u32 $0xffff, v16;
	_ =	sdelay $0x1  }
0x25f: {  	v16 =	vld [tilespmem:s1+$0x4E30]  }
0x260: {  	s1 =	spop (v2sf)  }
.Ltmp7:
0x261: {  	s1 =	sadd.s32 s1, s4;
	(pc) =	sbr.rel @p0 .LBB2_12-.Ltmp7, $4  }
0x262: {  	s4 =	sadd.s32 $0x80000000, s1  }
0x263: {  	[tilespmem:s4+$0x0] =	vst.msk vm0, v15;
	v15, _, _ =	vpop (xrf0)  }
0x264: {  	[tilespmem:s4+$0x4E30] =	vst.msk vm0, v16;
	(v2sf) =	vpush v15, $0xF  }
0x265: {  	s1 =	sshra.s32 s0, $0x2;
	s0 =	sadd.s32 $0x40, s0  }
0x266: {  	v15 =	vld [tilespmem:s1+$0x0];
	_ =	sdelay $0x4  }
0x267: {  	vm0 =	vge.s32 v15, v0;
	vm1 =	vlt.s32 v15, v1  }
0x268: {  	vm0 =	vmand vm0, vm1  }
0x269: {  	v16 =	vmpcnt.ones.xlane vm0;
	_ =	sdelay $0x1  }
0x26a: {  	v16 =	vxor.u32 $0x80000000, v16  }
0x26b: {  	(xrf0) =	vmax.scan.msk.u32 $0xffff, v16;
	_ =	sdelay $0x5  }
0x26c: {  	v16, _, _ =	vpop (xrf0)  }
0x26d: {  	(v2sf) =	vpush v16, $0xF;
	_ =	sdelay $0xc  }
0x26e: {  	s0 =	spop (v2sf)  }
0x26f: {  	s0 =	sadd.s32 s0, s4  }
0x270: {  	s19 =	sadd.s32 $0x80000000, s0;
	s26 =	spop (v2sf)  }
0x271: {  	s0 =	sadd.s32 s26, s19  }
0x272: {  	s6 =	sadd.s32 $0x80000000, s0  }
0x273: {  	v63 =	vld [tilespmem:s1+$0x4E30];
	s0 =	sadd.s32 $0xF, s6  }
0x274: {  	p0 =	slt.s32 s0, $0x10  }
.Ltmp8:
0x275: {  	_ = 	snop;
	(pc) =	sbr.rel @p0 .LBB2_14-.Ltmp8, $4  }
0x276: {  	_ = 	snop  }
0x277: {  	[tilespmem:s19+$0x0] =	vst.msk vm0, v15  }
0x278: {  	[tilespmem:s19+$0x4E30] =	vst.msk vm0, v63  }
0x279: {  	s4 =	simm.s32 $0x0;
	[tilespmem:s6+$0x0] =	vst v13  }
0x27a: {  	s1 =	sshra.s32 s0, $0x1F  }
0x27b: {  	s1 =	sshrl.u32 s1, $0x1C  }
0x27c: {  	s26 =	sadd.s32 s1, s0  }
0x27d: {  	s0 =	sshra.s32 s26, $0x4  }
0x27e: {  	p1 =	sne.s32 s0, $0x1  }
.Ltmp9:
0x27f: {  	p0 =	por $0x0, $0x0;
	s12 =	simm.s32 $0x0;
	(pc) =	sbr.rel @!p1 .LBB2_19-.Ltmp9, $4  }
0x280: {  	s10 =	simm.s32 $0x0;
	s19 =	simm.s32 $0x0;
	s13 =	simm.s32 $0x0  }
0x281: {  	s15 =	simm.s32 $0x0;
	s14 =	simm.s32 $0x0;
	s11 =	simm.s32 $0x0  }
0x282: {  	s9 =	simm.s32 $0x0;
	s8 =	simm.s32 $0x0;
	s7 =	simm.s32 $0x0  }
0x283: {  	s26 =	simm.s32 $0x0;
	s28 =	sadd.s32 $0xFFFFFFFF, s0;
	s0 =	simm.s32 $0x0  }
0x284: {  	v16 =	vld [tilespmem:s4+$0x0];
	_ =	sdelay $0x3  }
0x285: {  	v15 =	vor.u32 s4, v11  }
0x286: {  	vm4 =	vge.s32 v16, v5;
	vm5 =	vlt.s32 v16, v7;
	vm1 =	vge.s32 v16, v9  }
0x287: {  	vm7 =	vge.s32 v16, v3;
	vm2 =	vlt.s32 v16, v5;
	vm8 =	vlt.s32 v16, v8  }
0x288: {  	vm9 =	vge.s32 v16, v0;
	vm0 =	vge.s32 v16, v10;
	vm10 =	vlt.s32 v16, v2  }
0x289: {  	vm6 =	vge.s32 v16, v4;
	vm12 =	vlt.s32 v16, v10;
	vm14 =	vlt.s32 v16, v4  }
0x28a: {  	vm15 =	vge.s32 v16, v2;
	vm6 =	vmand vm6, vm2;
	vm9 =	vmand vm9, vm10  }
0x28b: {  	vm2 =	vge.s32 v16, v7;
	vm1 =	vmand vm1, vm12;
	v17 =	vmpcnt.ones.xlane vm6  }
0x28c: {  	vm7 =	vmand vm7, vm14;
	vm2 =	vmand vm2, vm8;
	v19 =	vmpcnt.ones.xlane vm1  }
0x28d: {  	vm12 =	vlt.s32 v16, v3;
	v20 =	vmpcnt.ones.xlane vm2;
	v17 =	vxor.u32 $0x80000000, v17  }
0x28e: {  	v21 =	vmpcnt.ones.xlane vm7;
	vm8 =	vmand vm15, vm12;
	(xrf0) =	vmax.scan.msk.u32 $0xffff, v17;
	v17 =	vxor.u32 $0x80000000, v19  }
0x28f: {  	v18 =	vmpcnt.ones.xlane vm9;
	v62 =	vmpcnt.ones.xlane vm8;
	v20 =	vxor.u32 $0x80000000, v20;
	(xrf0) =	vmax.scan.msk.u32 $0xffff, v17  }
0x290: {  	vm11 =	vge.s32 v16, v6;
	vm13 =	vlt.s32 v16, v1;
	v17 =	vxor.u32 $0x80000000, v21;
	(xrf0) =	vmax.scan.msk.u32 $0xffff, v20  }
0x291: {  	vm0 =	vmand vm0, vm13;
	v18 =	vxor.u32 $0x80000000, v18;
	(xrf0) =	vmax.scan.msk.u32 $0xffff, v17;
	v17 =	vxor.u32 $0x80000000, v62  }
0x292: {  	vm3 =	vlt.s32 v16, v9;
	vm5 =	vmand vm11, vm5;
	(xrf0) =	vmax.scan.msk.u32 $0xffff, v18;
	v18 =	vmpcnt.ones.xlane vm0  }
0x293: {  	vm14 =	vlt.s32 v16, v6;
	[tilespmem:s4+$0x9C60] =	vst.msk vm9, v15;
	vm15 =	vge.s32 v16, v8;
	v19 =	vmpcnt.ones.xlane vm5  }
0x294: {  	vm4 =	vmand vm4, vm14;
	[tilespmem:s4+$0xA260] =	vst.msk vm8, v15;
	vm3 =	vmand vm15, vm3;
	(xrf0) =	vmax.scan.msk.u32 $0xffff, v17;
	v17, _, _ =	vpop (xrf0)  }
0x295: {  	[tilespmem:s4+$0xA860] =	vst.msk vm7, v15;
	v16 =	vxor.u32 $0x80000000, v19;
	v19 =	vmpcnt.ones.xlane vm4;
	(v2sf) =	vpush v17, $0xF  }
0x296: {  	p1 =	sne.s32 s28, $0x1;
	[tilespmem:s4+$0xAE60] =	vst.msk vm6, v15;
	(xrf0) =	vmax.scan.msk.u32 $0xffff, v16;
	v16 =	vmpcnt.ones.xlane vm3;
	v17 =	vxor.u32 $0x80000000, v18;
	v18, _, _ =	vpop (xrf0)  }
.Ltmp10:
0x297: {  	s28 =	sadd.s32 $0xFFFFFFFF, s28;
	s19 =	simm.s32 $0x10;
	[tilespmem:s4+$0xB460] =	vst.msk vm4, v15;
	(xrf0) =	vmax.scan.msk.u32 $0xffff, v17;
	v63, _, _ =	vpop (xrf0);
	(pc) =	sbr.rel @!p1 .LBB2_17-.Ltmp10, $4  }
0x298: {  	p0 =	por $0x1, $0x1;
	s12 =	simm.s32 $0x0;
	s10 =	simm.s32 $0x0;
	[tilespmem:s4+$0xBA60] =	vst.msk vm5, v15;
	v17 =	vxor.u32 $0x80000000, v19;
	v16 =	vxor.u32 $0x80000000, v16;
	(v2sf) =	vpush v18, $0xF;
	v18, _, _ =	vpop (xrf0)  }
0x299: {  	s26 =	simm.s32 $0x0;
	s0 =	simm.s32 $0x0;
	s13 =	simm.s32 $0x0;
	[tilespmem:s4+$0xC060] =	vst.msk vm2, v15;
	(v2sf) =	vpush v63, $0xF;
	v19, _, _ =	vpop (xrf0);
	(xrf0) =	vmax.scan.msk.u32 $0xffff, v17  }
0x29a: {  	s15 =	simm.s32 $0x0;
	s14 =	simm.s32 $0x0;
	s11 =	simm.s32 $0x0;
	[tilespmem:s4+$0xC660] =	vst.msk vm3, v15;
	(v2sf) =	vpush v18, $0xF;
	(xrf0) =	vmax.scan.msk.u32 $0xffff, v16  }
0x29b: {  	s9 =	simm.s32 $0x0;
	s8 =	simm.s32 $0x0;
	s7 =	simm.s32 $0x0;
	[tilespmem:s4+$0xCC60] =	vst.msk vm1, v15;
	(v2sf) =	vpush v19, $0xF;
	v16, _, _ =	vpop (xrf0)  }
.LBB2_18:
0x29c: {  	p1 =	sne.s32 s28, $0x1;
	s28 =	sadd.s32 $0xFFFFFFFF, s28;
	s12 =	sadd.s32 $0x10, s12;
	(v2sf) =	vpush v16, $0xF;
	v16, _, _ =	vpop (xrf0)  }
0x29d: {  	[tilespmem:s10+$0xD260] =	vst.msk vm0, v15;
	v15, _, _ =	vpop (xrf0)  }
0x29e: {  	v17 =	vld [tilespmem:s19+$0x0];
	(v2sf) =	vpush v15, $0xF  }
0x29f: {  	v15, _, _ =	vpop (xrf0);
	(v2sf) =	vpush v16, $0xF  }
0x2a0: {  	(v2sf) =	vpush v15, $0xF;
	v15, _, _ =	vpop (xrf0)  }
0x2a1: {  	(v2sf) =	vpush v15, $0xF  }
0x2a2: {  	v15 =	vor.u32 s12, v11  }
0x2a3: {  	vm4 =	vge.s32 v17, v5;
	vm7 =	vlt.s32 v17, v7;
	vm1 =	vge.s32 v17, v9  }
0x2a4: {  	s1 =	spop (v2sf)  }
0x2a5: {  	vm9 =	vge.s32 v17, v3;
	vm3 =	vlt.s32 v17, v5;
	vm11 =	vlt.s32 v17, v8;
	s1 =	sadd.s32 s1, s26  }
0x2a6: {  	vm8 =	vge.s32 v17, v0;
	vm2 =	vlt.s32 v17, v9;
	vm0 =	vge.s32 v17, v10;
	s26 =	sadd.s32 $0x80000000, s1  }
0x2a7: {  	s19 =	sadd.s32 $0x10, s19;
	vm12 =	vlt.s32 v17, v2;
	vm5 =	vge.s32 v17, v4;
	vm10 =	vge.s32 v17, v6;
	s1 =	spop (v2sf);
	p2 =	slt.s32 s26, $0x5F0  }
0x2a8: {  	vm6 =	vge.s32 v17, v8;
	vm13 =	vlt.s32 v17, v10;
	vm5 =	vmand vm5, vm3;
	s0 =	sadd.s32 s1, s0;
	s1 =	spop (v2sf);
	s26 =	simm.s32 @!p2 $0x5F0  }
0x2a9: {  	vm8 =	vmand vm8, vm12;
	vm3 =	vge.s32 v17, v7;
	v16 =	vmpcnt.ones.xlane vm5;
	s1 =	sadd.s32 s1, s13;
	s5 =	spop (v2sf);
	s0 =	sadd.s32 $0x80000000, s0  }
0x2aa: {  	vm12 =	vlt.s32 v17, v4;
	vm1 =	vmand vm1, vm13;
	vm3 =	vmand vm3, vm11;
	s5 =	sadd.s32 s5, s15;
	s13 =	sadd.s32 $0x80000000, s1;
	s1 =	spop (v2sf)  }
0x2ab: {  	v18 =	vmpcnt.ones.xlane vm8;
	v19 =	vmpcnt.ones.xlane vm1;
	v16 =	vxor.u32 $0x80000000, v16;
	s1 =	sadd.s32 s1, s14;
	s15 =	sadd.s32 $0x80000000, s5;
	p2 =	slt.s32 s13, $0x5F0  }
0x2ac: {  	vm7 =	vmand vm10, vm7;
	vm9 =	vmand vm9, vm12;
	v20 =	vmpcnt.ones.xlane vm3;
	(xrf0) =	vmax.scan.msk.u32 $0xffff, v16;
	s14 =	sadd.s32 $0x80000000, s1;
	p3 =	slt.s32 s15, $0x5F0;
	s1 =	spop (v2sf)  }
0x2ad: {  	v21 =	vmpcnt.ones.xlane vm7;
	v19 =	vxor.u32 $0x80000000, v19;
	v16 =	vmpcnt.ones.xlane vm9;
	p4 =	slt.s32 s14, $0x5F0;
	s1 =	sadd.s32 s1, s11;
	s15 =	simm.s32 @!p3 $0x5F0  }
0x2ae: {  	vm10 =	vge.s32 v17, v2;
	vm11 =	vlt.s32 v17, v3;
	v20 =	vxor.u32 $0x80000000, v20;
	(xrf0) =	vmax.scan.msk.u32 $0xffff, v19;
	s14 =	simm.s32 @!p4 $0x5F0;
	s11 =	sadd.s32 $0x80000000, s1;
	s1 =	spop (v2sf)  }
0x2af: {  	vm10 =	vmand vm10, vm11;
	v16 =	vxor.u32 $0x80000000, v16;
	v19 =	vxor.u32 $0x80000000, v21;
	(xrf0) =	vmax.scan.msk.u32 $0xffff, v20;
	p3 =	slt.s32 s11, $0x5F0;
	s1 =	sadd.s32 s1, s10;
	s5 =	spop (v2sf)  }
0x2b0: {  	vm11 =	vlt.s32 v17, v1;
	v21 =	vxor.u32 $0x80000000, v18;
	v20 =	vmpcnt.ones.xlane vm10;
	(xrf0) =	vmax.scan.msk.u32 $0xffff, v16;
	s11 =	simm.s32 @!p3 $0x5F0;
	s5 =	sadd.s32 s5, s9;
	s9 =	spop (v2sf)  }
0x2b1: {  	vm0 =	vmand vm0, vm11;
	[tilespmem:s14+$0x9C60] =	vst.msk vm8, v15;
	vm8 =	vlt.s32 v17, v6;
	(xrf0) =	vmax.scan.msk.u32 $0xffff, v21;
	s8 =	sadd.s32 s9, s8;
	s9 =	sadd.s32 $0x80000000, s5;
	s5 =	spop (v2sf)  }
0x2b2: {  	v16 =	vxor.u32 $0x80000000, v20;
	v21 =	vmpcnt.ones.xlane vm0;
	[tilespmem:s11+$0xA260] =	vst.msk vm10, v15;
	vm4 =	vmand vm4, vm8;
	v18, _, _ =	vpop (xrf0);
	s8 =	sadd.s32 $0x80000000, s8;
	p3 =	slt.s32 s9, $0x5F0;
	s5 =	sadd.s32 s5, s7  }
0x2b3: {  	[tilespmem:s15+$0xA860] =	vst.msk vm9, v15;
	v20 =	vmpcnt.ones.xlane vm4;
	(xrf0) =	vmax.scan.msk.u32 $0xffff, v16;
	(v2sf) =	vpush v18, $0xF;
	p4 =	slt.s32 s8, $0x5F0;
	s9 =	simm.s32 @!p3 $0x5F0;
	s7 =	sadd.s32 $0x80000000, s5  }
0x2b4: {  	vm2 =	vmand vm6, vm2;
	s10 =	sadd.s32 $0x80000000, s1;
	v16 =	vxor.u32 $0x80000000, v21;
	[tilespmem:s26+$0xAE60] =	vst.msk vm5, v15;
	(xrf0) =	vmax.scan.msk.u32 $0xffff, v19;
	v17, _, _ =	vpop (xrf0);
	s8 =	simm.s32 @!p4 $0x5F0;
	p3 =	slt.s32 s7, $0x5F0  }
.Ltmp11:
0x2b5: {  	v18 =	vmpcnt.ones.xlane vm2;
	[tilespmem:s8+$0xB460] =	vst.msk vm4, v15;
	v19, _, _ =	vpop (xrf0);
	(v2sf) =	vpush v17, $0xF;
	(xrf0) =	vmax.scan.msk.u32 $0xffff, v16;
	s7 =	simm.s32 @!p3 $0x5F0;
	p3 =	slt.s32 s0, $0x5F0;
	(pc) =	sbr.rel @p1 .LBB2_18-.Ltmp11, $4  }
0x2b6: {  	s13 =	simm.s32 @!p2 $0x5F0;
	p2 =	slt.s32 s10, $0x5F0;
	v16 =	vxor.u32 $0x80000000, v20;
	[tilespmem:s9+$0xBA60] =	vst.msk vm7, v15;
	v17, _, _ =	vpop (xrf0);
	(v2sf) =	vpush v19, $0xF;
	s0 =	simm.s32 @!p3 $0x5F0  }
0x2b7: {  	s10 =	simm.s32 @!p2 $0x5F0;
	v18 =	vxor.u32 $0x80000000, v18;
	[tilespmem:s13+$0xC060] =	vst.msk vm3, v15;
	v19, _, _ =	vpop (xrf0);
	(v2sf) =	vpush v17, $0xF;
	(xrf0) =	vmax.scan.msk.u32 $0xffff, v16  }
0x2b8: {  	[tilespmem:s7+$0xC660] =	vst.msk vm2, v15;
	(v2sf) =	vpush v19, $0xF;
	(xrf0) =	vmax.scan.msk.u32 $0xffff, v18  }
0x2b9: {  	[tilespmem:s0+$0xCC60] =	vst.msk vm1, v15;
	v16, _, _ =	vpop (xrf0)  }
.LBB2_19:
0x2ba: {  	[tilespmem:s10+$0xD260] =	vst.msk @p0 vm0, v15  }
0x2bb: {  	v17, _, _ =	vpop @p0 (xrf0);
	v49 =	vld [tilespmem:s19+$0x0]  }
0x2bc: {  	(v2sf) =	vpush @p0 v16, $0xF;
	v15, _, _ =	vpop @p0 (xrf0)  }
0x2bd: {  	(v2sf) =	vpush @p0 v15, $0xF  }
0x2be: {  	v15, _, _ =	vpop @p0 (xrf0);
	(v2sf) =	vpush @p0 v17, $0xF  }
0x2bf: {  	(v2sf) =	vpush @p0 v15, $0xF;
	v15, _, _ =	vpop @p0 (xrf0)  }
0x2c0: {  	(v2sf) =	vpush @p0 v15, $0xF;
	vm8 =	vge.s32 v49, v5;
	vm5 =	vlt.s32 v49, v7  }
0x2c1: {  	vm0 =	vge.s32 v49, v9;
	vm3 =	vge.s32 v49, v3;
	vm1 =	vlt.s32 v49, v5  }
0x2c2: {  	vm2 =	vlt.s32 v49, v8;
	vm4 =	vge.s32 v49, v0;
	vm7 =	vge.s32 v49, v4  }
0x2c3: {  	s5 =	sadd.s32 @p0 $0x10, s12;
	s12 =	simm.s32 $0x0;
	vm6 =	vge.s32 v49, v10;
	vm9 =	vlt.s32 v49, v2;
	vm1 =	vmand vm7, vm1;
	s1 =	spop @p0 (v2sf)  }
0x2c4: {  	s16 =	simm.s32 $0x0;
	s28 =	stileid.u32;
	vm11 =	vlt.s32 v49, v10;
	vm12 =	vge.s32 v49, v7;
	v15 =	vmpcnt.ones.xlane vm1;
	s1 =	sadd.s32 @p0 s1, s26  }
0x2c5: {  	s12 =	smov.u32 @p0 s5;
	vm13 =	vlt.s32 v49, v4;
	vm14 =	vge.s32 v49, v2;
	vm0 =	vmand vm0, vm11;
	s19 =	sadd.s32 @p0 $0x80000000, s1;
	s1 =	spop @p0 (v2sf)  }
0x2c6: {  	vm2 =	vmand vm12, vm2;
	v50 =	vmpcnt.ones.xlane vm0;
	v15 =	vxor.u32 $0x80000000, v15;
	p1 =	slt.s32 @p0 s19, $0x5F0;
	s5 =	spop @p0 (v2sf);
	s26 =	sadd.s32 @p0 s1, s0  }
0x2c7: {  	vm15 =	vlt.s32 v49, v3;
	vm3 =	vmand vm3, vm13;
	v18 =	vmpcnt.ones.xlane vm2;
	(xrf0) =	vmax.scan.msk.u32 $0xffff, v15;
	p1 =	por !p1, !p0;
	s0 =	spop @p0 (v2sf);
	s1 =	sadd.s32 @p0 s5, s13  }
0x2c8: {  	vm4 =	vmand vm4, vm9;
	v19 =	vmpcnt.ones.xlane vm3;
	v17 =	vxor.u32 $0x80000000, v50;
	s19 =	simm.s32 @p1 $0x5F0;
	s5 =	sadd.s32 @p0 s0, s15;
	s13 =	spop @p0 (v2sf)  }
0x2c9: {  	vm7 =	vge.s32 v49, v6;
	v18 =	vxor.u32 $0x80000000, v18;
	v15 =	vmpcnt.ones.xlane vm4;
	(xrf0) =	vmax.scan.msk.u32 $0xffff, v17;
	s0 =	sadd.s32 @p0 $0x80000000, s1;
	s1 =	sadd.s32 @p0 s13, s14;
	s13 =	sadd.s32 @p0 $0x80000000, s5  }
0x2ca: {  	vm5 =	vmand vm7, vm5;
	vm7 =	vmand vm14, vm15;
	v51 =	vxor.u32 $0x80000000, v19;
	(xrf0) =	vmax.scan.msk.u32 $0xffff, v18;
	p1 =	slt.s32 @p0 s0, $0x5F0;
	s14 =	simm.s32 $0x0;
	p2 =	slt.s32 @p0 s13, $0x5F0  }
0x2cb: {  	vm12 =	vlt.s32 v49, v1;
	v52 =	vmpcnt.ones.xlane vm7;
	v15 =	vxor.u32 $0x80000000, v15;
	(xrf0) =	vmax.scan.msk.u32 $0xffff, v51;
	s5 =	spop @p0 (v2sf);
	s1 =	sadd.s32 @p0 $0x80000000, s1;
	p1 =	por !p1, !p0  }
0x2cc: {  	vm10 =	vlt.s32 v49, v9;
	vm6 =	vmand vm6, vm12;
	v53 =	vmpcnt.ones.xlane vm5;
	(xrf0) =	vmax.scan.msk.u32 $0xffff, v15;
	s5 =	sadd.s32 @p0 s5, s11;
	p2 =	por !p2, !p0;
	p3 =	slt.s32 @p0 s1, $0x5F0  }
0x2cd: {  	vm14 =	vlt.s32 v49, v6;
	v54 =	vmpcnt.ones.xlane vm6;
	v15 =	vxor.u32 $0x80000000, v52;
	s0 =	simm.s32 @p1 $0x5F0;
	s13 =	simm.s32 @p2 $0x5F0;
	s5 =	sadd.s32 @p0 $0x80000000, s5;
	v55, _, _ =	vpop (xrf0)  }
0x2ce: {  	vm9 =	vmand vm8, vm14;
	v17 =	vxor.u32 $0x80000000, v53;
	(xrf0) =	vmax.scan.msk.u32 $0xffff, v15;
	p2 =	por !p3, !p0;
	s11 =	spop @p0 (v2sf);
	s16 =	smov.u32 @p0 s0;
	(v2sf) =	vpush v55, $0xF  }
0x2cf: {  	vm13 =	vge.s32 v49, v8;
	v16 =	vxor.u32 $0x80000000, v54;
	v15 =	vmpcnt.ones.xlane vm9;
	(xrf0) =	vmax.scan.msk.u32 $0xffff, v17;
	s0 =	simm.s32 $0x0;
	p3 =	slt.s32 @p0 s5, $0x5F0;
	s1 =	simm.s32 @p2 $0x5F0;
	v56, _, _ =	vpop (xrf0)  }
0x2d0: {  	vm15 =	vmand vm13, vm10;
	s15 =	sadd.s32 @p0 s11, s10;
	s11 =	spop @p0 (v2sf);
	s10 =	simm.s32 $0x0;
	(xrf0) =	vmax.scan.msk.u32 $0xffff, v16;
	v58, _, _ =	vpop (xrf0);
	(v2sf) =	vpush v56, $0xF  }
0x2d1: {  	v57 =	vmpcnt.ones.xlane vm15;
	v15 =	vxor.u32 $0x80000000, v15;
	p2 =	por !p3, !p0;
	s9 =	sadd.s32 @p0 s11, s9;
	s11 =	spop @p0 (v2sf);
	v59, _, _ =	vpop (xrf0);
	(v2sf) =	vpush v58, $0xF  }
0x2d2: {  	s10 =	smov.u32 @p0 s1;
	s1 =	simm.s32 $0x0;
	(xrf0) =	vmax.scan.msk.u32 $0xffff, v15;
	s15 =	sadd.s32 @p0 $0x80000000, s15;
	v61, _, _ =	vpop (xrf0);
	(v2sf) =	vpush v59, $0xF  }
0x2d3: {  	v60 =	vxor.u32 $0x80000000, v57;
	s5 =	simm.s32 @p2 $0x5F0;
	s8 =	sadd.s32 @p0 s11, s8;
	s9 =	sadd.s32 @p0 $0x80000000, s9;
	(v2sf) =	vpush v61, $0xF  }
0x2d4: {  	s11 =	spop @p0 (v2sf);
	(xrf0) =	vmax.scan.msk.u32 $0xffff, v60;
	s1 =	smov.u32 @p0 s5;
	s5 =	sadd.s32 @p0 $0x80000000, s8;
	v15, _, _ =	vpop (xrf0)  }
0x2d5: {  	p2 =	slt.s32 @p0 s9, $0x5F0;
	s7 =	sadd.s32 @p0 s11, s7;
	s11 =	simm.s32 $0x0;
	(v2sf) =	vpush v15, $0xF;
	v15, _, _ =	vpop (xrf0)  }
0x2d6: {  	s8 =	sadd.s32 @p0 $0x80000000, s26;
	s11 =	smov.u32 @p0 s13;
	p3 =	slt.s32 @p0 s5, $0x5F0;
	v62, _, _ =	vpop (xrf0)  }
0x2d7: {  	p2 =	por !p2, !p0;
	s7 =	sadd.s32 @p0 $0x80000000, s7;
	s13 =	simm.s32 $0x0;
	(v2sf) =	vpush v62, $0xF  }
0x2d8: {  	s9 =	simm.s32 @p2 $0x5F0;
	s13 =	smov.u32 @p0 s19;
	p2 =	por !p3, !p0;
	v63, _, _ =	vpop (xrf0);
	(v2sf) =	vpush v15, $0xF  }
0x2d9: {  	p3 =	slt.s32 @p0 s7, $0x5F0;
	s19 =	simm.s32 $0x0;
	s5 =	simm.s32 @p2 $0x5F0;
	(v2sf) =	vpush v63, $0xF  }
0x2da: {  	p2 =	por !p3, !p0;
	s14 =	smov.u32 @p0 s5;
	s5 =	simm.s32 $0x0;
	v15, _, _ =	vpop (xrf0)  }
0x2db: {  	s7 =	simm.s32 @p2 $0x5F0;
	p2 =	slt.s32 @p0 s8, $0x5F0;
	s5 =	smov.u32 @p0 s9;
	(v2sf) =	vpush v15, $0xF  }
0x2dc: {  	p1 =	por !p2, !p0;
	p2 =	slt.s32 @p0 s15, $0x5F0;
	s0 =	smov.u32 @p0 s7  }
0x2dd: {  	s8 =	simm.s32 @p1 $0x5F0;
	p1 =	por !p2, !p0;
	s26 =	spop (v2sf)  }
0x2de: {  	s15 =	simm.s32 @p1 $0x5F0;
	s19 =	smov.u32 @p0 s8;
	s9 =	sadd.s32 s26, s13  }
0x2df: {  	v15 =	vor.u32 s12, v11;
	s4 =	smov.u32 @p0 s15;
	s26 =	spop (v2sf);
	s7 =	sadd.s32 $0x80000000, s9  }
0x2e0: {  	[tilespmem:s10+$0x9C60] =	vst.msk vm4, v15;
	s9 =	spop (v2sf);
	s15 =	sadd.s32 s26, s19;
	p0 =	slt.s32 s7, $0x5F0  }
0x2e1: {  	[tilespmem:s1+$0xA260] =	vst.msk vm7, v15;
	s26 =	spop (v2sf);
	s9 =	sadd.s32 s9, s16;
	s7 =	simm.s32 @!p0 $0x5F0  }
0x2e2: {  	[tilespmem:s11+$0xA860] =	vst.msk vm3, v15;
	s8 =	sadd.s32 s26, s11;
	s26 =	spop (v2sf);
	s9 =	sadd.s32 $0x80000000, s9  }
0x2e3: {  	[tilespmem:s13+$0xAE60] =	vst.msk vm1, v15;
	s26 =	sadd.s32 s26, s10;
	s8 =	sadd.s32 $0x80000000, s8;
	p0 =	slt.s32 s9, $0x5F0  }
0x2e4: {  	[tilespmem:s14+$0xB460] =	vst.msk vm9, v15;
	s12 =	spop (v2sf);
	s26 =	sadd.s32 $0x80000000, s26;
	p1 =	slt.s32 s8, $0x5F0  }
0x2e5: {  	[tilespmem:s5+$0xBA60] =	vst.msk vm5, v15;
	s12 =	sadd.s32 s12, s1;
	s9 =	simm.s32 @!p0 $0x5F0;
	p2 =	slt.s32 s26, $0x5F0  }
0x2e6: {  	[tilespmem:s16+$0xC060] =	vst.msk vm2, v15;
	s8 =	simm.s32 @!p1 $0x5F0;
	s10 =	sadd.s32 $0x80000000, s12;
	s1 =	spop (v2sf)  }
0x2e7: {  	[tilespmem:s0+$0xC660] =	vst.msk vm15, v15;
	s26 =	simm.s32 @!p2 $0x5F0;
	p1 =	slt.s32 s10, $0x5F0;
	s12 =	spop (v2sf)  }
0x2e8: {  	[tilespmem:s19+$0xCC60] =	vst.msk vm0, v15;
	s1 =	sadd.s32 s1, s4;
	s10 =	simm.s32 @!p1 $0x5F0;
	s13 =	spop (v2sf)  }
0x2e9: {  	[tilespmem:s4+$0xD260] =	vst.msk vm6, v15;
	s11 =	sadd.s32 s12, s5;
	s4 =	smov.u32 s26;
	s13 =	sadd.s32 s13, s14  }
0x2ea: {  	s14 =	spop (v2sf);
	s12 =	sadd.s32 $0x80000000, s11;
	s11 =	sadd.s32 $0x80000000, s13  }
.Ltmp12:
0x2eb: {  	s14 =	sadd.s32 s14, s0;
	p1 =	slt.s32 s12, $0x5F0;
	(pc) =	sbr.rel .LBB2_20-.Ltmp12, $4  }
0x2ec: {  	p2 =	slt.s32 s11, $0x5F0;
	s13 =	sadd.s32 $0x80000000, s14;
	s12 =	simm.s32 @!p1 $0x5F0  }
0x2ed: {  	s14 =	sadd.s32 $0x80000000, s15;
	s15 =	sadd.s32 $0x80000000, s1;
	p1 =	slt.s32 s13, $0x5F0  }
0x2ee: {  	p0 =	slt.s32 s15, $0x5F0;
	s13 =	simm.s32 @!p1 $0x5F0;
	p1 =	slt.s32 s14, $0x5F0  }
0x2ef: {  	s11 =	simm.s32 @!p2 $0x5F0;
	s15 =	simm.s32 @!p0 $0x5F0;
	s14 =	simm.s32 @!p1 $0x5F0  }
.LBB2_14:
0x2f0: {  	s10 =	simm.s32 $0x0;
	s8 =	simm.s32 $0x0;
	s7 =	simm.s32 $0x0  }
0x2f1: {  	s11 =	simm.s32 $0x0;
	s12 =	simm.s32 $0x0;
	s9 =	simm.s32 $0x0  }
0x2f2: {  	s13 =	simm.s32 $0x0;
	s14 =	simm.s32 $0x0;
	s15 =	simm.s32 $0x0  }
.LBB2_20:
0x2f3: {  	v15 =	vmov s6  }
0x2f4: {  	[tilespmem:s4+$0x9C60] =	vst v15  }
0x2f5: {  	[tilespmem:s10+$0xA260] =	vst v15  }
0x2f6: {  	[tilespmem:s8+$0xA860] =	vst v15  }
0x2f7: {  	[tilespmem:s7+$0xAE60] =	vst v15  }
0x2f8: {  	[tilespmem:s11+$0xB460] =	vst v15  }
0x2f9: {  	[tilespmem:s12+$0xBA60] =	vst v15  }
0x2fa: {  	[tilespmem:s9+$0xC060] =	vst v15  }
0x2fb: {  	[tilespmem:s13+$0xC660] =	vst v15  }
0x2fc: {  	[tilespmem:s14+$0xCC60] =	vst v15  }
0x2fd: {  	s0 =	simm.s32 $0x40;
	s1 =	simm.s32 $0x0;
	[tilespmem:s15+$0xD260] =	vst v15  }
.LBB2_21:
0x2fe: {  	p0 =	sne.s32 s0, $0x9FC0;
	[tilespmem:s1+$0xF7A0] =	vst v14;
	s1 =	smov.u32 s0;
	s0 =	sadd.s32 $0x40, s0  }
.Ltmp13:
0x2ff: {  	(pc) =	sbr.rel @p0 .LBB2_21-.Ltmp13, $2  }
0x300: {  	_ =	sdelay $0x2  }
0x301: {  	s1 =	sshra.s32 s1, $0x2  }
.Ltmp14:
0x302: {  	(pc) =	sbr.rel .LBB2_23-.Ltmp14, $2  }
0x303: {  	_ =	sdelay $0x2  }
0x304: {  	[tilespmem:s1+$0xF7A0] =	vst v14;
	s6 =	simm.s32 $0x0  }
.LBB2_41:
0x305: {  	[sflag:s29] =	ssyncadd.s32 $0xFFFFFFB0  }
.LBB2_42:
0x306: {  	s0 =	sadd.s32 s17, s19  }
0x307: {  	s1 =	sshll.u32 s28, $0x6;
	[bflag:$0x0] =	sbarrier.arrive $0xFFFF;
	s6 =	sadd.s32 $0x1, s6  }
0x308: {  	s0 =	sshrl.u32 s0, $0x3;
	s5 =	rddreg [dreg:$0x6];
	p0 =	sne.s32 s6, $0x50  }
.Ltmp15:
0x309: {  	s1 =	sor.u32 $0x1C02, s1;
	s0 =	sadd.s32 s5, s0;
	(pc) =	sbr.rel @!p0 .LBB2_43-.Ltmp15, $4  }
0x30a: {  	[hbm:s0], [sflag:s1] =	dma.local [spmem:s20], $0x1400  }
0x30b: {  	_ =	swait.ge [sflag:s25], $0x1400  }
0x30c: {  	[sflag:s25] =	ssyncset.done $0x0  }
0x30d: {  	[sflag:s25] =	ssyncadd.s32 $0xFFFFEC00  }
.LBB2_23:
0x30e: {  	[spmem:s18] =	stream.linear.scatter [tilespmem:s24], [sflag:$0x1], $0x2800, $0x38;
	[tilespmem:$0x1D840] =	vst v63  }
0x30f: {  	_ = 	snop  }
0x310: {  	[spmem:s21] =	stream.linear.scatter [tilespmem:s24], [sflag:$0x1], $0x2800, $0x38;
	[tilespmem:$0x1D840] =	vst v63  }
0x311: {  	_ = 	snop  }
0x312: {  	[spmem:s22] =	stream.linear.scatter [tilespmem:s24], [sflag:$0x1], $0x2800, $0x38;
	[tilespmem:$0x1D840] =	vst v63  }
0x313: {  	_ = 	snop  }
0x314: {  	[spmem:s23] =	stream.linear.scatter [tilespmem:s24], [sflag:$0x1], $0x2800, $0x38;
	[tilespmem:$0x1D840] =	vst v63  }
0x315: {  	_ =	swait.ge [sflag:s29], $0x2800  }
0x316: {  	[sflag:s29] =	ssyncset.done $0x0  }
0x317: {  	[sflag:s29] =	ssyncadd.s32 $0xFFFFD800  }
0x318: {  	_ =	swait.ge [sflag:s29], $0x2800  }
0x319: {  	[sflag:s29] =	ssyncset.done $0x0  }
0x31a: {  	[sflag:s29] =	ssyncadd.s32 $0xFFFFD800  }
0x31b: {  	_ =	swait.ge [sflag:s29], $0x2800  }
0x31c: {  	[sflag:s29] =	ssyncset.done $0x0  }
0x31d: {  	s0 =	sshrl.u32 s6, $0x3;
	[sflag:s29] =	ssyncadd.s32 $0xFFFFD800  }
0x31e: {  	s1 =	smul.u32 $0x1800, s0;
	_ =	swait.ge [sflag:s29], $0x2800  }
0x31f: {  	[sflag:s29] =	ssyncset.done $0x0  }
0x320: {  	s5 =	simm.s32 $0x40;
	s1 =	sshra.s32 s1, $0x2;
	[sflag:s29] =	ssyncadd.s32 $0xFFFFD800  }
0x321: {  	s16 =	simm.s32 $0x0;
	s1 =	sadd.s32 $0x9C60, s1;
	[bflag:$0x0] =	sbarrier.arrive $0xFFFF  }
.LBB2_24:
0x322: {  	p0 =	seq.s32 s5, $0x2040;
	[tilespmem:s16+$0x11FA0] =	vst v12;
	s16 =	smov.u32 s5;
	s5 =	sadd.s32 $0x40, s5  }
.Ltmp16:
0x323: {  	(pc) =	sbr.rel @!p0 .LBB2_24-.Ltmp16, $2  }
0x324: {  	_ =	sdelay $0x2  }
0x325: {  	s16 =	sshra.s32 s16, $0x2  }
0x326: {  	p0 =	seq.s32 s0, $0x0;
	s5 =	smov.u32 s4  }
0x327: {  	s5 =	simm.s32 @!p0 $0x0;
	p0 =	seq.s32 s0, $0x1  }
0x328: {  	s5 =	smov.u32 @p0 s10;
	p0 =	seq.s32 s0, $0x2  }
0x329: {  	s5 =	smov.u32 @p0 s8;
	p0 =	seq.s32 s0, $0x3  }
0x32a: {  	s5 =	smov.u32 @p0 s7;
	p0 =	seq.s32 s0, $0x4  }
0x32b: {  	s5 =	smov.u32 @p0 s11;
	p0 =	seq.s32 s0, $0x5  }
0x32c: {  	s5 =	smov.u32 @p0 s12;
	p0 =	seq.s32 s0, $0x6  }
0x32d: {  	s5 =	smov.u32 @p0 s9;
	p0 =	seq.s32 s0, $0x7  }
0x32e: {  	s5 =	smov.u32 @p0 s13;
	p0 =	seq.s32 s0, $0x8  }
0x32f: {  	s5 =	smov.u32 @p0 s14;
	p0 =	seq.s32 s0, $0x9  }
0x330: {  	s5 =	smov.u32 @p0 s15  }
0x331: {  	p0 =	slt.s32 s5, $0x1  }
.Ltmp17:
0x332: {  	_ = 	snop;
	(pc) =	sbr.rel @p0 .LBB2_42-.Ltmp17, $4  }
0x333: {  	s19 =	sshll.u32 s6, $0x6;
	s26 =	rddreg [dreg:$0x11]  }
0x334: {  	s0 =	sadd.s32 s26, s19  }
0x335: {  	s19 =	smul.u32 $0x2800, s0  }
0x336: {  	[tilespmem:s16+$0x11FA0] =	vst v12  }
0x337: {  	s0 =	sadd.s32 $0xF, s5  }
0x338: {  	s5 =	sshrl.u32 s0, $0x4  }
0x339: {  	p1 =	sne.s32 s5, $0x1  }
.Ltmp18:
0x33a: {  	_ = 	snop;
	(pc) =	sbr.rel @!p1 .LBB2_27-.Ltmp18, $3  }
0x33b: {  	_ =	sdelay $0x1  }
0x33c: {  	s16 =	sadd.s32 $0xA0000, s19  }
0x33d: {  	v15 =	vmov s19;
	v17 =	vld [tilespmem:s1+$0x0];
	p0 =	por $0x0, $0x0;
	v16 =	vmov s16;
	s0 =	simm.s32 $0x0;
	s5 =	sadd.s32 $0xFFFFFFFF, s5  }
0x33e: {  	_ =	sdelay $0x7  }
0x33f: {  	v18 =	vld.idx.msk [tilespmem:v17+s3+$0x0], $0xffff;
	_ =	sdelay $0x4  }
0x340: {  	vm0 =	vge.s32 v18, v15;
	vm1 =	vlt.s32 v18, v16  }
0x341: {  	vm0 =	vmand vm0, vm1  }
0x342: {  	v19 =	vmpcnt.ones.xlane vm0  }
0x343: {  	v18 =	vsub.s32 v18, v15  }
0x344: {  	v17 =	vld.idx.msk [tilespmem:v17+s30+$0x0], $0xffff;
	[tilespmem:s0+$0x11FA0] =	vst.msk vm0, v18;
	v18 =	vxor.u32 $0x80000000, v19  }
0x345: {  	p1 =	sne.s32 s5, $0x1;
	(xrf0) =	vmax.scan.msk.u32 $0xffff, v18  }
.Ltmp19:
0x346: {  	_ = 	snop;
	(pc) =	sbr.rel @!p1 .LBB2_29-.Ltmp19, $3  }
0x347: {  	_ =	sdelay $0x1  }
0x348: {  	s26 =	sadd.s32 $0x10, s1;
	[tilespmem:s0+$0x127C0] =	vst.msk vm0, v17  }
0x349: {  	s5 =	sadd.s32 $0xFFFFFFFF, s5;
	p0 =	por $0x1, $0x1;
	s1 =	simm.s32 $0x0;
	v17 =	vld [tilespmem:s26+$0x0]  }
.LBB2_30:
0x34a: {  	p1 =	sne.s32 s5, $0x1;
	v18, _, _ =	vpop (xrf0)  }
0x34b: {  	(v2sf) =	vpush v18, $0xF;
	_ =	sdelay $0x5  }
0x34c: {  	v18 =	vld.idx.msk [tilespmem:v17+s3+$0x0], $0xffff  }
0x34d: {  	v17 =	vld.idx.msk [tilespmem:v17+s30+$0x0], $0xffff;
	_ =	sdelay $0x4  }
0x34e: {  	vm0 =	vge.s32 v18, v15;
	vm1 =	vlt.s32 v18, v16;
	v18 =	vsub.s32 v18, v15  }
0x34f: {  	vm0 =	vmand vm0, vm1  }
0x350: {  	v19 =	vmpcnt.ones.xlane vm0  }
0x351: {  	s16 =	spop (v2sf)  }
0x352: {  	v19 =	vxor.u32 $0x80000000, v19;
	s1 =	sadd.s32 s16, s1  }
0x353: {  	(xrf0) =	vmax.scan.msk.u32 $0xffff, v19;
	s1 =	sadd.s32 $0x80000000, s1  }
.Ltmp20:
0x354: {  	p2 =	slt.s32 s1, $0x810;
	(pc) =	sbr.rel @p1 .LBB2_30-.Ltmp20, $4  }
0x355: {  	s1 =	simm.s32 @!p2 $0x810  }
0x356: {  	[tilespmem:s1+$0x11FA0] =	vst.msk vm0, v18  }
0x357: {  	s26 =	sadd.s32 $0x10, s26;
	[tilespmem:s1+$0x127C0] =	vst.msk vm0, v17  }
0x358: {  	s5 =	sadd.s32 $0xFFFFFFFF, s5;
	v17 =	vld [tilespmem:s26+$0x0]  }
.LBB2_31:
0x359: {  	_ =	sdelay $0x7  }
0x35a: {  	v18 =	vld.idx.msk [tilespmem:v17+s3+$0x0], $0xffff;
	_ =	sdelay $0x4  }
0x35b: {  	vm0 =	vge.s32 v18, v15;
	vm1 =	vlt.s32 v18, v16  }
0x35c: {  	vm0 =	vmand vm0, vm1  }
0x35d: {  	v62 =	vmpcnt.ones.xlane vm0;
	_ =	sdelay $0x1  }
0x35e: {  	v16 =	vxor.u32 $0x80000000, v62  }
0x35f: {  	v19, _, _ =	vpop @p0 (xrf0);
	(xrf0) =	vmax.scan.msk.u32 $0xffff, v16  }
0x360: {  	(v2sf) =	vpush @p0 v19, $0xF;
	_ =	sdelay $0x4  }
0x361: {  	v16, _, _ =	vpop (xrf0)  }
0x362: {  	(v2sf) =	vpush v16, $0xF;
	_ =	sdelay $0x8  }
0x363: {  	s5 =	spop @p0 (v2sf)  }
0x364: {  	s1 =	sadd.s32 @p0 s5, s1  }
0x365: {  	s1 =	sadd.s32 @p0 $0x80000000, s1  }
0x366: {  	p1 =	slt.s32 @p0 s1, $0x810  }
0x367: {  	p1 =	por !p1, !p0  }
0x368: {  	s1 =	simm.s32 @p1 $0x810  }
0x369: {  	s0 =	smov.u32 @p0 s1;
	s26 =	spop (v2sf)  }
0x36a: {  	s1 =	sadd.s32 s26, s0  }
0x36b: {  	s1 =	sadd.s32 $0x80000000, s1  }
0x36c: {  	v63 =	vld.idx.msk [tilespmem:v17+s30+$0x0], $0xffff;
	p1 =	slt.s32 s1, $0x1  }
.Ltmp21:
0x36d: {  	_ = 	snop;
	(pc) =	sbr.rel @p1 .LBB2_42-.Ltmp21, $4  }
0x36e: {  	_ = 	snop  }
0x36f: {  	v15 =	vsub.s32 v18, v15  }
0x370: {  	[tilespmem:s0+$0x11FA0] =	vst.msk vm0, v15;
	p0 =	slt.s32 s1, $0x810  }
0x371: {  	[tilespmem:s0+$0x127C0] =	vst.msk vm0, v63;
	s1 =	simm.s32 @!p0 $0x810  }
0x372: {  	s0 =	sadd.s32 $0x4F, s1  }
0x373: {  	s1 =	smulhi.u32 $0x66666667, s0;
	s0 =	sshra.s32 s0, $0x1F  }
0x374: {  	s0 =	smul.u32 $0x66666667, s0;
	_ =	sdelay $0x1  }
0x375: {  	s0 =	sadd.s32 s0, s1  }
0x376: {  	s1 =	sshrl.u32 s0, $0x1F;
	s0 =	sshra.s32 s0, $0x5  }
0x377: {  	s0 =	sadd.s32 s1, s0  }
0x378: {  	p0 =	sgt.s32 s0, $0x1  }
0x379: {  	s0 =	simm.s32 @!p0 $0x1  }
0x37a: {  	p0 =	sne.s32 s0, $0x1  }
.Ltmp22:
0x37b: {  	_ = 	snop;
	(pc) =	sbr.rel @!p0 .LBB2_33-.Ltmp22, $3  }
0x37c: {  	_ =	sdelay $0x1  }
0x37d: {  	s1 =	simm.s32 $0x11FC0  }
0x37e: {  	s28 =	simm.s32 $0x13000;
	p1 =	por $0x0, $0x0;
	v15 =	vld [tilespmem:s1+$0xFFFFFFE0];
	s26 =	sadd.s32 $0xFFFFFFFF, s0  }
0x37f: {  	_ =	sdelay $0x3  }
0x380: {  	[tilespmem:s28+$0xFFFFFFE0] =	vst v15  }
0x381: {  	v15 =	vld [tilespmem:s1+$0xFFFFFFF0];
	_ =	sdelay $0x4  }
0x382: {  	[tilespmem:s28+$0xFFFFFFF0] =	vst v15  }
0x383: {  	v15 =	vld [tilespmem:s1+$0x0];
	_ =	sdelay $0x4  }
0x384: {  	[tilespmem:s28+$0x0] =	vst v15  }
0x385: {  	v15 =	vld [tilespmem:s1+$0x10];
	_ =	sdelay $0x4  }
0x386: {  	[tilespmem:s28+$0x10] =	vst v15  }
0x387: {  	v15 =	vld [tilespmem:s1+$0x20]  }
0x388: {  	p2 =	sne.s32 s26, $0x1  }
.Ltmp23:
0x389: {  	_ = 	snop;
	(pc) =	sbr.rel @!p2 .LBB2_35-.Ltmp23, $3  }
0x38a: {  	_ =	sdelay $0x1  }
0x38b: {  	s1 =	simm.s32 $0x12010;
	[tilespmem:s28+$0x20] =	vst v15  }
0x38c: {  	s16 =	sadd.s32 $0xFFFFFFFF, s26;
	p1 =	por $0x1, $0x1;
	s5 =	simm.s32 $0x13000;
	v15 =	vld [tilespmem:s1+$0xFFFFFFE0]  }
.LBB2_36:
0x38d: {  	p2 =	sne.s32 s16, $0x1;
	_ =	sdelay $0x2  }
0x38e: {  	s5 =	sadd.s32 $0x50, s5  }
0x38f: {  	[tilespmem:s5+$0xFFFFFFE0] =	vst v15  }
0x390: {  	v15 =	vld [tilespmem:s1+$0xFFFFFFF0];
	_ =	sdelay $0x4  }
0x391: {  	[tilespmem:s5+$0xFFFFFFF0] =	vst v15  }
0x392: {  	v15 =	vld [tilespmem:s1+$0x0];
	_ =	sdelay $0x4  }
0x393: {  	[tilespmem:s5+$0x0] =	vst v15  }
0x394: {  	v15 =	vld [tilespmem:s1+$0x10];
	_ =	sdelay $0x4  }
0x395: {  	[tilespmem:s5+$0x10] =	vst v15  }
0x396: {  	v15 =	vld [tilespmem:s1+$0x20];
	_ =	sdelay $0x1  }
.Ltmp24:
0x397: {  	(pc) =	sbr.rel @p2 .LBB2_36-.Ltmp24, $3  }
0x398: {  	_ =	sdelay $0x1  }
0x399: {  	s1 =	sadd.s32 $0x50, s1;
	[tilespmem:s5+$0x20] =	vst v15  }
0x39a: {  	s16 =	sadd.s32 $0xFFFFFFFF, s16;
	v15 =	vld [tilespmem:s1+$0xFFFFFFE0]  }
.LBB2_37:
0x39b: {  	_ =	sdelay $0x1  }
0x39c: {  	s5 =	sadd.s32 @p1 $0x50, s5  }
0x39d: {  	s28 =	smov.u32 @p1 s5  }
0x39e: {  	[tilespmem:s28+$0xFFFFFFE0] =	vst v15  }
0x39f: {  	v15 =	vld [tilespmem:s1+$0xFFFFFFF0];
	_ =	sdelay $0x4  }
0x3a0: {  	[tilespmem:s28+$0xFFFFFFF0] =	vst v15  }
0x3a1: {  	v15 =	vld [tilespmem:s1+$0x0];
	_ =	sdelay $0x4  }
0x3a2: {  	[tilespmem:s28+$0x0] =	vst v15  }
0x3a3: {  	v15 =	vld [tilespmem:s1+$0x10];
	_ =	sdelay $0x4  }
0x3a4: {  	[tilespmem:s28+$0x10] =	vst v15  }
0x3a5: {  	v15 =	vld [tilespmem:s1+$0x20];
	_ =	sdelay $0x1  }
.Ltmp25:
0x3a6: {  	_ = 	snop;
	(pc) =	sbr.rel @!p0 .LBB2_39-.Ltmp25, $3  }
0x3a7: {  	_ =	sdelay $0x1  }
0x3a8: {  	s5 =	simm.s32 $0x12FE0;
	s1 =	simm.s32 $0x127C0;
	[tilespmem:s28+$0x20] =	vst v15  }
0x3a9: {  	[spmem:s2] =	stream.indirect.scatter.add.f32 [tilespmem:s1], [sflag:$0x1], $0x1, s5, s31, $0xb8;
	[tilespmem:$0x1D840] =	vst v63  }
.LBB2_38:
0x3aa: {  	p1 =	sne.s32 s26, $0x1  }
.Ltmp26:
0x3ab: {  	_ = 	snop;
	(pc) =	sbr.rel @p1 .LBB2_38-.Ltmp26, $4  }
0x3ac: {  	_ = 	snop  }
0x3ad: {  	s1 =	sadd.s32 $0x50, s1;
	s5 =	sadd.s32 $0x50, s5  }
0x3ae: {  	s26 =	sadd.s32 $0xFFFFFFFF, s26  }
0x3af: {  	[spmem:s2] =	stream.indirect.scatter.add.f32 [tilespmem:s1], [sflag:$0x1], $0x1, s5, s31, $0xb8;
	[tilespmem:$0x1D840] =	vst v63  }
.LBB2_39:
.Ltmp27:
0x3b0: {  	(pc) =	sbr.rel @!p0 .LBB2_41-.Ltmp27, $3  }
0x3b1: {  	_ =	sdelay $0x1  }
0x3b2: {  	_ =	swait.ge [sflag:s29], $0x50  }
0x3b3: {  	s0 =	sadd.s32 $0xFFFFFFFF, s0;
	s28 =	stileid.u32;
	[sflag:s29] =	ssyncset.done $0x0  }
.LBB2_40:
0x3b4: {  	p0 =	sne.s32 s0, $0x1;
	s0 =	sadd.s32 $0xFFFFFFFF, s0;
	[sflag:s29] =	ssyncadd.s32 $0xFFFFFFB0  }
.Ltmp28:
0x3b5: {  	(pc) =	sbr.rel @p0 .LBB2_40-.Ltmp28, $3  }
0x3b6: {  	_ =	sdelay $0x1  }
0x3b7: {  	_ =	swait.ge [sflag:s29], $0x50  }
0x3b8: {  	[sflag:s29] =	ssyncset.done $0x0  }
.Ltmp29:
0x3b9: {  	_ = 	snop;
	(pc) =	sbr.rel .LBB2_41-.Ltmp29, $1  }
0x3ba: {  	_ =	sdelay $0x3  }
.LBB2_27:
.Ltmp30:
0x3bb: {  	(pc) =	sbr.rel .LBB2_31-.Ltmp30, $2  }
0x3bc: {  	_ =	sdelay $0x2  }
0x3bd: {  	s1 =	simm.s32 $0x0  }
.LBB2_29:
.Ltmp31:
0x3be: {  	(pc) =	sbr.rel .LBB2_31-.Ltmp31, $2  }
0x3bf: {  	_ =	sdelay $0x2  }
0x3c0: {  	s1 =	simm.s32 $0x0  }
.LBB2_33:
.Ltmp32:
0x3c1: {  	(pc) =	sbr.rel .LBB2_37-.Ltmp32, $2  }
0x3c2: {  	_ =	sdelay $0x2  }
0x3c3: {  	s5 =	simm.s32 $0x13000  }
.LBB2_35:
.Ltmp33:
0x3c4: {  	(pc) =	sbr.rel .LBB2_37-.Ltmp33, $2  }
0x3c5: {  	_ =	sdelay $0x2  }
0x3c6: {  	s5 =	simm.s32 $0x13000  }
.LBB2_17:
.Ltmp34:
0x3c7: {  	(pc) =	sbr.rel .LBB2_19-.Ltmp34, $4  }
0x3c8: {  	s12 =	simm.s32 $0x0;
	s10 =	simm.s32 $0x0  }
0x3c9: {  	s26 =	simm.s32 $0x0;
	s0 =	simm.s32 $0x0;
	s13 =	simm.s32 $0x0  }
0x3ca: {  	s15 =	simm.s32 $0x0;
	s14 =	simm.s32 $0x0;
	s11 =	simm.s32 $0x0  }
0x3cb: {  	s9 =	simm.s32 $0x0;
	s8 =	simm.s32 $0x0;
	s7 =	simm.s32 $0x0  }
.LBB2_44:
0x3cc: {  	_ =	sfence.sel $0x180000  }
0x3cd: {  	[bflag:$0x0] =	sbarrier.arrive $0xFFFF  }
0x3ce: {  	_ =	strace $0x9000004A  }
0x3cf: {  	[bflag:$0x2] =	sbarrier.arrive $0xFFFF  }
0x3d0: {  	p0 =	sne.s32 s28, $0x0;
	s0 =	rddreg [dreg:$0x4]  }
0x3d1: {  	s0 =	sadd.s32 @!p0 $0x100000, s0  }
0x3d2: {  	[sflag:s0] =	ssyncadd.tile.s32 @!p0 $0x1;
	_ =	shalt  }
.Lfunc_end2:
_tile_overlayer_lowered:
.L_overlay_start_2:
0x3d3: {  	(tag) =	ssettag $0x2  }
0x3d4: {  	s0 =	rddreg [dreg:$0x0];
	s2 =	stileid.u32  }
0x3d5: {  	s1 =	rddreg [dreg:$0x1];
	p0 =	sne.s32 s2, $0x0  }
0x3d6: {  	s3 =	rddreg [dreg:$0x2];
	[bflag:$0x3] =	sbarrier.arrive $0xFFFF;
	s2 =	simm.s32 @!p0 $0x1C02  }
0x3d7: {  	[timem:s3], [sflag:s2] =	dma.local @!p0 [hbm:s0], s1  }
0x3d8: {  	s0 =	simm.s32 @!p0 $0x2  }
0x3d9: {  	_ =	swait.ge @!p0 [sflag:s0], s1  }
0x3da: {  	s1 =	ssub.s32 @!p0 $0x0, s1;
	[sflag:s0] =	ssyncset.done @!p0 $0x0  }
0x3db: {  	[sflag:s0] =	ssyncadd.s32 @!p0 s1  }
0x3dc: {  	[bflag:$0x3] =	sbarrier.arrive $0xFFFF  }
0x3dd: {  	_ =	shalt  }

</sc_bundles>
